<compile_context>
chip_gen: v7x
topology: tpu7x:2x2x1
jax: 0.10.2.dev20260603
libtpu: 0.0.44.dev20260713+nightly
codegen_flags: <defaults>
</compile_context>

<pallas_src>
import functools

import jax
import jax.numpy as jnp
from jax import lax
from jax.experimental import pallas as pl
from jax.experimental.pallas import tpu as pltpu
from jax.experimental.pallas import tpu_sc as plsc

_EPS_NORM = 1e-12
_EPS_COS = 1e-8
_LANES = 16


def _normalize_body(w_ref, out_ref):
    x = w_ref[...]
    s = jnp.sum(x * x, axis=1, keepdims=True)
    out_ref[...] = (x * lax.rsqrt(jnp.maximum(s, _EPS_NORM * _EPS_NORM))
                    ).astype(jnp.bfloat16)


def _normalize_table(w, rows_per_block=1000):
    v, d = w.shape
    assert v % rows_per_block == 0
    return pl.pallas_call(
        _normalize_body,
        grid=(v // rows_per_block,),
        in_specs=[pl.BlockSpec((rows_per_block, d), lambda i: (i, 0))],
        out_specs=pl.BlockSpec((rows_per_block, d), lambda i: (i, 0)),
        out_shape=jax.ShapeDtypeStruct((v, d), jnp.bfloat16),
    )(w)


def _cos_body(q_ref, d_ref, out_ref):
    q = q_ref[...].astype(jnp.float32)
    d = d_ref[...].astype(jnp.float32)
    dot = jnp.sum(q * d, axis=1)
    nq = jnp.maximum(jnp.sqrt(jnp.sum(q * q, axis=1)), _EPS_COS)
    nd = jnp.maximum(jnp.sqrt(jnp.sum(d * d, axis=1)), _EPS_COS)
    out_ref[...] = dot / (nq * nd)


def _cosine(maxq, maxd, rows_per_block=512):
    b, d = maxq.shape
    assert b % rows_per_block == 0
    return pl.pallas_call(
        _cos_body,
        grid=(b // rows_per_block,),
        in_specs=[pl.BlockSpec((rows_per_block, d), lambda i: (i, 0))] * 2,
        out_specs=pl.BlockSpec((rows_per_block,), lambda i: (i,)),
        out_shape=jax.ShapeDtypeStruct((b,), jnp.float32),
    )(maxq, maxd)


def _make_sc_maxpool(bsz, d, ldp, lqp, n_cores, n_subcores, chunk,
                     interpret=False):
    n_workers = n_cores * n_subcores
    per_w = bsz // n_workers
    assert per_w % chunk == 0
    n_chunks = per_w // chunk
    lt = ldp + lqp
    half = lt // 2
    assert half % 8 == 0 and half <= 128 and ldp % _LANES == 0
    ngd = ldp // _LANES
    ngt = lt // _LANES
    mesh = plsc.VectorSubcoreMesh(
        core_axis_name="c", subcore_axis_name="s",
        num_cores=n_cores, num_subcores=n_subcores)

    lanes2 = 2 * _LANES
    dw = d // 2

    @functools.partial(
        pl.kernel,
        out_type=(
            jax.ShapeDtypeStruct((bsz, d), jnp.bfloat16),
            jax.ShapeDtypeStruct((bsz, d), jnp.bfloat16),
        ),
        mesh=mesh,
        interpret=interpret,
        compiler_params=pltpu.CompilerParams(
            use_tc_tiling_on_sc=False, needs_layout_passes=False),
        scratch_types=[
            pltpu.VMEM((chunk * lt,), jnp.int32),
            pltpu.VMEM((chunk * lt,), jnp.int32),
            pltpu.VMEM((lt, d), jnp.bfloat16),
            pltpu.VMEM((lt, d), jnp.bfloat16),
            pltpu.VMEM((lt, d), jnp.bfloat16),
            pltpu.VMEM((lt, d), jnp.bfloat16),
            pltpu.VMEM((chunk, d), jnp.bfloat16),
            pltpu.VMEM((chunk, d), jnp.bfloat16),
            pltpu.SemaphoreType.DMA,
            pltpu.SemaphoreType.DMA,
            pltpu.SemaphoreType.DMA,
            pltpu.SemaphoreType.DMA,
        ],
    )
    def sc_kernel(table, wm, outq, outd,
                  wm_v, idx_v, r0, r1, r2, r3, oq_v, od_v,
                  sem0, sem1, sem2, sem3):
        wid = lax.axis_index("s") * n_cores + lax.axis_index("c")
        w_base = wid * per_w

        def copies(bl, rows, sem):
            return (
                pltpu.make_async_copy(
                    table.at[idx_v.at[pl.ds(bl * lt, half)]],
                    rows.at[pl.ds(0, half)], sem),
                pltpu.make_async_copy(
                    table.at[idx_v.at[pl.ds(bl * lt + half, half)]],
                    rows.at[pl.ds(half, half)], sem),
            )

        def fire(bl, rows, sem):
            for cp in copies(bl, rows, sem):
                cp.start()

        def wait(bl, rows, sem):
            for cp in copies(bl, rows, sem):
                cp.wait()

        neg = jnp.full((lanes2,), -jnp.inf, jnp.bfloat16)
        nj2 = d // lanes2

        def row_max(bl, rows_ref, g_lo, g_hi):
            def gbody(g, acc):
                wvec = wm_v[pl.ds(bl * lt + g * _LANES, _LANES)]
                mvec = lax.shift_right_logical(wvec, 17).astype(
                    jnp.float32) * (1.0 / 32767.0)
                for i in range(_LANES):
                    l = g * _LANES + i
                    mb = jnp.broadcast_to(mvec[i], (_LANES,))
                    m = plsc.pack(mb, mb, format=plsc.PackFormat.INTERLEAVED)
                    acc = tuple(
                        jnp.maximum(
                            acc[j],
                            rows_ref[l, pl.ds(j * lanes2, lanes2)] * m)
                        for j in range(nj2))
                return acc
            return lax.fori_loop(g_lo, g_hi, gbody, (neg,) * nj2)

        def compute(bl, rows):
            accd = row_max(bl, rows, 0, ngd)
            accq = row_max(bl, rows, ngd, ngt)
            for j in range(nj2):
                od_v[bl, pl.ds(j * lanes2, lanes2)] = accd[j]
                oq_v[bl, pl.ds(j * lanes2, lanes2)] = accq[j]

        def chunk_body(ci, carry):
            base = w_base + ci * chunk
            pltpu.sync_copy(wm.at[pl.ds(base * lt, chunk * lt)], wm_v)

            def decode(t, carry):
                w16 = wm_v[pl.ds(t * _LANES, _LANES)]
                idx_v[pl.ds(t * _LANES, _LANES)] = w16 & 0x1FFFF
                return carry
            lax.fori_loop(0, chunk * lt // _LANES, decode, 0)

            bufs = ((r0, sem0), (r1, sem1), (r2, sem2), (r3, sem3))
            fire(0, r0, sem0)
            fire(1, r1, sem1)
            fire(2, r2, sem2)

            def step(k, carry):
                for j in range(4):
                    b = 4 * k + j
                    rows, sem = bufs[j]
                    rows3, sem3_ = bufs[(j + 3) % 4]

                    @pl.when(b + 3 < chunk)
                    def _():
                        fire(b + 3, rows3, sem3_)
                    wait(b, rows, sem)
                    compute(b, rows)
                return carry

            lax.fori_loop(0, chunk // 4, step, 0)
            pltpu.sync_copy(oq_v, outq.at[pl.ds(base, chunk)])
            pltpu.sync_copy(od_v, outd.at[pl.ds(base, chunk)])
            return carry

        lax.fori_loop(0, n_chunks, chunk_body, 0)

    return sc_kernel


def kernel(inputs_d, inputs_q, mask_d, mask_q, emb_weight):
    bsz, ld = inputs_d.shape
    _, lq = inputs_q.shape
    v, d = emb_weight.shape

    ldp = ld + (-ld) % 16
    pad_d = ldp - ld
    pad_q = (-lq) % 16
    lqp = lq + pad_q
    idx = jnp.concatenate(
        [inputs_d, inputs_d[:, :pad_d], inputs_q, inputs_q[:, :pad_q]],
        axis=1).astype(jnp.int32)
    mask = jnp.concatenate(
        [mask_d, mask_d[:, :pad_d], mask_q, mask_q[:, :pad_q]], axis=1)
    assert v <= (1 << 17)
    m15 = jnp.round(mask * 32767.0).astype(jnp.int32)
    wm = (idx | (m15 << 17)).reshape(-1)

    table_n = _normalize_table(emb_weight)

    info = plsc.get_sparse_core_info()
    sc = _make_sc_maxpool(bsz, d, ldp, lqp, info.num_cores,
                          info.num_subcores, chunk=32)
    maxq, maxd = sc(table_n, wm)
    return _cosine(maxq, maxd)

# --- scband reference (transcript-rebuilt; emitter-appended) ---
"""Pipeline reference for scband-maxpool-38457137168912 (READ-ONLY COPY).

The authoritative reference and input builder live on the scoring server;
editing this copy changes nothing except your own understanding.
"""

import jax, jax.numpy as jnp
import numpy as np

B, LQ, LD, V, D = 4096, 20, 200, 100000, 128

def setup_inputs(seed: int = 0) -> dict:
    key = jax.random.key(seed)
    k1, k2, k3, k4, k5 = jax.random.split(key, 5)
    inputs_d = jax.random.randint(k1, (B, LD), 0, V)
    inputs_q = jax.random.randint(k2, (B, LQ), 0, V)
    mask_d = jax.random.uniform(k3, (B, LD), dtype=jnp.float32)
    mask_q = jax.random.uniform(k4, (B, LQ), dtype=jnp.float32)
    emb_weight = jax.random.normal(k5, (V, D), dtype=jnp.float32) * 0.02
    emb_weight = emb_weight.at[0].set(0.0)  # padding_idx=0
    return {"inputs_d": inputs_d, "inputs_q": inputs_q, "mask_d": mask_d, "mask_q": mask_q, "emb_weight": emb_weight}

def _l2_normalize(x, axis, eps=1e-12):
    n = jnp.sqrt(jnp.sum(x * x, axis=axis, keepdims=True))
    return x / jnp.maximum(n, eps)

def reference(inputs_d, inputs_q, mask_d, mask_q, emb_weight):
    q_embed = jnp.take(emb_weight, inputs_q, axis=0)          # [B, LQ, D]
    d_embed = jnp.take(emb_weight, inputs_d, axis=0)          # [B, LD, D]
    q_norm = _l2_normalize(q_embed, axis=2)
    d_norm = _l2_normalize(d_embed, axis=2)
    q_norm = q_norm * mask_q[:, :, None]
    d_norm = d_norm * mask_d[:, :, None]
    # permute(0,2,1) then MaxPool1d over seq dim == max over axis 1
    maxq = jnp.max(q_norm, axis=1)                            # [B, D]
    maxd = jnp.max(d_norm, axis=1)                            # [B, D]
    # CosineSimilarity(dim=1), eps=1e-8
    eps = 1e-8
    nq = jnp.maximum(jnp.sqrt(jnp.sum(maxq * maxq, axis=1)), eps)
    nd = jnp.maximum(jnp.sqrt(jnp.sum(maxd * maxd, axis=1)), eps)
    cos = jnp.sum(maxq * maxd, axis=1) / (nq * nd)            # [B]
    return cos

if __name__ == "__main__":
    import jax
    _d = setup_inputs()
    print(jax.jit(kernel)(*tuple(_d.values())))

</pallas_src>

<mosaic_0001>
#map = affine_map<(d0, d1) -> (0, 0)>
#map1 = affine_map<(d0, d1) -> (0)>
module attributes {stable_mosaic.version = 14 : i64} {
  func.func @sc_kernel(%arg0: i32, %arg1: i32, %arg2: memref<100000x128xbf16, #tpu.memory_space<hbm>>, %arg3: memref<983040xi32, #tpu.memory_space<hbm>>, %arg4: memref<4096x128xbf16, #tpu.memory_space<hbm>>, %arg5: memref<4096x128xbf16, #tpu.memory_space<hbm>>, %arg6: memref<7680xi32, #tpu.memory_space<vmem>>, %arg7: memref<7680xi32, #tpu.memory_space<vmem>>, %arg8: memref<240x128xbf16, #tpu.memory_space<vmem>>, %arg9: memref<240x128xbf16, #tpu.memory_space<vmem>>, %arg10: memref<240x128xbf16, #tpu.memory_space<vmem>>, %arg11: memref<240x128xbf16, #tpu.memory_space<vmem>>, %arg12: memref<32x128xbf16, #tpu.memory_space<vmem>>, %arg13: memref<32x128xbf16, #tpu.memory_space<vmem>>, %arg14: memref<!tpu.dma_semaphore, #tpu.memory_space<semaphore_mem>>, %arg15: memref<!tpu.dma_semaphore, #tpu.memory_space<semaphore_mem>>, %arg16: memref<!tpu.dma_semaphore, #tpu.memory_space<semaphore_mem>>, %arg17: memref<!tpu.dma_semaphore, #tpu.memory_space<semaphore_mem>>) attributes {dimension_semantics = [#tpu.dimension_semantics<core_parallel>, #tpu.dimension_semantics<subcore_parallel>], iteration_bounds = array<i64: 2, 16>, scalar_prefetch = 0 : i64, scratch_operands = 12 : i64, tpu.core_type = #tpu.core_type<sc_vector_subcore>, window_params = [{transform_indices = #map}, {transform_indices = #map1}, {transform_indices = #map}, {transform_indices = #map}]} {
    %mul3A = arith.constant 2 : i32
    %mul3A_0 = arith.muli %arg1, %mul3A : i32
    %add3A = arith.addi %mul3A_0, %arg0 : i32
    %mul3A_1 = arith.constant 128 : i32
    %mul3A_2 = arith.muli %add3A, %mul3A_1 : i32
    %broadcast_in_dim3A = arith.constant 0xFF80 : bf16
    %broadcast_in_dim3A_3 = vector.broadcast %broadcast_in_dim3A : bf16 to vector<32xbf16>
    %scan3A = arith.constant 0 : i32
    %scan3A_4 = arith.constant 0 : i32
    %scan3A_5 = arith.constant 4 : i32
    %scan3A_6 = arith.addi %scan3A_4, %scan3A_5 : i32
    %scan3A_7 = arith.constant 1 : i32
    scf.for %scan3A_9 = %scan3A_4 to %scan3A_6 step %scan3A_7  : i32 {
      %mul3A_10 = arith.constant 32 : i32
      %mul3A_11 = arith.muli %scan3A_9, %mul3A_10 : i32
      %add3A_12 = arith.addi %mul3A_2, %mul3A_11 : i32
      %mul3A_13 = arith.constant 240 : i32
      %mul3A_14 = arith.muli %add3A_12, %mul3A_13 : i32
      "tpu.region"() ({
        %run_scoped3A = tpu.sem_alloc : memref<!tpu.dma_semaphore, #tpu.memory_space<semaphore_mem>>
        %dma_start3A_74 = tpu.memref_slice %arg3[%mul3A_14] : memref<983040xi32, #tpu.memory_space<hbm>> -> memref<7680xi32, #tpu.memory_space<hbm>>
        %dma_start3A_75 = tpu.memref_slice %arg3[%mul3A_14] : memref<983040xi32, #tpu.memory_space<hbm>> -> memref<7680xi32, #tpu.memory_space<hbm>>
        tpu.enqueue_dma source(%dma_start3A_75 : memref<7680xi32, #tpu.memory_space<hbm>>) target(%arg6 : memref<7680xi32, #tpu.memory_space<vmem>>) target_semaphore(%run_scoped3A : memref<!tpu.dma_semaphore, #tpu.memory_space<semaphore_mem>>)
        %dma_wait3A = tpu.memref_slice %arg3[%mul3A_14] : memref<983040xi32, #tpu.memory_space<hbm>> -> memref<7680xi32, #tpu.memory_space<hbm>>
        %dma_wait3A_76 = tpu.memref_slice %arg3[%mul3A_14] : memref<983040xi32, #tpu.memory_space<hbm>> -> memref<7680xi32, #tpu.memory_space<hbm>>
        tpu.wait_dma2 semaphore(%run_scoped3A : memref<!tpu.dma_semaphore, #tpu.memory_space<semaphore_mem>>) src(%dma_wait3A_76 : memref<7680xi32, #tpu.memory_space<hbm>>) dst(%arg6 : memref<7680xi32, #tpu.memory_space<vmem>>)
        tpu.yield
      }) : () -> ()
      %scan3A_15 = arith.constant 0 : i32
      %scan3A_16 = arith.constant 0 : i32
      %scan3A_17 = arith.constant 480 : i32
      %scan3A_18 = arith.addi %scan3A_16, %scan3A_17 : i32
      %scan3A_19 = arith.constant 1 : i32
      scf.for %scan3A_74 = %scan3A_16 to %scan3A_18 step %scan3A_19  : i32 {
        %mul3A_75 = arith.constant 16 : i32
        %mul3A_76 = arith.muli %scan3A_74, %mul3A_75 : i32
        %get3A = arith.index_cast %mul3A_76 : i32 to index
        %get3A_77 = tpu.vector_load %arg6[%get3A] {strides = array<i32>} : memref<7680xi32, #tpu.memory_space<vmem>>, vector<16xi32>,
        %and3A = arith.constant 131071 : i32
        %and3A_78 = vector.broadcast %and3A : i32 to vector<16xi32>
        %and3A_79 = arith.andi %get3A_77, %and3A_78 : vector<16xi32>
        %mul3A_80 = arith.constant 16 : i32
        %mul3A_81 = arith.muli %scan3A_74, %mul3A_80 : i32
        %swap3A = arith.index_cast %mul3A_81 : i32 to index
        %swap3A_82 = tpu.vector_load %arg7[%swap3A] {strides = array<i32>} : memref<7680xi32, #tpu.memory_space<vmem>>, vector<16xi32>,
        tpu.vector_store %arg7[%swap3A], %and3A_79 {strides = array<i32>} : memref<7680xi32, #tpu.memory_space<vmem>>, vector<16xi32>,
      }
      %scan3A_20 = arith.constant 480 : i32
      %dma_start3A = arith.constant 0 : i32
      %dma_start3A_21 = arith.constant 0 : i32
      %dma_start3A_22 = tpu.memref_slice %arg8[%dma_start3A, %dma_start3A_21] : memref<240x128xbf16, #tpu.memory_space<vmem>> -> memref<120x128xbf16, #tpu.memory_space<vmem>>
      %dma_start3A_23 = arith.constant 0 : i32
      %dma_start3A_24 = tpu.memref_slice %arg7[%dma_start3A_23] : memref<7680xi32, #tpu.memory_space<vmem>> -> memref<120xi32, #tpu.memory_space<vmem>>
      %dma_start3A_25 = arith.constant 0 : i32
      %dma_start3A_26 = arith.constant 0 : i32
      %dma_start3A_27 = tpu.memref_slice %arg2[%dma_start3A_25, %dma_start3A_26] : memref<100000x128xbf16, #tpu.memory_space<hbm>> -> memref<100000x128xbf16, #tpu.memory_space<hbm>>
      tpu.enqueue_indirect_dma source(%dma_start3A_27 : memref<100000x128xbf16, #tpu.memory_space<hbm>>) target(%dma_start3A_22 : memref<120x128xbf16, #tpu.memory_space<vmem>>) offsets(%dma_start3A_24 : memref<120xi32, #tpu.memory_space<vmem>>) semaphore(%arg14 : memref<!tpu.dma_semaphore, #tpu.memory_space<semaphore_mem>>)
      %dma_start3A_28 = arith.constant 120 : i32
      %dma_start3A_29 = arith.constant 0 : i32
      %dma_start3A_30 = tpu.memref_slice %arg8[%dma_start3A_28, %dma_start3A_29] : memref<240x128xbf16, #tpu.memory_space<vmem>> -> memref<120x128xbf16, #tpu.memory_space<vmem>>
      %dma_start3A_31 = arith.constant 120 : i32
      %dma_start3A_32 = tpu.memref_slice %arg7[%dma_start3A_31] : memref<7680xi32, #tpu.memory_space<vmem>> -> memref<120xi32, #tpu.memory_space<vmem>>
      %dma_start3A_33 = arith.constant 0 : i32
      %dma_start3A_34 = arith.constant 0 : i32
      %dma_start3A_35 = tpu.memref_slice %arg2[%dma_start3A_33, %dma_start3A_34] : memref<100000x128xbf16, #tpu.memory_space<hbm>> -> memref<100000x128xbf16, #tpu.memory_space<hbm>>
      tpu.enqueue_indirect_dma source(%dma_start3A_35 : memref<100000x128xbf16, #tpu.memory_space<hbm>>) target(%dma_start3A_30 : memref<120x128xbf16, #tpu.memory_space<vmem>>) offsets(%dma_start3A_32 : memref<120xi32, #tpu.memory_space<vmem>>) semaphore(%arg14 : memref<!tpu.dma_semaphore, #tpu.memory_space<semaphore_mem>>)
      %dma_start3A_36 = arith.constant 0 : i32
      %dma_start3A_37 = arith.constant 0 : i32
      %dma_start3A_38 = tpu.memref_slice %arg9[%dma_start3A_36, %dma_start3A_37] : memref<240x128xbf16, #tpu.memory_space<vmem>> -> memref<120x128xbf16, #tpu.memory_space<vmem>>
      %dma_start3A_39 = arith.constant 240 : i32
      %dma_start3A_40 = tpu.memref_slice %arg7[%dma_start3A_39] : memref<7680xi32, #tpu.memory_space<vmem>> -> memref<120xi32, #tpu.memory_space<vmem>>
      %dma_start3A_41 = arith.constant 0 : i32
      %dma_start3A_42 = arith.constant 0 : i32
      %dma_start3A_43 = tpu.memref_slice %arg2[%dma_start3A_41, %dma_start3A_42] : memref<100000x128xbf16, #tpu.memory_space<hbm>> -> memref<100000x128xbf16, #tpu.memory_space<hbm>>
      tpu.enqueue_indirect_dma source(%dma_start3A_43 : memref<100000x128xbf16, #tpu.memory_space<hbm>>) target(%dma_start3A_38 : memref<120x128xbf16, #tpu.memory_space<vmem>>) offsets(%dma_start3A_40 : memref<120xi32, #tpu.memory_space<vmem>>) semaphore(%arg15 : memref<!tpu.dma_semaphore, #tpu.memory_space<semaphore_mem>>)
      %dma_start3A_44 = arith.constant 120 : i32
      %dma_start3A_45 = arith.constant 0 : i32
      %dma_start3A_46 = tpu.memref_slice %arg9[%dma_start3A_44, %dma_start3A_45] : memref<240x128xbf16, #tpu.memory_space<vmem>> -> memref<120x128xbf16, #tpu.memory_space<vmem>>
      %dma_start3A_47 = arith.constant 360 : i32
      %dma_start3A_48 = tpu.memref_slice %arg7[%dma_start3A_47] : memref<7680xi32, #tpu.memory_space<vmem>> -> memref<120xi32, #tpu.memory_space<vmem>>
      %dma_start3A_49 = arith.constant 0 : i32
      %dma_start3A_50 = arith.constant 0 : i32
      %dma_start3A_51 = tpu.memref_slice %arg2[%dma_start3A_49, %dma_start3A_50] : memref<100000x128xbf16, #tpu.memory_space<hbm>> -> memref<100000x128xbf16, #tpu.memory_space<hbm>>
      tpu.enqueue_indirect_dma source(%dma_start3A_51 : memref<100000x128xbf16, #tpu.memory_space<hbm>>) target(%dma_start3A_46 : memref<120x128xbf16, #tpu.memory_space<vmem>>) offsets(%dma_start3A_48 : memref<120xi32, #tpu.memory_space<vmem>>) semaphore(%arg15 : memref<!tpu.dma_semaphore, #tpu.memory_space<semaphore_mem>>)
      %dma_start3A_52 = arith.constant 0 : i32
      %dma_start3A_53 = arith.constant 0 : i32
      %dma_start3A_54 = tpu.memref_slice %arg10[%dma_start3A_52, %dma_start3A_53] : memref<240x128xbf16, #tpu.memory_space<vmem>> -> memref<120x128xbf16, #tpu.memory_space<vmem>>
      %dma_start3A_55 = arith.constant 480 : i32
      %dma_start3A_56 = tpu.memref_slice %arg7[%dma_start3A_55] : memref<7680xi32, #tpu.memory_space<vmem>> -> memref<120xi32, #tpu.memory_space<vmem>>
      %dma_start3A_57 = arith.constant 0 : i32
      %dma_start3A_58 = arith.constant 0 : i32
      %dma_start3A_59 = tpu.memref_slice %arg2[%dma_start3A_57, %dma_start3A_58] : memref<100000x128xbf16, #tpu.memory_space<hbm>> -> memref<100000x128xbf16, #tpu.memory_space<hbm>>
      tpu.enqueue_indirect_dma source(%dma_start3A_59 : memref<100000x128xbf16, #tpu.memory_space<hbm>>) target(%dma_start3A_54 : memref<120x128xbf16, #tpu.memory_space<vmem>>) offsets(%dma_start3A_56 : memref<120xi32, #tpu.memory_space<vmem>>) semaphore(%arg16 : memref<!tpu.dma_semaphore, #tpu.memory_space<semaphore_mem>>)
      %dma_start3A_60 = arith.constant 120 : i32
      %dma_start3A_61 = arith.constant 0 : i32
      %dma_start3A_62 = tpu.memref_slice %arg10[%dma_start3A_60, %dma_start3A_61] : memref<240x128xbf16, #tpu.memory_space<vmem>> -> memref<120x128xbf16, #tpu.memory_space<vmem>>
      %dma_start3A_63 = arith.constant 600 : i32
      %dma_start3A_64 = tpu.memref_slice %arg7[%dma_start3A_63] : memref<7680xi32, #tpu.memory_space<vmem>> -> memref<120xi32, #tpu.memory_space<vmem>>
      %dma_start3A_65 = arith.constant 0 : i32
      %dma_start3A_66 = arith.constant 0 : i32
      %dma_start3A_67 = tpu.memref_slice %arg2[%dma_start3A_65, %dma_start3A_66] : memref<100000x128xbf16, #tpu.memory_space<hbm>> -> memref<100000x128xbf16, #tpu.memory_space<hbm>>
      tpu.enqueue_indirect_dma source(%dma_start3A_67 : memref<100000x128xbf16, #tpu.memory_space<hbm>>) target(%dma_start3A_62 : memref<120x128xbf16, #tpu.memory_space<vmem>>) offsets(%dma_start3A_64 : memref<120xi32, #tpu.memory_space<vmem>>) semaphore(%arg16 : memref<!tpu.dma_semaphore, #tpu.memory_space<semaphore_mem>>)
      %scan3A_68 = arith.constant 0 : i32
      %scan3A_69 = arith.constant 0 : i32
      %scan3A_70 = arith.constant 8 : i32
      %scan3A_71 = arith.addi %scan3A_69, %scan3A_70 : i32
      %scan3A_72 = arith.constant 1 : i32
      scf.for %scan3A_74 = %scan3A_69 to %scan3A_71 step %scan3A_72  : i32 {
        %mul3A_75 = arith.constant 4 : i32
        %mul3A_76 = arith.muli %mul3A_75, %scan3A_74 : i32
        %add3A_77 = arith.constant 0 : i32
        %add3A_78 = arith.addi %mul3A_76, %add3A_77 : i32
        %add3A_79 = arith.constant 3 : i32
        %add3A_80 = arith.addi %add3A_78, %add3A_79 : i32
        %lt3A = arith.constant 32 : i32
        %lt3A_81 = arith.cmpi slt, %add3A_80, %lt3A : i32
        %convert_element_type3A = arith.extui %lt3A_81 : i1 to i32
        %cond3A = arith.constant 0 : i32
        %cond3A_82 = arith.cmpi ne, %convert_element_type3A, %cond3A : i32
        scf.if %cond3A_82 {
          %add3A_338 = arith.constant 3 : i32
          %add3A_339 = arith.addi %add3A_78, %add3A_338 : i32
          %mul3A_340 = arith.constant 240 : i32
          %mul3A_341 = arith.muli %add3A_339, %mul3A_340 : i32
          %mul3A_342 = arith.constant 240 : i32
          %mul3A_343 = arith.muli %add3A_339, %mul3A_342 : i32
          %add3A_344 = arith.constant 120 : i32
          %add3A_345 = arith.addi %mul3A_343, %add3A_344 : i32
          %dma_start3A_346 = arith.constant 0 : i32
          %dma_start3A_347 = arith.constant 0 : i32
          %dma_start3A_348 = tpu.memref_slice %arg11[%dma_start3A_346, %dma_start3A_347] : memref<240x128xbf16, #tpu.memory_space<vmem>> -> memref<120x128xbf16, #tpu.memory_space<vmem>>
          %dma_start3A_349 = tpu.memref_slice %arg7[%mul3A_341] : memref<7680xi32, #tpu.memory_space<vmem>> -> memref<120xi32, #tpu.memory_space<vmem>>
          %dma_start3A_350 = arith.constant 0 : i32
          %dma_start3A_351 = arith.constant 0 : i32
          %dma_start3A_352 = tpu.memref_slice %arg2[%dma_start3A_350, %dma_start3A_351] : memref<100000x128xbf16, #tpu.memory_space<hbm>> -> memref<100000x128xbf16, #tpu.memory_space<hbm>>
          tpu.enqueue_indirect_dma source(%dma_start3A_352 : memref<100000x128xbf16, #tpu.memory_space<hbm>>) target(%dma_start3A_348 : memref<120x128xbf16, #tpu.memory_space<vmem>>) offsets(%dma_start3A_349 : memref<120xi32, #tpu.memory_space<vmem>>) semaphore(%arg17 : memref<!tpu.dma_semaphore, #tpu.memory_space<semaphore_mem>>)
          %dma_start3A_353 = arith.constant 120 : i32
          %dma_start3A_354 = arith.constant 0 : i32
          %dma_start3A_355 = tpu.memref_slice %arg11[%dma_start3A_353, %dma_start3A_354] : memref<240x128xbf16, #tpu.memory_space<vmem>> -> memref<120x128xbf16, #tpu.memory_space<vmem>>
          %dma_start3A_356 = tpu.memref_slice %arg7[%add3A_345] : memref<7680xi32, #tpu.memory_space<vmem>> -> memref<120xi32, #tpu.memory_space<vmem>>
          %dma_start3A_357 = arith.constant 0 : i32
          %dma_start3A_358 = arith.constant 0 : i32
          %dma_start3A_359 = tpu.memref_slice %arg2[%dma_start3A_357, %dma_start3A_358] : memref<100000x128xbf16, #tpu.memory_space<hbm>> -> memref<100000x128xbf16, #tpu.memory_space<hbm>>
          tpu.enqueue_indirect_dma source(%dma_start3A_359 : memref<100000x128xbf16, #tpu.memory_space<hbm>>) target(%dma_start3A_355 : memref<120x128xbf16, #tpu.memory_space<vmem>>) offsets(%dma_start3A_356 : memref<120xi32, #tpu.memory_space<vmem>>) semaphore(%arg17 : memref<!tpu.dma_semaphore, #tpu.memory_space<semaphore_mem>>)
        } else {
        }
        %mul3A_83 = arith.constant 240 : i32
        %mul3A_84 = arith.muli %add3A_78, %mul3A_83 : i32
        %mul3A_85 = arith.constant 240 : i32
        %mul3A_86 = arith.muli %add3A_78, %mul3A_85 : i32
        %add3A_87 = arith.constant 120 : i32
        %add3A_88 = arith.addi %mul3A_86, %add3A_87 : i32
        %dma_wait3A = arith.constant 0 : i32
        %dma_wait3A_89 = arith.constant 0 : i32
        %dma_wait3A_90 = tpu.memref_slice %arg8[%dma_wait3A, %dma_wait3A_89] : memref<240x128xbf16, #tpu.memory_space<vmem>> -> memref<120x128xbf16, #tpu.memory_space<vmem>>
        %dma_wait3A_91 = tpu.memref_slice %arg7[%mul3A_84] : memref<7680xi32, #tpu.memory_space<vmem>> -> memref<120xi32, #tpu.memory_space<vmem>>
        %dma_wait3A_92 = arith.constant 0 : i32
        %dma_wait3A_93 = arith.constant 0 : i32
        %dma_wait3A_94 = tpu.memref_slice %arg2[%dma_wait3A_92, %dma_wait3A_93] : memref<100000x128xbf16, #tpu.memory_space<hbm>> -> memref<100000x128xbf16, #tpu.memory_space<hbm>>
        tpu.wait_indirect_dma semaphore(%arg14 : memref<!tpu.dma_semaphore, #tpu.memory_space<semaphore_mem>>) src(%dma_wait3A_94 : memref<100000x128xbf16, #tpu.memory_space<hbm>>) dst(%dma_wait3A_90 : memref<120x128xbf16, #tpu.memory_space<vmem>>)
        %dma_wait3A_95 = arith.constant 120 : i32
        %dma_wait3A_96 = arith.constant 0 : i32
        %dma_wait3A_97 = tpu.memref_slice %arg8[%dma_wait3A_95, %dma_wait3A_96] : memref<240x128xbf16, #tpu.memory_space<vmem>> -> memref<120x128xbf16, #tpu.memory_space<vmem>>
        %dma_wait3A_98 = tpu.memref_slice %arg7[%add3A_88] : memref<7680xi32, #tpu.memory_space<vmem>> -> memref<120xi32, #tpu.memory_space<vmem>>
        %dma_wait3A_99 = arith.constant 0 : i32
        %dma_wait3A_100 = arith.constant 0 : i32
        %dma_wait3A_101 = tpu.memref_slice %arg2[%dma_wait3A_99, %dma_wait3A_100] : memref<100000x128xbf16, #tpu.memory_space<hbm>> -> memref<100000x128xbf16, #tpu.memory_space<hbm>>
        tpu.wait_indirect_dma semaphore(%arg14 : memref<!tpu.dma_semaphore, #tpu.memory_space<semaphore_mem>>) src(%dma_wait3A_101 : memref<100000x128xbf16, #tpu.memory_space<hbm>>) dst(%dma_wait3A_97 : memref<120x128xbf16, #tpu.memory_space<vmem>>)
        %scan3A_102 = arith.constant 0 : i32
        %scan3A_103 = arith.constant 13 : i32
        %scan3A_104 = arith.addi %scan3A_102, %scan3A_103 : i32
        %scan3A_105 = arith.constant 1 : i32
        %scan3A_106:4 = scf.for %scan3A_338 = %scan3A_102 to %scan3A_104 step %scan3A_105 iter_args(%scan3A_339 = %broadcast_in_dim3A_3, %scan3A_340 = %broadcast_in_dim3A_3, %scan3A_341 = %broadcast_in_dim3A_3, %scan3A_342 = %broadcast_in_dim3A_3) -> (vector<32xbf16>, vector<32xbf16>, vector<32xbf16>, vector<32xbf16>)  : i32 {
          %mul3A_343 = arith.constant 240 : i32
          %mul3A_344 = arith.muli %add3A_78, %mul3A_343 : i32
          %mul3A_345 = arith.constant 16 : i32
          %mul3A_346 = arith.muli %scan3A_338, %mul3A_345 : i32
          %add3A_347 = arith.addi %mul3A_344, %mul3A_346 : i32
          %get3A = arith.index_cast %add3A_347 : i32 to index
          %get3A_348 = tpu.vector_load %arg6[%get3A] {strides = array<i32>} : memref<7680xi32, #tpu.memory_space<vmem>>, vector<16xi32>,
          %shift_right_logical3A = arith.constant 17 : i32
          %shift_right_logical3A_349 = vector.broadcast %shift_right_logical3A : i32 to vector<16xi32>
          %shift_right_logical3A_350 = arith.shrui %get3A_348, %shift_right_logical3A_349 : vector<16xi32>
          %convert_element_type3A_351 = arith.sitofp %shift_right_logical3A_350 : vector<16xi32> to vector<16xf32>
          %mul3A_352 = arith.constant 3.05185094E-5 : f32
          %mul3A_353 = vector.broadcast %mul3A_352 : f32 to vector<16xf32>
          %mul3A_354 = arith.mulf %convert_element_type3A_351, %mul3A_353 : vector<16xf32>
          %mul3A_355 = arith.constant 16 : i32
          %mul3A_356 = arith.muli %scan3A_338, %mul3A_355 : i32
          %add3A_357 = arith.constant 0 : i32
          %add3A_358 = arith.addi %mul3A_356, %add3A_357 : i32
          %slice3A = vector.extract_strided_slice %mul3A_354 {offsets = [0], sizes = [1], strides = [1]} : vector<16xf32> to vector<1xf32>
          %squeeze3A = vector.extract %slice3A[0] : f32 from vector<1xf32>
          %broadcast_in_dim3A_359 = vector.broadcast %squeeze3A : f32 to vector<16xf32>
          %pack3A = tpu.pack_subelements %broadcast_in_dim3A_359, %broadcast_in_dim3A_359 {pack_format = #tpu.pack_format<interleaved>, positions = array<i32: 0, 1>} : vector<16xf32>, vector<16xf32> -> vector<32xbf16>
          %get3A_360 = arith.index_cast %add3A_358 : i32 to index
          %get3A_361 = arith.constant 0 : index
          %get3A_362 = tpu.vector_load %arg8[%get3A_360, %get3A_361] {strides = array<i32>} : memref<240x128xbf16, #tpu.memory_space<vmem>>, vector<32xbf16>,
          %mul3A_363 = arith.mulf %get3A_362, %pack3A : vector<32xbf16>
          %max3A = arith.maximumf %scan3A_339, %mul3A_363 : vector<32xbf16>
          %get3A_364 = arith.index_cast %add3A_358 : i32 to index
          %get3A_365 = arith.constant 32 : index
          %get3A_366 = tpu.vector_load %arg8[%get3A_364, %get3A_365] {strides = array<i32>} : memref<240x128xbf16, #tpu.memory_space<vmem>>, vector<32xbf16>,
          %mul3A_367 = arith.mulf %get3A_366, %pack3A : vector<32xbf16>
          %max3A_368 = arith.maximumf %scan3A_340, %mul3A_367 : vector<32xbf16>
          %get3A_369 = arith.index_cast %add3A_358 : i32 to index
          %get3A_370 = arith.constant 64 : index
          %get3A_371 = tpu.vector_load %arg8[%get3A_369, %get3A_370] {strides = array<i32>} : memref<240x128xbf16, #tpu.memory_space<vmem>>, vector<32xbf16>,
          %mul3A_372 = arith.mulf %get3A_371, %pack3A : vector<32xbf16>
          %max3A_373 = arith.maximumf %scan3A_341, %mul3A_372 : vector<32xbf16>
          %get3A_374 = arith.index_cast %add3A_358 : i32 to index
          %get3A_375 = arith.constant 96 : index
          %get3A_376 = tpu.vector_load %arg8[%get3A_374, %get3A_375] {strides = array<i32>} : memref<240x128xbf16, #tpu.memory_space<vmem>>, vector<32xbf16>,
          %mul3A_377 = arith.mulf %get3A_376, %pack3A : vector<32xbf16>
          %max3A_378 = arith.maximumf %scan3A_342, %mul3A_377 : vector<32xbf16>
          %mul3A_379 = arith.constant 16 : i32
          %mul3A_380 = arith.muli %scan3A_338, %mul3A_379 : i32
          %add3A_381 = arith.constant 1 : i32
          %add3A_382 = arith.addi %mul3A_380, %add3A_381 : i32
          %slice3A_383 = vector.extract_strided_slice %mul3A_354 {offsets = [1], sizes = [1], strides = [1]} : vector<16xf32> to vector<1xf32>
          %squeeze3A_384 = vector.extract %slice3A_383[0] : f32 from vector<1xf32>
          %broadcast_in_dim3A_385 = vector.broadcast %squeeze3A_384 : f32 to vector<16xf32>
          %pack3A_386 = tpu.pack_subelements %broadcast_in_dim3A_385, %broadcast_in_dim3A_385 {pack_format = #tpu.pack_format<interleaved>, positions = array<i32: 0, 1>} : vector<16xf32>, vector<16xf32> -> vector<32xbf16>
          %get3A_387 = arith.index_cast %add3A_382 : i32 to index
          %get3A_388 = arith.constant 0 : index
          %get3A_389 = tpu.vector_load %arg8[%get3A_387, %get3A_388] {strides = array<i32>} : memref<240x128xbf16, #tpu.memory_space<vmem>>, vector<32xbf16>,
          %mul3A_390 = arith.mulf %get3A_389, %pack3A_386 : vector<32xbf16>
          %max3A_391 = arith.maximumf %max3A, %mul3A_390 : vector<32xbf16>
          %get3A_392 = arith.index_cast %add3A_382 : i32 to index
          %get3A_393 = arith.constant 32 : index
          %get3A_394 = tpu.vector_load %arg8[%get3A_392, %get3A_393] {strides = array<i32>} : memref<240x128xbf16, #tpu.memory_space<vmem>>, vector<32xbf16>,
          %mul3A_395 = arith.mulf %get3A_394, %pack3A_386 : vector<32xbf16>
          %max3A_396 = arith.maximumf %max3A_368, %mul3A_395 : vector<32xbf16>
          %get3A_397 = arith.index_cast %add3A_382 : i32 to index
          %get3A_398 = arith.constant 64 : index
          %get3A_399 = tpu.vector_load %arg8[%get3A_397, %get3A_398] {strides = array<i32>} : memref<240x128xbf16, #tpu.memory_space<vmem>>, vector<32xbf16>,
          %mul3A_400 = arith.mulf %get3A_399, %pack3A_386 : vector<32xbf16>
          %max3A_401 = arith.maximumf %max3A_373, %mul3A_400 : vector<32xbf16>
          %get3A_402 = arith.index_cast %add3A_382 : i32 to index
          %get3A_403 = arith.constant 96 : index
          %get3A_404 = tpu.vector_load %arg8[%get3A_402, %get3A_403] {strides = array<i32>} : memref<240x128xbf16, #tpu.memory_space<vmem>>, vector<32xbf16>,
          %mul3A_405 = arith.mulf %get3A_404, %pack3A_386 : vector<32xbf16>
          %max3A_406 = arith.maximumf %max3A_378, %mul3A_405 : vector<32xbf16>
          %mul3A_407 = arith.constant 16 : i32
          %mul3A_408 = arith.muli %scan3A_338, %mul3A_407 : i32
          %add3A_409 = arith.constant 2 : i32
          %add3A_410 = arith.addi %mul3A_408, %add3A_409 : i32
          %slice3A_411 = vector.extract_strided_slice %mul3A_354 {offsets = [2], sizes = [1], strides = [1]} : vector<16xf32> to vector<1xf32>
          %squeeze3A_412 = vector.extract %slice3A_411[0] : f32 from vector<1xf32>
          %broadcast_in_dim3A_413 = vector.broadcast %squeeze3A_412 : f32 to vector<16xf32>
          %pack3A_414 = tpu.pack_subelements %broadcast_in_dim3A_413, %broadcast_in_dim3A_413 {pack_format = #tpu.pack_format<interleaved>, positions = array<i32: 0, 1>} : vector<16xf32>, vector<16xf32> -> vector<32xbf16>
          %get3A_415 = arith.index_cast %add3A_410 : i32 to index
          %get3A_416 = arith.constant 0 : index
          %get3A_417 = tpu.vector_load %arg8[%get3A_415, %get3A_416] {strides = array<i32>} : memref<240x128xbf16, #tpu.memory_space<vmem>>, vector<32xbf16>,
          %mul3A_418 = arith.mulf %get3A_417, %pack3A_414 : vector<32xbf16>
          %max3A_419 = arith.maximumf %max3A_391, %mul3A_418 : vector<32xbf16>
          %get3A_420 = arith.index_cast %add3A_410 : i32 to index
          %get3A_421 = arith.constant 32 : index
          %get3A_422 = tpu.vector_load %arg8[%get3A_420, %get3A_421] {strides = array<i32>} : memref<240x128xbf16, #tpu.memory_space<vmem>>, vector<32xbf16>,
          %mul3A_423 = arith.mulf %get3A_422, %pack3A_414 : vector<32xbf16>
          %max3A_424 = arith.maximumf %max3A_396, %mul3A_423 : vector<32xbf16>
          %get3A_425 = arith.index_cast %add3A_410 : i32 to index
          %get3A_426 = arith.constant 64 : index
          %get3A_427 = tpu.vector_load %arg8[%get3A_425, %get3A_426] {strides = array<i32>} : memref<240x128xbf16, #tpu.memory_space<vmem>>, vector<32xbf16>,
          %mul3A_428 = arith.mulf %get3A_427, %pack3A_414 : vector<32xbf16>
          %max3A_429 = arith.maximumf %max3A_401, %mul3A_428 : vector<32xbf16>
          %get3A_430 = arith.index_cast %add3A_410 : i32 to index
          %get3A_431 = arith.constant 96 : index
          %get3A_432 = tpu.vector_load %arg8[%get3A_430, %get3A_431] {strides = array<i32>} : memref<240x128xbf16, #tpu.memory_space<vmem>>, vector<32xbf16>,
          %mul3A_433 = arith.mulf %get3A_432, %pack3A_414 : vector<32xbf16>
          %max3A_434 = arith.maximumf %max3A_406, %mul3A_433 : vector<32xbf16>
          %mul3A_435 = arith.constant 16 : i32
          %mul3A_436 = arith.muli %scan3A_338, %mul3A_435 : i32
          %add3A_437 = arith.constant 3 : i32
          %add3A_438 = arith.addi %mul3A_436, %add3A_437 : i32
          %slice3A_439 = vector.extract_strided_slice %mul3A_354 {offsets = [3], sizes = [1], strides = [1]} : vector<16xf32> to vector<1xf32>
          %squeeze3A_440 = vector.extract %slice3A_439[0] : f32 from vector<1xf32>
          %broadcast_in_dim3A_441 = vector.broadcast %squeeze3A_440 : f32 to vector<16xf32>
          %pack3A_442 = tpu.pack_subelements %broadcast_in_dim3A_441, %broadcast_in_dim3A_441 {pack_format = #tpu.pack_format<interleaved>, positions = array<i32: 0, 1>} : vector<16xf32>, vector<16xf32> -> vector<32xbf16>
          %get3A_443 = arith.index_cast %add3A_438 : i32 to index
          %get3A_444 = arith.constant 0 : index
          %get3A_445 = tpu.vector_load %arg8[%get3A_443, %get3A_444] {strides = array<i32>} : memref<240x128xbf16, #tpu.memory_space<vmem>>, vector<32xbf16>,
          %mul3A_446 = arith.mulf %get3A_445, %pack3A_442 : vector<32xbf16>
          %max3A_447 = arith.maximumf %max3A_419, %mul3A_446 : vector<32xbf16>
          %get3A_448 = arith.index_cast %add3A_438 : i32 to index
          %get3A_449 = arith.constant 32 : index
          %get3A_450 = tpu.vector_load %arg8[%get3A_448, %get3A_449] {strides = array<i32>} : memref<240x128xbf16, #tpu.memory_space<vmem>>, vector<32xbf16>,
          %mul3A_451 = arith.mulf %get3A_450, %pack3A_442 : vector<32xbf16>
          %max3A_452 = arith.maximumf %max3A_424, %mul3A_451 : vector<32xbf16>
          %get3A_453 = arith.index_cast %add3A_438 : i32 to index
          %get3A_454 = arith.constant 64 : index
          %get3A_455 = tpu.vector_load %arg8[%get3A_453, %get3A_454] {strides = array<i32>} : memref<240x128xbf16, #tpu.memory_space<vmem>>, vector<32xbf16>,
          %mul3A_456 = arith.mulf %get3A_455, %pack3A_442 : vector<32xbf16>
          %max3A_457 = arith.maximumf %max3A_429, %mul3A_456 : vector<32xbf16>
          %get3A_458 = arith.index_cast %add3A_438 : i32 to index
          %get3A_459 = arith.constant 96 : index
          %get3A_460 = tpu.vector_load %arg8[%get3A_458, %get3A_459] {strides = array<i32>} : memref<240x128xbf16, #tpu.memory_space<vmem>>, vector<32xbf16>,
          %mul3A_461 = arith.mulf %get3A_460, %pack3A_442 : vector<32xbf16>
          %max3A_462 = arith.maximumf %max3A_434, %mul3A_461 : vector<32xbf16>
          %mul3A_463 = arith.constant 16 : i32
          %mul3A_464 = arith.muli %scan3A_338, %mul3A_463 : i32
          %add3A_465 = arith.constant 4 : i32
          %add3A_466 = arith.addi %mul3A_464, %add3A_465 : i32
          %slice3A_467 = vector.extract_strided_slice %mul3A_354 {offsets = [4], sizes = [1], strides = [1]} : vector<16xf32> to vector<1xf32>
          %squeeze3A_468 = vector.extract %slice3A_467[0] : f32 from vector<1xf32>
          %broadcast_in_dim3A_469 = vector.broadcast %squeeze3A_468 : f32 to vector<16xf32>
          %pack3A_470 = tpu.pack_subelements %broadcast_in_dim3A_469, %broadcast_in_dim3A_469 {pack_format = #tpu.pack_format<interleaved>, positions = array<i32: 0, 1>} : vector<16xf32>, vector<16xf32> -> vector<32xbf16>
          %get3A_471 = arith.index_cast %add3A_466 : i32 to index
          %get3A_472 = arith.constant 0 : index
          %get3A_473 = tpu.vector_load %arg8[%get3A_471, %get3A_472] {strides = array<i32>} : memref<240x128xbf16, #tpu.memory_space<vmem>>, vector<32xbf16>,
          %mul3A_474 = arith.mulf %get3A_473, %pack3A_470 : vector<32xbf16>
          %max3A_475 = arith.maximumf %max3A_447, %mul3A_474 : vector<32xbf16>
          %get3A_476 = arith.index_cast %add3A_466 : i32 to index
          %get3A_477 = arith.constant 32 : index
          %get3A_478 = tpu.vector_load %arg8[%get3A_476, %get3A_477] {strides = array<i32>} : memref<240x128xbf16, #tpu.memory_space<vmem>>, vector<32xbf16>,
          %mul3A_479 = arith.mulf %get3A_478, %pack3A_470 : vector<32xbf16>
          %max3A_480 = arith.maximumf %max3A_452, %mul3A_479 : vector<32xbf16>
          %get3A_481 = arith.index_cast %add3A_466 : i32 to index
          %get3A_482 = arith.constant 64 : index
          %get3A_483 = tpu.vector_load %arg8[%get3A_481, %get3A_482] {strides = array<i32>} : memref<240x128xbf16, #tpu.memory_space<vmem>>, vector<32xbf16>,
          %mul3A_484 = arith.mulf %get3A_483, %pack3A_470 : vector<32xbf16>
          %max3A_485 = arith.maximumf %max3A_457, %mul3A_484 : vector<32xbf16>
          %get3A_486 = arith.index_cast %add3A_466 : i32 to index
          %get3A_487 = arith.constant 96 : index
          %get3A_488 = tpu.vector_load %arg8[%get3A_486, %get3A_487] {strides = array<i32>} : memref<240x128xbf16, #tpu.memory_space<vmem>>, vector<32xbf16>,
          %mul3A_489 = arith.mulf %get3A_488, %pack3A_470 : vector<32xbf16>
          %max3A_490 = arith.maximumf %max3A_462, %mul3A_489 : vector<32xbf16>
          %mul3A_491 = arith.constant 16 : i32
          %mul3A_492 = arith.muli %scan3A_338, %mul3A_491 : i32
          %add3A_493 = arith.constant 5 : i32
          %add3A_494 = arith.addi %mul3A_492, %add3A_493 : i32
          %slice3A_495 = vector.extract_strided_slice %mul3A_354 {offsets = [5], sizes = [1], strides = [1]} : vector<16xf32> to vector<1xf32>
          %squeeze3A_496 = vector.extract %slice3A_495[0] : f32 from vector<1xf32>
          %broadcast_in_dim3A_497 = vector.broadcast %squeeze3A_496 : f32 to vector<16xf32>
          %pack3A_498 = tpu.pack_subelements %broadcast_in_dim3A_497, %broadcast_in_dim3A_497 {pack_format = #tpu.pack_format<interleaved>, positions = array<i32: 0, 1>} : vector<16xf32>, vector<16xf32> -> vector<32xbf16>
          %get3A_499 = arith.index_cast %add3A_494 : i32 to index
          %get3A_500 = arith.constant 0 : index
          %get3A_501 = tpu.vector_load %arg8[%get3A_499, %get3A_500] {strides = array<i32>} : memref<240x128xbf16, #tpu.memory_space<vmem>>, vector<32xbf16>,
          %mul3A_502 = arith.mulf %get3A_501, %pack3A_498 : vector<32xbf16>
          %max3A_503 = arith.maximumf %max3A_475, %mul3A_502 : vector<32xbf16>
          %get3A_504 = arith.index_cast %add3A_494 : i32 to index
          %get3A_505 = arith.constant 32 : index
          %get3A_506 = tpu.vector_load %arg8[%get3A_504, %get3A_505] {strides = array<i32>} : memref<240x128xbf16, #tpu.memory_space<vmem>>, vector<32xbf16>,
          %mul3A_507 = arith.mulf %get3A_506, %pack3A_498 : vector<32xbf16>
          %max3A_508 = arith.maximumf %max3A_480, %mul3A_507 : vector<32xbf16>
          %get3A_509 = arith.index_cast %add3A_494 : i32 to index
          %get3A_510 = arith.constant 64 : index
          %get3A_511 = tpu.vector_load %arg8[%get3A_509, %get3A_510] {strides = array<i32>} : memref<240x128xbf16, #tpu.memory_space<vmem>>, vector<32xbf16>,
          %mul3A_512 = arith.mulf %get3A_511, %pack3A_498 : vector<32xbf16>
          %max3A_513 = arith.maximumf %max3A_485, %mul3A_512 : vector<32xbf16>
          %get3A_514 = arith.index_cast %add3A_494 : i32 to index
          %get3A_515 = arith.constant 96 : index
          %get3A_516 = tpu.vector_load %arg8[%get3A_514, %get3A_515] {strides = array<i32>} : memref<240x128xbf16, #tpu.memory_space<vmem>>, vector<32xbf16>,
          %mul3A_517 = arith.mulf %get3A_516, %pack3A_498 : vector<32xbf16>
          %max3A_518 = arith.maximumf %max3A_490, %mul3A_517 : vector<32xbf16>
          %mul3A_519 = arith.constant 16 : i32
          %mul3A_520 = arith.muli %scan3A_338, %mul3A_519 : i32
          %add3A_521 = arith.constant 6 : i32
          %add3A_522 = arith.addi %mul3A_520, %add3A_521 : i32
          %slice3A_523 = vector.extract_strided_slice %mul3A_354 {offsets = [6], sizes = [1], strides = [1]} : vector<16xf32> to vector<1xf32>
          %squeeze3A_524 = vector.extract %slice3A_523[0] : f32 from vector<1xf32>
          %broadcast_in_dim3A_525 = vector.broadcast %squeeze3A_524 : f32 to vector<16xf32>
          %pack3A_526 = tpu.pack_subelements %broadcast_in_dim3A_525, %broadcast_in_dim3A_525 {pack_format = #tpu.pack_format<interleaved>, positions = array<i32: 0, 1>} : vector<16xf32>, vector<16xf32> -> vector<32xbf16>
          %get3A_527 = arith.index_cast %add3A_522 : i32 to index
          %get3A_528 = arith.constant 0 : index
          %get3A_529 = tpu.vector_load %arg8[%get3A_527, %get3A_528] {strides = array<i32>} : memref<240x128xbf16, #tpu.memory_space<vmem>>, vector<32xbf16>,
          %mul3A_530 = arith.mulf %get3A_529, %pack3A_526 : vector<32xbf16>
          %max3A_531 = arith.maximumf %max3A_503, %mul3A_530 : vector<32xbf16>
          %get3A_532 = arith.index_cast %add3A_522 : i32 to index
          %get3A_533 = arith.constant 32 : index
          %get3A_534 = tpu.vector_load %arg8[%get3A_532, %get3A_533] {strides = array<i32>} : memref<240x128xbf16, #tpu.memory_space<vmem>>, vector<32xbf16>,
          %mul3A_535 = arith.mulf %get3A_534, %pack3A_526 : vector<32xbf16>
          %max3A_536 = arith.maximumf %max3A_508, %mul3A_535 : vector<32xbf16>
          %get3A_537 = arith.index_cast %add3A_522 : i32 to index
          %get3A_538 = arith.constant 64 : index
          %get3A_539 = tpu.vector_load %arg8[%get3A_537, %get3A_538] {strides = array<i32>} : memref<240x128xbf16, #tpu.memory_space<vmem>>, vector<32xbf16>,
          %mul3A_540 = arith.mulf %get3A_539, %pack3A_526 : vector<32xbf16>
          %max3A_541 = arith.maximumf %max3A_513, %mul3A_540 : vector<32xbf16>
          %get3A_542 = arith.index_cast %add3A_522 : i32 to index
          %get3A_543 = arith.constant 96 : index
          %get3A_544 = tpu.vector_load %arg8[%get3A_542, %get3A_543] {strides = array<i32>} : memref<240x128xbf16, #tpu.memory_space<vmem>>, vector<32xbf16>,
          %mul3A_545 = arith.mulf %get3A_544, %pack3A_526 : vector<32xbf16>
          %max3A_546 = arith.maximumf %max3A_518, %mul3A_545 : vector<32xbf16>
          %mul3A_547 = arith.constant 16 : i32
          %mul3A_548 = arith.muli %scan3A_338, %mul3A_547 : i32
          %add3A_549 = arith.constant 7 : i32
          %add3A_550 = arith.addi %mul3A_548, %add3A_549 : i32
          %slice3A_551 = vector.extract_strided_slice %mul3A_354 {offsets = [7], sizes = [1], strides = [1]} : vector<16xf32> to vector<1xf32>
          %squeeze3A_552 = vector.extract %slice3A_551[0] : f32 from vector<1xf32>
          %broadcast_in_dim3A_553 = vector.broadcast %squeeze3A_552 : f32 to vector<16xf32>
          %pack3A_554 = tpu.pack_subelements %broadcast_in_dim3A_553, %broadcast_in_dim3A_553 {pack_format = #tpu.pack_format<interleaved>, positions = array<i32: 0, 1>} : vector<16xf32>, vector<16xf32> -> vector<32xbf16>
          %get3A_555 = arith.index_cast %add3A_550 : i32 to index
          %get3A_556 = arith.constant 0 : index
          %get3A_557 = tpu.vector_load %arg8[%get3A_555, %get3A_556] {strides = array<i32>} : memref<240x128xbf16, #tpu.memory_space<vmem>>, vector<32xbf16>,
          %mul3A_558 = arith.mulf %get3A_557, %pack3A_554 : vector<32xbf16>
          %max3A_559 = arith.maximumf %max3A_531, %mul3A_558 : vector<32xbf16>
          %get3A_560 = arith.index_cast %add3A_550 : i32 to index
          %get3A_561 = arith.constant 32 : index
          %get3A_562 = tpu.vector_load %arg8[%get3A_560, %get3A_561] {strides = array<i32>} : memref<240x128xbf16, #tpu.memory_space<vmem>>, vector<32xbf16>,
          %mul3A_563 = arith.mulf %get3A_562, %pack3A_554 : vector<32xbf16>
          %max3A_564 = arith.maximumf %max3A_536, %mul3A_563 : vector<32xbf16>
          %get3A_565 = arith.index_cast %add3A_550 : i32 to index
          %get3A_566 = arith.constant 64 : index
          %get3A_567 = tpu.vector_load %arg8[%get3A_565, %get3A_566] {strides = array<i32>} : memref<240x128xbf16, #tpu.memory_space<vmem>>, vector<32xbf16>,
          %mul3A_568 = arith.mulf %get3A_567, %pack3A_554 : vector<32xbf16>
          %max3A_569 = arith.maximumf %max3A_541, %mul3A_568 : vector<32xbf16>
          %get3A_570 = arith.index_cast %add3A_550 : i32 to index
          %get3A_571 = arith.constant 96 : index
          %get3A_572 = tpu.vector_load %arg8[%get3A_570, %get3A_571] {strides = array<i32>} : memref<240x128xbf16, #tpu.memory_space<vmem>>, vector<32xbf16>,
          %mul3A_573 = arith.mulf %get3A_572, %pack3A_554 : vector<32xbf16>
          %max3A_574 = arith.maximumf %max3A_546, %mul3A_573 : vector<32xbf16>
          %mul3A_575 = arith.constant 16 : i32
          %mul3A_576 = arith.muli %scan3A_338, %mul3A_575 : i32
          %add3A_577 = arith.constant 8 : i32
          %add3A_578 = arith.addi %mul3A_576, %add3A_577 : i32
          %slice3A_579 = vector.extract_strided_slice %mul3A_354 {offsets = [8], sizes = [1], strides = [1]} : vector<16xf32> to vector<1xf32>
          %squeeze3A_580 = vector.extract %slice3A_579[0] : f32 from vector<1xf32>
          %broadcast_in_dim3A_581 = vector.broadcast %squeeze3A_580 : f32 to vector<16xf32>
          %pack3A_582 = tpu.pack_subelements %broadcast_in_dim3A_581, %broadcast_in_dim3A_581 {pack_format = #tpu.pack_format<interleaved>, positions = array<i32: 0, 1>} : vector<16xf32>, vector<16xf32> -> vector<32xbf16>
          %get3A_583 = arith.index_cast %add3A_578 : i32 to index
          %get3A_584 = arith.constant 0 : index
          %get3A_585 = tpu.vector_load %arg8[%get3A_583, %get3A_584] {strides = array<i32>} : memref<240x128xbf16, #tpu.memory_space<vmem>>, vector<32xbf16>,
          %mul3A_586 = arith.mulf %get3A_585, %pack3A_582 : vector<32xbf16>
          %max3A_587 = arith.maximumf %max3A_559, %mul3A_586 : vector<32xbf16>
          %get3A_588 = arith.index_cast %add3A_578 : i32 to index
          %get3A_589 = arith.constant 32 : index
          %get3A_590 = tpu.vector_load %arg8[%get3A_588, %get3A_589] {strides = array<i32>} : memref<240x128xbf16, #tpu.memory_space<vmem>>, vector<32xbf16>,
          %mul3A_591 = arith.mulf %get3A_590, %pack3A_582 : vector<32xbf16>
          %max3A_592 = arith.maximumf %max3A_564, %mul3A_591 : vector<32xbf16>
          %get3A_593 = arith.index_cast %add3A_578 : i32 to index
          %get3A_594 = arith.constant 64 : index
          %get3A_595 = tpu.vector_load %arg8[%get3A_593, %get3A_594] {strides = array<i32>} : memref<240x128xbf16, #tpu.memory_space<vmem>>, vector<32xbf16>,
          %mul3A_596 = arith.mulf %get3A_595, %pack3A_582 : vector<32xbf16>
          %max3A_597 = arith.maximumf %max3A_569, %mul3A_596 : vector<32xbf16>
          %get3A_598 = arith.index_cast %add3A_578 : i32 to index
          %get3A_599 = arith.constant 96 : index
          %get3A_600 = tpu.vector_load %arg8[%get3A_598, %get3A_599] {strides = array<i32>} : memref<240x128xbf16, #tpu.memory_space<vmem>>, vector<32xbf16>,
          %mul3A_601 = arith.mulf %get3A_600, %pack3A_582 : vector<32xbf16>
          %max3A_602 = arith.maximumf %max3A_574, %mul3A_601 : vector<32xbf16>
          %mul3A_603 = arith.constant 16 : i32
          %mul3A_604 = arith.muli %scan3A_338, %mul3A_603 : i32
          %add3A_605 = arith.constant 9 : i32
          %add3A_606 = arith.addi %mul3A_604, %add3A_605 : i32
          %slice3A_607 = vector.extract_strided_slice %mul3A_354 {offsets = [9], sizes = [1], strides = [1]} : vector<16xf32> to vector<1xf32>
          %squeeze3A_608 = vector.extract %slice3A_607[0] : f32 from vector<1xf32>
          %broadcast_in_dim3A_609 = vector.broadcast %squeeze3A_608 : f32 to vector<16xf32>
          %pack3A_610 = tpu.pack_subelements %broadcast_in_dim3A_609, %broadcast_in_dim3A_609 {pack_format = #tpu.pack_format<interleaved>, positions = array<i32: 0, 1>} : vector<16xf32>, vector<16xf32> -> vector<32xbf16>
          %get3A_611 = arith.index_cast %add3A_606 : i32 to index
          %get3A_612 = arith.constant 0 : index
          %get3A_613 = tpu.vector_load %arg8[%get3A_611, %get3A_612] {strides = array<i32>} : memref<240x128xbf16, #tpu.memory_space<vmem>>, vector<32xbf16>,
          %mul3A_614 = arith.mulf %get3A_613, %pack3A_610 : vector<32xbf16>
          %max3A_615 = arith.maximumf %max3A_587, %mul3A_614 : vector<32xbf16>
          %get3A_616 = arith.index_cast %add3A_606 : i32 to index
          %get3A_617 = arith.constant 32 : index
          %get3A_618 = tpu.vector_load %arg8[%get3A_616, %get3A_617] {strides = array<i32>} : memref<240x128xbf16, #tpu.memory_space<vmem>>, vector<32xbf16>,
          %mul3A_619 = arith.mulf %get3A_618, %pack3A_610 : vector<32xbf16>
          %max3A_620 = arith.maximumf %max3A_592, %mul3A_619 : vector<32xbf16>
          %get3A_621 = arith.index_cast %add3A_606 : i32 to index
          %get3A_622 = arith.constant 64 : index
          %get3A_623 = tpu.vector_load %arg8[%get3A_621, %get3A_622] {strides = array<i32>} : memref<240x128xbf16, #tpu.memory_space<vmem>>, vector<32xbf16>,
          %mul3A_624 = arith.mulf %get3A_623, %pack3A_610 : vector<32xbf16>
          %max3A_625 = arith.maximumf %max3A_597, %mul3A_624 : vector<32xbf16>
          %get3A_626 = arith.index_cast %add3A_606 : i32 to index
          %get3A_627 = arith.constant 96 : index
          %get3A_628 = tpu.vector_load %arg8[%get3A_626, %get3A_627] {strides = array<i32>} : memref<240x128xbf16, #tpu.memory_space<vmem>>, vector<32xbf16>,
          %mul3A_629 = arith.mulf %get3A_628, %pack3A_610 : vector<32xbf16>
          %max3A_630 = arith.maximumf %max3A_602, %mul3A_629 : vector<32xbf16>
          %mul3A_631 = arith.constant 16 : i32
          %mul3A_632 = arith.muli %scan3A_338, %mul3A_631 : i32
          %add3A_633 = arith.constant 10 : i32
          %add3A_634 = arith.addi %mul3A_632, %add3A_633 : i32
          %slice3A_635 = vector.extract_strided_slice %mul3A_354 {offsets = [10], sizes = [1], strides = [1]} : vector<16xf32> to vector<1xf32>
          %squeeze3A_636 = vector.extract %slice3A_635[0] : f32 from vector<1xf32>
          %broadcast_in_dim3A_637 = vector.broadcast %squeeze3A_636 : f32 to vector<16xf32>
          %pack3A_638 = tpu.pack_subelements %broadcast_in_dim3A_637, %broadcast_in_dim3A_637 {pack_format = #tpu.pack_format<interleaved>, positions = array<i32: 0, 1>} : vector<16xf32>, vector<16xf32> -> vector<32xbf16>
          %get3A_639 = arith.index_cast %add3A_634 : i32 to index
          %get3A_640 = arith.constant 0 : index
          %get3A_641 = tpu.vector_load %arg8[%get3A_639, %get3A_640] {strides = array<i32>} : memref<240x128xbf16, #tpu.memory_space<vmem>>, vector<32xbf16>,
          %mul3A_642 = arith.mulf %get3A_641, %pack3A_638 : vector<32xbf16>
          %max3A_643 = arith.maximumf %max3A_615, %mul3A_642 : vector<32xbf16>
          %get3A_644 = arith.index_cast %add3A_634 : i32 to index
          %get3A_645 = arith.constant 32 : index
          %get3A_646 = tpu.vector_load %arg8[%get3A_644, %get3A_645] {strides = array<i32>} : memref<240x128xbf16, #tpu.memory_space<vmem>>, vector<32xbf16>,
          %mul3A_647 = arith.mulf %get3A_646, %pack3A_638 : vector<32xbf16>
          %max3A_648 = arith.maximumf %max3A_620, %mul3A_647 : vector<32xbf16>
          %get3A_649 = arith.index_cast %add3A_634 : i32 to index
          %get3A_650 = arith.constant 64 : index
          %get3A_651 = tpu.vector_load %arg8[%get3A_649, %get3A_650] {strides = array<i32>} : memref<240x128xbf16, #tpu.memory_space<vmem>>, vector<32xbf16>,
          %mul3A_652 = arith.mulf %get3A_651, %pack3A_638 : vector<32xbf16>
          %max3A_653 = arith.maximumf %max3A_625, %mul3A_652 : vector<32xbf16>
          %get3A_654 = arith.index_cast %add3A_634 : i32 to index
          %get3A_655 = arith.constant 96 : index
          %get3A_656 = tpu.vector_load %arg8[%get3A_654, %get3A_655] {strides = array<i32>} : memref<240x128xbf16, #tpu.memory_space<vmem>>, vector<32xbf16>,
          %mul3A_657 = arith.mulf %get3A_656, %pack3A_638 : vector<32xbf16>
          %max3A_658 = arith.maximumf %max3A_630, %mul3A_657 : vector<32xbf16>
          %mul3A_659 = arith.constant 16 : i32
          %mul3A_660 = arith.muli %scan3A_338, %mul3A_659 : i32
          %add3A_661 = arith.constant 11 : i32
          %add3A_662 = arith.addi %mul3A_660, %add3A_661 : i32
          %slice3A_663 = vector.extract_strided_slice %mul3A_354 {offsets = [11], sizes = [1], strides = [1]} : vector<16xf32> to vector<1xf32>
          %squeeze3A_664 = vector.extract %slice3A_663[0] : f32 from vector<1xf32>
          %broadcast_in_dim3A_665 = vector.broadcast %squeeze3A_664 : f32 to vector<16xf32>
          %pack3A_666 = tpu.pack_subelements %broadcast_in_dim3A_665, %broadcast_in_dim3A_665 {pack_format = #tpu.pack_format<interleaved>, positions = array<i32: 0, 1>} : vector<16xf32>, vector<16xf32> -> vector<32xbf16>
          %get3A_667 = arith.index_cast %add3A_662 : i32 to index
          %get3A_668 = arith.constant 0 : index
          %get3A_669 = tpu.vector_load %arg8[%get3A_667, %get3A_668] {strides = array<i32>} : memref<240x128xbf16, #tpu.memory_space<vmem>>, vector<32xbf16>,
          %mul3A_670 = arith.mulf %get3A_669, %pack3A_666 : vector<32xbf16>
          %max3A_671 = arith.maximumf %max3A_643, %mul3A_670 : vector<32xbf16>
          %get3A_672 = arith.index_cast %add3A_662 : i32 to index
          %get3A_673 = arith.constant 32 : index
          %get3A_674 = tpu.vector_load %arg8[%get3A_672, %get3A_673] {strides = array<i32>} : memref<240x128xbf16, #tpu.memory_space<vmem>>, vector<32xbf16>,
          %mul3A_675 = arith.mulf %get3A_674, %pack3A_666 : vector<32xbf16>
          %max3A_676 = arith.maximumf %max3A_648, %mul3A_675 : vector<32xbf16>
          %get3A_677 = arith.index_cast %add3A_662 : i32 to index
          %get3A_678 = arith.constant 64 : index
          %get3A_679 = tpu.vector_load %arg8[%get3A_677, %get3A_678] {strides = array<i32>} : memref<240x128xbf16, #tpu.memory_space<vmem>>, vector<32xbf16>,
          %mul3A_680 = arith.mulf %get3A_679, %pack3A_666 : vector<32xbf16>
          %max3A_681 = arith.maximumf %max3A_653, %mul3A_680 : vector<32xbf16>
          %get3A_682 = arith.index_cast %add3A_662 : i32 to index
          %get3A_683 = arith.constant 96 : index
          %get3A_684 = tpu.vector_load %arg8[%get3A_682, %get3A_683] {strides = array<i32>} : memref<240x128xbf16, #tpu.memory_space<vmem>>, vector<32xbf16>,
          %mul3A_685 = arith.mulf %get3A_684, %pack3A_666 : vector<32xbf16>
          %max3A_686 = arith.maximumf %max3A_658, %mul3A_685 : vector<32xbf16>
          %mul3A_687 = arith.constant 16 : i32
          %mul3A_688 = arith.muli %scan3A_338, %mul3A_687 : i32
          %add3A_689 = arith.constant 12 : i32
          %add3A_690 = arith.addi %mul3A_688, %add3A_689 : i32
          %slice3A_691 = vector.extract_strided_slice %mul3A_354 {offsets = [12], sizes = [1], strides = [1]} : vector<16xf32> to vector<1xf32>
          %squeeze3A_692 = vector.extract %slice3A_691[0] : f32 from vector<1xf32>
          %broadcast_in_dim3A_693 = vector.broadcast %squeeze3A_692 : f32 to vector<16xf32>
          %pack3A_694 = tpu.pack_subelements %broadcast_in_dim3A_693, %broadcast_in_dim3A_693 {pack_format = #tpu.pack_format<interleaved>, positions = array<i32: 0, 1>} : vector<16xf32>, vector<16xf32> -> vector<32xbf16>
          %get3A_695 = arith.index_cast %add3A_690 : i32 to index
          %get3A_696 = arith.constant 0 : index
          %get3A_697 = tpu.vector_load %arg8[%get3A_695, %get3A_696] {strides = array<i32>} : memref<240x128xbf16, #tpu.memory_space<vmem>>, vector<32xbf16>,
          %mul3A_698 = arith.mulf %get3A_697, %pack3A_694 : vector<32xbf16>
          %max3A_699 = arith.maximumf %max3A_671, %mul3A_698 : vector<32xbf16>
          %get3A_700 = arith.index_cast %add3A_690 : i32 to index
          %get3A_701 = arith.constant 32 : index
          %get3A_702 = tpu.vector_load %arg8[%get3A_700, %get3A_701] {strides = array<i32>} : memref<240x128xbf16, #tpu.memory_space<vmem>>, vector<32xbf16>,
          %mul3A_703 = arith.mulf %get3A_702, %pack3A_694 : vector<32xbf16>
          %max3A_704 = arith.maximumf %max3A_676, %mul3A_703 : vector<32xbf16>
          %get3A_705 = arith.index_cast %add3A_690 : i32 to index
          %get3A_706 = arith.constant 64 : index
          %get3A_707 = tpu.vector_load %arg8[%get3A_705, %get3A_706] {strides = array<i32>} : memref<240x128xbf16, #tpu.memory_space<vmem>>, vector<32xbf16>,
          %mul3A_708 = arith.mulf %get3A_707, %pack3A_694 : vector<32xbf16>
          %max3A_709 = arith.maximumf %max3A_681, %mul3A_708 : vector<32xbf16>
          %get3A_710 = arith.index_cast %add3A_690 : i32 to index
          %get3A_711 = arith.constant 96 : index
          %get3A_712 = tpu.vector_load %arg8[%get3A_710, %get3A_711] {strides = array<i32>} : memref<240x128xbf16, #tpu.memory_space<vmem>>, vector<32xbf16>,
          %mul3A_713 = arith.mulf %get3A_712, %pack3A_694 : vector<32xbf16>
          %max3A_714 = arith.maximumf %max3A_686, %mul3A_713 : vector<32xbf16>
          %mul3A_715 = arith.constant 16 : i32
          %mul3A_716 = arith.muli %scan3A_338, %mul3A_715 : i32
          %add3A_717 = arith.constant 13 : i32
          %add3A_718 = arith.addi %mul3A_716, %add3A_717 : i32
          %slice3A_719 = vector.extract_strided_slice %mul3A_354 {offsets = [13], sizes = [1], strides = [1]} : vector<16xf32> to vector<1xf32>
          %squeeze3A_720 = vector.extract %slice3A_719[0] : f32 from vector<1xf32>
          %broadcast_in_dim3A_721 = vector.broadcast %squeeze3A_720 : f32 to vector<16xf32>
          %pack3A_722 = tpu.pack_subelements %broadcast_in_dim3A_721, %broadcast_in_dim3A_721 {pack_format = #tpu.pack_format<interleaved>, positions = array<i32: 0, 1>} : vector<16xf32>, vector<16xf32> -> vector<32xbf16>
          %get3A_723 = arith.index_cast %add3A_718 : i32 to index
          %get3A_724 = arith.constant 0 : index
          %get3A_725 = tpu.vector_load %arg8[%get3A_723, %get3A_724] {strides = array<i32>} : memref<240x128xbf16, #tpu.memory_space<vmem>>, vector<32xbf16>,
          %mul3A_726 = arith.mulf %get3A_725, %pack3A_722 : vector<32xbf16>
          %max3A_727 = arith.maximumf %max3A_699, %mul3A_726 : vector<32xbf16>
          %get3A_728 = arith.index_cast %add3A_718 : i32 to index
          %get3A_729 = arith.constant 32 : index
          %get3A_730 = tpu.vector_load %arg8[%get3A_728, %get3A_729] {strides = array<i32>} : memref<240x128xbf16, #tpu.memory_space<vmem>>, vector<32xbf16>,
          %mul3A_731 = arith.mulf %get3A_730, %pack3A_722 : vector<32xbf16>
          %max3A_732 = arith.maximumf %max3A_704, %mul3A_731 : vector<32xbf16>
          %get3A_733 = arith.index_cast %add3A_718 : i32 to index
          %get3A_734 = arith.constant 64 : index
          %get3A_735 = tpu.vector_load %arg8[%get3A_733, %get3A_734] {strides = array<i32>} : memref<240x128xbf16, #tpu.memory_space<vmem>>, vector<32xbf16>,
          %mul3A_736 = arith.mulf %get3A_735, %pack3A_722 : vector<32xbf16>
          %max3A_737 = arith.maximumf %max3A_709, %mul3A_736 : vector<32xbf16>
          %get3A_738 = arith.index_cast %add3A_718 : i32 to index
          %get3A_739 = arith.constant 96 : index
          %get3A_740 = tpu.vector_load %arg8[%get3A_738, %get3A_739] {strides = array<i32>} : memref<240x128xbf16, #tpu.memory_space<vmem>>, vector<32xbf16>,
          %mul3A_741 = arith.mulf %get3A_740, %pack3A_722 : vector<32xbf16>
          %max3A_742 = arith.maximumf %max3A_714, %mul3A_741 : vector<32xbf16>
          %mul3A_743 = arith.constant 16 : i32
          %mul3A_744 = arith.muli %scan3A_338, %mul3A_743 : i32
          %add3A_745 = arith.constant 14 : i32
          %add3A_746 = arith.addi %mul3A_744, %add3A_745 : i32
          %slice3A_747 = vector.extract_strided_slice %mul3A_354 {offsets = [14], sizes = [1], strides = [1]} : vector<16xf32> to vector<1xf32>
          %squeeze3A_748 = vector.extract %slice3A_747[0] : f32 from vector<1xf32>
          %broadcast_in_dim3A_749 = vector.broadcast %squeeze3A_748 : f32 to vector<16xf32>
          %pack3A_750 = tpu.pack_subelements %broadcast_in_dim3A_749, %broadcast_in_dim3A_749 {pack_format = #tpu.pack_format<interleaved>, positions = array<i32: 0, 1>} : vector<16xf32>, vector<16xf32> -> vector<32xbf16>
          %get3A_751 = arith.index_cast %add3A_746 : i32 to index
          %get3A_752 = arith.constant 0 : index
          %get3A_753 = tpu.vector_load %arg8[%get3A_751, %get3A_752] {strides = array<i32>} : memref<240x128xbf16, #tpu.memory_space<vmem>>, vector<32xbf16>,
          %mul3A_754 = arith.mulf %get3A_753, %pack3A_750 : vector<32xbf16>
          %max3A_755 = arith.maximumf %max3A_727, %mul3A_754 : vector<32xbf16>
          %get3A_756 = arith.index_cast %add3A_746 : i32 to index
          %get3A_757 = arith.constant 32 : index
          %get3A_758 = tpu.vector_load %arg8[%get3A_756, %get3A_757] {strides = array<i32>} : memref<240x128xbf16, #tpu.memory_space<vmem>>, vector<32xbf16>,
          %mul3A_759 = arith.mulf %get3A_758, %pack3A_750 : vector<32xbf16>
          %max3A_760 = arith.maximumf %max3A_732, %mul3A_759 : vector<32xbf16>
          %get3A_761 = arith.index_cast %add3A_746 : i32 to index
          %get3A_762 = arith.constant 64 : index
          %get3A_763 = tpu.vector_load %arg8[%get3A_761, %get3A_762] {strides = array<i32>} : memref<240x128xbf16, #tpu.memory_space<vmem>>, vector<32xbf16>,
          %mul3A_764 = arith.mulf %get3A_763, %pack3A_750 : vector<32xbf16>
          %max3A_765 = arith.maximumf %max3A_737, %mul3A_764 : vector<32xbf16>
          %get3A_766 = arith.index_cast %add3A_746 : i32 to index
          %get3A_767 = arith.constant 96 : index
          %get3A_768 = tpu.vector_load %arg8[%get3A_766, %get3A_767] {strides = array<i32>} : memref<240x128xbf16, #tpu.memory_space<vmem>>, vector<32xbf16>,
          %mul3A_769 = arith.mulf %get3A_768, %pack3A_750 : vector<32xbf16>
          %max3A_770 = arith.maximumf %max3A_742, %mul3A_769 : vector<32xbf16>
          %mul3A_771 = arith.constant 16 : i32
          %mul3A_772 = arith.muli %scan3A_338, %mul3A_771 : i32
          %add3A_773 = arith.constant 15 : i32
          %add3A_774 = arith.addi %mul3A_772, %add3A_773 : i32
          %slice3A_775 = vector.extract_strided_slice %mul3A_354 {offsets = [15], sizes = [1], strides = [1]} : vector<16xf32> to vector<1xf32>
          %squeeze3A_776 = vector.extract %slice3A_775[0] : f32 from vector<1xf32>
          %broadcast_in_dim3A_777 = vector.broadcast %squeeze3A_776 : f32 to vector<16xf32>
          %pack3A_778 = tpu.pack_subelements %broadcast_in_dim3A_777, %broadcast_in_dim3A_777 {pack_format = #tpu.pack_format<interleaved>, positions = array<i32: 0, 1>} : vector<16xf32>, vector<16xf32> -> vector<32xbf16>
          %get3A_779 = arith.index_cast %add3A_774 : i32 to index
          %get3A_780 = arith.constant 0 : index
          %get3A_781 = tpu.vector_load %arg8[%get3A_779, %get3A_780] {strides = array<i32>} : memref<240x128xbf16, #tpu.memory_space<vmem>>, vector<32xbf16>,
          %mul3A_782 = arith.mulf %get3A_781, %pack3A_778 : vector<32xbf16>
          %max3A_783 = arith.maximumf %max3A_755, %mul3A_782 : vector<32xbf16>
          %get3A_784 = arith.index_cast %add3A_774 : i32 to index
          %get3A_785 = arith.constant 32 : index
          %get3A_786 = tpu.vector_load %arg8[%get3A_784, %get3A_785] {strides = array<i32>} : memref<240x128xbf16, #tpu.memory_space<vmem>>, vector<32xbf16>,
          %mul3A_787 = arith.mulf %get3A_786, %pack3A_778 : vector<32xbf16>
          %max3A_788 = arith.maximumf %max3A_760, %mul3A_787 : vector<32xbf16>
          %get3A_789 = arith.index_cast %add3A_774 : i32 to index
          %get3A_790 = arith.constant 64 : index
          %get3A_791 = tpu.vector_load %arg8[%get3A_789, %get3A_790] {strides = array<i32>} : memref<240x128xbf16, #tpu.memory_space<vmem>>, vector<32xbf16>,
          %mul3A_792 = arith.mulf %get3A_791, %pack3A_778 : vector<32xbf16>
          %max3A_793 = arith.maximumf %max3A_765, %mul3A_792 : vector<32xbf16>
          %get3A_794 = arith.index_cast %add3A_774 : i32 to index
          %get3A_795 = arith.constant 96 : index
          %get3A_796 = tpu.vector_load %arg8[%get3A_794, %get3A_795] {strides = array<i32>} : memref<240x128xbf16, #tpu.memory_space<vmem>>, vector<32xbf16>,
          %mul3A_797 = arith.mulf %get3A_796, %pack3A_778 : vector<32xbf16>
          %max3A_798 = arith.maximumf %max3A_770, %mul3A_797 : vector<32xbf16>
          scf.yield %max3A_783, %max3A_788, %max3A_793, %max3A_798 : vector<32xbf16>, vector<32xbf16>, vector<32xbf16>, vector<32xbf16>
        }
        %scan3A_107 = arith.constant 13 : i32
        %scan3A_108 = arith.constant 13 : i32
        %scan3A_109 = arith.constant 2 : i32
        %scan3A_110 = arith.addi %scan3A_108, %scan3A_109 : i32
        %scan3A_111 = arith.constant 1 : i32
        %scan3A_112:4 = scf.for %scan3A_338 = %scan3A_108 to %scan3A_110 step %scan3A_111 iter_args(%scan3A_339 = %broadcast_in_dim3A_3, %scan3A_340 = %broadcast_in_dim3A_3, %scan3A_341 = %broadcast_in_dim3A_3, %scan3A_342 = %broadcast_in_dim3A_3) -> (vector<32xbf16>, vector<32xbf16>, vector<32xbf16>, vector<32xbf16>)  : i32 {
          %mul3A_343 = arith.constant 240 : i32
          %mul3A_344 = arith.muli %add3A_78, %mul3A_343 : i32
          %mul3A_345 = arith.constant 16 : i32
          %mul3A_346 = arith.muli %scan3A_338, %mul3A_345 : i32
          %add3A_347 = arith.addi %mul3A_344, %mul3A_346 : i32
          %get3A = arith.index_cast %add3A_347 : i32 to index
          %get3A_348 = tpu.vector_load %arg6[%get3A] {strides = array<i32>} : memref<7680xi32, #tpu.memory_space<vmem>>, vector<16xi32>,
          %shift_right_logical3A = arith.constant 17 : i32
          %shift_right_logical3A_349 = vector.broadcast %shift_right_logical3A : i32 to vector<16xi32>
          %shift_right_logical3A_350 = arith.shrui %get3A_348, %shift_right_logical3A_349 : vector<16xi32>
          %convert_element_type3A_351 = arith.sitofp %shift_right_logical3A_350 : vector<16xi32> to vector<16xf32>
          %mul3A_352 = arith.constant 3.05185094E-5 : f32
          %mul3A_353 = vector.broadcast %mul3A_352 : f32 to vector<16xf32>
          %mul3A_354 = arith.mulf %convert_element_type3A_351, %mul3A_353 : vector<16xf32>
          %mul3A_355 = arith.constant 16 : i32
          %mul3A_356 = arith.muli %scan3A_338, %mul3A_355 : i32
          %add3A_357 = arith.constant 0 : i32
          %add3A_358 = arith.addi %mul3A_356, %add3A_357 : i32
          %slice3A = vector.extract_strided_slice %mul3A_354 {offsets = [0], sizes = [1], strides = [1]} : vector<16xf32> to vector<1xf32>
          %squeeze3A = vector.extract %slice3A[0] : f32 from vector<1xf32>
          %broadcast_in_dim3A_359 = vector.broadcast %squeeze3A : f32 to vector<16xf32>
          %pack3A = tpu.pack_subelements %broadcast_in_dim3A_359, %broadcast_in_dim3A_359 {pack_format = #tpu.pack_format<interleaved>, positions = array<i32: 0, 1>} : vector<16xf32>, vector<16xf32> -> vector<32xbf16>
          %get3A_360 = arith.index_cast %add3A_358 : i32 to index
          %get3A_361 = arith.constant 0 : index
          %get3A_362 = tpu.vector_load %arg8[%get3A_360, %get3A_361] {strides = array<i32>} : memref<240x128xbf16, #tpu.memory_space<vmem>>, vector<32xbf16>,
          %mul3A_363 = arith.mulf %get3A_362, %pack3A : vector<32xbf16>
          %max3A = arith.maximumf %scan3A_339, %mul3A_363 : vector<32xbf16>
          %get3A_364 = arith.index_cast %add3A_358 : i32 to index
          %get3A_365 = arith.constant 32 : index
          %get3A_366 = tpu.vector_load %arg8[%get3A_364, %get3A_365] {strides = array<i32>} : memref<240x128xbf16, #tpu.memory_space<vmem>>, vector<32xbf16>,
          %mul3A_367 = arith.mulf %get3A_366, %pack3A : vector<32xbf16>
          %max3A_368 = arith.maximumf %scan3A_340, %mul3A_367 : vector<32xbf16>
          %get3A_369 = arith.index_cast %add3A_358 : i32 to index
          %get3A_370 = arith.constant 64 : index
          %get3A_371 = tpu.vector_load %arg8[%get3A_369, %get3A_370] {strides = array<i32>} : memref<240x128xbf16, #tpu.memory_space<vmem>>, vector<32xbf16>,
          %mul3A_372 = arith.mulf %get3A_371, %pack3A : vector<32xbf16>
          %max3A_373 = arith.maximumf %scan3A_341, %mul3A_372 : vector<32xbf16>
          %get3A_374 = arith.index_cast %add3A_358 : i32 to index
          %get3A_375 = arith.constant 96 : index
          %get3A_376 = tpu.vector_load %arg8[%get3A_374, %get3A_375] {strides = array<i32>} : memref<240x128xbf16, #tpu.memory_space<vmem>>, vector<32xbf16>,
          %mul3A_377 = arith.mulf %get3A_376, %pack3A : vector<32xbf16>
          %max3A_378 = arith.maximumf %scan3A_342, %mul3A_377 : vector<32xbf16>
          %mul3A_379 = arith.constant 16 : i32
          %mul3A_380 = arith.muli %scan3A_338, %mul3A_379 : i32
          %add3A_381 = arith.constant 1 : i32
          %add3A_382 = arith.addi %mul3A_380, %add3A_381 : i32
          %slice3A_383 = vector.extract_strided_slice %mul3A_354 {offsets = [1], sizes = [1], strides = [1]} : vector<16xf32> to vector<1xf32>
          %squeeze3A_384 = vector.extract %slice3A_383[0] : f32 from vector<1xf32>
          %broadcast_in_dim3A_385 = vector.broadcast %squeeze3A_384 : f32 to vector<16xf32>
          %pack3A_386 = tpu.pack_subelements %broadcast_in_dim3A_385, %broadcast_in_dim3A_385 {pack_format = #tpu.pack_format<interleaved>, positions = array<i32: 0, 1>} : vector<16xf32>, vector<16xf32> -> vector<32xbf16>
          %get3A_387 = arith.index_cast %add3A_382 : i32 to index
          %get3A_388 = arith.constant 0 : index
          %get3A_389 = tpu.vector_load %arg8[%get3A_387, %get3A_388] {strides = array<i32>} : memref<240x128xbf16, #tpu.memory_space<vmem>>, vector<32xbf16>,
          %mul3A_390 = arith.mulf %get3A_389, %pack3A_386 : vector<32xbf16>
          %max3A_391 = arith.maximumf %max3A, %mul3A_390 : vector<32xbf16>
          %get3A_392 = arith.index_cast %add3A_382 : i32 to index
          %get3A_393 = arith.constant 32 : index
          %get3A_394 = tpu.vector_load %arg8[%get3A_392, %get3A_393] {strides = array<i32>} : memref<240x128xbf16, #tpu.memory_space<vmem>>, vector<32xbf16>,
          %mul3A_395 = arith.mulf %get3A_394, %pack3A_386 : vector<32xbf16>
          %max3A_396 = arith.maximumf %max3A_368, %mul3A_395 : vector<32xbf16>
          %get3A_397 = arith.index_cast %add3A_382 : i32 to index
          %get3A_398 = arith.constant 64 : index
          %get3A_399 = tpu.vector_load %arg8[%get3A_397, %get3A_398] {strides = array<i32>} : memref<240x128xbf16, #tpu.memory_space<vmem>>, vector<32xbf16>,
          %mul3A_400 = arith.mulf %get3A_399, %pack3A_386 : vector<32xbf16>
          %max3A_401 = arith.maximumf %max3A_373, %mul3A_400 : vector<32xbf16>
          %get3A_402 = arith.index_cast %add3A_382 : i32 to index
          %get3A_403 = arith.constant 96 : index
          %get3A_404 = tpu.vector_load %arg8[%get3A_402, %get3A_403] {strides = array<i32>} : memref<240x128xbf16, #tpu.memory_space<vmem>>, vector<32xbf16>,
          %mul3A_405 = arith.mulf %get3A_404, %pack3A_386 : vector<32xbf16>
          %max3A_406 = arith.maximumf %max3A_378, %mul3A_405 : vector<32xbf16>
          %mul3A_407 = arith.constant 16 : i32
          %mul3A_408 = arith.muli %scan3A_338, %mul3A_407 : i32
          %add3A_409 = arith.constant 2 : i32
          %add3A_410 = arith.addi %mul3A_408, %add3A_409 : i32
          %slice3A_411 = vector.extract_strided_slice %mul3A_354 {offsets = [2], sizes = [1], strides = [1]} : vector<16xf32> to vector<1xf32>
          %squeeze3A_412 = vector.extract %slice3A_411[0] : f32 from vector<1xf32>
          %broadcast_in_dim3A_413 = vector.broadcast %squeeze3A_412 : f32 to vector<16xf32>
          %pack3A_414 = tpu.pack_subelements %broadcast_in_dim3A_413, %broadcast_in_dim3A_413 {pack_format = #tpu.pack_format<interleaved>, positions = array<i32: 0, 1>} : vector<16xf32>, vector<16xf32> -> vector<32xbf16>
          %get3A_415 = arith.index_cast %add3A_410 : i32 to index
          %get3A_416 = arith.constant 0 : index
          %get3A_417 = tpu.vector_load %arg8[%get3A_415, %get3A_416] {strides = array<i32>} : memref<240x128xbf16, #tpu.memory_space<vmem>>, vector<32xbf16>,
          %mul3A_418 = arith.mulf %get3A_417, %pack3A_414 : vector<32xbf16>
          %max3A_419 = arith.maximumf %max3A_391, %mul3A_418 : vector<32xbf16>
          %get3A_420 = arith.index_cast %add3A_410 : i32 to index
          %get3A_421 = arith.constant 32 : index
          %get3A_422 = tpu.vector_load %arg8[%get3A_420, %get3A_421] {strides = array<i32>} : memref<240x128xbf16, #tpu.memory_space<vmem>>, vector<32xbf16>,
          %mul3A_423 = arith.mulf %get3A_422, %pack3A_414 : vector<32xbf16>
          %max3A_424 = arith.maximumf %max3A_396, %mul3A_423 : vector<32xbf16>
          %get3A_425 = arith.index_cast %add3A_410 : i32 to index
          %get3A_426 = arith.constant 64 : index
          %get3A_427 = tpu.vector_load %arg8[%get3A_425, %get3A_426] {strides = array<i32>} : memref<240x128xbf16, #tpu.memory_space<vmem>>, vector<32xbf16>,
          %mul3A_428 = arith.mulf %get3A_427, %pack3A_414 : vector<32xbf16>
          %max3A_429 = arith.maximumf %max3A_401, %mul3A_428 : vector<32xbf16>
          %get3A_430 = arith.index_cast %add3A_410 : i32 to index
          %get3A_431 = arith.constant 96 : index
          %get3A_432 = tpu.vector_load %arg8[%get3A_430, %get3A_431] {strides = array<i32>} : memref<240x128xbf16, #tpu.memory_space<vmem>>, vector<32xbf16>,
          %mul3A_433 = arith.mulf %get3A_432, %pack3A_414 : vector<32xbf16>
          %max3A_434 = arith.maximumf %max3A_406, %mul3A_433 : vector<32xbf16>
          %mul3A_435 = arith.constant 16 : i32
          %mul3A_436 = arith.muli %scan3A_338, %mul3A_435 : i32
          %add3A_437 = arith.constant 3 : i32
          %add3A_438 = arith.addi %mul3A_436, %add3A_437 : i32
          %slice3A_439 = vector.extract_strided_slice %mul3A_354 {offsets = [3], sizes = [1], strides = [1]} : vector<16xf32> to vector<1xf32>
          %squeeze3A_440 = vector.extract %slice3A_439[0] : f32 from vector<1xf32>
          %broadcast_in_dim3A_441 = vector.broadcast %squeeze3A_440 : f32 to vector<16xf32>
          %pack3A_442 = tpu.pack_subelements %broadcast_in_dim3A_441, %broadcast_in_dim3A_441 {pack_format = #tpu.pack_format<interleaved>, positions = array<i32: 0, 1>} : vector<16xf32>, vector<16xf32> -> vector<32xbf16>
          %get3A_443 = arith.index_cast %add3A_438 : i32 to index
          %get3A_444 = arith.constant 0 : index
          %get3A_445 = tpu.vector_load %arg8[%get3A_443, %get3A_444] {strides = array<i32>} : memref<240x128xbf16, #tpu.memory_space<vmem>>, vector<32xbf16>,
          %mul3A_446 = arith.mulf %get3A_445, %pack3A_442 : vector<32xbf16>
          %max3A_447 = arith.maximumf %max3A_419, %mul3A_446 : vector<32xbf16>
          %get3A_448 = arith.index_cast %add3A_438 : i32 to index
          %get3A_449 = arith.constant 32 : index
          %get3A_450 = tpu.vector_load %arg8[%get3A_448, %get3A_449] {strides = array<i32>} : memref<240x128xbf16, #tpu.memory_space<vmem>>, vector<32xbf16>,
          %mul3A_451 = arith.mulf %get3A_450, %pack3A_442 : vector<32xbf16>
          %max3A_452 = arith.maximumf %max3A_424, %mul3A_451 : vector<32xbf16>
          %get3A_453 = arith.index_cast %add3A_438 : i32 to index
          %get3A_454 = arith.constant 64 : index
          %get3A_455 = tpu.vector_load %arg8[%get3A_453, %get3A_454] {strides = array<i32>} : memref<240x128xbf16, #tpu.memory_space<vmem>>, vector<32xbf16>,
          %mul3A_456 = arith.mulf %get3A_455, %pack3A_442 : vector<32xbf16>
          %max3A_457 = arith.maximumf %max3A_429, %mul3A_456 : vector<32xbf16>
          %get3A_458 = arith.index_cast %add3A_438 : i32 to index
          %get3A_459 = arith.constant 96 : index
          %get3A_460 = tpu.vector_load %arg8[%get3A_458, %get3A_459] {strides = array<i32>} : memref<240x128xbf16, #tpu.memory_space<vmem>>, vector<32xbf16>,
          %mul3A_461 = arith.mulf %get3A_460, %pack3A_442 : vector<32xbf16>
          %max3A_462 = arith.maximumf %max3A_434, %mul3A_461 : vector<32xbf16>
          %mul3A_463 = arith.constant 16 : i32
          %mul3A_464 = arith.muli %scan3A_338, %mul3A_463 : i32
          %add3A_465 = arith.constant 4 : i32
          %add3A_466 = arith.addi %mul3A_464, %add3A_465 : i32
          %slice3A_467 = vector.extract_strided_slice %mul3A_354 {offsets = [4], sizes = [1], strides = [1]} : vector<16xf32> to vector<1xf32>
          %squeeze3A_468 = vector.extract %slice3A_467[0] : f32 from vector<1xf32>
          %broadcast_in_dim3A_469 = vector.broadcast %squeeze3A_468 : f32 to vector<16xf32>
          %pack3A_470 = tpu.pack_subelements %broadcast_in_dim3A_469, %broadcast_in_dim3A_469 {pack_format = #tpu.pack_format<interleaved>, positions = array<i32: 0, 1>} : vector<16xf32>, vector<16xf32> -> vector<32xbf16>
          %get3A_471 = arith.index_cast %add3A_466 : i32 to index
          %get3A_472 = arith.constant 0 : index
          %get3A_473 = tpu.vector_load %arg8[%get3A_471, %get3A_472] {strides = array<i32>} : memref<240x128xbf16, #tpu.memory_space<vmem>>, vector<32xbf16>,
          %mul3A_474 = arith.mulf %get3A_473, %pack3A_470 : vector<32xbf16>
          %max3A_475 = arith.maximumf %max3A_447, %mul3A_474 : vector<32xbf16>
          %get3A_476 = arith.index_cast %add3A_466 : i32 to index
          %get3A_477 = arith.constant 32 : index
          %get3A_478 = tpu.vector_load %arg8[%get3A_476, %get3A_477] {strides = array<i32>} : memref<240x128xbf16, #tpu.memory_space<vmem>>, vector<32xbf16>,
          %mul3A_479 = arith.mulf %get3A_478, %pack3A_470 : vector<32xbf16>
          %max3A_480 = arith.maximumf %max3A_452, %mul3A_479 : vector<32xbf16>
          %get3A_481 = arith.index_cast %add3A_466 : i32 to index
          %get3A_482 = arith.constant 64 : index
          %get3A_483 = tpu.vector_load %arg8[%get3A_481, %get3A_482] {strides = array<i32>} : memref<240x128xbf16, #tpu.memory_space<vmem>>, vector<32xbf16>,
          %mul3A_484 = arith.mulf %get3A_483, %pack3A_470 : vector<32xbf16>
          %max3A_485 = arith.maximumf %max3A_457, %mul3A_484 : vector<32xbf16>
          %get3A_486 = arith.index_cast %add3A_466 : i32 to index
          %get3A_487 = arith.constant 96 : index
          %get3A_488 = tpu.vector_load %arg8[%get3A_486, %get3A_487] {strides = array<i32>} : memref<240x128xbf16, #tpu.memory_space<vmem>>, vector<32xbf16>,
          %mul3A_489 = arith.mulf %get3A_488, %pack3A_470 : vector<32xbf16>
          %max3A_490 = arith.maximumf %max3A_462, %mul3A_489 : vector<32xbf16>
          %mul3A_491 = arith.constant 16 : i32
          %mul3A_492 = arith.muli %scan3A_338, %mul3A_491 : i32
          %add3A_493 = arith.constant 5 : i32
          %add3A_494 = arith.addi %mul3A_492, %add3A_493 : i32
          %slice3A_495 = vector.extract_strided_slice %mul3A_354 {offsets = [5], sizes = [1], strides = [1]} : vector<16xf32> to vector<1xf32>
          %squeeze3A_496 = vector.extract %slice3A_495[0] : f32 from vector<1xf32>
          %broadcast_in_dim3A_497 = vector.broadcast %squeeze3A_496 : f32 to vector<16xf32>
          %pack3A_498 = tpu.pack_subelements %broadcast_in_dim3A_497, %broadcast_in_dim3A_497 {pack_format = #tpu.pack_format<interleaved>, positions = array<i32: 0, 1>} : vector<16xf32>, vector<16xf32> -> vector<32xbf16>
          %get3A_499 = arith.index_cast %add3A_494 : i32 to index
          %get3A_500 = arith.constant 0 : index
          %get3A_501 = tpu.vector_load %arg8[%get3A_499, %get3A_500] {strides = array<i32>} : memref<240x128xbf16, #tpu.memory_space<vmem>>, vector<32xbf16>,
          %mul3A_502 = arith.mulf %get3A_501, %pack3A_498 : vector<32xbf16>
          %max3A_503 = arith.maximumf %max3A_475, %mul3A_502 : vector<32xbf16>
          %get3A_504 = arith.index_cast %add3A_494 : i32 to index
          %get3A_505 = arith.constant 32 : index
          %get3A_506 = tpu.vector_load %arg8[%get3A_504, %get3A_505] {strides = array<i32>} : memref<240x128xbf16, #tpu.memory_space<vmem>>, vector<32xbf16>,
          %mul3A_507 = arith.mulf %get3A_506, %pack3A_498 : vector<32xbf16>
          %max3A_508 = arith.maximumf %max3A_480, %mul3A_507 : vector<32xbf16>
          %get3A_509 = arith.index_cast %add3A_494 : i32 to index
          %get3A_510 = arith.constant 64 : index
          %get3A_511 = tpu.vector_load %arg8[%get3A_509, %get3A_510] {strides = array<i32>} : memref<240x128xbf16, #tpu.memory_space<vmem>>, vector<32xbf16>,
          %mul3A_512 = arith.mulf %get3A_511, %pack3A_498 : vector<32xbf16>
          %max3A_513 = arith.maximumf %max3A_485, %mul3A_512 : vector<32xbf16>
          %get3A_514 = arith.index_cast %add3A_494 : i32 to index
          %get3A_515 = arith.constant 96 : index
          %get3A_516 = tpu.vector_load %arg8[%get3A_514, %get3A_515] {strides = array<i32>} : memref<240x128xbf16, #tpu.memory_space<vmem>>, vector<32xbf16>,
          %mul3A_517 = arith.mulf %get3A_516, %pack3A_498 : vector<32xbf16>
          %max3A_518 = arith.maximumf %max3A_490, %mul3A_517 : vector<32xbf16>
          %mul3A_519 = arith.constant 16 : i32
          %mul3A_520 = arith.muli %scan3A_338, %mul3A_519 : i32
          %add3A_521 = arith.constant 6 : i32
          %add3A_522 = arith.addi %mul3A_520, %add3A_521 : i32
          %slice3A_523 = vector.extract_strided_slice %mul3A_354 {offsets = [6], sizes = [1], strides = [1]} : vector<16xf32> to vector<1xf32>
          %squeeze3A_524 = vector.extract %slice3A_523[0] : f32 from vector<1xf32>
          %broadcast_in_dim3A_525 = vector.broadcast %squeeze3A_524 : f32 to vector<16xf32>
          %pack3A_526 = tpu.pack_subelements %broadcast_in_dim3A_525, %broadcast_in_dim3A_525 {pack_format = #tpu.pack_format<interleaved>, positions = array<i32: 0, 1>} : vector<16xf32>, vector<16xf32> -> vector<32xbf16>
          %get3A_527 = arith.index_cast %add3A_522 : i32 to index
          %get3A_528 = arith.constant 0 : index
          %get3A_529 = tpu.vector_load %arg8[%get3A_527, %get3A_528] {strides = array<i32>} : memref<240x128xbf16, #tpu.memory_space<vmem>>, vector<32xbf16>,
          %mul3A_530 = arith.mulf %get3A_529, %pack3A_526 : vector<32xbf16>
          %max3A_531 = arith.maximumf %max3A_503, %mul3A_530 : vector<32xbf16>
          %get3A_532 = arith.index_cast %add3A_522 : i32 to index
          %get3A_533 = arith.constant 32 : index
          %get3A_534 = tpu.vector_load %arg8[%get3A_532, %get3A_533] {strides = array<i32>} : memref<240x128xbf16, #tpu.memory_space<vmem>>, vector<32xbf16>,
          %mul3A_535 = arith.mulf %get3A_534, %pack3A_526 : vector<32xbf16>
          %max3A_536 = arith.maximumf %max3A_508, %mul3A_535 : vector<32xbf16>
          %get3A_537 = arith.index_cast %add3A_522 : i32 to index
          %get3A_538 = arith.constant 64 : index
          %get3A_539 = tpu.vector_load %arg8[%get3A_537, %get3A_538] {strides = array<i32>} : memref<240x128xbf16, #tpu.memory_space<vmem>>, vector<32xbf16>,
          %mul3A_540 = arith.mulf %get3A_539, %pack3A_526 : vector<32xbf16>
          %max3A_541 = arith.maximumf %max3A_513, %mul3A_540 : vector<32xbf16>
          %get3A_542 = arith.index_cast %add3A_522 : i32 to index
          %get3A_543 = arith.constant 96 : index
          %get3A_544 = tpu.vector_load %arg8[%get3A_542, %get3A_543] {strides = array<i32>} : memref<240x128xbf16, #tpu.memory_space<vmem>>, vector<32xbf16>,
          %mul3A_545 = arith.mulf %get3A_544, %pack3A_526 : vector<32xbf16>
          %max3A_546 = arith.maximumf %max3A_518, %mul3A_545 : vector<32xbf16>
          %mul3A_547 = arith.constant 16 : i32
          %mul3A_548 = arith.muli %scan3A_338, %mul3A_547 : i32
          %add3A_549 = arith.constant 7 : i32
          %add3A_550 = arith.addi %mul3A_548, %add3A_549 : i32
          %slice3A_551 = vector.extract_strided_slice %mul3A_354 {offsets = [7], sizes = [1], strides = [1]} : vector<16xf32> to vector<1xf32>
          %squeeze3A_552 = vector.extract %slice3A_551[0] : f32 from vector<1xf32>
          %broadcast_in_dim3A_553 = vector.broadcast %squeeze3A_552 : f32 to vector<16xf32>
          %pack3A_554 = tpu.pack_subelements %broadcast_in_dim3A_553, %broadcast_in_dim3A_553 {pack_format = #tpu.pack_format<interleaved>, positions = array<i32: 0, 1>} : vector<16xf32>, vector<16xf32> -> vector<32xbf16>
          %get3A_555 = arith.index_cast %add3A_550 : i32 to index
          %get3A_556 = arith.constant 0 : index
          %get3A_557 = tpu.vector_load %arg8[%get3A_555, %get3A_556] {strides = array<i32>} : memref<240x128xbf16, #tpu.memory_space<vmem>>, vector<32xbf16>,
          %mul3A_558 = arith.mulf %get3A_557, %pack3A_554 : vector<32xbf16>
          %max3A_559 = arith.maximumf %max3A_531, %mul3A_558 : vector<32xbf16>
          %get3A_560 = arith.index_cast %add3A_550 : i32 to index
          %get3A_561 = arith.constant 32 : index
          %get3A_562 = tpu.vector_load %arg8[%get3A_560, %get3A_561] {strides = array<i32>} : memref<240x128xbf16, #tpu.memory_space<vmem>>, vector<32xbf16>,
          %mul3A_563 = arith.mulf %get3A_562, %pack3A_554 : vector<32xbf16>
          %max3A_564 = arith.maximumf %max3A_536, %mul3A_563 : vector<32xbf16>
          %get3A_565 = arith.index_cast %add3A_550 : i32 to index
          %get3A_566 = arith.constant 64 : index
          %get3A_567 = tpu.vector_load %arg8[%get3A_565, %get3A_566] {strides = array<i32>} : memref<240x128xbf16, #tpu.memory_space<vmem>>, vector<32xbf16>,
          %mul3A_568 = arith.mulf %get3A_567, %pack3A_554 : vector<32xbf16>
          %max3A_569 = arith.maximumf %max3A_541, %mul3A_568 : vector<32xbf16>
          %get3A_570 = arith.index_cast %add3A_550 : i32 to index
          %get3A_571 = arith.constant 96 : index
          %get3A_572 = tpu.vector_load %arg8[%get3A_570, %get3A_571] {strides = array<i32>} : memref<240x128xbf16, #tpu.memory_space<vmem>>, vector<32xbf16>,
          %mul3A_573 = arith.mulf %get3A_572, %pack3A_554 : vector<32xbf16>
          %max3A_574 = arith.maximumf %max3A_546, %mul3A_573 : vector<32xbf16>
          %mul3A_575 = arith.constant 16 : i32
          %mul3A_576 = arith.muli %scan3A_338, %mul3A_575 : i32
          %add3A_577 = arith.constant 8 : i32
          %add3A_578 = arith.addi %mul3A_576, %add3A_577 : i32
          %slice3A_579 = vector.extract_strided_slice %mul3A_354 {offsets = [8], sizes = [1], strides = [1]} : vector<16xf32> to vector<1xf32>
          %squeeze3A_580 = vector.extract %slice3A_579[0] : f32 from vector<1xf32>
          %broadcast_in_dim3A_581 = vector.broadcast %squeeze3A_580 : f32 to vector<16xf32>
          %pack3A_582 = tpu.pack_subelements %broadcast_in_dim3A_581, %broadcast_in_dim3A_581 {pack_format = #tpu.pack_format<interleaved>, positions = array<i32: 0, 1>} : vector<16xf32>, vector<16xf32> -> vector<32xbf16>
          %get3A_583 = arith.index_cast %add3A_578 : i32 to index
          %get3A_584 = arith.constant 0 : index
          %get3A_585 = tpu.vector_load %arg8[%get3A_583, %get3A_584] {strides = array<i32>} : memref<240x128xbf16, #tpu.memory_space<vmem>>, vector<32xbf16>,
          %mul3A_586 = arith.mulf %get3A_585, %pack3A_582 : vector<32xbf16>
          %max3A_587 = arith.maximumf %max3A_559, %mul3A_586 : vector<32xbf16>
          %get3A_588 = arith.index_cast %add3A_578 : i32 to index
          %get3A_589 = arith.constant 32 : index
          %get3A_590 = tpu.vector_load %arg8[%get3A_588, %get3A_589] {strides = array<i32>} : memref<240x128xbf16, #tpu.memory_space<vmem>>, vector<32xbf16>,
          %mul3A_591 = arith.mulf %get3A_590, %pack3A_582 : vector<32xbf16>
          %max3A_592 = arith.maximumf %max3A_564, %mul3A_591 : vector<32xbf16>
          %get3A_593 = arith.index_cast %add3A_578 : i32 to index
          %get3A_594 = arith.constant 64 : index
          %get3A_595 = tpu.vector_load %arg8[%get3A_593, %get3A_594] {strides = array<i32>} : memref<240x128xbf16, #tpu.memory_space<vmem>>, vector<32xbf16>,
          %mul3A_596 = arith.mulf %get3A_595, %pack3A_582 : vector<32xbf16>
          %max3A_597 = arith.maximumf %max3A_569, %mul3A_596 : vector<32xbf16>
          %get3A_598 = arith.index_cast %add3A_578 : i32 to index
          %get3A_599 = arith.constant 96 : index
          %get3A_600 = tpu.vector_load %arg8[%get3A_598, %get3A_599] {strides = array<i32>} : memref<240x128xbf16, #tpu.memory_space<vmem>>, vector<32xbf16>,
          %mul3A_601 = arith.mulf %get3A_600, %pack3A_582 : vector<32xbf16>
          %max3A_602 = arith.maximumf %max3A_574, %mul3A_601 : vector<32xbf16>
          %mul3A_603 = arith.constant 16 : i32
          %mul3A_604 = arith.muli %scan3A_338, %mul3A_603 : i32
          %add3A_605 = arith.constant 9 : i32
          %add3A_606 = arith.addi %mul3A_604, %add3A_605 : i32
          %slice3A_607 = vector.extract_strided_slice %mul3A_354 {offsets = [9], sizes = [1], strides = [1]} : vector<16xf32> to vector<1xf32>
          %squeeze3A_608 = vector.extract %slice3A_607[0] : f32 from vector<1xf32>
          %broadcast_in_dim3A_609 = vector.broadcast %squeeze3A_608 : f32 to vector<16xf32>
          %pack3A_610 = tpu.pack_subelements %broadcast_in_dim3A_609, %broadcast_in_dim3A_609 {pack_format = #tpu.pack_format<interleaved>, positions = array<i32: 0, 1>} : vector<16xf32>, vector<16xf32> -> vector<32xbf16>
          %get3A_611 = arith.index_cast %add3A_606 : i32 to index
          %get3A_612 = arith.constant 0 : index
          %get3A_613 = tpu.vector_load %arg8[%get3A_611, %get3A_612] {strides = array<i32>} : memref<240x128xbf16, #tpu.memory_space<vmem>>, vector<32xbf16>,
          %mul3A_614 = arith.mulf %get3A_613, %pack3A_610 : vector<32xbf16>
          %max3A_615 = arith.maximumf %max3A_587, %mul3A_614 : vector<32xbf16>
          %get3A_616 = arith.index_cast %add3A_606 : i32 to index
          %get3A_617 = arith.constant 32 : index
          %get3A_618 = tpu.vector_load %arg8[%get3A_616, %get3A_617] {strides = array<i32>} : memref<240x128xbf16, #tpu.memory_space<vmem>>, vector<32xbf16>,
          %mul3A_619 = arith.mulf %get3A_618, %pack3A_610 : vector<32xbf16>
          %max3A_620 = arith.maximumf %max3A_592, %mul3A_619 : vector<32xbf16>
          %get3A_621 = arith.index_cast %add3A_606 : i32 to index
          %get3A_622 = arith.constant 64 : index
          %get3A_623 = tpu.vector_load %arg8[%get3A_621, %get3A_622] {strides = array<i32>} : memref<240x128xbf16, #tpu.memory_space<vmem>>, vector<32xbf16>,
          %mul3A_624 = arith.mulf %get3A_623, %pack3A_610 : vector<32xbf16>
          %max3A_625 = arith.maximumf %max3A_597, %mul3A_624 : vector<32xbf16>
          %get3A_626 = arith.index_cast %add3A_606 : i32 to index
          %get3A_627 = arith.constant 96 : index
          %get3A_628 = tpu.vector_load %arg8[%get3A_626, %get3A_627] {strides = array<i32>} : memref<240x128xbf16, #tpu.memory_space<vmem>>, vector<32xbf16>,
          %mul3A_629 = arith.mulf %get3A_628, %pack3A_610 : vector<32xbf16>
          %max3A_630 = arith.maximumf %max3A_602, %mul3A_629 : vector<32xbf16>
          %mul3A_631 = arith.constant 16 : i32
          %mul3A_632 = arith.muli %scan3A_338, %mul3A_631 : i32
          %add3A_633 = arith.constant 10 : i32
          %add3A_634 = arith.addi %mul3A_632, %add3A_633 : i32
          %slice3A_635 = vector.extract_strided_slice %mul3A_354 {offsets = [10], sizes = [1], strides = [1]} : vector<16xf32> to vector<1xf32>
          %squeeze3A_636 = vector.extract %slice3A_635[0] : f32 from vector<1xf32>
          %broadcast_in_dim3A_637 = vector.broadcast %squeeze3A_636 : f32 to vector<16xf32>
          %pack3A_638 = tpu.pack_subelements %broadcast_in_dim3A_637, %broadcast_in_dim3A_637 {pack_format = #tpu.pack_format<interleaved>, positions = array<i32: 0, 1>} : vector<16xf32>, vector<16xf32> -> vector<32xbf16>
          %get3A_639 = arith.index_cast %add3A_634 : i32 to index
          %get3A_640 = arith.constant 0 : index
          %get3A_641 = tpu.vector_load %arg8[%get3A_639, %get3A_640] {strides = array<i32>} : memref<240x128xbf16, #tpu.memory_space<vmem>>, vector<32xbf16>,
          %mul3A_642 = arith.mulf %get3A_641, %pack3A_638 : vector<32xbf16>
          %max3A_643 = arith.maximumf %max3A_615, %mul3A_642 : vector<32xbf16>
          %get3A_644 = arith.index_cast %add3A_634 : i32 to index
          %get3A_645 = arith.constant 32 : index
          %get3A_646 = tpu.vector_load %arg8[%get3A_644, %get3A_645] {strides = array<i32>} : memref<240x128xbf16, #tpu.memory_space<vmem>>, vector<32xbf16>,
          %mul3A_647 = arith.mulf %get3A_646, %pack3A_638 : vector<32xbf16>
          %max3A_648 = arith.maximumf %max3A_620, %mul3A_647 : vector<32xbf16>
          %get3A_649 = arith.index_cast %add3A_634 : i32 to index
          %get3A_650 = arith.constant 64 : index
          %get3A_651 = tpu.vector_load %arg8[%get3A_649, %get3A_650] {strides = array<i32>} : memref<240x128xbf16, #tpu.memory_space<vmem>>, vector<32xbf16>,
          %mul3A_652 = arith.mulf %get3A_651, %pack3A_638 : vector<32xbf16>
          %max3A_653 = arith.maximumf %max3A_625, %mul3A_652 : vector<32xbf16>
          %get3A_654 = arith.index_cast %add3A_634 : i32 to index
          %get3A_655 = arith.constant 96 : index
          %get3A_656 = tpu.vector_load %arg8[%get3A_654, %get3A_655] {strides = array<i32>} : memref<240x128xbf16, #tpu.memory_space<vmem>>, vector<32xbf16>,
          %mul3A_657 = arith.mulf %get3A_656, %pack3A_638 : vector<32xbf16>
          %max3A_658 = arith.maximumf %max3A_630, %mul3A_657 : vector<32xbf16>
          %mul3A_659 = arith.constant 16 : i32
          %mul3A_660 = arith.muli %scan3A_338, %mul3A_659 : i32
          %add3A_661 = arith.constant 11 : i32
          %add3A_662 = arith.addi %mul3A_660, %add3A_661 : i32
          %slice3A_663 = vector.extract_strided_slice %mul3A_354 {offsets = [11], sizes = [1], strides = [1]} : vector<16xf32> to vector<1xf32>
          %squeeze3A_664 = vector.extract %slice3A_663[0] : f32 from vector<1xf32>
          %broadcast_in_dim3A_665 = vector.broadcast %squeeze3A_664 : f32 to vector<16xf32>
          %pack3A_666 = tpu.pack_subelements %broadcast_in_dim3A_665, %broadcast_in_dim3A_665 {pack_format = #tpu.pack_format<interleaved>, positions = array<i32: 0, 1>} : vector<16xf32>, vector<16xf32> -> vector<32xbf16>
          %get3A_667 = arith.index_cast %add3A_662 : i32 to index
          %get3A_668 = arith.constant 0 : index
          %get3A_669 = tpu.vector_load %arg8[%get3A_667, %get3A_668] {strides = array<i32>} : memref<240x128xbf16, #tpu.memory_space<vmem>>, vector<32xbf16>,
          %mul3A_670 = arith.mulf %get3A_669, %pack3A_666 : vector<32xbf16>
          %max3A_671 = arith.maximumf %max3A_643, %mul3A_670 : vector<32xbf16>
          %get3A_672 = arith.index_cast %add3A_662 : i32 to index
          %get3A_673 = arith.constant 32 : index
          %get3A_674 = tpu.vector_load %arg8[%get3A_672, %get3A_673] {strides = array<i32>} : memref<240x128xbf16, #tpu.memory_space<vmem>>, vector<32xbf16>,
          %mul3A_675 = arith.mulf %get3A_674, %pack3A_666 : vector<32xbf16>
          %max3A_676 = arith.maximumf %max3A_648, %mul3A_675 : vector<32xbf16>
          %get3A_677 = arith.index_cast %add3A_662 : i32 to index
          %get3A_678 = arith.constant 64 : index
          %get3A_679 = tpu.vector_load %arg8[%get3A_677, %get3A_678] {strides = array<i32>} : memref<240x128xbf16, #tpu.memory_space<vmem>>, vector<32xbf16>,
          %mul3A_680 = arith.mulf %get3A_679, %pack3A_666 : vector<32xbf16>
          %max3A_681 = arith.maximumf %max3A_653, %mul3A_680 : vector<32xbf16>
          %get3A_682 = arith.index_cast %add3A_662 : i32 to index
          %get3A_683 = arith.constant 96 : index
          %get3A_684 = tpu.vector_load %arg8[%get3A_682, %get3A_683] {strides = array<i32>} : memref<240x128xbf16, #tpu.memory_space<vmem>>, vector<32xbf16>,
          %mul3A_685 = arith.mulf %get3A_684, %pack3A_666 : vector<32xbf16>
          %max3A_686 = arith.maximumf %max3A_658, %mul3A_685 : vector<32xbf16>
          %mul3A_687 = arith.constant 16 : i32
          %mul3A_688 = arith.muli %scan3A_338, %mul3A_687 : i32
          %add3A_689 = arith.constant 12 : i32
          %add3A_690 = arith.addi %mul3A_688, %add3A_689 : i32
          %slice3A_691 = vector.extract_strided_slice %mul3A_354 {offsets = [12], sizes = [1], strides = [1]} : vector<16xf32> to vector<1xf32>
          %squeeze3A_692 = vector.extract %slice3A_691[0] : f32 from vector<1xf32>
          %broadcast_in_dim3A_693 = vector.broadcast %squeeze3A_692 : f32 to vector<16xf32>
          %pack3A_694 = tpu.pack_subelements %broadcast_in_dim3A_693, %broadcast_in_dim3A_693 {pack_format = #tpu.pack_format<interleaved>, positions = array<i32: 0, 1>} : vector<16xf32>, vector<16xf32> -> vector<32xbf16>
          %get3A_695 = arith.index_cast %add3A_690 : i32 to index
          %get3A_696 = arith.constant 0 : index
          %get3A_697 = tpu.vector_load %arg8[%get3A_695, %get3A_696] {strides = array<i32>} : memref<240x128xbf16, #tpu.memory_space<vmem>>, vector<32xbf16>,
          %mul3A_698 = arith.mulf %get3A_697, %pack3A_694 : vector<32xbf16>
          %max3A_699 = arith.maximumf %max3A_671, %mul3A_698 : vector<32xbf16>
          %get3A_700 = arith.index_cast %add3A_690 : i32 to index
          %get3A_701 = arith.constant 32 : index
          %get3A_702 = tpu.vector_load %arg8[%get3A_700, %get3A_701] {strides = array<i32>} : memref<240x128xbf16, #tpu.memory_space<vmem>>, vector<32xbf16>,
          %mul3A_703 = arith.mulf %get3A_702, %pack3A_694 : vector<32xbf16>
          %max3A_704 = arith.maximumf %max3A_676, %mul3A_703 : vector<32xbf16>
          %get3A_705 = arith.index_cast %add3A_690 : i32 to index
          %get3A_706 = arith.constant 64 : index
          %get3A_707 = tpu.vector_load %arg8[%get3A_705, %get3A_706] {strides = array<i32>} : memref<240x128xbf16, #tpu.memory_space<vmem>>, vector<32xbf16>,
          %mul3A_708 = arith.mulf %get3A_707, %pack3A_694 : vector<32xbf16>
          %max3A_709 = arith.maximumf %max3A_681, %mul3A_708 : vector<32xbf16>
          %get3A_710 = arith.index_cast %add3A_690 : i32 to index
          %get3A_711 = arith.constant 96 : index
          %get3A_712 = tpu.vector_load %arg8[%get3A_710, %get3A_711] {strides = array<i32>} : memref<240x128xbf16, #tpu.memory_space<vmem>>, vector<32xbf16>,
          %mul3A_713 = arith.mulf %get3A_712, %pack3A_694 : vector<32xbf16>
          %max3A_714 = arith.maximumf %max3A_686, %mul3A_713 : vector<32xbf16>
          %mul3A_715 = arith.constant 16 : i32
          %mul3A_716 = arith.muli %scan3A_338, %mul3A_715 : i32
          %add3A_717 = arith.constant 13 : i32
          %add3A_718 = arith.addi %mul3A_716, %add3A_717 : i32
          %slice3A_719 = vector.extract_strided_slice %mul3A_354 {offsets = [13], sizes = [1], strides = [1]} : vector<16xf32> to vector<1xf32>
          %squeeze3A_720 = vector.extract %slice3A_719[0] : f32 from vector<1xf32>
          %broadcast_in_dim3A_721 = vector.broadcast %squeeze3A_720 : f32 to vector<16xf32>
          %pack3A_722 = tpu.pack_subelements %broadcast_in_dim3A_721, %broadcast_in_dim3A_721 {pack_format = #tpu.pack_format<interleaved>, positions = array<i32: 0, 1>} : vector<16xf32>, vector<16xf32> -> vector<32xbf16>
          %get3A_723 = arith.index_cast %add3A_718 : i32 to index
          %get3A_724 = arith.constant 0 : index
          %get3A_725 = tpu.vector_load %arg8[%get3A_723, %get3A_724] {strides = array<i32>} : memref<240x128xbf16, #tpu.memory_space<vmem>>, vector<32xbf16>,
          %mul3A_726 = arith.mulf %get3A_725, %pack3A_722 : vector<32xbf16>
          %max3A_727 = arith.maximumf %max3A_699, %mul3A_726 : vector<32xbf16>
          %get3A_728 = arith.index_cast %add3A_718 : i32 to index
          %get3A_729 = arith.constant 32 : index
          %get3A_730 = tpu.vector_load %arg8[%get3A_728, %get3A_729] {strides = array<i32>} : memref<240x128xbf16, #tpu.memory_space<vmem>>, vector<32xbf16>,
          %mul3A_731 = arith.mulf %get3A_730, %pack3A_722 : vector<32xbf16>
          %max3A_732 = arith.maximumf %max3A_704, %mul3A_731 : vector<32xbf16>
          %get3A_733 = arith.index_cast %add3A_718 : i32 to index
          %get3A_734 = arith.constant 64 : index
          %get3A_735 = tpu.vector_load %arg8[%get3A_733, %get3A_734] {strides = array<i32>} : memref<240x128xbf16, #tpu.memory_space<vmem>>, vector<32xbf16>,
          %mul3A_736 = arith.mulf %get3A_735, %pack3A_722 : vector<32xbf16>
          %max3A_737 = arith.maximumf %max3A_709, %mul3A_736 : vector<32xbf16>
          %get3A_738 = arith.index_cast %add3A_718 : i32 to index
          %get3A_739 = arith.constant 96 : index
          %get3A_740 = tpu.vector_load %arg8[%get3A_738, %get3A_739] {strides = array<i32>} : memref<240x128xbf16, #tpu.memory_space<vmem>>, vector<32xbf16>,
          %mul3A_741 = arith.mulf %get3A_740, %pack3A_722 : vector<32xbf16>
          %max3A_742 = arith.maximumf %max3A_714, %mul3A_741 : vector<32xbf16>
          %mul3A_743 = arith.constant 16 : i32
          %mul3A_744 = arith.muli %scan3A_338, %mul3A_743 : i32
          %add3A_745 = arith.constant 14 : i32
          %add3A_746 = arith.addi %mul3A_744, %add3A_745 : i32
          %slice3A_747 = vector.extract_strided_slice %mul3A_354 {offsets = [14], sizes = [1], strides = [1]} : vector<16xf32> to vector<1xf32>
          %squeeze3A_748 = vector.extract %slice3A_747[0] : f32 from vector<1xf32>
          %broadcast_in_dim3A_749 = vector.broadcast %squeeze3A_748 : f32 to vector<16xf32>
          %pack3A_750 = tpu.pack_subelements %broadcast_in_dim3A_749, %broadcast_in_dim3A_749 {pack_format = #tpu.pack_format<interleaved>, positions = array<i32: 0, 1>} : vector<16xf32>, vector<16xf32> -> vector<32xbf16>
          %get3A_751 = arith.index_cast %add3A_746 : i32 to index
          %get3A_752 = arith.constant 0 : index
          %get3A_753 = tpu.vector_load %arg8[%get3A_751, %get3A_752] {strides = array<i32>} : memref<240x128xbf16, #tpu.memory_space<vmem>>, vector<32xbf16>,
          %mul3A_754 = arith.mulf %get3A_753, %pack3A_750 : vector<32xbf16>
          %max3A_755 = arith.maximumf %max3A_727, %mul3A_754 : vector<32xbf16>
          %get3A_756 = arith.index_cast %add3A_746 : i32 to index
          %get3A_757 = arith.constant 32 : index
          %get3A_758 = tpu.vector_load %arg8[%get3A_756, %get3A_757] {strides = array<i32>} : memref<240x128xbf16, #tpu.memory_space<vmem>>, vector<32xbf16>,
          %mul3A_759 = arith.mulf %get3A_758, %pack3A_750 : vector<32xbf16>
          %max3A_760 = arith.maximumf %max3A_732, %mul3A_759 : vector<32xbf16>
          %get3A_761 = arith.index_cast %add3A_746 : i32 to index
          %get3A_762 = arith.constant 64 : index
          %get3A_763 = tpu.vector_load %arg8[%get3A_761, %get3A_762] {strides = array<i32>} : memref<240x128xbf16, #tpu.memory_space<vmem>>, vector<32xbf16>,
          %mul3A_764 = arith.mulf %get3A_763, %pack3A_750 : vector<32xbf16>
          %max3A_765 = arith.maximumf %max3A_737, %mul3A_764 : vector<32xbf16>
          %get3A_766 = arith.index_cast %add3A_746 : i32 to index
          %get3A_767 = arith.constant 96 : index
          %get3A_768 = tpu.vector_load %arg8[%get3A_766, %get3A_767] {strides = array<i32>} : memref<240x128xbf16, #tpu.memory_space<vmem>>, vector<32xbf16>,
          %mul3A_769 = arith.mulf %get3A_768, %pack3A_750 : vector<32xbf16>
          %max3A_770 = arith.maximumf %max3A_742, %mul3A_769 : vector<32xbf16>
          %mul3A_771 = arith.constant 16 : i32
          %mul3A_772 = arith.muli %scan3A_338, %mul3A_771 : i32
          %add3A_773 = arith.constant 15 : i32
          %add3A_774 = arith.addi %mul3A_772, %add3A_773 : i32
          %slice3A_775 = vector.extract_strided_slice %mul3A_354 {offsets = [15], sizes = [1], strides = [1]} : vector<16xf32> to vector<1xf32>
          %squeeze3A_776 = vector.extract %slice3A_775[0] : f32 from vector<1xf32>
          %broadcast_in_dim3A_777 = vector.broadcast %squeeze3A_776 : f32 to vector<16xf32>
          %pack3A_778 = tpu.pack_subelements %broadcast_in_dim3A_777, %broadcast_in_dim3A_777 {pack_format = #tpu.pack_format<interleaved>, positions = array<i32: 0, 1>} : vector<16xf32>, vector<16xf32> -> vector<32xbf16>
          %get3A_779 = arith.index_cast %add3A_774 : i32 to index
          %get3A_780 = arith.constant 0 : index
          %get3A_781 = tpu.vector_load %arg8[%get3A_779, %get3A_780] {strides = array<i32>} : memref<240x128xbf16, #tpu.memory_space<vmem>>, vector<32xbf16>,
          %mul3A_782 = arith.mulf %get3A_781, %pack3A_778 : vector<32xbf16>
          %max3A_783 = arith.maximumf %max3A_755, %mul3A_782 : vector<32xbf16>
          %get3A_784 = arith.index_cast %add3A_774 : i32 to index
          %get3A_785 = arith.constant 32 : index
          %get3A_786 = tpu.vector_load %arg8[%get3A_784, %get3A_785] {strides = array<i32>} : memref<240x128xbf16, #tpu.memory_space<vmem>>, vector<32xbf16>,
          %mul3A_787 = arith.mulf %get3A_786, %pack3A_778 : vector<32xbf16>
          %max3A_788 = arith.maximumf %max3A_760, %mul3A_787 : vector<32xbf16>
          %get3A_789 = arith.index_cast %add3A_774 : i32 to index
          %get3A_790 = arith.constant 64 : index
          %get3A_791 = tpu.vector_load %arg8[%get3A_789, %get3A_790] {strides = array<i32>} : memref<240x128xbf16, #tpu.memory_space<vmem>>, vector<32xbf16>,
          %mul3A_792 = arith.mulf %get3A_791, %pack3A_778 : vector<32xbf16>
          %max3A_793 = arith.maximumf %max3A_765, %mul3A_792 : vector<32xbf16>
          %get3A_794 = arith.index_cast %add3A_774 : i32 to index
          %get3A_795 = arith.constant 96 : index
          %get3A_796 = tpu.vector_load %arg8[%get3A_794, %get3A_795] {strides = array<i32>} : memref<240x128xbf16, #tpu.memory_space<vmem>>, vector<32xbf16>,
          %mul3A_797 = arith.mulf %get3A_796, %pack3A_778 : vector<32xbf16>
          %max3A_798 = arith.maximumf %max3A_770, %mul3A_797 : vector<32xbf16>
          scf.yield %max3A_783, %max3A_788, %max3A_793, %max3A_798 : vector<32xbf16>, vector<32xbf16>, vector<32xbf16>, vector<32xbf16>
        }
        %scan3A_113 = arith.constant 2 : i32
        %swap3A = arith.index_cast %add3A_78 : i32 to index
        %swap3A_114 = arith.constant 0 : index
        %swap3A_115 = tpu.vector_load %arg13[%swap3A, %swap3A_114] {strides = array<i32>} : memref<32x128xbf16, #tpu.memory_space<vmem>>, vector<32xbf16>,
        tpu.vector_store %arg13[%swap3A, %swap3A_114], %scan3A_106#0 {strides = array<i32>} : memref<32x128xbf16, #tpu.memory_space<vmem>>, vector<32xbf16>,
        %swap3A_116 = arith.index_cast %add3A_78 : i32 to index
        %swap3A_117 = arith.constant 0 : index
        %swap3A_118 = tpu.vector_load %arg12[%swap3A_116, %swap3A_117] {strides = array<i32>} : memref<32x128xbf16, #tpu.memory_space<vmem>>, vector<32xbf16>,
        tpu.vector_store %arg12[%swap3A_116, %swap3A_117], %scan3A_112#0 {strides = array<i32>} : memref<32x128xbf16, #tpu.memory_space<vmem>>, vector<32xbf16>,
        %swap3A_119 = arith.index_cast %add3A_78 : i32 to index
        %swap3A_120 = arith.constant 32 : index
        %swap3A_121 = tpu.vector_load %arg13[%swap3A_119, %swap3A_120] {strides = array<i32>} : memref<32x128xbf16, #tpu.memory_space<vmem>>, vector<32xbf16>,
        tpu.vector_store %arg13[%swap3A_119, %swap3A_120], %scan3A_106#1 {strides = array<i32>} : memref<32x128xbf16, #tpu.memory_space<vmem>>, vector<32xbf16>,
        %swap3A_122 = arith.index_cast %add3A_78 : i32 to index
        %swap3A_123 = arith.constant 32 : index
        %swap3A_124 = tpu.vector_load %arg12[%swap3A_122, %swap3A_123] {strides = array<i32>} : memref<32x128xbf16, #tpu.memory_space<vmem>>, vector<32xbf16>,
        tpu.vector_store %arg12[%swap3A_122, %swap3A_123], %scan3A_112#1 {strides = array<i32>} : memref<32x128xbf16, #tpu.memory_space<vmem>>, vector<32xbf16>,
        %swap3A_125 = arith.index_cast %add3A_78 : i32 to index
        %swap3A_126 = arith.constant 64 : index
        %swap3A_127 = tpu.vector_load %arg13[%swap3A_125, %swap3A_126] {strides = array<i32>} : memref<32x128xbf16, #tpu.memory_space<vmem>>, vector<32xbf16>,
        tpu.vector_store %arg13[%swap3A_125, %swap3A_126], %scan3A_106#2 {strides = array<i32>} : memref<32x128xbf16, #tpu.memory_space<vmem>>, vector<32xbf16>,
        %swap3A_128 = arith.index_cast %add3A_78 : i32 to index
        %swap3A_129 = arith.constant 64 : index
        %swap3A_130 = tpu.vector_load %arg12[%swap3A_128, %swap3A_129] {strides = array<i32>} : memref<32x128xbf16, #tpu.memory_space<vmem>>, vector<32xbf16>,
        tpu.vector_store %arg12[%swap3A_128, %swap3A_129], %scan3A_112#2 {strides = array<i32>} : memref<32x128xbf16, #tpu.memory_space<vmem>>, vector<32xbf16>,
        %swap3A_131 = arith.index_cast %add3A_78 : i32 to index
        %swap3A_132 = arith.constant 96 : index
        %swap3A_133 = tpu.vector_load %arg13[%swap3A_131, %swap3A_132] {strides = array<i32>} : memref<32x128xbf16, #tpu.memory_space<vmem>>, vector<32xbf16>,
        tpu.vector_store %arg13[%swap3A_131, %swap3A_132], %scan3A_106#3 {strides = array<i32>} : memref<32x128xbf16, #tpu.memory_space<vmem>>, vector<32xbf16>,
        %swap3A_134 = arith.index_cast %add3A_78 : i32 to index
        %swap3A_135 = arith.constant 96 : index
        %swap3A_136 = tpu.vector_load %arg12[%swap3A_134, %swap3A_135] {strides = array<i32>} : memref<32x128xbf16, #tpu.memory_space<vmem>>, vector<32xbf16>,
        tpu.vector_store %arg12[%swap3A_134, %swap3A_135], %scan3A_112#3 {strides = array<i32>} : memref<32x128xbf16, #tpu.memory_space<vmem>>, vector<32xbf16>,
        %mul3A_137 = arith.constant 4 : i32
        %mul3A_138 = arith.muli %mul3A_137, %scan3A_74 : i32
        %add3A_139 = arith.constant 1 : i32
        %add3A_140 = arith.addi %mul3A_138, %add3A_139 : i32
        %add3A_141 = arith.constant 3 : i32
        %add3A_142 = arith.addi %add3A_140, %add3A_141 : i32
        %lt3A_143 = arith.constant 32 : i32
        %lt3A_144 = arith.cmpi slt, %add3A_142, %lt3A_143 : i32
        %convert_element_type3A_145 = arith.extui %lt3A_144 : i1 to i32
        %cond3A_146 = arith.constant 0 : i32
        %cond3A_147 = arith.cmpi ne, %convert_element_type3A_145, %cond3A_146 : i32
        scf.if %cond3A_147 {
          %add3A_338 = arith.constant 3 : i32
          %add3A_339 = arith.addi %add3A_140, %add3A_338 : i32
          %mul3A_340 = arith.constant 240 : i32
          %mul3A_341 = arith.muli %add3A_339, %mul3A_340 : i32
          %mul3A_342 = arith.constant 240 : i32
          %mul3A_343 = arith.muli %add3A_339, %mul3A_342 : i32
          %add3A_344 = arith.constant 120 : i32
          %add3A_345 = arith.addi %mul3A_343, %add3A_344 : i32
          %dma_start3A_346 = arith.constant 0 : i32
          %dma_start3A_347 = arith.constant 0 : i32
          %dma_start3A_348 = tpu.memref_slice %arg8[%dma_start3A_346, %dma_start3A_347] : memref<240x128xbf16, #tpu.memory_space<vmem>> -> memref<120x128xbf16, #tpu.memory_space<vmem>>
          %dma_start3A_349 = tpu.memref_slice %arg7[%mul3A_341] : memref<7680xi32, #tpu.memory_space<vmem>> -> memref<120xi32, #tpu.memory_space<vmem>>
          %dma_start3A_350 = arith.constant 0 : i32
          %dma_start3A_351 = arith.constant 0 : i32
          %dma_start3A_352 = tpu.memref_slice %arg2[%dma_start3A_350, %dma_start3A_351] : memref<100000x128xbf16, #tpu.memory_space<hbm>> -> memref<100000x128xbf16, #tpu.memory_space<hbm>>
          tpu.enqueue_indirect_dma source(%dma_start3A_352 : memref<100000x128xbf16, #tpu.memory_space<hbm>>) target(%dma_start3A_348 : memref<120x128xbf16, #tpu.memory_space<vmem>>) offsets(%dma_start3A_349 : memref<120xi32, #tpu.memory_space<vmem>>) semaphore(%arg14 : memref<!tpu.dma_semaphore, #tpu.memory_space<semaphore_mem>>)
          %dma_start3A_353 = arith.constant 120 : i32
          %dma_start3A_354 = arith.constant 0 : i32
          %dma_start3A_355 = tpu.memref_slice %arg8[%dma_start3A_353, %dma_start3A_354] : memref<240x128xbf16, #tpu.memory_space<vmem>> -> memref<120x128xbf16, #tpu.memory_space<vmem>>
          %dma_start3A_356 = tpu.memref_slice %arg7[%add3A_345] : memref<7680xi32, #tpu.memory_space<vmem>> -> memref<120xi32, #tpu.memory_space<vmem>>
          %dma_start3A_357 = arith.constant 0 : i32
          %dma_start3A_358 = arith.constant 0 : i32
          %dma_start3A_359 = tpu.memref_slice %arg2[%dma_start3A_357, %dma_start3A_358] : memref<100000x128xbf16, #tpu.memory_space<hbm>> -> memref<100000x128xbf16, #tpu.memory_space<hbm>>
          tpu.enqueue_indirect_dma source(%dma_start3A_359 : memref<100000x128xbf16, #tpu.memory_space<hbm>>) target(%dma_start3A_355 : memref<120x128xbf16, #tpu.memory_space<vmem>>) offsets(%dma_start3A_356 : memref<120xi32, #tpu.memory_space<vmem>>) semaphore(%arg14 : memref<!tpu.dma_semaphore, #tpu.memory_space<semaphore_mem>>)
        } else {
        }
        %mul3A_148 = arith.constant 240 : i32
        %mul3A_149 = arith.muli %add3A_140, %mul3A_148 : i32
        %mul3A_150 = arith.constant 240 : i32
        %mul3A_151 = arith.muli %add3A_140, %mul3A_150 : i32
        %add3A_152 = arith.constant 120 : i32
        %add3A_153 = arith.addi %mul3A_151, %add3A_152 : i32
        %dma_wait3A_154 = arith.constant 0 : i32
        %dma_wait3A_155 = arith.constant 0 : i32
        %dma_wait3A_156 = tpu.memref_slice %arg9[%dma_wait3A_154, %dma_wait3A_155] : memref<240x128xbf16, #tpu.memory_space<vmem>> -> memref<120x128xbf16, #tpu.memory_space<vmem>>
        %dma_wait3A_157 = tpu.memref_slice %arg7[%mul3A_149] : memref<7680xi32, #tpu.memory_space<vmem>> -> memref<120xi32, #tpu.memory_space<vmem>>
        %dma_wait3A_158 = arith.constant 0 : i32
        %dma_wait3A_159 = arith.constant 0 : i32
        %dma_wait3A_160 = tpu.memref_slice %arg2[%dma_wait3A_158, %dma_wait3A_159] : memref<100000x128xbf16, #tpu.memory_space<hbm>> -> memref<100000x128xbf16, #tpu.memory_space<hbm>>
        tpu.wait_indirect_dma semaphore(%arg15 : memref<!tpu.dma_semaphore, #tpu.memory_space<semaphore_mem>>) src(%dma_wait3A_160 : memref<100000x128xbf16, #tpu.memory_space<hbm>>) dst(%dma_wait3A_156 : memref<120x128xbf16, #tpu.memory_space<vmem>>)
        %dma_wait3A_161 = arith.constant 120 : i32
        %dma_wait3A_162 = arith.constant 0 : i32
        %dma_wait3A_163 = tpu.memref_slice %arg9[%dma_wait3A_161, %dma_wait3A_162] : memref<240x128xbf16, #tpu.memory_space<vmem>> -> memref<120x128xbf16, #tpu.memory_space<vmem>>
        %dma_wait3A_164 = tpu.memref_slice %arg7[%add3A_153] : memref<7680xi32, #tpu.memory_space<vmem>> -> memref<120xi32, #tpu.memory_space<vmem>>
        %dma_wait3A_165 = arith.constant 0 : i32
        %dma_wait3A_166 = arith.constant 0 : i32
        %dma_wait3A_167 = tpu.memref_slice %arg2[%dma_wait3A_165, %dma_wait3A_166] : memref<100000x128xbf16, #tpu.memory_space<hbm>> -> memref<100000x128xbf16, #tpu.memory_space<hbm>>
        tpu.wait_indirect_dma semaphore(%arg15 : memref<!tpu.dma_semaphore, #tpu.memory_space<semaphore_mem>>) src(%dma_wait3A_167 : memref<100000x128xbf16, #tpu.memory_space<hbm>>) dst(%dma_wait3A_163 : memref<120x128xbf16, #tpu.memory_space<vmem>>)
        %scan3A_168 = arith.constant 0 : i32
        %scan3A_169 = arith.constant 13 : i32
        %scan3A_170 = arith.addi %scan3A_168, %scan3A_169 : i32
        %scan3A_171 = arith.constant 1 : i32
        %scan3A_172:4 = scf.for %scan3A_338 = %scan3A_168 to %scan3A_170 step %scan3A_171 iter_args(%scan3A_339 = %broadcast_in_dim3A_3, %scan3A_340 = %broadcast_in_dim3A_3, %scan3A_341 = %broadcast_in_dim3A_3, %scan3A_342 = %broadcast_in_dim3A_3) -> (vector<32xbf16>, vector<32xbf16>, vector<32xbf16>, vector<32xbf16>)  : i32 {
          %mul3A_343 = arith.constant 240 : i32
          %mul3A_344 = arith.muli %add3A_140, %mul3A_343 : i32
          %mul3A_345 = arith.constant 16 : i32
          %mul3A_346 = arith.muli %scan3A_338, %mul3A_345 : i32
          %add3A_347 = arith.addi %mul3A_344, %mul3A_346 : i32
          %get3A = arith.index_cast %add3A_347 : i32 to index
          %get3A_348 = tpu.vector_load %arg6[%get3A] {strides = array<i32>} : memref<7680xi32, #tpu.memory_space<vmem>>, vector<16xi32>,
          %shift_right_logical3A = arith.constant 17 : i32
          %shift_right_logical3A_349 = vector.broadcast %shift_right_logical3A : i32 to vector<16xi32>
          %shift_right_logical3A_350 = arith.shrui %get3A_348, %shift_right_logical3A_349 : vector<16xi32>
          %convert_element_type3A_351 = arith.sitofp %shift_right_logical3A_350 : vector<16xi32> to vector<16xf32>
          %mul3A_352 = arith.constant 3.05185094E-5 : f32
          %mul3A_353 = vector.broadcast %mul3A_352 : f32 to vector<16xf32>
          %mul3A_354 = arith.mulf %convert_element_type3A_351, %mul3A_353 : vector<16xf32>
          %mul3A_355 = arith.constant 16 : i32
          %mul3A_356 = arith.muli %scan3A_338, %mul3A_355 : i32
          %add3A_357 = arith.constant 0 : i32
          %add3A_358 = arith.addi %mul3A_356, %add3A_357 : i32
          %slice3A = vector.extract_strided_slice %mul3A_354 {offsets = [0], sizes = [1], strides = [1]} : vector<16xf32> to vector<1xf32>
          %squeeze3A = vector.extract %slice3A[0] : f32 from vector<1xf32>
          %broadcast_in_dim3A_359 = vector.broadcast %squeeze3A : f32 to vector<16xf32>
          %pack3A = tpu.pack_subelements %broadcast_in_dim3A_359, %broadcast_in_dim3A_359 {pack_format = #tpu.pack_format<interleaved>, positions = array<i32: 0, 1>} : vector<16xf32>, vector<16xf32> -> vector<32xbf16>
          %get3A_360 = arith.index_cast %add3A_358 : i32 to index
          %get3A_361 = arith.constant 0 : index
          %get3A_362 = tpu.vector_load %arg9[%get3A_360, %get3A_361] {strides = array<i32>} : memref<240x128xbf16, #tpu.memory_space<vmem>>, vector<32xbf16>,
          %mul3A_363 = arith.mulf %get3A_362, %pack3A : vector<32xbf16>
          %max3A = arith.maximumf %scan3A_339, %mul3A_363 : vector<32xbf16>
          %get3A_364 = arith.index_cast %add3A_358 : i32 to index
          %get3A_365 = arith.constant 32 : index
          %get3A_366 = tpu.vector_load %arg9[%get3A_364, %get3A_365] {strides = array<i32>} : memref<240x128xbf16, #tpu.memory_space<vmem>>, vector<32xbf16>,
          %mul3A_367 = arith.mulf %get3A_366, %pack3A : vector<32xbf16>
          %max3A_368 = arith.maximumf %scan3A_340, %mul3A_367 : vector<32xbf16>
          %get3A_369 = arith.index_cast %add3A_358 : i32 to index
          %get3A_370 = arith.constant 64 : index
          %get3A_371 = tpu.vector_load %arg9[%get3A_369, %get3A_370] {strides = array<i32>} : memref<240x128xbf16, #tpu.memory_space<vmem>>, vector<32xbf16>,
          %mul3A_372 = arith.mulf %get3A_371, %pack3A : vector<32xbf16>
          %max3A_373 = arith.maximumf %scan3A_341, %mul3A_372 : vector<32xbf16>
          %get3A_374 = arith.index_cast %add3A_358 : i32 to index
          %get3A_375 = arith.constant 96 : index
          %get3A_376 = tpu.vector_load %arg9[%get3A_374, %get3A_375] {strides = array<i32>} : memref<240x128xbf16, #tpu.memory_space<vmem>>, vector<32xbf16>,
          %mul3A_377 = arith.mulf %get3A_376, %pack3A : vector<32xbf16>
          %max3A_378 = arith.maximumf %scan3A_342, %mul3A_377 : vector<32xbf16>
          %mul3A_379 = arith.constant 16 : i32
          %mul3A_380 = arith.muli %scan3A_338, %mul3A_379 : i32
          %add3A_381 = arith.constant 1 : i32
          %add3A_382 = arith.addi %mul3A_380, %add3A_381 : i32
          %slice3A_383 = vector.extract_strided_slice %mul3A_354 {offsets = [1], sizes = [1], strides = [1]} : vector<16xf32> to vector<1xf32>
          %squeeze3A_384 = vector.extract %slice3A_383[0] : f32 from vector<1xf32>
          %broadcast_in_dim3A_385 = vector.broadcast %squeeze3A_384 : f32 to vector<16xf32>
          %pack3A_386 = tpu.pack_subelements %broadcast_in_dim3A_385, %broadcast_in_dim3A_385 {pack_format = #tpu.pack_format<interleaved>, positions = array<i32: 0, 1>} : vector<16xf32>, vector<16xf32> -> vector<32xbf16>
          %get3A_387 = arith.index_cast %add3A_382 : i32 to index
          %get3A_388 = arith.constant 0 : index
          %get3A_389 = tpu.vector_load %arg9[%get3A_387, %get3A_388] {strides = array<i32>} : memref<240x128xbf16, #tpu.memory_space<vmem>>, vector<32xbf16>,
          %mul3A_390 = arith.mulf %get3A_389, %pack3A_386 : vector<32xbf16>
          %max3A_391 = arith.maximumf %max3A, %mul3A_390 : vector<32xbf16>
          %get3A_392 = arith.index_cast %add3A_382 : i32 to index
          %get3A_393 = arith.constant 32 : index
          %get3A_394 = tpu.vector_load %arg9[%get3A_392, %get3A_393] {strides = array<i32>} : memref<240x128xbf16, #tpu.memory_space<vmem>>, vector<32xbf16>,
          %mul3A_395 = arith.mulf %get3A_394, %pack3A_386 : vector<32xbf16>
          %max3A_396 = arith.maximumf %max3A_368, %mul3A_395 : vector<32xbf16>
          %get3A_397 = arith.index_cast %add3A_382 : i32 to index
          %get3A_398 = arith.constant 64 : index
          %get3A_399 = tpu.vector_load %arg9[%get3A_397, %get3A_398] {strides = array<i32>} : memref<240x128xbf16, #tpu.memory_space<vmem>>, vector<32xbf16>,
          %mul3A_400 = arith.mulf %get3A_399, %pack3A_386 : vector<32xbf16>
          %max3A_401 = arith.maximumf %max3A_373, %mul3A_400 : vector<32xbf16>
          %get3A_402 = arith.index_cast %add3A_382 : i32 to index
          %get3A_403 = arith.constant 96 : index
          %get3A_404 = tpu.vector_load %arg9[%get3A_402, %get3A_403] {strides = array<i32>} : memref<240x128xbf16, #tpu.memory_space<vmem>>, vector<32xbf16>,
          %mul3A_405 = arith.mulf %get3A_404, %pack3A_386 : vector<32xbf16>
          %max3A_406 = arith.maximumf %max3A_378, %mul3A_405 : vector<32xbf16>
          %mul3A_407 = arith.constant 16 : i32
          %mul3A_408 = arith.muli %scan3A_338, %mul3A_407 : i32
          %add3A_409 = arith.constant 2 : i32
          %add3A_410 = arith.addi %mul3A_408, %add3A_409 : i32
          %slice3A_411 = vector.extract_strided_slice %mul3A_354 {offsets = [2], sizes = [1], strides = [1]} : vector<16xf32> to vector<1xf32>
          %squeeze3A_412 = vector.extract %slice3A_411[0] : f32 from vector<1xf32>
          %broadcast_in_dim3A_413 = vector.broadcast %squeeze3A_412 : f32 to vector<16xf32>
          %pack3A_414 = tpu.pack_subelements %broadcast_in_dim3A_413, %broadcast_in_dim3A_413 {pack_format = #tpu.pack_format<interleaved>, positions = array<i32: 0, 1>} : vector<16xf32>, vector<16xf32> -> vector<32xbf16>
          %get3A_415 = arith.index_cast %add3A_410 : i32 to index
          %get3A_416 = arith.constant 0 : index
          %get3A_417 = tpu.vector_load %arg9[%get3A_415, %get3A_416] {strides = array<i32>} : memref<240x128xbf16, #tpu.memory_space<vmem>>, vector<32xbf16>,
          %mul3A_418 = arith.mulf %get3A_417, %pack3A_414 : vector<32xbf16>
          %max3A_419 = arith.maximumf %max3A_391, %mul3A_418 : vector<32xbf16>
          %get3A_420 = arith.index_cast %add3A_410 : i32 to index
          %get3A_421 = arith.constant 32 : index
          %get3A_422 = tpu.vector_load %arg9[%get3A_420, %get3A_421] {strides = array<i32>} : memref<240x128xbf16, #tpu.memory_space<vmem>>, vector<32xbf16>,
          %mul3A_423 = arith.mulf %get3A_422, %pack3A_414 : vector<32xbf16>
          %max3A_424 = arith.maximumf %max3A_396, %mul3A_423 : vector<32xbf16>
          %get3A_425 = arith.index_cast %add3A_410 : i32 to index
          %get3A_426 = arith.constant 64 : index
          %get3A_427 = tpu.vector_load %arg9[%get3A_425, %get3A_426] {strides = array<i32>} : memref<240x128xbf16, #tpu.memory_space<vmem>>, vector<32xbf16>,
          %mul3A_428 = arith.mulf %get3A_427, %pack3A_414 : vector<32xbf16>
          %max3A_429 = arith.maximumf %max3A_401, %mul3A_428 : vector<32xbf16>
          %get3A_430 = arith.index_cast %add3A_410 : i32 to index
          %get3A_431 = arith.constant 96 : index
          %get3A_432 = tpu.vector_load %arg9[%get3A_430, %get3A_431] {strides = array<i32>} : memref<240x128xbf16, #tpu.memory_space<vmem>>, vector<32xbf16>,
          %mul3A_433 = arith.mulf %get3A_432, %pack3A_414 : vector<32xbf16>
          %max3A_434 = arith.maximumf %max3A_406, %mul3A_433 : vector<32xbf16>
          %mul3A_435 = arith.constant 16 : i32
          %mul3A_436 = arith.muli %scan3A_338, %mul3A_435 : i32
          %add3A_437 = arith.constant 3 : i32
          %add3A_438 = arith.addi %mul3A_436, %add3A_437 : i32
          %slice3A_439 = vector.extract_strided_slice %mul3A_354 {offsets = [3], sizes = [1], strides = [1]} : vector<16xf32> to vector<1xf32>
          %squeeze3A_440 = vector.extract %slice3A_439[0] : f32 from vector<1xf32>
          %broadcast_in_dim3A_441 = vector.broadcast %squeeze3A_440 : f32 to vector<16xf32>
          %pack3A_442 = tpu.pack_subelements %broadcast_in_dim3A_441, %broadcast_in_dim3A_441 {pack_format = #tpu.pack_format<interleaved>, positions = array<i32: 0, 1>} : vector<16xf32>, vector<16xf32> -> vector<32xbf16>
          %get3A_443 = arith.index_cast %add3A_438 : i32 to index
          %get3A_444 = arith.constant 0 : index
          %get3A_445 = tpu.vector_load %arg9[%get3A_443, %get3A_444] {strides = array<i32>} : memref<240x128xbf16, #tpu.memory_space<vmem>>, vector<32xbf16>,
          %mul3A_446 = arith.mulf %get3A_445, %pack3A_442 : vector<32xbf16>
          %max3A_447 = arith.maximumf %max3A_419, %mul3A_446 : vector<32xbf16>
          %get3A_448 = arith.index_cast %add3A_438 : i32 to index
          %get3A_449 = arith.constant 32 : index
          %get3A_450 = tpu.vector_load %arg9[%get3A_448, %get3A_449] {strides = array<i32>} : memref<240x128xbf16, #tpu.memory_space<vmem>>, vector<32xbf16>,
          %mul3A_451 = arith.mulf %get3A_450, %pack3A_442 : vector<32xbf16>
          %max3A_452 = arith.maximumf %max3A_424, %mul3A_451 : vector<32xbf16>
          %get3A_453 = arith.index_cast %add3A_438 : i32 to index
          %get3A_454 = arith.constant 64 : index
          %get3A_455 = tpu.vector_load %arg9[%get3A_453, %get3A_454] {strides = array<i32>} : memref<240x128xbf16, #tpu.memory_space<vmem>>, vector<32xbf16>,
          %mul3A_456 = arith.mulf %get3A_455, %pack3A_442 : vector<32xbf16>
          %max3A_457 = arith.maximumf %max3A_429, %mul3A_456 : vector<32xbf16>
          %get3A_458 = arith.index_cast %add3A_438 : i32 to index
          %get3A_459 = arith.constant 96 : index
          %get3A_460 = tpu.vector_load %arg9[%get3A_458, %get3A_459] {strides = array<i32>} : memref<240x128xbf16, #tpu.memory_space<vmem>>, vector<32xbf16>,
          %mul3A_461 = arith.mulf %get3A_460, %pack3A_442 : vector<32xbf16>
          %max3A_462 = arith.maximumf %max3A_434, %mul3A_461 : vector<32xbf16>
          %mul3A_463 = arith.constant 16 : i32
          %mul3A_464 = arith.muli %scan3A_338, %mul3A_463 : i32
          %add3A_465 = arith.constant 4 : i32
          %add3A_466 = arith.addi %mul3A_464, %add3A_465 : i32
          %slice3A_467 = vector.extract_strided_slice %mul3A_354 {offsets = [4], sizes = [1], strides = [1]} : vector<16xf32> to vector<1xf32>
          %squeeze3A_468 = vector.extract %slice3A_467[0] : f32 from vector<1xf32>
          %broadcast_in_dim3A_469 = vector.broadcast %squeeze3A_468 : f32 to vector<16xf32>
          %pack3A_470 = tpu.pack_subelements %broadcast_in_dim3A_469, %broadcast_in_dim3A_469 {pack_format = #tpu.pack_format<interleaved>, positions = array<i32: 0, 1>} : vector<16xf32>, vector<16xf32> -> vector<32xbf16>
          %get3A_471 = arith.index_cast %add3A_466 : i32 to index
          %get3A_472 = arith.constant 0 : index
          %get3A_473 = tpu.vector_load %arg9[%get3A_471, %get3A_472] {strides = array<i32>} : memref<240x128xbf16, #tpu.memory_space<vmem>>, vector<32xbf16>,
          %mul3A_474 = arith.mulf %get3A_473, %pack3A_470 : vector<32xbf16>
          %max3A_475 = arith.maximumf %max3A_447, %mul3A_474 : vector<32xbf16>
          %get3A_476 = arith.index_cast %add3A_466 : i32 to index
          %get3A_477 = arith.constant 32 : index
          %get3A_478 = tpu.vector_load %arg9[%get3A_476, %get3A_477] {strides = array<i32>} : memref<240x128xbf16, #tpu.memory_space<vmem>>, vector<32xbf16>,
          %mul3A_479 = arith.mulf %get3A_478, %pack3A_470 : vector<32xbf16>
          %max3A_480 = arith.maximumf %max3A_452, %mul3A_479 : vector<32xbf16>
          %get3A_481 = arith.index_cast %add3A_466 : i32 to index
          %get3A_482 = arith.constant 64 : index
          %get3A_483 = tpu.vector_load %arg9[%get3A_481, %get3A_482] {strides = array<i32>} : memref<240x128xbf16, #tpu.memory_space<vmem>>, vector<32xbf16>,
          %mul3A_484 = arith.mulf %get3A_483, %pack3A_470 : vector<32xbf16>
          %max3A_485 = arith.maximumf %max3A_457, %mul3A_484 : vector<32xbf16>
          %get3A_486 = arith.index_cast %add3A_466 : i32 to index
          %get3A_487 = arith.constant 96 : index
          %get3A_488 = tpu.vector_load %arg9[%get3A_486, %get3A_487] {strides = array<i32>} : memref<240x128xbf16, #tpu.memory_space<vmem>>, vector<32xbf16>,
          %mul3A_489 = arith.mulf %get3A_488, %pack3A_470 : vector<32xbf16>
          %max3A_490 = arith.maximumf %max3A_462, %mul3A_489 : vector<32xbf16>
          %mul3A_491 = arith.constant 16 : i32
          %mul3A_492 = arith.muli %scan3A_338, %mul3A_491 : i32
          %add3A_493 = arith.constant 5 : i32
          %add3A_494 = arith.addi %mul3A_492, %add3A_493 : i32
          %slice3A_495 = vector.extract_strided_slice %mul3A_354 {offsets = [5], sizes = [1], strides = [1]} : vector<16xf32> to vector<1xf32>
          %squeeze3A_496 = vector.extract %slice3A_495[0] : f32 from vector<1xf32>
          %broadcast_in_dim3A_497 = vector.broadcast %squeeze3A_496 : f32 to vector<16xf32>
          %pack3A_498 = tpu.pack_subelements %broadcast_in_dim3A_497, %broadcast_in_dim3A_497 {pack_format = #tpu.pack_format<interleaved>, positions = array<i32: 0, 1>} : vector<16xf32>, vector<16xf32> -> vector<32xbf16>
          %get3A_499 = arith.index_cast %add3A_494 : i32 to index
          %get3A_500 = arith.constant 0 : index
          %get3A_501 = tpu.vector_load %arg9[%get3A_499, %get3A_500] {strides = array<i32>} : memref<240x128xbf16, #tpu.memory_space<vmem>>, vector<32xbf16>,
          %mul3A_502 = arith.mulf %get3A_501, %pack3A_498 : vector<32xbf16>
          %max3A_503 = arith.maximumf %max3A_475, %mul3A_502 : vector<32xbf16>
          %get3A_504 = arith.index_cast %add3A_494 : i32 to index
          %get3A_505 = arith.constant 32 : index
          %get3A_506 = tpu.vector_load %arg9[%get3A_504, %get3A_505] {strides = array<i32>} : memref<240x128xbf16, #tpu.memory_space<vmem>>, vector<32xbf16>,
          %mul3A_507 = arith.mulf %get3A_506, %pack3A_498 : vector<32xbf16>
          %max3A_508 = arith.maximumf %max3A_480, %mul3A_507 : vector<32xbf16>
          %get3A_509 = arith.index_cast %add3A_494 : i32 to index
          %get3A_510 = arith.constant 64 : index
          %get3A_511 = tpu.vector_load %arg9[%get3A_509, %get3A_510] {strides = array<i32>} : memref<240x128xbf16, #tpu.memory_space<vmem>>, vector<32xbf16>,
          %mul3A_512 = arith.mulf %get3A_511, %pack3A_498 : vector<32xbf16>
          %max3A_513 = arith.maximumf %max3A_485, %mul3A_512 : vector<32xbf16>
          %get3A_514 = arith.index_cast %add3A_494 : i32 to index
          %get3A_515 = arith.constant 96 : index
          %get3A_516 = tpu.vector_load %arg9[%get3A_514, %get3A_515] {strides = array<i32>} : memref<240x128xbf16, #tpu.memory_space<vmem>>, vector<32xbf16>,
          %mul3A_517 = arith.mulf %get3A_516, %pack3A_498 : vector<32xbf16>
          %max3A_518 = arith.maximumf %max3A_490, %mul3A_517 : vector<32xbf16>
          %mul3A_519 = arith.constant 16 : i32
          %mul3A_520 = arith.muli %scan3A_338, %mul3A_519 : i32
          %add3A_521 = arith.constant 6 : i32
          %add3A_522 = arith.addi %mul3A_520, %add3A_521 : i32
          %slice3A_523 = vector.extract_strided_slice %mul3A_354 {offsets = [6], sizes = [1], strides = [1]} : vector<16xf32> to vector<1xf32>
          %squeeze3A_524 = vector.extract %slice3A_523[0] : f32 from vector<1xf32>
          %broadcast_in_dim3A_525 = vector.broadcast %squeeze3A_524 : f32 to vector<16xf32>
          %pack3A_526 = tpu.pack_subelements %broadcast_in_dim3A_525, %broadcast_in_dim3A_525 {pack_format = #tpu.pack_format<interleaved>, positions = array<i32: 0, 1>} : vector<16xf32>, vector<16xf32> -> vector<32xbf16>
          %get3A_527 = arith.index_cast %add3A_522 : i32 to index
          %get3A_528 = arith.constant 0 : index
          %get3A_529 = tpu.vector_load %arg9[%get3A_527, %get3A_528] {strides = array<i32>} : memref<240x128xbf16, #tpu.memory_space<vmem>>, vector<32xbf16>,
          %mul3A_530 = arith.mulf %get3A_529, %pack3A_526 : vector<32xbf16>
          %max3A_531 = arith.maximumf %max3A_503, %mul3A_530 : vector<32xbf16>
          %get3A_532 = arith.index_cast %add3A_522 : i32 to index
          %get3A_533 = arith.constant 32 : index
          %get3A_534 = tpu.vector_load %arg9[%get3A_532, %get3A_533] {strides = array<i32>} : memref<240x128xbf16, #tpu.memory_space<vmem>>, vector<32xbf16>,
          %mul3A_535 = arith.mulf %get3A_534, %pack3A_526 : vector<32xbf16>
          %max3A_536 = arith.maximumf %max3A_508, %mul3A_535 : vector<32xbf16>
          %get3A_537 = arith.index_cast %add3A_522 : i32 to index
          %get3A_538 = arith.constant 64 : index
          %get3A_539 = tpu.vector_load %arg9[%get3A_537, %get3A_538] {strides = array<i32>} : memref<240x128xbf16, #tpu.memory_space<vmem>>, vector<32xbf16>,
          %mul3A_540 = arith.mulf %get3A_539, %pack3A_526 : vector<32xbf16>
          %max3A_541 = arith.maximumf %max3A_513, %mul3A_540 : vector<32xbf16>
          %get3A_542 = arith.index_cast %add3A_522 : i32 to index
          %get3A_543 = arith.constant 96 : index
          %get3A_544 = tpu.vector_load %arg9[%get3A_542, %get3A_543] {strides = array<i32>} : memref<240x128xbf16, #tpu.memory_space<vmem>>, vector<32xbf16>,
          %mul3A_545 = arith.mulf %get3A_544, %pack3A_526 : vector<32xbf16>
          %max3A_546 = arith.maximumf %max3A_518, %mul3A_545 : vector<32xbf16>
          %mul3A_547 = arith.constant 16 : i32
          %mul3A_548 = arith.muli %scan3A_338, %mul3A_547 : i32
          %add3A_549 = arith.constant 7 : i32
          %add3A_550 = arith.addi %mul3A_548, %add3A_549 : i32
          %slice3A_551 = vector.extract_strided_slice %mul3A_354 {offsets = [7], sizes = [1], strides = [1]} : vector<16xf32> to vector<1xf32>
          %squeeze3A_552 = vector.extract %slice3A_551[0] : f32 from vector<1xf32>
          %broadcast_in_dim3A_553 = vector.broadcast %squeeze3A_552 : f32 to vector<16xf32>
          %pack3A_554 = tpu.pack_subelements %broadcast_in_dim3A_553, %broadcast_in_dim3A_553 {pack_format = #tpu.pack_format<interleaved>, positions = array<i32: 0, 1>} : vector<16xf32>, vector<16xf32> -> vector<32xbf16>
          %get3A_555 = arith.index_cast %add3A_550 : i32 to index
          %get3A_556 = arith.constant 0 : index
          %get3A_557 = tpu.vector_load %arg9[%get3A_555, %get3A_556] {strides = array<i32>} : memref<240x128xbf16, #tpu.memory_space<vmem>>, vector<32xbf16>,
          %mul3A_558 = arith.mulf %get3A_557, %pack3A_554 : vector<32xbf16>
          %max3A_559 = arith.maximumf %max3A_531, %mul3A_558 : vector<32xbf16>
          %get3A_560 = arith.index_cast %add3A_550 : i32 to index
          %get3A_561 = arith.constant 32 : index
          %get3A_562 = tpu.vector_load %arg9[%get3A_560, %get3A_561] {strides = array<i32>} : memref<240x128xbf16, #tpu.memory_space<vmem>>, vector<32xbf16>,
          %mul3A_563 = arith.mulf %get3A_562, %pack3A_554 : vector<32xbf16>
          %max3A_564 = arith.maximumf %max3A_536, %mul3A_563 : vector<32xbf16>
          %get3A_565 = arith.index_cast %add3A_550 : i32 to index
          %get3A_566 = arith.constant 64 : index
          %get3A_567 = tpu.vector_load %arg9[%get3A_565, %get3A_566] {strides = array<i32>} : memref<240x128xbf16, #tpu.memory_space<vmem>>, vector<32xbf16>,
          %mul3A_568 = arith.mulf %get3A_567, %pack3A_554 : vector<32xbf16>
          %max3A_569 = arith.maximumf %max3A_541, %mul3A_568 : vector<32xbf16>
          %get3A_570 = arith.index_cast %add3A_550 : i32 to index
          %get3A_571 = arith.constant 96 : index
          %get3A_572 = tpu.vector_load %arg9[%get3A_570, %get3A_571] {strides = array<i32>} : memref<240x128xbf16, #tpu.memory_space<vmem>>, vector<32xbf16>,
          %mul3A_573 = arith.mulf %get3A_572, %pack3A_554 : vector<32xbf16>
          %max3A_574 = arith.maximumf %max3A_546, %mul3A_573 : vector<32xbf16>
          %mul3A_575 = arith.constant 16 : i32
          %mul3A_576 = arith.muli %scan3A_338, %mul3A_575 : i32
          %add3A_577 = arith.constant 8 : i32
          %add3A_578 = arith.addi %mul3A_576, %add3A_577 : i32
          %slice3A_579 = vector.extract_strided_slice %mul3A_354 {offsets = [8], sizes = [1], strides = [1]} : vector<16xf32> to vector<1xf32>
          %squeeze3A_580 = vector.extract %slice3A_579[0] : f32 from vector<1xf32>
          %broadcast_in_dim3A_581 = vector.broadcast %squeeze3A_580 : f32 to vector<16xf32>
          %pack3A_582 = tpu.pack_subelements %broadcast_in_dim3A_581, %broadcast_in_dim3A_581 {pack_format = #tpu.pack_format<interleaved>, positions = array<i32: 0, 1>} : vector<16xf32>, vector<16xf32> -> vector<32xbf16>
          %get3A_583 = arith.index_cast %add3A_578 : i32 to index
          %get3A_584 = arith.constant 0 : index
          %get3A_585 = tpu.vector_load %arg9[%get3A_583, %get3A_584] {strides = array<i32>} : memref<240x128xbf16, #tpu.memory_space<vmem>>, vector<32xbf16>,
          %mul3A_586 = arith.mulf %get3A_585, %pack3A_582 : vector<32xbf16>
          %max3A_587 = arith.maximumf %max3A_559, %mul3A_586 : vector<32xbf16>
          %get3A_588 = arith.index_cast %add3A_578 : i32 to index
          %get3A_589 = arith.constant 32 : index
          %get3A_590 = tpu.vector_load %arg9[%get3A_588, %get3A_589] {strides = array<i32>} : memref<240x128xbf16, #tpu.memory_space<vmem>>, vector<32xbf16>,
          %mul3A_591 = arith.mulf %get3A_590, %pack3A_582 : vector<32xbf16>
          %max3A_592 = arith.maximumf %max3A_564, %mul3A_591 : vector<32xbf16>
          %get3A_593 = arith.index_cast %add3A_578 : i32 to index
          %get3A_594 = arith.constant 64 : index
          %get3A_595 = tpu.vector_load %arg9[%get3A_593, %get3A_594] {strides = array<i32>} : memref<240x128xbf16, #tpu.memory_space<vmem>>, vector<32xbf16>,
          %mul3A_596 = arith.mulf %get3A_595, %pack3A_582 : vector<32xbf16>
          %max3A_597 = arith.maximumf %max3A_569, %mul3A_596 : vector<32xbf16>
          %get3A_598 = arith.index_cast %add3A_578 : i32 to index
          %get3A_599 = arith.constant 96 : index
          %get3A_600 = tpu.vector_load %arg9[%get3A_598, %get3A_599] {strides = array<i32>} : memref<240x128xbf16, #tpu.memory_space<vmem>>, vector<32xbf16>,
          %mul3A_601 = arith.mulf %get3A_600, %pack3A_582 : vector<32xbf16>
          %max3A_602 = arith.maximumf %max3A_574, %mul3A_601 : vector<32xbf16>
          %mul3A_603 = arith.constant 16 : i32
          %mul3A_604 = arith.muli %scan3A_338, %mul3A_603 : i32
          %add3A_605 = arith.constant 9 : i32
          %add3A_606 = arith.addi %mul3A_604, %add3A_605 : i32
          %slice3A_607 = vector.extract_strided_slice %mul3A_354 {offsets = [9], sizes = [1], strides = [1]} : vector<16xf32> to vector<1xf32>
          %squeeze3A_608 = vector.extract %slice3A_607[0] : f32 from vector<1xf32>
          %broadcast_in_dim3A_609 = vector.broadcast %squeeze3A_608 : f32 to vector<16xf32>
          %pack3A_610 = tpu.pack_subelements %broadcast_in_dim3A_609, %broadcast_in_dim3A_609 {pack_format = #tpu.pack_format<interleaved>, positions = array<i32: 0, 1>} : vector<16xf32>, vector<16xf32> -> vector<32xbf16>
          %get3A_611 = arith.index_cast %add3A_606 : i32 to index
          %get3A_612 = arith.constant 0 : index
          %get3A_613 = tpu.vector_load %arg9[%get3A_611, %get3A_612] {strides = array<i32>} : memref<240x128xbf16, #tpu.memory_space<vmem>>, vector<32xbf16>,
          %mul3A_614 = arith.mulf %get3A_613, %pack3A_610 : vector<32xbf16>
          %max3A_615 = arith.maximumf %max3A_587, %mul3A_614 : vector<32xbf16>
          %get3A_616 = arith.index_cast %add3A_606 : i32 to index
          %get3A_617 = arith.constant 32 : index
          %get3A_618 = tpu.vector_load %arg9[%get3A_616, %get3A_617] {strides = array<i32>} : memref<240x128xbf16, #tpu.memory_space<vmem>>, vector<32xbf16>,
          %mul3A_619 = arith.mulf %get3A_618, %pack3A_610 : vector<32xbf16>
          %max3A_620 = arith.maximumf %max3A_592, %mul3A_619 : vector<32xbf16>
          %get3A_621 = arith.index_cast %add3A_606 : i32 to index
          %get3A_622 = arith.constant 64 : index
          %get3A_623 = tpu.vector_load %arg9[%get3A_621, %get3A_622] {strides = array<i32>} : memref<240x128xbf16, #tpu.memory_space<vmem>>, vector<32xbf16>,
          %mul3A_624 = arith.mulf %get3A_623, %pack3A_610 : vector<32xbf16>
          %max3A_625 = arith.maximumf %max3A_597, %mul3A_624 : vector<32xbf16>
          %get3A_626 = arith.index_cast %add3A_606 : i32 to index
          %get3A_627 = arith.constant 96 : index
          %get3A_628 = tpu.vector_load %arg9[%get3A_626, %get3A_627] {strides = array<i32>} : memref<240x128xbf16, #tpu.memory_space<vmem>>, vector<32xbf16>,
          %mul3A_629 = arith.mulf %get3A_628, %pack3A_610 : vector<32xbf16>
          %max3A_630 = arith.maximumf %max3A_602, %mul3A_629 : vector<32xbf16>
          %mul3A_631 = arith.constant 16 : i32
          %mul3A_632 = arith.muli %scan3A_338, %mul3A_631 : i32
          %add3A_633 = arith.constant 10 : i32
          %add3A_634 = arith.addi %mul3A_632, %add3A_633 : i32
          %slice3A_635 = vector.extract_strided_slice %mul3A_354 {offsets = [10], sizes = [1], strides = [1]} : vector<16xf32> to vector<1xf32>
          %squeeze3A_636 = vector.extract %slice3A_635[0] : f32 from vector<1xf32>
          %broadcast_in_dim3A_637 = vector.broadcast %squeeze3A_636 : f32 to vector<16xf32>
          %pack3A_638 = tpu.pack_subelements %broadcast_in_dim3A_637, %broadcast_in_dim3A_637 {pack_format = #tpu.pack_format<interleaved>, positions = array<i32: 0, 1>} : vector<16xf32>, vector<16xf32> -> vector<32xbf16>
          %get3A_639 = arith.index_cast %add3A_634 : i32 to index
          %get3A_640 = arith.constant 0 : index
          %get3A_641 = tpu.vector_load %arg9[%get3A_639, %get3A_640] {strides = array<i32>} : memref<240x128xbf16, #tpu.memory_space<vmem>>, vector<32xbf16>,
          %mul3A_642 = arith.mulf %get3A_641, %pack3A_638 : vector<32xbf16>
          %max3A_643 = arith.maximumf %max3A_615, %mul3A_642 : vector<32xbf16>
          %get3A_644 = arith.index_cast %add3A_634 : i32 to index
          %get3A_645 = arith.constant 32 : index
          %get3A_646 = tpu.vector_load %arg9[%get3A_644, %get3A_645] {strides = array<i32>} : memref<240x128xbf16, #tpu.memory_space<vmem>>, vector<32xbf16>,
          %mul3A_647 = arith.mulf %get3A_646, %pack3A_638 : vector<32xbf16>
          %max3A_648 = arith.maximumf %max3A_620, %mul3A_647 : vector<32xbf16>
          %get3A_649 = arith.index_cast %add3A_634 : i32 to index
          %get3A_650 = arith.constant 64 : index
          %get3A_651 = tpu.vector_load %arg9[%get3A_649, %get3A_650] {strides = array<i32>} : memref<240x128xbf16, #tpu.memory_space<vmem>>, vector<32xbf16>,
          %mul3A_652 = arith.mulf %get3A_651, %pack3A_638 : vector<32xbf16>
          %max3A_653 = arith.maximumf %max3A_625, %mul3A_652 : vector<32xbf16>
          %get3A_654 = arith.index_cast %add3A_634 : i32 to index
          %get3A_655 = arith.constant 96 : index
          %get3A_656 = tpu.vector_load %arg9[%get3A_654, %get3A_655] {strides = array<i32>} : memref<240x128xbf16, #tpu.memory_space<vmem>>, vector<32xbf16>,
          %mul3A_657 = arith.mulf %get3A_656, %pack3A_638 : vector<32xbf16>
          %max3A_658 = arith.maximumf %max3A_630, %mul3A_657 : vector<32xbf16>
          %mul3A_659 = arith.constant 16 : i32
          %mul3A_660 = arith.muli %scan3A_338, %mul3A_659 : i32
          %add3A_661 = arith.constant 11 : i32
          %add3A_662 = arith.addi %mul3A_660, %add3A_661 : i32
          %slice3A_663 = vector.extract_strided_slice %mul3A_354 {offsets = [11], sizes = [1], strides = [1]} : vector<16xf32> to vector<1xf32>
          %squeeze3A_664 = vector.extract %slice3A_663[0] : f32 from vector<1xf32>
          %broadcast_in_dim3A_665 = vector.broadcast %squeeze3A_664 : f32 to vector<16xf32>
          %pack3A_666 = tpu.pack_subelements %broadcast_in_dim3A_665, %broadcast_in_dim3A_665 {pack_format = #tpu.pack_format<interleaved>, positions = array<i32: 0, 1>} : vector<16xf32>, vector<16xf32> -> vector<32xbf16>
          %get3A_667 = arith.index_cast %add3A_662 : i32 to index
          %get3A_668 = arith.constant 0 : index
          %get3A_669 = tpu.vector_load %arg9[%get3A_667, %get3A_668] {strides = array<i32>} : memref<240x128xbf16, #tpu.memory_space<vmem>>, vector<32xbf16>,
          %mul3A_670 = arith.mulf %get3A_669, %pack3A_666 : vector<32xbf16>
          %max3A_671 = arith.maximumf %max3A_643, %mul3A_670 : vector<32xbf16>
          %get3A_672 = arith.index_cast %add3A_662 : i32 to index
          %get3A_673 = arith.constant 32 : index
          %get3A_674 = tpu.vector_load %arg9[%get3A_672, %get3A_673] {strides = array<i32>} : memref<240x128xbf16, #tpu.memory_space<vmem>>, vector<32xbf16>,
          %mul3A_675 = arith.mulf %get3A_674, %pack3A_666 : vector<32xbf16>
          %max3A_676 = arith.maximumf %max3A_648, %mul3A_675 : vector<32xbf16>
          %get3A_677 = arith.index_cast %add3A_662 : i32 to index
          %get3A_678 = arith.constant 64 : index
          %get3A_679 = tpu.vector_load %arg9[%get3A_677, %get3A_678] {strides = array<i32>} : memref<240x128xbf16, #tpu.memory_space<vmem>>, vector<32xbf16>,
          %mul3A_680 = arith.mulf %get3A_679, %pack3A_666 : vector<32xbf16>
          %max3A_681 = arith.maximumf %max3A_653, %mul3A_680 : vector<32xbf16>
          %get3A_682 = arith.index_cast %add3A_662 : i32 to index
          %get3A_683 = arith.constant 96 : index
          %get3A_684 = tpu.vector_load %arg9[%get3A_682, %get3A_683] {strides = array<i32>} : memref<240x128xbf16, #tpu.memory_space<vmem>>, vector<32xbf16>,
          %mul3A_685 = arith.mulf %get3A_684, %pack3A_666 : vector<32xbf16>
          %max3A_686 = arith.maximumf %max3A_658, %mul3A_685 : vector<32xbf16>
          %mul3A_687 = arith.constant 16 : i32
          %mul3A_688 = arith.muli %scan3A_338, %mul3A_687 : i32
          %add3A_689 = arith.constant 12 : i32
          %add3A_690 = arith.addi %mul3A_688, %add3A_689 : i32
          %slice3A_691 = vector.extract_strided_slice %mul3A_354 {offsets = [12], sizes = [1], strides = [1]} : vector<16xf32> to vector<1xf32>
          %squeeze3A_692 = vector.extract %slice3A_691[0] : f32 from vector<1xf32>
          %broadcast_in_dim3A_693 = vector.broadcast %squeeze3A_692 : f32 to vector<16xf32>
          %pack3A_694 = tpu.pack_subelements %broadcast_in_dim3A_693, %broadcast_in_dim3A_693 {pack_format = #tpu.pack_format<interleaved>, positions = array<i32: 0, 1>} : vector<16xf32>, vector<16xf32> -> vector<32xbf16>
          %get3A_695 = arith.index_cast %add3A_690 : i32 to index
          %get3A_696 = arith.constant 0 : index
          %get3A_697 = tpu.vector_load %arg9[%get3A_695, %get3A_696] {strides = array<i32>} : memref<240x128xbf16, #tpu.memory_space<vmem>>, vector<32xbf16>,
          %mul3A_698 = arith.mulf %get3A_697, %pack3A_694 : vector<32xbf16>
          %max3A_699 = arith.maximumf %max3A_671, %mul3A_698 : vector<32xbf16>
          %get3A_700 = arith.index_cast %add3A_690 : i32 to index
          %get3A_701 = arith.constant 32 : index
          %get3A_702 = tpu.vector_load %arg9[%get3A_700, %get3A_701] {strides = array<i32>} : memref<240x128xbf16, #tpu.memory_space<vmem>>, vector<32xbf16>,
          %mul3A_703 = arith.mulf %get3A_702, %pack3A_694 : vector<32xbf16>
          %max3A_704 = arith.maximumf %max3A_676, %mul3A_703 : vector<32xbf16>
          %get3A_705 = arith.index_cast %add3A_690 : i32 to index
          %get3A_706 = arith.constant 64 : index
          %get3A_707 = tpu.vector_load %arg9[%get3A_705, %get3A_706] {strides = array<i32>} : memref<240x128xbf16, #tpu.memory_space<vmem>>, vector<32xbf16>,
          %mul3A_708 = arith.mulf %get3A_707, %pack3A_694 : vector<32xbf16>
          %max3A_709 = arith.maximumf %max3A_681, %mul3A_708 : vector<32xbf16>
          %get3A_710 = arith.index_cast %add3A_690 : i32 to index
          %get3A_711 = arith.constant 96 : index
          %get3A_712 = tpu.vector_load %arg9[%get3A_710, %get3A_711] {strides = array<i32>} : memref<240x128xbf16, #tpu.memory_space<vmem>>, vector<32xbf16>,
          %mul3A_713 = arith.mulf %get3A_712, %pack3A_694 : vector<32xbf16>
          %max3A_714 = arith.maximumf %max3A_686, %mul3A_713 : vector<32xbf16>
          %mul3A_715 = arith.constant 16 : i32
          %mul3A_716 = arith.muli %scan3A_338, %mul3A_715 : i32
          %add3A_717 = arith.constant 13 : i32
          %add3A_718 = arith.addi %mul3A_716, %add3A_717 : i32
          %slice3A_719 = vector.extract_strided_slice %mul3A_354 {offsets = [13], sizes = [1], strides = [1]} : vector<16xf32> to vector<1xf32>
          %squeeze3A_720 = vector.extract %slice3A_719[0] : f32 from vector<1xf32>
          %broadcast_in_dim3A_721 = vector.broadcast %squeeze3A_720 : f32 to vector<16xf32>
          %pack3A_722 = tpu.pack_subelements %broadcast_in_dim3A_721, %broadcast_in_dim3A_721 {pack_format = #tpu.pack_format<interleaved>, positions = array<i32: 0, 1>} : vector<16xf32>, vector<16xf32> -> vector<32xbf16>
          %get3A_723 = arith.index_cast %add3A_718 : i32 to index
          %get3A_724 = arith.constant 0 : index
          %get3A_725 = tpu.vector_load %arg9[%get3A_723, %get3A_724] {strides = array<i32>} : memref<240x128xbf16, #tpu.memory_space<vmem>>, vector<32xbf16>,
          %mul3A_726 = arith.mulf %get3A_725, %pack3A_722 : vector<32xbf16>
          %max3A_727 = arith.maximumf %max3A_699, %mul3A_726 : vector<32xbf16>
          %get3A_728 = arith.index_cast %add3A_718 : i32 to index
          %get3A_729 = arith.constant 32 : index
          %get3A_730 = tpu.vector_load %arg9[%get3A_728, %get3A_729] {strides = array<i32>} : memref<240x128xbf16, #tpu.memory_space<vmem>>, vector<32xbf16>,
          %mul3A_731 = arith.mulf %get3A_730, %pack3A_722 : vector<32xbf16>
          %max3A_732 = arith.maximumf %max3A_704, %mul3A_731 : vector<32xbf16>
          %get3A_733 = arith.index_cast %add3A_718 : i32 to index
          %get3A_734 = arith.constant 64 : index
          %get3A_735 = tpu.vector_load %arg9[%get3A_733, %get3A_734] {strides = array<i32>} : memref<240x128xbf16, #tpu.memory_space<vmem>>, vector<32xbf16>,
          %mul3A_736 = arith.mulf %get3A_735, %pack3A_722 : vector<32xbf16>
          %max3A_737 = arith.maximumf %max3A_709, %mul3A_736 : vector<32xbf16>
          %get3A_738 = arith.index_cast %add3A_718 : i32 to index
          %get3A_739 = arith.constant 96 : index
          %get3A_740 = tpu.vector_load %arg9[%get3A_738, %get3A_739] {strides = array<i32>} : memref<240x128xbf16, #tpu.memory_space<vmem>>, vector<32xbf16>,
          %mul3A_741 = arith.mulf %get3A_740, %pack3A_722 : vector<32xbf16>
          %max3A_742 = arith.maximumf %max3A_714, %mul3A_741 : vector<32xbf16>
          %mul3A_743 = arith.constant 16 : i32
          %mul3A_744 = arith.muli %scan3A_338, %mul3A_743 : i32
          %add3A_745 = arith.constant 14 : i32
          %add3A_746 = arith.addi %mul3A_744, %add3A_745 : i32
          %slice3A_747 = vector.extract_strided_slice %mul3A_354 {offsets = [14], sizes = [1], strides = [1]} : vector<16xf32> to vector<1xf32>
          %squeeze3A_748 = vector.extract %slice3A_747[0] : f32 from vector<1xf32>
          %broadcast_in_dim3A_749 = vector.broadcast %squeeze3A_748 : f32 to vector<16xf32>
          %pack3A_750 = tpu.pack_subelements %broadcast_in_dim3A_749, %broadcast_in_dim3A_749 {pack_format = #tpu.pack_format<interleaved>, positions = array<i32: 0, 1>} : vector<16xf32>, vector<16xf32> -> vector<32xbf16>
          %get3A_751 = arith.index_cast %add3A_746 : i32 to index
          %get3A_752 = arith.constant 0 : index
          %get3A_753 = tpu.vector_load %arg9[%get3A_751, %get3A_752] {strides = array<i32>} : memref<240x128xbf16, #tpu.memory_space<vmem>>, vector<32xbf16>,
          %mul3A_754 = arith.mulf %get3A_753, %pack3A_750 : vector<32xbf16>
          %max3A_755 = arith.maximumf %max3A_727, %mul3A_754 : vector<32xbf16>
          %get3A_756 = arith.index_cast %add3A_746 : i32 to index
          %get3A_757 = arith.constant 32 : index
          %get3A_758 = tpu.vector_load %arg9[%get3A_756, %get3A_757] {strides = array<i32>} : memref<240x128xbf16, #tpu.memory_space<vmem>>, vector<32xbf16>,
          %mul3A_759 = arith.mulf %get3A_758, %pack3A_750 : vector<32xbf16>
          %max3A_760 = arith.maximumf %max3A_732, %mul3A_759 : vector<32xbf16>
          %get3A_761 = arith.index_cast %add3A_746 : i32 to index
          %get3A_762 = arith.constant 64 : index
          %get3A_763 = tpu.vector_load %arg9[%get3A_761, %get3A_762] {strides = array<i32>} : memref<240x128xbf16, #tpu.memory_space<vmem>>, vector<32xbf16>,
          %mul3A_764 = arith.mulf %get3A_763, %pack3A_750 : vector<32xbf16>
          %max3A_765 = arith.maximumf %max3A_737, %mul3A_764 : vector<32xbf16>
          %get3A_766 = arith.index_cast %add3A_746 : i32 to index
          %get3A_767 = arith.constant 96 : index
          %get3A_768 = tpu.vector_load %arg9[%get3A_766, %get3A_767] {strides = array<i32>} : memref<240x128xbf16, #tpu.memory_space<vmem>>, vector<32xbf16>,
          %mul3A_769 = arith.mulf %get3A_768, %pack3A_750 : vector<32xbf16>
          %max3A_770 = arith.maximumf %max3A_742, %mul3A_769 : vector<32xbf16>
          %mul3A_771 = arith.constant 16 : i32
          %mul3A_772 = arith.muli %scan3A_338, %mul3A_771 : i32
          %add3A_773 = arith.constant 15 : i32
          %add3A_774 = arith.addi %mul3A_772, %add3A_773 : i32
          %slice3A_775 = vector.extract_strided_slice %mul3A_354 {offsets = [15], sizes = [1], strides = [1]} : vector<16xf32> to vector<1xf32>
          %squeeze3A_776 = vector.extract %slice3A_775[0] : f32 from vector<1xf32>
          %broadcast_in_dim3A_777 = vector.broadcast %squeeze3A_776 : f32 to vector<16xf32>
          %pack3A_778 = tpu.pack_subelements %broadcast_in_dim3A_777, %broadcast_in_dim3A_777 {pack_format = #tpu.pack_format<interleaved>, positions = array<i32: 0, 1>} : vector<16xf32>, vector<16xf32> -> vector<32xbf16>
          %get3A_779 = arith.index_cast %add3A_774 : i32 to index
          %get3A_780 = arith.constant 0 : index
          %get3A_781 = tpu.vector_load %arg9[%get3A_779, %get3A_780] {strides = array<i32>} : memref<240x128xbf16, #tpu.memory_space<vmem>>, vector<32xbf16>,
          %mul3A_782 = arith.mulf %get3A_781, %pack3A_778 : vector<32xbf16>
          %max3A_783 = arith.maximumf %max3A_755, %mul3A_782 : vector<32xbf16>
          %get3A_784 = arith.index_cast %add3A_774 : i32 to index
          %get3A_785 = arith.constant 32 : index
          %get3A_786 = tpu.vector_load %arg9[%get3A_784, %get3A_785] {strides = array<i32>} : memref<240x128xbf16, #tpu.memory_space<vmem>>, vector<32xbf16>,
          %mul3A_787 = arith.mulf %get3A_786, %pack3A_778 : vector<32xbf16>
          %max3A_788 = arith.maximumf %max3A_760, %mul3A_787 : vector<32xbf16>
          %get3A_789 = arith.index_cast %add3A_774 : i32 to index
          %get3A_790 = arith.constant 64 : index
          %get3A_791 = tpu.vector_load %arg9[%get3A_789, %get3A_790] {strides = array<i32>} : memref<240x128xbf16, #tpu.memory_space<vmem>>, vector<32xbf16>,
          %mul3A_792 = arith.mulf %get3A_791, %pack3A_778 : vector<32xbf16>
          %max3A_793 = arith.maximumf %max3A_765, %mul3A_792 : vector<32xbf16>
          %get3A_794 = arith.index_cast %add3A_774 : i32 to index
          %get3A_795 = arith.constant 96 : index
          %get3A_796 = tpu.vector_load %arg9[%get3A_794, %get3A_795] {strides = array<i32>} : memref<240x128xbf16, #tpu.memory_space<vmem>>, vector<32xbf16>,
          %mul3A_797 = arith.mulf %get3A_796, %pack3A_778 : vector<32xbf16>
          %max3A_798 = arith.maximumf %max3A_770, %mul3A_797 : vector<32xbf16>
          scf.yield %max3A_783, %max3A_788, %max3A_793, %max3A_798 : vector<32xbf16>, vector<32xbf16>, vector<32xbf16>, vector<32xbf16>
        }
        %scan3A_173 = arith.constant 13 : i32
        %scan3A_174 = arith.constant 13 : i32
        %scan3A_175 = arith.constant 2 : i32
        %scan3A_176 = arith.addi %scan3A_174, %scan3A_175 : i32
        %scan3A_177 = arith.constant 1 : i32
        %scan3A_178:4 = scf.for %scan3A_338 = %scan3A_174 to %scan3A_176 step %scan3A_177 iter_args(%scan3A_339 = %broadcast_in_dim3A_3, %scan3A_340 = %broadcast_in_dim3A_3, %scan3A_341 = %broadcast_in_dim3A_3, %scan3A_342 = %broadcast_in_dim3A_3) -> (vector<32xbf16>, vector<32xbf16>, vector<32xbf16>, vector<32xbf16>)  : i32 {
          %mul3A_343 = arith.constant 240 : i32
          %mul3A_344 = arith.muli %add3A_140, %mul3A_343 : i32
          %mul3A_345 = arith.constant 16 : i32
          %mul3A_346 = arith.muli %scan3A_338, %mul3A_345 : i32
          %add3A_347 = arith.addi %mul3A_344, %mul3A_346 : i32
          %get3A = arith.index_cast %add3A_347 : i32 to index
          %get3A_348 = tpu.vector_load %arg6[%get3A] {strides = array<i32>} : memref<7680xi32, #tpu.memory_space<vmem>>, vector<16xi32>,
          %shift_right_logical3A = arith.constant 17 : i32
          %shift_right_logical3A_349 = vector.broadcast %shift_right_logical3A : i32 to vector<16xi32>
          %shift_right_logical3A_350 = arith.shrui %get3A_348, %shift_right_logical3A_349 : vector<16xi32>
          %convert_element_type3A_351 = arith.sitofp %shift_right_logical3A_350 : vector<16xi32> to vector<16xf32>
          %mul3A_352 = arith.constant 3.05185094E-5 : f32
          %mul3A_353 = vector.broadcast %mul3A_352 : f32 to vector<16xf32>
          %mul3A_354 = arith.mulf %convert_element_type3A_351, %mul3A_353 : vector<16xf32>
          %mul3A_355 = arith.constant 16 : i32
          %mul3A_356 = arith.muli %scan3A_338, %mul3A_355 : i32
          %add3A_357 = arith.constant 0 : i32
          %add3A_358 = arith.addi %mul3A_356, %add3A_357 : i32
          %slice3A = vector.extract_strided_slice %mul3A_354 {offsets = [0], sizes = [1], strides = [1]} : vector<16xf32> to vector<1xf32>
          %squeeze3A = vector.extract %slice3A[0] : f32 from vector<1xf32>
          %broadcast_in_dim3A_359 = vector.broadcast %squeeze3A : f32 to vector<16xf32>
          %pack3A = tpu.pack_subelements %broadcast_in_dim3A_359, %broadcast_in_dim3A_359 {pack_format = #tpu.pack_format<interleaved>, positions = array<i32: 0, 1>} : vector<16xf32>, vector<16xf32> -> vector<32xbf16>
          %get3A_360 = arith.index_cast %add3A_358 : i32 to index
          %get3A_361 = arith.constant 0 : index
          %get3A_362 = tpu.vector_load %arg9[%get3A_360, %get3A_361] {strides = array<i32>} : memref<240x128xbf16, #tpu.memory_space<vmem>>, vector<32xbf16>,
          %mul3A_363 = arith.mulf %get3A_362, %pack3A : vector<32xbf16>
          %max3A = arith.maximumf %scan3A_339, %mul3A_363 : vector<32xbf16>
          %get3A_364 = arith.index_cast %add3A_358 : i32 to index
          %get3A_365 = arith.constant 32 : index
          %get3A_366 = tpu.vector_load %arg9[%get3A_364, %get3A_365] {strides = array<i32>} : memref<240x128xbf16, #tpu.memory_space<vmem>>, vector<32xbf16>,
          %mul3A_367 = arith.mulf %get3A_366, %pack3A : vector<32xbf16>
          %max3A_368 = arith.maximumf %scan3A_340, %mul3A_367 : vector<32xbf16>
          %get3A_369 = arith.index_cast %add3A_358 : i32 to index
          %get3A_370 = arith.constant 64 : index
          %get3A_371 = tpu.vector_load %arg9[%get3A_369, %get3A_370] {strides = array<i32>} : memref<240x128xbf16, #tpu.memory_space<vmem>>, vector<32xbf16>,
          %mul3A_372 = arith.mulf %get3A_371, %pack3A : vector<32xbf16>
          %max3A_373 = arith.maximumf %scan3A_341, %mul3A_372 : vector<32xbf16>
          %get3A_374 = arith.index_cast %add3A_358 : i32 to index
          %get3A_375 = arith.constant 96 : index
          %get3A_376 = tpu.vector_load %arg9[%get3A_374, %get3A_375] {strides = array<i32>} : memref<240x128xbf16, #tpu.memory_space<vmem>>, vector<32xbf16>,
          %mul3A_377 = arith.mulf %get3A_376, %pack3A : vector<32xbf16>
          %max3A_378 = arith.maximumf %scan3A_342, %mul3A_377 : vector<32xbf16>
          %mul3A_379 = arith.constant 16 : i32
          %mul3A_380 = arith.muli %scan3A_338, %mul3A_379 : i32
          %add3A_381 = arith.constant 1 : i32
          %add3A_382 = arith.addi %mul3A_380, %add3A_381 : i32
          %slice3A_383 = vector.extract_strided_slice %mul3A_354 {offsets = [1], sizes = [1], strides = [1]} : vector<16xf32> to vector<1xf32>
          %squeeze3A_384 = vector.extract %slice3A_383[0] : f32 from vector<1xf32>
          %broadcast_in_dim3A_385 = vector.broadcast %squeeze3A_384 : f32 to vector<16xf32>
          %pack3A_386 = tpu.pack_subelements %broadcast_in_dim3A_385, %broadcast_in_dim3A_385 {pack_format = #tpu.pack_format<interleaved>, positions = array<i32: 0, 1>} : vector<16xf32>, vector<16xf32> -> vector<32xbf16>
          %get3A_387 = arith.index_cast %add3A_382 : i32 to index
          %get3A_388 = arith.constant 0 : index
          %get3A_389 = tpu.vector_load %arg9[%get3A_387, %get3A_388] {strides = array<i32>} : memref<240x128xbf16, #tpu.memory_space<vmem>>, vector<32xbf16>,
          %mul3A_390 = arith.mulf %get3A_389, %pack3A_386 : vector<32xbf16>
          %max3A_391 = arith.maximumf %max3A, %mul3A_390 : vector<32xbf16>
          %get3A_392 = arith.index_cast %add3A_382 : i32 to index
          %get3A_393 = arith.constant 32 : index
          %get3A_394 = tpu.vector_load %arg9[%get3A_392, %get3A_393] {strides = array<i32>} : memref<240x128xbf16, #tpu.memory_space<vmem>>, vector<32xbf16>,
          %mul3A_395 = arith.mulf %get3A_394, %pack3A_386 : vector<32xbf16>
          %max3A_396 = arith.maximumf %max3A_368, %mul3A_395 : vector<32xbf16>
          %get3A_397 = arith.index_cast %add3A_382 : i32 to index
          %get3A_398 = arith.constant 64 : index
          %get3A_399 = tpu.vector_load %arg9[%get3A_397, %get3A_398] {strides = array<i32>} : memref<240x128xbf16, #tpu.memory_space<vmem>>, vector<32xbf16>,
          %mul3A_400 = arith.mulf %get3A_399, %pack3A_386 : vector<32xbf16>
          %max3A_401 = arith.maximumf %max3A_373, %mul3A_400 : vector<32xbf16>
          %get3A_402 = arith.index_cast %add3A_382 : i32 to index
          %get3A_403 = arith.constant 96 : index
          %get3A_404 = tpu.vector_load %arg9[%get3A_402, %get3A_403] {strides = array<i32>} : memref<240x128xbf16, #tpu.memory_space<vmem>>, vector<32xbf16>,
          %mul3A_405 = arith.mulf %get3A_404, %pack3A_386 : vector<32xbf16>
          %max3A_406 = arith.maximumf %max3A_378, %mul3A_405 : vector<32xbf16>
          %mul3A_407 = arith.constant 16 : i32
          %mul3A_408 = arith.muli %scan3A_338, %mul3A_407 : i32
          %add3A_409 = arith.constant 2 : i32
          %add3A_410 = arith.addi %mul3A_408, %add3A_409 : i32
          %slice3A_411 = vector.extract_strided_slice %mul3A_354 {offsets = [2], sizes = [1], strides = [1]} : vector<16xf32> to vector<1xf32>
          %squeeze3A_412 = vector.extract %slice3A_411[0] : f32 from vector<1xf32>
          %broadcast_in_dim3A_413 = vector.broadcast %squeeze3A_412 : f32 to vector<16xf32>
          %pack3A_414 = tpu.pack_subelements %broadcast_in_dim3A_413, %broadcast_in_dim3A_413 {pack_format = #tpu.pack_format<interleaved>, positions = array<i32: 0, 1>} : vector<16xf32>, vector<16xf32> -> vector<32xbf16>
          %get3A_415 = arith.index_cast %add3A_410 : i32 to index
          %get3A_416 = arith.constant 0 : index
          %get3A_417 = tpu.vector_load %arg9[%get3A_415, %get3A_416] {strides = array<i32>} : memref<240x128xbf16, #tpu.memory_space<vmem>>, vector<32xbf16>,
          %mul3A_418 = arith.mulf %get3A_417, %pack3A_414 : vector<32xbf16>
          %max3A_419 = arith.maximumf %max3A_391, %mul3A_418 : vector<32xbf16>
          %get3A_420 = arith.index_cast %add3A_410 : i32 to index
          %get3A_421 = arith.constant 32 : index
          %get3A_422 = tpu.vector_load %arg9[%get3A_420, %get3A_421] {strides = array<i32>} : memref<240x128xbf16, #tpu.memory_space<vmem>>, vector<32xbf16>,
          %mul3A_423 = arith.mulf %get3A_422, %pack3A_414 : vector<32xbf16>
          %max3A_424 = arith.maximumf %max3A_396, %mul3A_423 : vector<32xbf16>
          %get3A_425 = arith.index_cast %add3A_410 : i32 to index
          %get3A_426 = arith.constant 64 : index
          %get3A_427 = tpu.vector_load %arg9[%get3A_425, %get3A_426] {strides = array<i32>} : memref<240x128xbf16, #tpu.memory_space<vmem>>, vector<32xbf16>,
          %mul3A_428 = arith.mulf %get3A_427, %pack3A_414 : vector<32xbf16>
          %max3A_429 = arith.maximumf %max3A_401, %mul3A_428 : vector<32xbf16>
          %get3A_430 = arith.index_cast %add3A_410 : i32 to index
          %get3A_431 = arith.constant 96 : index
          %get3A_432 = tpu.vector_load %arg9[%get3A_430, %get3A_431] {strides = array<i32>} : memref<240x128xbf16, #tpu.memory_space<vmem>>, vector<32xbf16>,
          %mul3A_433 = arith.mulf %get3A_432, %pack3A_414 : vector<32xbf16>
          %max3A_434 = arith.maximumf %max3A_406, %mul3A_433 : vector<32xbf16>
          %mul3A_435 = arith.constant 16 : i32
          %mul3A_436 = arith.muli %scan3A_338, %mul3A_435 : i32
          %add3A_437 = arith.constant 3 : i32
          %add3A_438 = arith.addi %mul3A_436, %add3A_437 : i32
          %slice3A_439 = vector.extract_strided_slice %mul3A_354 {offsets = [3], sizes = [1], strides = [1]} : vector<16xf32> to vector<1xf32>
          %squeeze3A_440 = vector.extract %slice3A_439[0] : f32 from vector<1xf32>
          %broadcast_in_dim3A_441 = vector.broadcast %squeeze3A_440 : f32 to vector<16xf32>
          %pack3A_442 = tpu.pack_subelements %broadcast_in_dim3A_441, %broadcast_in_dim3A_441 {pack_format = #tpu.pack_format<interleaved>, positions = array<i32: 0, 1>} : vector<16xf32>, vector<16xf32> -> vector<32xbf16>
          %get3A_443 = arith.index_cast %add3A_438 : i32 to index
          %get3A_444 = arith.constant 0 : index
          %get3A_445 = tpu.vector_load %arg9[%get3A_443, %get3A_444] {strides = array<i32>} : memref<240x128xbf16, #tpu.memory_space<vmem>>, vector<32xbf16>,
          %mul3A_446 = arith.mulf %get3A_445, %pack3A_442 : vector<32xbf16>
          %max3A_447 = arith.maximumf %max3A_419, %mul3A_446 : vector<32xbf16>
          %get3A_448 = arith.index_cast %add3A_438 : i32 to index
          %get3A_449 = arith.constant 32 : index
          %get3A_450 = tpu.vector_load %arg9[%get3A_448, %get3A_449] {strides = array<i32>} : memref<240x128xbf16, #tpu.memory_space<vmem>>, vector<32xbf16>,
          %mul3A_451 = arith.mulf %get3A_450, %pack3A_442 : vector<32xbf16>
          %max3A_452 = arith.maximumf %max3A_424, %mul3A_451 : vector<32xbf16>
          %get3A_453 = arith.index_cast %add3A_438 : i32 to index
          %get3A_454 = arith.constant 64 : index
          %get3A_455 = tpu.vector_load %arg9[%get3A_453, %get3A_454] {strides = array<i32>} : memref<240x128xbf16, #tpu.memory_space<vmem>>, vector<32xbf16>,
          %mul3A_456 = arith.mulf %get3A_455, %pack3A_442 : vector<32xbf16>
          %max3A_457 = arith.maximumf %max3A_429, %mul3A_456 : vector<32xbf16>
          %get3A_458 = arith.index_cast %add3A_438 : i32 to index
          %get3A_459 = arith.constant 96 : index
          %get3A_460 = tpu.vector_load %arg9[%get3A_458, %get3A_459] {strides = array<i32>} : memref<240x128xbf16, #tpu.memory_space<vmem>>, vector<32xbf16>,
          %mul3A_461 = arith.mulf %get3A_460, %pack3A_442 : vector<32xbf16>
          %max3A_462 = arith.maximumf %max3A_434, %mul3A_461 : vector<32xbf16>
          %mul3A_463 = arith.constant 16 : i32
          %mul3A_464 = arith.muli %scan3A_338, %mul3A_463 : i32
          %add3A_465 = arith.constant 4 : i32
          %add3A_466 = arith.addi %mul3A_464, %add3A_465 : i32
          %slice3A_467 = vector.extract_strided_slice %mul3A_354 {offsets = [4], sizes = [1], strides = [1]} : vector<16xf32> to vector<1xf32>
          %squeeze3A_468 = vector.extract %slice3A_467[0] : f32 from vector<1xf32>
          %broadcast_in_dim3A_469 = vector.broadcast %squeeze3A_468 : f32 to vector<16xf32>
          %pack3A_470 = tpu.pack_subelements %broadcast_in_dim3A_469, %broadcast_in_dim3A_469 {pack_format = #tpu.pack_format<interleaved>, positions = array<i32: 0, 1>} : vector<16xf32>, vector<16xf32> -> vector<32xbf16>
          %get3A_471 = arith.index_cast %add3A_466 : i32 to index
          %get3A_472 = arith.constant 0 : index
          %get3A_473 = tpu.vector_load %arg9[%get3A_471, %get3A_472] {strides = array<i32>} : memref<240x128xbf16, #tpu.memory_space<vmem>>, vector<32xbf16>,
          %mul3A_474 = arith.mulf %get3A_473, %pack3A_470 : vector<32xbf16>
          %max3A_475 = arith.maximumf %max3A_447, %mul3A_474 : vector<32xbf16>
          %get3A_476 = arith.index_cast %add3A_466 : i32 to index
          %get3A_477 = arith.constant 32 : index
          %get3A_478 = tpu.vector_load %arg9[%get3A_476, %get3A_477] {strides = array<i32>} : memref<240x128xbf16, #tpu.memory_space<vmem>>, vector<32xbf16>,
          %mul3A_479 = arith.mulf %get3A_478, %pack3A_470 : vector<32xbf16>
          %max3A_480 = arith.maximumf %max3A_452, %mul3A_479 : vector<32xbf16>
          %get3A_481 = arith.index_cast %add3A_466 : i32 to index
          %get3A_482 = arith.constant 64 : index
          %get3A_483 = tpu.vector_load %arg9[%get3A_481, %get3A_482] {strides = array<i32>} : memref<240x128xbf16, #tpu.memory_space<vmem>>, vector<32xbf16>,
          %mul3A_484 = arith.mulf %get3A_483, %pack3A_470 : vector<32xbf16>
          %max3A_485 = arith.maximumf %max3A_457, %mul3A_484 : vector<32xbf16>
          %get3A_486 = arith.index_cast %add3A_466 : i32 to index
          %get3A_487 = arith.constant 96 : index
          %get3A_488 = tpu.vector_load %arg9[%get3A_486, %get3A_487] {strides = array<i32>} : memref<240x128xbf16, #tpu.memory_space<vmem>>, vector<32xbf16>,
          %mul3A_489 = arith.mulf %get3A_488, %pack3A_470 : vector<32xbf16>
          %max3A_490 = arith.maximumf %max3A_462, %mul3A_489 : vector<32xbf16>
          %mul3A_491 = arith.constant 16 : i32
          %mul3A_492 = arith.muli %scan3A_338, %mul3A_491 : i32
          %add3A_493 = arith.constant 5 : i32
          %add3A_494 = arith.addi %mul3A_492, %add3A_493 : i32
          %slice3A_495 = vector.extract_strided_slice %mul3A_354 {offsets = [5], sizes = [1], strides = [1]} : vector<16xf32> to vector<1xf32>
          %squeeze3A_496 = vector.extract %slice3A_495[0] : f32 from vector<1xf32>
          %broadcast_in_dim3A_497 = vector.broadcast %squeeze3A_496 : f32 to vector<16xf32>
          %pack3A_498 = tpu.pack_subelements %broadcast_in_dim3A_497, %broadcast_in_dim3A_497 {pack_format = #tpu.pack_format<interleaved>, positions = array<i32: 0, 1>} : vector<16xf32>, vector<16xf32> -> vector<32xbf16>
          %get3A_499 = arith.index_cast %add3A_494 : i32 to index
          %get3A_500 = arith.constant 0 : index
          %get3A_501 = tpu.vector_load %arg9[%get3A_499, %get3A_500] {strides = array<i32>} : memref<240x128xbf16, #tpu.memory_space<vmem>>, vector<32xbf16>,
          %mul3A_502 = arith.mulf %get3A_501, %pack3A_498 : vector<32xbf16>
          %max3A_503 = arith.maximumf %max3A_475, %mul3A_502 : vector<32xbf16>
          %get3A_504 = arith.index_cast %add3A_494 : i32 to index
          %get3A_505 = arith.constant 32 : index
          %get3A_506 = tpu.vector_load %arg9[%get3A_504, %get3A_505] {strides = array<i32>} : memref<240x128xbf16, #tpu.memory_space<vmem>>, vector<32xbf16>,
          %mul3A_507 = arith.mulf %get3A_506, %pack3A_498 : vector<32xbf16>
          %max3A_508 = arith.maximumf %max3A_480, %mul3A_507 : vector<32xbf16>
          %get3A_509 = arith.index_cast %add3A_494 : i32 to index
          %get3A_510 = arith.constant 64 : index
          %get3A_511 = tpu.vector_load %arg9[%get3A_509, %get3A_510] {strides = array<i32>} : memref<240x128xbf16, #tpu.memory_space<vmem>>, vector<32xbf16>,
          %mul3A_512 = arith.mulf %get3A_511, %pack3A_498 : vector<32xbf16>
          %max3A_513 = arith.maximumf %max3A_485, %mul3A_512 : vector<32xbf16>
          %get3A_514 = arith.index_cast %add3A_494 : i32 to index
          %get3A_515 = arith.constant 96 : index
          %get3A_516 = tpu.vector_load %arg9[%get3A_514, %get3A_515] {strides = array<i32>} : memref<240x128xbf16, #tpu.memory_space<vmem>>, vector<32xbf16>,
          %mul3A_517 = arith.mulf %get3A_516, %pack3A_498 : vector<32xbf16>
          %max3A_518 = arith.maximumf %max3A_490, %mul3A_517 : vector<32xbf16>
          %mul3A_519 = arith.constant 16 : i32
          %mul3A_520 = arith.muli %scan3A_338, %mul3A_519 : i32
          %add3A_521 = arith.constant 6 : i32
          %add3A_522 = arith.addi %mul3A_520, %add3A_521 : i32
          %slice3A_523 = vector.extract_strided_slice %mul3A_354 {offsets = [6], sizes = [1], strides = [1]} : vector<16xf32> to vector<1xf32>
          %squeeze3A_524 = vector.extract %slice3A_523[0] : f32 from vector<1xf32>
          %broadcast_in_dim3A_525 = vector.broadcast %squeeze3A_524 : f32 to vector<16xf32>
          %pack3A_526 = tpu.pack_subelements %broadcast_in_dim3A_525, %broadcast_in_dim3A_525 {pack_format = #tpu.pack_format<interleaved>, positions = array<i32: 0, 1>} : vector<16xf32>, vector<16xf32> -> vector<32xbf16>
          %get3A_527 = arith.index_cast %add3A_522 : i32 to index
          %get3A_528 = arith.constant 0 : index
          %get3A_529 = tpu.vector_load %arg9[%get3A_527, %get3A_528] {strides = array<i32>} : memref<240x128xbf16, #tpu.memory_space<vmem>>, vector<32xbf16>,
          %mul3A_530 = arith.mulf %get3A_529, %pack3A_526 : vector<32xbf16>
          %max3A_531 = arith.maximumf %max3A_503, %mul3A_530 : vector<32xbf16>
          %get3A_532 = arith.index_cast %add3A_522 : i32 to index
          %get3A_533 = arith.constant 32 : index
          %get3A_534 = tpu.vector_load %arg9[%get3A_532, %get3A_533] {strides = array<i32>} : memref<240x128xbf16, #tpu.memory_space<vmem>>, vector<32xbf16>,
          %mul3A_535 = arith.mulf %get3A_534, %pack3A_526 : vector<32xbf16>
          %max3A_536 = arith.maximumf %max3A_508, %mul3A_535 : vector<32xbf16>
          %get3A_537 = arith.index_cast %add3A_522 : i32 to index
          %get3A_538 = arith.constant 64 : index
          %get3A_539 = tpu.vector_load %arg9[%get3A_537, %get3A_538] {strides = array<i32>} : memref<240x128xbf16, #tpu.memory_space<vmem>>, vector<32xbf16>,
          %mul3A_540 = arith.mulf %get3A_539, %pack3A_526 : vector<32xbf16>
          %max3A_541 = arith.maximumf %max3A_513, %mul3A_540 : vector<32xbf16>
          %get3A_542 = arith.index_cast %add3A_522 : i32 to index
          %get3A_543 = arith.constant 96 : index
          %get3A_544 = tpu.vector_load %arg9[%get3A_542, %get3A_543] {strides = array<i32>} : memref<240x128xbf16, #tpu.memory_space<vmem>>, vector<32xbf16>,
          %mul3A_545 = arith.mulf %get3A_544, %pack3A_526 : vector<32xbf16>
          %max3A_546 = arith.maximumf %max3A_518, %mul3A_545 : vector<32xbf16>
          %mul3A_547 = arith.constant 16 : i32
          %mul3A_548 = arith.muli %scan3A_338, %mul3A_547 : i32
          %add3A_549 = arith.constant 7 : i32
          %add3A_550 = arith.addi %mul3A_548, %add3A_549 : i32
          %slice3A_551 = vector.extract_strided_slice %mul3A_354 {offsets = [7], sizes = [1], strides = [1]} : vector<16xf32> to vector<1xf32>
          %squeeze3A_552 = vector.extract %slice3A_551[0] : f32 from vector<1xf32>
          %broadcast_in_dim3A_553 = vector.broadcast %squeeze3A_552 : f32 to vector<16xf32>
          %pack3A_554 = tpu.pack_subelements %broadcast_in_dim3A_553, %broadcast_in_dim3A_553 {pack_format = #tpu.pack_format<interleaved>, positions = array<i32: 0, 1>} : vector<16xf32>, vector<16xf32> -> vector<32xbf16>
          %get3A_555 = arith.index_cast %add3A_550 : i32 to index
          %get3A_556 = arith.constant 0 : index
          %get3A_557 = tpu.vector_load %arg9[%get3A_555, %get3A_556] {strides = array<i32>} : memref<240x128xbf16, #tpu.memory_space<vmem>>, vector<32xbf16>,
          %mul3A_558 = arith.mulf %get3A_557, %pack3A_554 : vector<32xbf16>
          %max3A_559 = arith.maximumf %max3A_531, %mul3A_558 : vector<32xbf16>
          %get3A_560 = arith.index_cast %add3A_550 : i32 to index
          %get3A_561 = arith.constant 32 : index
          %get3A_562 = tpu.vector_load %arg9[%get3A_560, %get3A_561] {strides = array<i32>} : memref<240x128xbf16, #tpu.memory_space<vmem>>, vector<32xbf16>,
          %mul3A_563 = arith.mulf %get3A_562, %pack3A_554 : vector<32xbf16>
          %max3A_564 = arith.maximumf %max3A_536, %mul3A_563 : vector<32xbf16>
          %get3A_565 = arith.index_cast %add3A_550 : i32 to index
          %get3A_566 = arith.constant 64 : index
          %get3A_567 = tpu.vector_load %arg9[%get3A_565, %get3A_566] {strides = array<i32>} : memref<240x128xbf16, #tpu.memory_space<vmem>>, vector<32xbf16>,
          %mul3A_568 = arith.mulf %get3A_567, %pack3A_554 : vector<32xbf16>
          %max3A_569 = arith.maximumf %max3A_541, %mul3A_568 : vector<32xbf16>
          %get3A_570 = arith.index_cast %add3A_550 : i32 to index
          %get3A_571 = arith.constant 96 : index
          %get3A_572 = tpu.vector_load %arg9[%get3A_570, %get3A_571] {strides = array<i32>} : memref<240x128xbf16, #tpu.memory_space<vmem>>, vector<32xbf16>,
          %mul3A_573 = arith.mulf %get3A_572, %pack3A_554 : vector<32xbf16>
          %max3A_574 = arith.maximumf %max3A_546, %mul3A_573 : vector<32xbf16>
          %mul3A_575 = arith.constant 16 : i32
          %mul3A_576 = arith.muli %scan3A_338, %mul3A_575 : i32
          %add3A_577 = arith.constant 8 : i32
          %add3A_578 = arith.addi %mul3A_576, %add3A_577 : i32
          %slice3A_579 = vector.extract_strided_slice %mul3A_354 {offsets = [8], sizes = [1], strides = [1]} : vector<16xf32> to vector<1xf32>
          %squeeze3A_580 = vector.extract %slice3A_579[0] : f32 from vector<1xf32>
          %broadcast_in_dim3A_581 = vector.broadcast %squeeze3A_580 : f32 to vector<16xf32>
          %pack3A_582 = tpu.pack_subelements %broadcast_in_dim3A_581, %broadcast_in_dim3A_581 {pack_format = #tpu.pack_format<interleaved>, positions = array<i32: 0, 1>} : vector<16xf32>, vector<16xf32> -> vector<32xbf16>
          %get3A_583 = arith.index_cast %add3A_578 : i32 to index
          %get3A_584 = arith.constant 0 : index
          %get3A_585 = tpu.vector_load %arg9[%get3A_583, %get3A_584] {strides = array<i32>} : memref<240x128xbf16, #tpu.memory_space<vmem>>, vector<32xbf16>,
          %mul3A_586 = arith.mulf %get3A_585, %pack3A_582 : vector<32xbf16>
          %max3A_587 = arith.maximumf %max3A_559, %mul3A_586 : vector<32xbf16>
          %get3A_588 = arith.index_cast %add3A_578 : i32 to index
          %get3A_589 = arith.constant 32 : index
          %get3A_590 = tpu.vector_load %arg9[%get3A_588, %get3A_589] {strides = array<i32>} : memref<240x128xbf16, #tpu.memory_space<vmem>>, vector<32xbf16>,
          %mul3A_591 = arith.mulf %get3A_590, %pack3A_582 : vector<32xbf16>
          %max3A_592 = arith.maximumf %max3A_564, %mul3A_591 : vector<32xbf16>
          %get3A_593 = arith.index_cast %add3A_578 : i32 to index
          %get3A_594 = arith.constant 64 : index
          %get3A_595 = tpu.vector_load %arg9[%get3A_593, %get3A_594] {strides = array<i32>} : memref<240x128xbf16, #tpu.memory_space<vmem>>, vector<32xbf16>,
          %mul3A_596 = arith.mulf %get3A_595, %pack3A_582 : vector<32xbf16>
          %max3A_597 = arith.maximumf %max3A_569, %mul3A_596 : vector<32xbf16>
          %get3A_598 = arith.index_cast %add3A_578 : i32 to index
          %get3A_599 = arith.constant 96 : index
          %get3A_600 = tpu.vector_load %arg9[%get3A_598, %get3A_599] {strides = array<i32>} : memref<240x128xbf16, #tpu.memory_space<vmem>>, vector<32xbf16>,
          %mul3A_601 = arith.mulf %get3A_600, %pack3A_582 : vector<32xbf16>
          %max3A_602 = arith.maximumf %max3A_574, %mul3A_601 : vector<32xbf16>
          %mul3A_603 = arith.constant 16 : i32
          %mul3A_604 = arith.muli %scan3A_338, %mul3A_603 : i32
          %add3A_605 = arith.constant 9 : i32
          %add3A_606 = arith.addi %mul3A_604, %add3A_605 : i32
          %slice3A_607 = vector.extract_strided_slice %mul3A_354 {offsets = [9], sizes = [1], strides = [1]} : vector<16xf32> to vector<1xf32>
          %squeeze3A_608 = vector.extract %slice3A_607[0] : f32 from vector<1xf32>
          %broadcast_in_dim3A_609 = vector.broadcast %squeeze3A_608 : f32 to vector<16xf32>
          %pack3A_610 = tpu.pack_subelements %broadcast_in_dim3A_609, %broadcast_in_dim3A_609 {pack_format = #tpu.pack_format<interleaved>, positions = array<i32: 0, 1>} : vector<16xf32>, vector<16xf32> -> vector<32xbf16>
          %get3A_611 = arith.index_cast %add3A_606 : i32 to index
          %get3A_612 = arith.constant 0 : index
          %get3A_613 = tpu.vector_load %arg9[%get3A_611, %get3A_612] {strides = array<i32>} : memref<240x128xbf16, #tpu.memory_space<vmem>>, vector<32xbf16>,
          %mul3A_614 = arith.mulf %get3A_613, %pack3A_610 : vector<32xbf16>
          %max3A_615 = arith.maximumf %max3A_587, %mul3A_614 : vector<32xbf16>
          %get3A_616 = arith.index_cast %add3A_606 : i32 to index
          %get3A_617 = arith.constant 32 : index
          %get3A_618 = tpu.vector_load %arg9[%get3A_616, %get3A_617] {strides = array<i32>} : memref<240x128xbf16, #tpu.memory_space<vmem>>, vector<32xbf16>,
          %mul3A_619 = arith.mulf %get3A_618, %pack3A_610 : vector<32xbf16>
          %max3A_620 = arith.maximumf %max3A_592, %mul3A_619 : vector<32xbf16>
          %get3A_621 = arith.index_cast %add3A_606 : i32 to index
          %get3A_622 = arith.constant 64 : index
          %get3A_623 = tpu.vector_load %arg9[%get3A_621, %get3A_622] {strides = array<i32>} : memref<240x128xbf16, #tpu.memory_space<vmem>>, vector<32xbf16>,
          %mul3A_624 = arith.mulf %get3A_623, %pack3A_610 : vector<32xbf16>
          %max3A_625 = arith.maximumf %max3A_597, %mul3A_624 : vector<32xbf16>
          %get3A_626 = arith.index_cast %add3A_606 : i32 to index
          %get3A_627 = arith.constant 96 : index
          %get3A_628 = tpu.vector_load %arg9[%get3A_626, %get3A_627] {strides = array<i32>} : memref<240x128xbf16, #tpu.memory_space<vmem>>, vector<32xbf16>,
          %mul3A_629 = arith.mulf %get3A_628, %pack3A_610 : vector<32xbf16>
          %max3A_630 = arith.maximumf %max3A_602, %mul3A_629 : vector<32xbf16>
          %mul3A_631 = arith.constant 16 : i32
          %mul3A_632 = arith.muli %scan3A_338, %mul3A_631 : i32
          %add3A_633 = arith.constant 10 : i32
          %add3A_634 = arith.addi %mul3A_632, %add3A_633 : i32
          %slice3A_635 = vector.extract_strided_slice %mul3A_354 {offsets = [10], sizes = [1], strides = [1]} : vector<16xf32> to vector<1xf32>
          %squeeze3A_636 = vector.extract %slice3A_635[0] : f32 from vector<1xf32>
          %broadcast_in_dim3A_637 = vector.broadcast %squeeze3A_636 : f32 to vector<16xf32>
          %pack3A_638 = tpu.pack_subelements %broadcast_in_dim3A_637, %broadcast_in_dim3A_637 {pack_format = #tpu.pack_format<interleaved>, positions = array<i32: 0, 1>} : vector<16xf32>, vector<16xf32> -> vector<32xbf16>
          %get3A_639 = arith.index_cast %add3A_634 : i32 to index
          %get3A_640 = arith.constant 0 : index
          %get3A_641 = tpu.vector_load %arg9[%get3A_639, %get3A_640] {strides = array<i32>} : memref<240x128xbf16, #tpu.memory_space<vmem>>, vector<32xbf16>,
          %mul3A_642 = arith.mulf %get3A_641, %pack3A_638 : vector<32xbf16>
          %max3A_643 = arith.maximumf %max3A_615, %mul3A_642 : vector<32xbf16>
          %get3A_644 = arith.index_cast %add3A_634 : i32 to index
          %get3A_645 = arith.constant 32 : index
          %get3A_646 = tpu.vector_load %arg9[%get3A_644, %get3A_645] {strides = array<i32>} : memref<240x128xbf16, #tpu.memory_space<vmem>>, vector<32xbf16>,
          %mul3A_647 = arith.mulf %get3A_646, %pack3A_638 : vector<32xbf16>
          %max3A_648 = arith.maximumf %max3A_620, %mul3A_647 : vector<32xbf16>
          %get3A_649 = arith.index_cast %add3A_634 : i32 to index
          %get3A_650 = arith.constant 64 : index
          %get3A_651 = tpu.vector_load %arg9[%get3A_649, %get3A_650] {strides = array<i32>} : memref<240x128xbf16, #tpu.memory_space<vmem>>, vector<32xbf16>,
          %mul3A_652 = arith.mulf %get3A_651, %pack3A_638 : vector<32xbf16>
          %max3A_653 = arith.maximumf %max3A_625, %mul3A_652 : vector<32xbf16>
          %get3A_654 = arith.index_cast %add3A_634 : i32 to index
          %get3A_655 = arith.constant 96 : index
          %get3A_656 = tpu.vector_load %arg9[%get3A_654, %get3A_655] {strides = array<i32>} : memref<240x128xbf16, #tpu.memory_space<vmem>>, vector<32xbf16>,
          %mul3A_657 = arith.mulf %get3A_656, %pack3A_638 : vector<32xbf16>
          %max3A_658 = arith.maximumf %max3A_630, %mul3A_657 : vector<32xbf16>
          %mul3A_659 = arith.constant 16 : i32
          %mul3A_660 = arith.muli %scan3A_338, %mul3A_659 : i32
          %add3A_661 = arith.constant 11 : i32
          %add3A_662 = arith.addi %mul3A_660, %add3A_661 : i32
          %slice3A_663 = vector.extract_strided_slice %mul3A_354 {offsets = [11], sizes = [1], strides = [1]} : vector<16xf32> to vector<1xf32>
          %squeeze3A_664 = vector.extract %slice3A_663[0] : f32 from vector<1xf32>
          %broadcast_in_dim3A_665 = vector.broadcast %squeeze3A_664 : f32 to vector<16xf32>
          %pack3A_666 = tpu.pack_subelements %broadcast_in_dim3A_665, %broadcast_in_dim3A_665 {pack_format = #tpu.pack_format<interleaved>, positions = array<i32: 0, 1>} : vector<16xf32>, vector<16xf32> -> vector<32xbf16>
          %get3A_667 = arith.index_cast %add3A_662 : i32 to index
          %get3A_668 = arith.constant 0 : index
          %get3A_669 = tpu.vector_load %arg9[%get3A_667, %get3A_668] {strides = array<i32>} : memref<240x128xbf16, #tpu.memory_space<vmem>>, vector<32xbf16>,
          %mul3A_670 = arith.mulf %get3A_669, %pack3A_666 : vector<32xbf16>
          %max3A_671 = arith.maximumf %max3A_643, %mul3A_670 : vector<32xbf16>
          %get3A_672 = arith.index_cast %add3A_662 : i32 to index
          %get3A_673 = arith.constant 32 : index
          %get3A_674 = tpu.vector_load %arg9[%get3A_672, %get3A_673] {strides = array<i32>} : memref<240x128xbf16, #tpu.memory_space<vmem>>, vector<32xbf16>,
          %mul3A_675 = arith.mulf %get3A_674, %pack3A_666 : vector<32xbf16>
          %max3A_676 = arith.maximumf %max3A_648, %mul3A_675 : vector<32xbf16>
          %get3A_677 = arith.index_cast %add3A_662 : i32 to index
          %get3A_678 = arith.constant 64 : index
          %get3A_679 = tpu.vector_load %arg9[%get3A_677, %get3A_678] {strides = array<i32>} : memref<240x128xbf16, #tpu.memory_space<vmem>>, vector<32xbf16>,
          %mul3A_680 = arith.mulf %get3A_679, %pack3A_666 : vector<32xbf16>
          %max3A_681 = arith.maximumf %max3A_653, %mul3A_680 : vector<32xbf16>
          %get3A_682 = arith.index_cast %add3A_662 : i32 to index
          %get3A_683 = arith.constant 96 : index
          %get3A_684 = tpu.vector_load %arg9[%get3A_682, %get3A_683] {strides = array<i32>} : memref<240x128xbf16, #tpu.memory_space<vmem>>, vector<32xbf16>,
          %mul3A_685 = arith.mulf %get3A_684, %pack3A_666 : vector<32xbf16>
          %max3A_686 = arith.maximumf %max3A_658, %mul3A_685 : vector<32xbf16>
          %mul3A_687 = arith.constant 16 : i32
          %mul3A_688 = arith.muli %scan3A_338, %mul3A_687 : i32
          %add3A_689 = arith.constant 12 : i32
          %add3A_690 = arith.addi %mul3A_688, %add3A_689 : i32
          %slice3A_691 = vector.extract_strided_slice %mul3A_354 {offsets = [12], sizes = [1], strides = [1]} : vector<16xf32> to vector<1xf32>
          %squeeze3A_692 = vector.extract %slice3A_691[0] : f32 from vector<1xf32>
          %broadcast_in_dim3A_693 = vector.broadcast %squeeze3A_692 : f32 to vector<16xf32>
          %pack3A_694 = tpu.pack_subelements %broadcast_in_dim3A_693, %broadcast_in_dim3A_693 {pack_format = #tpu.pack_format<interleaved>, positions = array<i32: 0, 1>} : vector<16xf32>, vector<16xf32> -> vector<32xbf16>
          %get3A_695 = arith.index_cast %add3A_690 : i32 to index
          %get3A_696 = arith.constant 0 : index
          %get3A_697 = tpu.vector_load %arg9[%get3A_695, %get3A_696] {strides = array<i32>} : memref<240x128xbf16, #tpu.memory_space<vmem>>, vector<32xbf16>,
          %mul3A_698 = arith.mulf %get3A_697, %pack3A_694 : vector<32xbf16>
          %max3A_699 = arith.maximumf %max3A_671, %mul3A_698 : vector<32xbf16>
          %get3A_700 = arith.index_cast %add3A_690 : i32 to index
          %get3A_701 = arith.constant 32 : index
          %get3A_702 = tpu.vector_load %arg9[%get3A_700, %get3A_701] {strides = array<i32>} : memref<240x128xbf16, #tpu.memory_space<vmem>>, vector<32xbf16>,
          %mul3A_703 = arith.mulf %get3A_702, %pack3A_694 : vector<32xbf16>
          %max3A_704 = arith.maximumf %max3A_676, %mul3A_703 : vector<32xbf16>
          %get3A_705 = arith.index_cast %add3A_690 : i32 to index
          %get3A_706 = arith.constant 64 : index
          %get3A_707 = tpu.vector_load %arg9[%get3A_705, %get3A_706] {strides = array<i32>} : memref<240x128xbf16, #tpu.memory_space<vmem>>, vector<32xbf16>,
          %mul3A_708 = arith.mulf %get3A_707, %pack3A_694 : vector<32xbf16>
          %max3A_709 = arith.maximumf %max3A_681, %mul3A_708 : vector<32xbf16>
          %get3A_710 = arith.index_cast %add3A_690 : i32 to index
          %get3A_711 = arith.constant 96 : index
          %get3A_712 = tpu.vector_load %arg9[%get3A_710, %get3A_711] {strides = array<i32>} : memref<240x128xbf16, #tpu.memory_space<vmem>>, vector<32xbf16>,
          %mul3A_713 = arith.mulf %get3A_712, %pack3A_694 : vector<32xbf16>
          %max3A_714 = arith.maximumf %max3A_686, %mul3A_713 : vector<32xbf16>
          %mul3A_715 = arith.constant 16 : i32
          %mul3A_716 = arith.muli %scan3A_338, %mul3A_715 : i32
          %add3A_717 = arith.constant 13 : i32
          %add3A_718 = arith.addi %mul3A_716, %add3A_717 : i32
          %slice3A_719 = vector.extract_strided_slice %mul3A_354 {offsets = [13], sizes = [1], strides = [1]} : vector<16xf32> to vector<1xf32>
          %squeeze3A_720 = vector.extract %slice3A_719[0] : f32 from vector<1xf32>
          %broadcast_in_dim3A_721 = vector.broadcast %squeeze3A_720 : f32 to vector<16xf32>
          %pack3A_722 = tpu.pack_subelements %broadcast_in_dim3A_721, %broadcast_in_dim3A_721 {pack_format = #tpu.pack_format<interleaved>, positions = array<i32: 0, 1>} : vector<16xf32>, vector<16xf32> -> vector<32xbf16>
          %get3A_723 = arith.index_cast %add3A_718 : i32 to index
          %get3A_724 = arith.constant 0 : index
          %get3A_725 = tpu.vector_load %arg9[%get3A_723, %get3A_724] {strides = array<i32>} : memref<240x128xbf16, #tpu.memory_space<vmem>>, vector<32xbf16>,
          %mul3A_726 = arith.mulf %get3A_725, %pack3A_722 : vector<32xbf16>
          %max3A_727 = arith.maximumf %max3A_699, %mul3A_726 : vector<32xbf16>
          %get3A_728 = arith.index_cast %add3A_718 : i32 to index
          %get3A_729 = arith.constant 32 : index
          %get3A_730 = tpu.vector_load %arg9[%get3A_728, %get3A_729] {strides = array<i32>} : memref<240x128xbf16, #tpu.memory_space<vmem>>, vector<32xbf16>,
          %mul3A_731 = arith.mulf %get3A_730, %pack3A_722 : vector<32xbf16>
          %max3A_732 = arith.maximumf %max3A_704, %mul3A_731 : vector<32xbf16>
          %get3A_733 = arith.index_cast %add3A_718 : i32 to index
          %get3A_734 = arith.constant 64 : index
          %get3A_735 = tpu.vector_load %arg9[%get3A_733, %get3A_734] {strides = array<i32>} : memref<240x128xbf16, #tpu.memory_space<vmem>>, vector<32xbf16>,
          %mul3A_736 = arith.mulf %get3A_735, %pack3A_722 : vector<32xbf16>
          %max3A_737 = arith.maximumf %max3A_709, %mul3A_736 : vector<32xbf16>
          %get3A_738 = arith.index_cast %add3A_718 : i32 to index
          %get3A_739 = arith.constant 96 : index
          %get3A_740 = tpu.vector_load %arg9[%get3A_738, %get3A_739] {strides = array<i32>} : memref<240x128xbf16, #tpu.memory_space<vmem>>, vector<32xbf16>,
          %mul3A_741 = arith.mulf %get3A_740, %pack3A_722 : vector<32xbf16>
          %max3A_742 = arith.maximumf %max3A_714, %mul3A_741 : vector<32xbf16>
          %mul3A_743 = arith.constant 16 : i32
          %mul3A_744 = arith.muli %scan3A_338, %mul3A_743 : i32
          %add3A_745 = arith.constant 14 : i32
          %add3A_746 = arith.addi %mul3A_744, %add3A_745 : i32
          %slice3A_747 = vector.extract_strided_slice %mul3A_354 {offsets = [14], sizes = [1], strides = [1]} : vector<16xf32> to vector<1xf32>
          %squeeze3A_748 = vector.extract %slice3A_747[0] : f32 from vector<1xf32>
          %broadcast_in_dim3A_749 = vector.broadcast %squeeze3A_748 : f32 to vector<16xf32>
          %pack3A_750 = tpu.pack_subelements %broadcast_in_dim3A_749, %broadcast_in_dim3A_749 {pack_format = #tpu.pack_format<interleaved>, positions = array<i32: 0, 1>} : vector<16xf32>, vector<16xf32> -> vector<32xbf16>
          %get3A_751 = arith.index_cast %add3A_746 : i32 to index
          %get3A_752 = arith.constant 0 : index
          %get3A_753 = tpu.vector_load %arg9[%get3A_751, %get3A_752] {strides = array<i32>} : memref<240x128xbf16, #tpu.memory_space<vmem>>, vector<32xbf16>,
          %mul3A_754 = arith.mulf %get3A_753, %pack3A_750 : vector<32xbf16>
          %max3A_755 = arith.maximumf %max3A_727, %mul3A_754 : vector<32xbf16>
          %get3A_756 = arith.index_cast %add3A_746 : i32 to index
          %get3A_757 = arith.constant 32 : index
          %get3A_758 = tpu.vector_load %arg9[%get3A_756, %get3A_757] {strides = array<i32>} : memref<240x128xbf16, #tpu.memory_space<vmem>>, vector<32xbf16>,
          %mul3A_759 = arith.mulf %get3A_758, %pack3A_750 : vector<32xbf16>
          %max3A_760 = arith.maximumf %max3A_732, %mul3A_759 : vector<32xbf16>
          %get3A_761 = arith.index_cast %add3A_746 : i32 to index
          %get3A_762 = arith.constant 64 : index
          %get3A_763 = tpu.vector_load %arg9[%get3A_761, %get3A_762] {strides = array<i32>} : memref<240x128xbf16, #tpu.memory_space<vmem>>, vector<32xbf16>,
          %mul3A_764 = arith.mulf %get3A_763, %pack3A_750 : vector<32xbf16>
          %max3A_765 = arith.maximumf %max3A_737, %mul3A_764 : vector<32xbf16>
          %get3A_766 = arith.index_cast %add3A_746 : i32 to index
          %get3A_767 = arith.constant 96 : index
          %get3A_768 = tpu.vector_load %arg9[%get3A_766, %get3A_767] {strides = array<i32>} : memref<240x128xbf16, #tpu.memory_space<vmem>>, vector<32xbf16>,
          %mul3A_769 = arith.mulf %get3A_768, %pack3A_750 : vector<32xbf16>
          %max3A_770 = arith.maximumf %max3A_742, %mul3A_769 : vector<32xbf16>
          %mul3A_771 = arith.constant 16 : i32
          %mul3A_772 = arith.muli %scan3A_338, %mul3A_771 : i32
          %add3A_773 = arith.constant 15 : i32
          %add3A_774 = arith.addi %mul3A_772, %add3A_773 : i32
          %slice3A_775 = vector.extract_strided_slice %mul3A_354 {offsets = [15], sizes = [1], strides = [1]} : vector<16xf32> to vector<1xf32>
          %squeeze3A_776 = vector.extract %slice3A_775[0] : f32 from vector<1xf32>
          %broadcast_in_dim3A_777 = vector.broadcast %squeeze3A_776 : f32 to vector<16xf32>
          %pack3A_778 = tpu.pack_subelements %broadcast_in_dim3A_777, %broadcast_in_dim3A_777 {pack_format = #tpu.pack_format<interleaved>, positions = array<i32: 0, 1>} : vector<16xf32>, vector<16xf32> -> vector<32xbf16>
          %get3A_779 = arith.index_cast %add3A_774 : i32 to index
          %get3A_780 = arith.constant 0 : index
          %get3A_781 = tpu.vector_load %arg9[%get3A_779, %get3A_780] {strides = array<i32>} : memref<240x128xbf16, #tpu.memory_space<vmem>>, vector<32xbf16>,
          %mul3A_782 = arith.mulf %get3A_781, %pack3A_778 : vector<32xbf16>
          %max3A_783 = arith.maximumf %max3A_755, %mul3A_782 : vector<32xbf16>
          %get3A_784 = arith.index_cast %add3A_774 : i32 to index
          %get3A_785 = arith.constant 32 : index
          %get3A_786 = tpu.vector_load %arg9[%get3A_784, %get3A_785] {strides = array<i32>} : memref<240x128xbf16, #tpu.memory_space<vmem>>, vector<32xbf16>,
          %mul3A_787 = arith.mulf %get3A_786, %pack3A_778 : vector<32xbf16>
          %max3A_788 = arith.maximumf %max3A_760, %mul3A_787 : vector<32xbf16>
          %get3A_789 = arith.index_cast %add3A_774 : i32 to index
          %get3A_790 = arith.constant 64 : index
          %get3A_791 = tpu.vector_load %arg9[%get3A_789, %get3A_790] {strides = array<i32>} : memref<240x128xbf16, #tpu.memory_space<vmem>>, vector<32xbf16>,
          %mul3A_792 = arith.mulf %get3A_791, %pack3A_778 : vector<32xbf16>
          %max3A_793 = arith.maximumf %max3A_765, %mul3A_792 : vector<32xbf16>
          %get3A_794 = arith.index_cast %add3A_774 : i32 to index
          %get3A_795 = arith.constant 96 : index
          %get3A_796 = tpu.vector_load %arg9[%get3A_794, %get3A_795] {strides = array<i32>} : memref<240x128xbf16, #tpu.memory_space<vmem>>, vector<32xbf16>,
          %mul3A_797 = arith.mulf %get3A_796, %pack3A_778 : vector<32xbf16>
          %max3A_798 = arith.maximumf %max3A_770, %mul3A_797 : vector<32xbf16>
          scf.yield %max3A_783, %max3A_788, %max3A_793, %max3A_798 : vector<32xbf16>, vector<32xbf16>, vector<32xbf16>, vector<32xbf16>
        }
        %scan3A_179 = arith.constant 2 : i32
        %swap3A_180 = arith.index_cast %add3A_140 : i32 to index
        %swap3A_181 = arith.constant 0 : index
        %swap3A_182 = tpu.vector_load %arg13[%swap3A_180, %swap3A_181] {strides = array<i32>} : memref<32x128xbf16, #tpu.memory_space<vmem>>, vector<32xbf16>,
        tpu.vector_store %arg13[%swap3A_180, %swap3A_181], %scan3A_172#0 {strides = array<i32>} : memref<32x128xbf16, #tpu.memory_space<vmem>>, vector<32xbf16>,
        %swap3A_183 = arith.index_cast %add3A_140 : i32 to index
        %swap3A_184 = arith.constant 0 : index
        %swap3A_185 = tpu.vector_load %arg12[%swap3A_183, %swap3A_184] {strides = array<i32>} : memref<32x128xbf16, #tpu.memory_space<vmem>>, vector<32xbf16>,
        tpu.vector_store %arg12[%swap3A_183, %swap3A_184], %scan3A_178#0 {strides = array<i32>} : memref<32x128xbf16, #tpu.memory_space<vmem>>, vector<32xbf16>,
        %swap3A_186 = arith.index_cast %add3A_140 : i32 to index
        %swap3A_187 = arith.constant 32 : index
        %swap3A_188 = tpu.vector_load %arg13[%swap3A_186, %swap3A_187] {strides = array<i32>} : memref<32x128xbf16, #tpu.memory_space<vmem>>, vector<32xbf16>,
        tpu.vector_store %arg13[%swap3A_186, %swap3A_187], %scan3A_172#1 {strides = array<i32>} : memref<32x128xbf16, #tpu.memory_space<vmem>>, vector<32xbf16>,
        %swap3A_189 = arith.index_cast %add3A_140 : i32 to index
        %swap3A_190 = arith.constant 32 : index
        %swap3A_191 = tpu.vector_load %arg12[%swap3A_189, %swap3A_190] {strides = array<i32>} : memref<32x128xbf16, #tpu.memory_space<vmem>>, vector<32xbf16>,
        tpu.vector_store %arg12[%swap3A_189, %swap3A_190], %scan3A_178#1 {strides = array<i32>} : memref<32x128xbf16, #tpu.memory_space<vmem>>, vector<32xbf16>,
        %swap3A_192 = arith.index_cast %add3A_140 : i32 to index
        %swap3A_193 = arith.constant 64 : index
        %swap3A_194 = tpu.vector_load %arg13[%swap3A_192, %swap3A_193] {strides = array<i32>} : memref<32x128xbf16, #tpu.memory_space<vmem>>, vector<32xbf16>,
        tpu.vector_store %arg13[%swap3A_192, %swap3A_193], %scan3A_172#2 {strides = array<i32>} : memref<32x128xbf16, #tpu.memory_space<vmem>>, vector<32xbf16>,
        %swap3A_195 = arith.index_cast %add3A_140 : i32 to index
        %swap3A_196 = arith.constant 64 : index
        %swap3A_197 = tpu.vector_load %arg12[%swap3A_195, %swap3A_196] {strides = array<i32>} : memref<32x128xbf16, #tpu.memory_space<vmem>>, vector<32xbf16>,
        tpu.vector_store %arg12[%swap3A_195, %swap3A_196], %scan3A_178#2 {strides = array<i32>} : memref<32x128xbf16, #tpu.memory_space<vmem>>, vector<32xbf16>,
        %swap3A_198 = arith.index_cast %add3A_140 : i32 to index
        %swap3A_199 = arith.constant 96 : index
        %swap3A_200 = tpu.vector_load %arg13[%swap3A_198, %swap3A_199] {strides = array<i32>} : memref<32x128xbf16, #tpu.memory_space<vmem>>, vector<32xbf16>,
        tpu.vector_store %arg13[%swap3A_198, %swap3A_199], %scan3A_172#3 {strides = array<i32>} : memref<32x128xbf16, #tpu.memory_space<vmem>>, vector<32xbf16>,
        %swap3A_201 = arith.index_cast %add3A_140 : i32 to index
        %swap3A_202 = arith.constant 96 : index
        %swap3A_203 = tpu.vector_load %arg12[%swap3A_201, %swap3A_202] {strides = array<i32>} : memref<32x128xbf16, #tpu.memory_space<vmem>>, vector<32xbf16>,
        tpu.vector_store %arg12[%swap3A_201, %swap3A_202], %scan3A_178#3 {strides = array<i32>} : memref<32x128xbf16, #tpu.memory_space<vmem>>, vector<32xbf16>,
        %mul3A_204 = arith.constant 4 : i32
        %mul3A_205 = arith.muli %mul3A_204, %scan3A_74 : i32
        %add3A_206 = arith.constant 2 : i32
        %add3A_207 = arith.addi %mul3A_205, %add3A_206 : i32
        %add3A_208 = arith.constant 3 : i32
        %add3A_209 = arith.addi %add3A_207, %add3A_208 : i32
        %lt3A_210 = arith.constant 32 : i32
        %lt3A_211 = arith.cmpi slt, %add3A_209, %lt3A_210 : i32
        %convert_element_type3A_212 = arith.extui %lt3A_211 : i1 to i32
        %cond3A_213 = arith.constant 0 : i32
        %cond3A_214 = arith.cmpi ne, %convert_element_type3A_212, %cond3A_213 : i32
        scf.if %cond3A_214 {
          %add3A_338 = arith.constant 3 : i32
          %add3A_339 = arith.addi %add3A_207, %add3A_338 : i32
          %mul3A_340 = arith.constant 240 : i32
          %mul3A_341 = arith.muli %add3A_339, %mul3A_340 : i32
          %mul3A_342 = arith.constant 240 : i32
          %mul3A_343 = arith.muli %add3A_339, %mul3A_342 : i32
          %add3A_344 = arith.constant 120 : i32
          %add3A_345 = arith.addi %mul3A_343, %add3A_344 : i32
          %dma_start3A_346 = arith.constant 0 : i32
          %dma_start3A_347 = arith.constant 0 : i32
          %dma_start3A_348 = tpu.memref_slice %arg9[%dma_start3A_346, %dma_start3A_347] : memref<240x128xbf16, #tpu.memory_space<vmem>> -> memref<120x128xbf16, #tpu.memory_space<vmem>>
          %dma_start3A_349 = tpu.memref_slice %arg7[%mul3A_341] : memref<7680xi32, #tpu.memory_space<vmem>> -> memref<120xi32, #tpu.memory_space<vmem>>
          %dma_start3A_350 = arith.constant 0 : i32
          %dma_start3A_351 = arith.constant 0 : i32
          %dma_start3A_352 = tpu.memref_slice %arg2[%dma_start3A_350, %dma_start3A_351] : memref<100000x128xbf16, #tpu.memory_space<hbm>> -> memref<100000x128xbf16, #tpu.memory_space<hbm>>
          tpu.enqueue_indirect_dma source(%dma_start3A_352 : memref<100000x128xbf16, #tpu.memory_space<hbm>>) target(%dma_start3A_348 : memref<120x128xbf16, #tpu.memory_space<vmem>>) offsets(%dma_start3A_349 : memref<120xi32, #tpu.memory_space<vmem>>) semaphore(%arg15 : memref<!tpu.dma_semaphore, #tpu.memory_space<semaphore_mem>>)
          %dma_start3A_353 = arith.constant 120 : i32
          %dma_start3A_354 = arith.constant 0 : i32
          %dma_start3A_355 = tpu.memref_slice %arg9[%dma_start3A_353, %dma_start3A_354] : memref<240x128xbf16, #tpu.memory_space<vmem>> -> memref<120x128xbf16, #tpu.memory_space<vmem>>
          %dma_start3A_356 = tpu.memref_slice %arg7[%add3A_345] : memref<7680xi32, #tpu.memory_space<vmem>> -> memref<120xi32, #tpu.memory_space<vmem>>
          %dma_start3A_357 = arith.constant 0 : i32
          %dma_start3A_358 = arith.constant 0 : i32
          %dma_start3A_359 = tpu.memref_slice %arg2[%dma_start3A_357, %dma_start3A_358] : memref<100000x128xbf16, #tpu.memory_space<hbm>> -> memref<100000x128xbf16, #tpu.memory_space<hbm>>
          tpu.enqueue_indirect_dma source(%dma_start3A_359 : memref<100000x128xbf16, #tpu.memory_space<hbm>>) target(%dma_start3A_355 : memref<120x128xbf16, #tpu.memory_space<vmem>>) offsets(%dma_start3A_356 : memref<120xi32, #tpu.memory_space<vmem>>) semaphore(%arg15 : memref<!tpu.dma_semaphore, #tpu.memory_space<semaphore_mem>>)
        } else {
        }
        %mul3A_215 = arith.constant 240 : i32
        %mul3A_216 = arith.muli %add3A_207, %mul3A_215 : i32
        %mul3A_217 = arith.constant 240 : i32
        %mul3A_218 = arith.muli %add3A_207, %mul3A_217 : i32
        %add3A_219 = arith.constant 120 : i32
        %add3A_220 = arith.addi %mul3A_218, %add3A_219 : i32
        %dma_wait3A_221 = arith.constant 0 : i32
        %dma_wait3A_222 = arith.constant 0 : i32
        %dma_wait3A_223 = tpu.memref_slice %arg10[%dma_wait3A_221, %dma_wait3A_222] : memref<240x128xbf16, #tpu.memory_space<vmem>> -> memref<120x128xbf16, #tpu.memory_space<vmem>>
        %dma_wait3A_224 = tpu.memref_slice %arg7[%mul3A_216] : memref<7680xi32, #tpu.memory_space<vmem>> -> memref<120xi32, #tpu.memory_space<vmem>>
        %dma_wait3A_225 = arith.constant 0 : i32
        %dma_wait3A_226 = arith.constant 0 : i32
        %dma_wait3A_227 = tpu.memref_slice %arg2[%dma_wait3A_225, %dma_wait3A_226] : memref<100000x128xbf16, #tpu.memory_space<hbm>> -> memref<100000x128xbf16, #tpu.memory_space<hbm>>
        tpu.wait_indirect_dma semaphore(%arg16 : memref<!tpu.dma_semaphore, #tpu.memory_space<semaphore_mem>>) src(%dma_wait3A_227 : memref<100000x128xbf16, #tpu.memory_space<hbm>>) dst(%dma_wait3A_223 : memref<120x128xbf16, #tpu.memory_space<vmem>>)
        %dma_wait3A_228 = arith.constant 120 : i32
        %dma_wait3A_229 = arith.constant 0 : i32
        %dma_wait3A_230 = tpu.memref_slice %arg10[%dma_wait3A_228, %dma_wait3A_229] : memref<240x128xbf16, #tpu.memory_space<vmem>> -> memref<120x128xbf16, #tpu.memory_space<vmem>>
        %dma_wait3A_231 = tpu.memref_slice %arg7[%add3A_220] : memref<7680xi32, #tpu.memory_space<vmem>> -> memref<120xi32, #tpu.memory_space<vmem>>
        %dma_wait3A_232 = arith.constant 0 : i32
        %dma_wait3A_233 = arith.constant 0 : i32
        %dma_wait3A_234 = tpu.memref_slice %arg2[%dma_wait3A_232, %dma_wait3A_233] : memref<100000x128xbf16, #tpu.memory_space<hbm>> -> memref<100000x128xbf16, #tpu.memory_space<hbm>>
        tpu.wait_indirect_dma semaphore(%arg16 : memref<!tpu.dma_semaphore, #tpu.memory_space<semaphore_mem>>) src(%dma_wait3A_234 : memref<100000x128xbf16, #tpu.memory_space<hbm>>) dst(%dma_wait3A_230 : memref<120x128xbf16, #tpu.memory_space<vmem>>)
        %scan3A_235 = arith.constant 0 : i32
        %scan3A_236 = arith.constant 13 : i32
        %scan3A_237 = arith.addi %scan3A_235, %scan3A_236 : i32
        %scan3A_238 = arith.constant 1 : i32
        %scan3A_239:4 = scf.for %scan3A_338 = %scan3A_235 to %scan3A_237 step %scan3A_238 iter_args(%scan3A_339 = %broadcast_in_dim3A_3, %scan3A_340 = %broadcast_in_dim3A_3, %scan3A_341 = %broadcast_in_dim3A_3, %scan3A_342 = %broadcast_in_dim3A_3) -> (vector<32xbf16>, vector<32xbf16>, vector<32xbf16>, vector<32xbf16>)  : i32 {
          %mul3A_343 = arith.constant 240 : i32
          %mul3A_344 = arith.muli %add3A_207, %mul3A_343 : i32
          %mul3A_345 = arith.constant 16 : i32
          %mul3A_346 = arith.muli %scan3A_338, %mul3A_345 : i32
          %add3A_347 = arith.addi %mul3A_344, %mul3A_346 : i32
          %get3A = arith.index_cast %add3A_347 : i32 to index
          %get3A_348 = tpu.vector_load %arg6[%get3A] {strides = array<i32>} : memref<7680xi32, #tpu.memory_space<vmem>>, vector<16xi32>,
          %shift_right_logical3A = arith.constant 17 : i32
          %shift_right_logical3A_349 = vector.broadcast %shift_right_logical3A : i32 to vector<16xi32>
          %shift_right_logical3A_350 = arith.shrui %get3A_348, %shift_right_logical3A_349 : vector<16xi32>
          %convert_element_type3A_351 = arith.sitofp %shift_right_logical3A_350 : vector<16xi32> to vector<16xf32>
          %mul3A_352 = arith.constant 3.05185094E-5 : f32
          %mul3A_353 = vector.broadcast %mul3A_352 : f32 to vector<16xf32>
          %mul3A_354 = arith.mulf %convert_element_type3A_351, %mul3A_353 : vector<16xf32>
          %mul3A_355 = arith.constant 16 : i32
          %mul3A_356 = arith.muli %scan3A_338, %mul3A_355 : i32
          %add3A_357 = arith.constant 0 : i32
          %add3A_358 = arith.addi %mul3A_356, %add3A_357 : i32
          %slice3A = vector.extract_strided_slice %mul3A_354 {offsets = [0], sizes = [1], strides = [1]} : vector<16xf32> to vector<1xf32>
          %squeeze3A = vector.extract %slice3A[0] : f32 from vector<1xf32>
          %broadcast_in_dim3A_359 = vector.broadcast %squeeze3A : f32 to vector<16xf32>
          %pack3A = tpu.pack_subelements %broadcast_in_dim3A_359, %broadcast_in_dim3A_359 {pack_format = #tpu.pack_format<interleaved>, positions = array<i32: 0, 1>} : vector<16xf32>, vector<16xf32> -> vector<32xbf16>
          %get3A_360 = arith.index_cast %add3A_358 : i32 to index
          %get3A_361 = arith.constant 0 : index
          %get3A_362 = tpu.vector_load %arg10[%get3A_360, %get3A_361] {strides = array<i32>} : memref<240x128xbf16, #tpu.memory_space<vmem>>, vector<32xbf16>,
          %mul3A_363 = arith.mulf %get3A_362, %pack3A : vector<32xbf16>
          %max3A = arith.maximumf %scan3A_339, %mul3A_363 : vector<32xbf16>
          %get3A_364 = arith.index_cast %add3A_358 : i32 to index
          %get3A_365 = arith.constant 32 : index
          %get3A_366 = tpu.vector_load %arg10[%get3A_364, %get3A_365] {strides = array<i32>} : memref<240x128xbf16, #tpu.memory_space<vmem>>, vector<32xbf16>,
          %mul3A_367 = arith.mulf %get3A_366, %pack3A : vector<32xbf16>
          %max3A_368 = arith.maximumf %scan3A_340, %mul3A_367 : vector<32xbf16>
          %get3A_369 = arith.index_cast %add3A_358 : i32 to index
          %get3A_370 = arith.constant 64 : index
          %get3A_371 = tpu.vector_load %arg10[%get3A_369, %get3A_370] {strides = array<i32>} : memref<240x128xbf16, #tpu.memory_space<vmem>>, vector<32xbf16>,
          %mul3A_372 = arith.mulf %get3A_371, %pack3A : vector<32xbf16>
          %max3A_373 = arith.maximumf %scan3A_341, %mul3A_372 : vector<32xbf16>
          %get3A_374 = arith.index_cast %add3A_358 : i32 to index
          %get3A_375 = arith.constant 96 : index
          %get3A_376 = tpu.vector_load %arg10[%get3A_374, %get3A_375] {strides = array<i32>} : memref<240x128xbf16, #tpu.memory_space<vmem>>, vector<32xbf16>,
          %mul3A_377 = arith.mulf %get3A_376, %pack3A : vector<32xbf16>
          %max3A_378 = arith.maximumf %scan3A_342, %mul3A_377 : vector<32xbf16>
          %mul3A_379 = arith.constant 16 : i32
          %mul3A_380 = arith.muli %scan3A_338, %mul3A_379 : i32
          %add3A_381 = arith.constant 1 : i32
          %add3A_382 = arith.addi %mul3A_380, %add3A_381 : i32
          %slice3A_383 = vector.extract_strided_slice %mul3A_354 {offsets = [1], sizes = [1], strides = [1]} : vector<16xf32> to vector<1xf32>
          %squeeze3A_384 = vector.extract %slice3A_383[0] : f32 from vector<1xf32>
          %broadcast_in_dim3A_385 = vector.broadcast %squeeze3A_384 : f32 to vector<16xf32>
          %pack3A_386 = tpu.pack_subelements %broadcast_in_dim3A_385, %broadcast_in_dim3A_385 {pack_format = #tpu.pack_format<interleaved>, positions = array<i32: 0, 1>} : vector<16xf32>, vector<16xf32> -> vector<32xbf16>
          %get3A_387 = arith.index_cast %add3A_382 : i32 to index
          %get3A_388 = arith.constant 0 : index
          %get3A_389 = tpu.vector_load %arg10[%get3A_387, %get3A_388] {strides = array<i32>} : memref<240x128xbf16, #tpu.memory_space<vmem>>, vector<32xbf16>,
          %mul3A_390 = arith.mulf %get3A_389, %pack3A_386 : vector<32xbf16>
          %max3A_391 = arith.maximumf %max3A, %mul3A_390 : vector<32xbf16>
          %get3A_392 = arith.index_cast %add3A_382 : i32 to index
          %get3A_393 = arith.constant 32 : index
          %get3A_394 = tpu.vector_load %arg10[%get3A_392, %get3A_393] {strides = array<i32>} : memref<240x128xbf16, #tpu.memory_space<vmem>>, vector<32xbf16>,
          %mul3A_395 = arith.mulf %get3A_394, %pack3A_386 : vector<32xbf16>
          %max3A_396 = arith.maximumf %max3A_368, %mul3A_395 : vector<32xbf16>
          %get3A_397 = arith.index_cast %add3A_382 : i32 to index
          %get3A_398 = arith.constant 64 : index
          %get3A_399 = tpu.vector_load %arg10[%get3A_397, %get3A_398] {strides = array<i32>} : memref<240x128xbf16, #tpu.memory_space<vmem>>, vector<32xbf16>,
          %mul3A_400 = arith.mulf %get3A_399, %pack3A_386 : vector<32xbf16>
          %max3A_401 = arith.maximumf %max3A_373, %mul3A_400 : vector<32xbf16>
          %get3A_402 = arith.index_cast %add3A_382 : i32 to index
          %get3A_403 = arith.constant 96 : index
          %get3A_404 = tpu.vector_load %arg10[%get3A_402, %get3A_403] {strides = array<i32>} : memref<240x128xbf16, #tpu.memory_space<vmem>>, vector<32xbf16>,
          %mul3A_405 = arith.mulf %get3A_404, %pack3A_386 : vector<32xbf16>
          %max3A_406 = arith.maximumf %max3A_378, %mul3A_405 : vector<32xbf16>
          %mul3A_407 = arith.constant 16 : i32
          %mul3A_408 = arith.muli %scan3A_338, %mul3A_407 : i32
          %add3A_409 = arith.constant 2 : i32
          %add3A_410 = arith.addi %mul3A_408, %add3A_409 : i32
          %slice3A_411 = vector.extract_strided_slice %mul3A_354 {offsets = [2], sizes = [1], strides = [1]} : vector<16xf32> to vector<1xf32>
          %squeeze3A_412 = vector.extract %slice3A_411[0] : f32 from vector<1xf32>
          %broadcast_in_dim3A_413 = vector.broadcast %squeeze3A_412 : f32 to vector<16xf32>
          %pack3A_414 = tpu.pack_subelements %broadcast_in_dim3A_413, %broadcast_in_dim3A_413 {pack_format = #tpu.pack_format<interleaved>, positions = array<i32: 0, 1>} : vector<16xf32>, vector<16xf32> -> vector<32xbf16>
          %get3A_415 = arith.index_cast %add3A_410 : i32 to index
          %get3A_416 = arith.constant 0 : index
          %get3A_417 = tpu.vector_load %arg10[%get3A_415, %get3A_416] {strides = array<i32>} : memref<240x128xbf16, #tpu.memory_space<vmem>>, vector<32xbf16>,
          %mul3A_418 = arith.mulf %get3A_417, %pack3A_414 : vector<32xbf16>
          %max3A_419 = arith.maximumf %max3A_391, %mul3A_418 : vector<32xbf16>
          %get3A_420 = arith.index_cast %add3A_410 : i32 to index
          %get3A_421 = arith.constant 32 : index
          %get3A_422 = tpu.vector_load %arg10[%get3A_420, %get3A_421] {strides = array<i32>} : memref<240x128xbf16, #tpu.memory_space<vmem>>, vector<32xbf16>,
          %mul3A_423 = arith.mulf %get3A_422, %pack3A_414 : vector<32xbf16>
          %max3A_424 = arith.maximumf %max3A_396, %mul3A_423 : vector<32xbf16>
          %get3A_425 = arith.index_cast %add3A_410 : i32 to index
          %get3A_426 = arith.constant 64 : index
          %get3A_427 = tpu.vector_load %arg10[%get3A_425, %get3A_426] {strides = array<i32>} : memref<240x128xbf16, #tpu.memory_space<vmem>>, vector<32xbf16>,
          %mul3A_428 = arith.mulf %get3A_427, %pack3A_414 : vector<32xbf16>
          %max3A_429 = arith.maximumf %max3A_401, %mul3A_428 : vector<32xbf16>
          %get3A_430 = arith.index_cast %add3A_410 : i32 to index
          %get3A_431 = arith.constant 96 : index
          %get3A_432 = tpu.vector_load %arg10[%get3A_430, %get3A_431] {strides = array<i32>} : memref<240x128xbf16, #tpu.memory_space<vmem>>, vector<32xbf16>,
          %mul3A_433 = arith.mulf %get3A_432, %pack3A_414 : vector<32xbf16>
          %max3A_434 = arith.maximumf %max3A_406, %mul3A_433 : vector<32xbf16>
          %mul3A_435 = arith.constant 16 : i32
          %mul3A_436 = arith.muli %scan3A_338, %mul3A_435 : i32
          %add3A_437 = arith.constant 3 : i32
          %add3A_438 = arith.addi %mul3A_436, %add3A_437 : i32
          %slice3A_439 = vector.extract_strided_slice %mul3A_354 {offsets = [3], sizes = [1], strides = [1]} : vector<16xf32> to vector<1xf32>
          %squeeze3A_440 = vector.extract %slice3A_439[0] : f32 from vector<1xf32>
          %broadcast_in_dim3A_441 = vector.broadcast %squeeze3A_440 : f32 to vector<16xf32>
          %pack3A_442 = tpu.pack_subelements %broadcast_in_dim3A_441, %broadcast_in_dim3A_441 {pack_format = #tpu.pack_format<interleaved>, positions = array<i32: 0, 1>} : vector<16xf32>, vector<16xf32> -> vector<32xbf16>
          %get3A_443 = arith.index_cast %add3A_438 : i32 to index
          %get3A_444 = arith.constant 0 : index
          %get3A_445 = tpu.vector_load %arg10[%get3A_443, %get3A_444] {strides = array<i32>} : memref<240x128xbf16, #tpu.memory_space<vmem>>, vector<32xbf16>,
          %mul3A_446 = arith.mulf %get3A_445, %pack3A_442 : vector<32xbf16>
          %max3A_447 = arith.maximumf %max3A_419, %mul3A_446 : vector<32xbf16>
          %get3A_448 = arith.index_cast %add3A_438 : i32 to index
          %get3A_449 = arith.constant 32 : index
          %get3A_450 = tpu.vector_load %arg10[%get3A_448, %get3A_449] {strides = array<i32>} : memref<240x128xbf16, #tpu.memory_space<vmem>>, vector<32xbf16>,
          %mul3A_451 = arith.mulf %get3A_450, %pack3A_442 : vector<32xbf16>
          %max3A_452 = arith.maximumf %max3A_424, %mul3A_451 : vector<32xbf16>
          %get3A_453 = arith.index_cast %add3A_438 : i32 to index
          %get3A_454 = arith.constant 64 : index
          %get3A_455 = tpu.vector_load %arg10[%get3A_453, %get3A_454] {strides = array<i32>} : memref<240x128xbf16, #tpu.memory_space<vmem>>, vector<32xbf16>,
          %mul3A_456 = arith.mulf %get3A_455, %pack3A_442 : vector<32xbf16>
          %max3A_457 = arith.maximumf %max3A_429, %mul3A_456 : vector<32xbf16>
          %get3A_458 = arith.index_cast %add3A_438 : i32 to index
          %get3A_459 = arith.constant 96 : index
          %get3A_460 = tpu.vector_load %arg10[%get3A_458, %get3A_459] {strides = array<i32>} : memref<240x128xbf16, #tpu.memory_space<vmem>>, vector<32xbf16>,
          %mul3A_461 = arith.mulf %get3A_460, %pack3A_442 : vector<32xbf16>
          %max3A_462 = arith.maximumf %max3A_434, %mul3A_461 : vector<32xbf16>
          %mul3A_463 = arith.constant 16 : i32
          %mul3A_464 = arith.muli %scan3A_338, %mul3A_463 : i32
          %add3A_465 = arith.constant 4 : i32
          %add3A_466 = arith.addi %mul3A_464, %add3A_465 : i32
          %slice3A_467 = vector.extract_strided_slice %mul3A_354 {offsets = [4], sizes = [1], strides = [1]} : vector<16xf32> to vector<1xf32>
          %squeeze3A_468 = vector.extract %slice3A_467[0] : f32 from vector<1xf32>
          %broadcast_in_dim3A_469 = vector.broadcast %squeeze3A_468 : f32 to vector<16xf32>
          %pack3A_470 = tpu.pack_subelements %broadcast_in_dim3A_469, %broadcast_in_dim3A_469 {pack_format = #tpu.pack_format<interleaved>, positions = array<i32: 0, 1>} : vector<16xf32>, vector<16xf32> -> vector<32xbf16>
          %get3A_471 = arith.index_cast %add3A_466 : i32 to index
          %get3A_472 = arith.constant 0 : index
          %get3A_473 = tpu.vector_load %arg10[%get3A_471, %get3A_472] {strides = array<i32>} : memref<240x128xbf16, #tpu.memory_space<vmem>>, vector<32xbf16>,
          %mul3A_474 = arith.mulf %get3A_473, %pack3A_470 : vector<32xbf16>
          %max3A_475 = arith.maximumf %max3A_447, %mul3A_474 : vector<32xbf16>
          %get3A_476 = arith.index_cast %add3A_466 : i32 to index
          %get3A_477 = arith.constant 32 : index
          %get3A_478 = tpu.vector_load %arg10[%get3A_476, %get3A_477] {strides = array<i32>} : memref<240x128xbf16, #tpu.memory_space<vmem>>, vector<32xbf16>,
          %mul3A_479 = arith.mulf %get3A_478, %pack3A_470 : vector<32xbf16>
          %max3A_480 = arith.maximumf %max3A_452, %mul3A_479 : vector<32xbf16>
          %get3A_481 = arith.index_cast %add3A_466 : i32 to index
          %get3A_482 = arith.constant 64 : index
          %get3A_483 = tpu.vector_load %arg10[%get3A_481, %get3A_482] {strides = array<i32>} : memref<240x128xbf16, #tpu.memory_space<vmem>>, vector<32xbf16>,
          %mul3A_484 = arith.mulf %get3A_483, %pack3A_470 : vector<32xbf16>
          %max3A_485 = arith.maximumf %max3A_457, %mul3A_484 : vector<32xbf16>
          %get3A_486 = arith.index_cast %add3A_466 : i32 to index
          %get3A_487 = arith.constant 96 : index
          %get3A_488 = tpu.vector_load %arg10[%get3A_486, %get3A_487] {strides = array<i32>} : memref<240x128xbf16, #tpu.memory_space<vmem>>, vector<32xbf16>,
          %mul3A_489 = arith.mulf %get3A_488, %pack3A_470 : vector<32xbf16>
          %max3A_490 = arith.maximumf %max3A_462, %mul3A_489 : vector<32xbf16>
          %mul3A_491 = arith.constant 16 : i32
          %mul3A_492 = arith.muli %scan3A_338, %mul3A_491 : i32
          %add3A_493 = arith.constant 5 : i32
          %add3A_494 = arith.addi %mul3A_492, %add3A_493 : i32
          %slice3A_495 = vector.extract_strided_slice %mul3A_354 {offsets = [5], sizes = [1], strides = [1]} : vector<16xf32> to vector<1xf32>
          %squeeze3A_496 = vector.extract %slice3A_495[0] : f32 from vector<1xf32>
          %broadcast_in_dim3A_497 = vector.broadcast %squeeze3A_496 : f32 to vector<16xf32>
          %pack3A_498 = tpu.pack_subelements %broadcast_in_dim3A_497, %broadcast_in_dim3A_497 {pack_format = #tpu.pack_format<interleaved>, positions = array<i32: 0, 1>} : vector<16xf32>, vector<16xf32> -> vector<32xbf16>
          %get3A_499 = arith.index_cast %add3A_494 : i32 to index
          %get3A_500 = arith.constant 0 : index
          %get3A_501 = tpu.vector_load %arg10[%get3A_499, %get3A_500] {strides = array<i32>} : memref<240x128xbf16, #tpu.memory_space<vmem>>, vector<32xbf16>,
          %mul3A_502 = arith.mulf %get3A_501, %pack3A_498 : vector<32xbf16>
          %max3A_503 = arith.maximumf %max3A_475, %mul3A_502 : vector<32xbf16>
          %get3A_504 = arith.index_cast %add3A_494 : i32 to index
          %get3A_505 = arith.constant 32 : index
          %get3A_506 = tpu.vector_load %arg10[%get3A_504, %get3A_505] {strides = array<i32>} : memref<240x128xbf16, #tpu.memory_space<vmem>>, vector<32xbf16>,
          %mul3A_507 = arith.mulf %get3A_506, %pack3A_498 : vector<32xbf16>
          %max3A_508 = arith.maximumf %max3A_480, %mul3A_507 : vector<32xbf16>
          %get3A_509 = arith.index_cast %add3A_494 : i32 to index
          %get3A_510 = arith.constant 64 : index
          %get3A_511 = tpu.vector_load %arg10[%get3A_509, %get3A_510] {strides = array<i32>} : memref<240x128xbf16, #tpu.memory_space<vmem>>, vector<32xbf16>,
          %mul3A_512 = arith.mulf %get3A_511, %pack3A_498 : vector<32xbf16>
          %max3A_513 = arith.maximumf %max3A_485, %mul3A_512 : vector<32xbf16>
          %get3A_514 = arith.index_cast %add3A_494 : i32 to index
          %get3A_515 = arith.constant 96 : index
          %get3A_516 = tpu.vector_load %arg10[%get3A_514, %get3A_515] {strides = array<i32>} : memref<240x128xbf16, #tpu.memory_space<vmem>>, vector<32xbf16>,
          %mul3A_517 = arith.mulf %get3A_516, %pack3A_498 : vector<32xbf16>
          %max3A_518 = arith.maximumf %max3A_490, %mul3A_517 : vector<32xbf16>
          %mul3A_519 = arith.constant 16 : i32
          %mul3A_520 = arith.muli %scan3A_338, %mul3A_519 : i32
          %add3A_521 = arith.constant 6 : i32
          %add3A_522 = arith.addi %mul3A_520, %add3A_521 : i32
          %slice3A_523 = vector.extract_strided_slice %mul3A_354 {offsets = [6], sizes = [1], strides = [1]} : vector<16xf32> to vector<1xf32>
          %squeeze3A_524 = vector.extract %slice3A_523[0] : f32 from vector<1xf32>
          %broadcast_in_dim3A_525 = vector.broadcast %squeeze3A_524 : f32 to vector<16xf32>
          %pack3A_526 = tpu.pack_subelements %broadcast_in_dim3A_525, %broadcast_in_dim3A_525 {pack_format = #tpu.pack_format<interleaved>, positions = array<i32: 0, 1>} : vector<16xf32>, vector<16xf32> -> vector<32xbf16>
          %get3A_527 = arith.index_cast %add3A_522 : i32 to index
          %get3A_528 = arith.constant 0 : index
          %get3A_529 = tpu.vector_load %arg10[%get3A_527, %get3A_528] {strides = array<i32>} : memref<240x128xbf16, #tpu.memory_space<vmem>>, vector<32xbf16>,
          %mul3A_530 = arith.mulf %get3A_529, %pack3A_526 : vector<32xbf16>
          %max3A_531 = arith.maximumf %max3A_503, %mul3A_530 : vector<32xbf16>
          %get3A_532 = arith.index_cast %add3A_522 : i32 to index
          %get3A_533 = arith.constant 32 : index
          %get3A_534 = tpu.vector_load %arg10[%get3A_532, %get3A_533] {strides = array<i32>} : memref<240x128xbf16, #tpu.memory_space<vmem>>, vector<32xbf16>,
          %mul3A_535 = arith.mulf %get3A_534, %pack3A_526 : vector<32xbf16>
          %max3A_536 = arith.maximumf %max3A_508, %mul3A_535 : vector<32xbf16>
          %get3A_537 = arith.index_cast %add3A_522 : i32 to index
          %get3A_538 = arith.constant 64 : index
          %get3A_539 = tpu.vector_load %arg10[%get3A_537, %get3A_538] {strides = array<i32>} : memref<240x128xbf16, #tpu.memory_space<vmem>>, vector<32xbf16>,
          %mul3A_540 = arith.mulf %get3A_539, %pack3A_526 : vector<32xbf16>
          %max3A_541 = arith.maximumf %max3A_513, %mul3A_540 : vector<32xbf16>
          %get3A_542 = arith.index_cast %add3A_522 : i32 to index
          %get3A_543 = arith.constant 96 : index
          %get3A_544 = tpu.vector_load %arg10[%get3A_542, %get3A_543] {strides = array<i32>} : memref<240x128xbf16, #tpu.memory_space<vmem>>, vector<32xbf16>,
          %mul3A_545 = arith.mulf %get3A_544, %pack3A_526 : vector<32xbf16>
          %max3A_546 = arith.maximumf %max3A_518, %mul3A_545 : vector<32xbf16>
          %mul3A_547 = arith.constant 16 : i32
          %mul3A_548 = arith.muli %scan3A_338, %mul3A_547 : i32
          %add3A_549 = arith.constant 7 : i32
          %add3A_550 = arith.addi %mul3A_548, %add3A_549 : i32
          %slice3A_551 = vector.extract_strided_slice %mul3A_354 {offsets = [7], sizes = [1], strides = [1]} : vector<16xf32> to vector<1xf32>
          %squeeze3A_552 = vector.extract %slice3A_551[0] : f32 from vector<1xf32>
          %broadcast_in_dim3A_553 = vector.broadcast %squeeze3A_552 : f32 to vector<16xf32>
          %pack3A_554 = tpu.pack_subelements %broadcast_in_dim3A_553, %broadcast_in_dim3A_553 {pack_format = #tpu.pack_format<interleaved>, positions = array<i32: 0, 1>} : vector<16xf32>, vector<16xf32> -> vector<32xbf16>
          %get3A_555 = arith.index_cast %add3A_550 : i32 to index
          %get3A_556 = arith.constant 0 : index
          %get3A_557 = tpu.vector_load %arg10[%get3A_555, %get3A_556] {strides = array<i32>} : memref<240x128xbf16, #tpu.memory_space<vmem>>, vector<32xbf16>,
          %mul3A_558 = arith.mulf %get3A_557, %pack3A_554 : vector<32xbf16>
          %max3A_559 = arith.maximumf %max3A_531, %mul3A_558 : vector<32xbf16>
          %get3A_560 = arith.index_cast %add3A_550 : i32 to index
          %get3A_561 = arith.constant 32 : index
          %get3A_562 = tpu.vector_load %arg10[%get3A_560, %get3A_561] {strides = array<i32>} : memref<240x128xbf16, #tpu.memory_space<vmem>>, vector<32xbf16>,
          %mul3A_563 = arith.mulf %get3A_562, %pack3A_554 : vector<32xbf16>
          %max3A_564 = arith.maximumf %max3A_536, %mul3A_563 : vector<32xbf16>
          %get3A_565 = arith.index_cast %add3A_550 : i32 to index
          %get3A_566 = arith.constant 64 : index
          %get3A_567 = tpu.vector_load %arg10[%get3A_565, %get3A_566] {strides = array<i32>} : memref<240x128xbf16, #tpu.memory_space<vmem>>, vector<32xbf16>,
          %mul3A_568 = arith.mulf %get3A_567, %pack3A_554 : vector<32xbf16>
          %max3A_569 = arith.maximumf %max3A_541, %mul3A_568 : vector<32xbf16>
          %get3A_570 = arith.index_cast %add3A_550 : i32 to index
          %get3A_571 = arith.constant 96 : index
          %get3A_572 = tpu.vector_load %arg10[%get3A_570, %get3A_571] {strides = array<i32>} : memref<240x128xbf16, #tpu.memory_space<vmem>>, vector<32xbf16>,
          %mul3A_573 = arith.mulf %get3A_572, %pack3A_554 : vector<32xbf16>
          %max3A_574 = arith.maximumf %max3A_546, %mul3A_573 : vector<32xbf16>
          %mul3A_575 = arith.constant 16 : i32
          %mul3A_576 = arith.muli %scan3A_338, %mul3A_575 : i32
          %add3A_577 = arith.constant 8 : i32
          %add3A_578 = arith.addi %mul3A_576, %add3A_577 : i32
          %slice3A_579 = vector.extract_strided_slice %mul3A_354 {offsets = [8], sizes = [1], strides = [1]} : vector<16xf32> to vector<1xf32>
          %squeeze3A_580 = vector.extract %slice3A_579[0] : f32 from vector<1xf32>
          %broadcast_in_dim3A_581 = vector.broadcast %squeeze3A_580 : f32 to vector<16xf32>
          %pack3A_582 = tpu.pack_subelements %broadcast_in_dim3A_581, %broadcast_in_dim3A_581 {pack_format = #tpu.pack_format<interleaved>, positions = array<i32: 0, 1>} : vector<16xf32>, vector<16xf32> -> vector<32xbf16>
          %get3A_583 = arith.index_cast %add3A_578 : i32 to index
          %get3A_584 = arith.constant 0 : index
          %get3A_585 = tpu.vector_load %arg10[%get3A_583, %get3A_584] {strides = array<i32>} : memref<240x128xbf16, #tpu.memory_space<vmem>>, vector<32xbf16>,
          %mul3A_586 = arith.mulf %get3A_585, %pack3A_582 : vector<32xbf16>
          %max3A_587 = arith.maximumf %max3A_559, %mul3A_586 : vector<32xbf16>
          %get3A_588 = arith.index_cast %add3A_578 : i32 to index
          %get3A_589 = arith.constant 32 : index
          %get3A_590 = tpu.vector_load %arg10[%get3A_588, %get3A_589] {strides = array<i32>} : memref<240x128xbf16, #tpu.memory_space<vmem>>, vector<32xbf16>,
          %mul3A_591 = arith.mulf %get3A_590, %pack3A_582 : vector<32xbf16>
          %max3A_592 = arith.maximumf %max3A_564, %mul3A_591 : vector<32xbf16>
          %get3A_593 = arith.index_cast %add3A_578 : i32 to index
          %get3A_594 = arith.constant 64 : index
          %get3A_595 = tpu.vector_load %arg10[%get3A_593, %get3A_594] {strides = array<i32>} : memref<240x128xbf16, #tpu.memory_space<vmem>>, vector<32xbf16>,
          %mul3A_596 = arith.mulf %get3A_595, %pack3A_582 : vector<32xbf16>
          %max3A_597 = arith.maximumf %max3A_569, %mul3A_596 : vector<32xbf16>
          %get3A_598 = arith.index_cast %add3A_578 : i32 to index
          %get3A_599 = arith.constant 96 : index
          %get3A_600 = tpu.vector_load %arg10[%get3A_598, %get3A_599] {strides = array<i32>} : memref<240x128xbf16, #tpu.memory_space<vmem>>, vector<32xbf16>,
          %mul3A_601 = arith.mulf %get3A_600, %pack3A_582 : vector<32xbf16>
          %max3A_602 = arith.maximumf %max3A_574, %mul3A_601 : vector<32xbf16>
          %mul3A_603 = arith.constant 16 : i32
          %mul3A_604 = arith.muli %scan3A_338, %mul3A_603 : i32
          %add3A_605 = arith.constant 9 : i32
          %add3A_606 = arith.addi %mul3A_604, %add3A_605 : i32
          %slice3A_607 = vector.extract_strided_slice %mul3A_354 {offsets = [9], sizes = [1], strides = [1]} : vector<16xf32> to vector<1xf32>
          %squeeze3A_608 = vector.extract %slice3A_607[0] : f32 from vector<1xf32>
          %broadcast_in_dim3A_609 = vector.broadcast %squeeze3A_608 : f32 to vector<16xf32>
          %pack3A_610 = tpu.pack_subelements %broadcast_in_dim3A_609, %broadcast_in_dim3A_609 {pack_format = #tpu.pack_format<interleaved>, positions = array<i32: 0, 1>} : vector<16xf32>, vector<16xf32> -> vector<32xbf16>
          %get3A_611 = arith.index_cast %add3A_606 : i32 to index
          %get3A_612 = arith.constant 0 : index
          %get3A_613 = tpu.vector_load %arg10[%get3A_611, %get3A_612] {strides = array<i32>} : memref<240x128xbf16, #tpu.memory_space<vmem>>, vector<32xbf16>,
          %mul3A_614 = arith.mulf %get3A_613, %pack3A_610 : vector<32xbf16>
          %max3A_615 = arith.maximumf %max3A_587, %mul3A_614 : vector<32xbf16>
          %get3A_616 = arith.index_cast %add3A_606 : i32 to index
          %get3A_617 = arith.constant 32 : index
          %get3A_618 = tpu.vector_load %arg10[%get3A_616, %get3A_617] {strides = array<i32>} : memref<240x128xbf16, #tpu.memory_space<vmem>>, vector<32xbf16>,
          %mul3A_619 = arith.mulf %get3A_618, %pack3A_610 : vector<32xbf16>
          %max3A_620 = arith.maximumf %max3A_592, %mul3A_619 : vector<32xbf16>
          %get3A_621 = arith.index_cast %add3A_606 : i32 to index
          %get3A_622 = arith.constant 64 : index
          %get3A_623 = tpu.vector_load %arg10[%get3A_621, %get3A_622] {strides = array<i32>} : memref<240x128xbf16, #tpu.memory_space<vmem>>, vector<32xbf16>,
          %mul3A_624 = arith.mulf %get3A_623, %pack3A_610 : vector<32xbf16>
          %max3A_625 = arith.maximumf %max3A_597, %mul3A_624 : vector<32xbf16>
          %get3A_626 = arith.index_cast %add3A_606 : i32 to index
          %get3A_627 = arith.constant 96 : index
          %get3A_628 = tpu.vector_load %arg10[%get3A_626, %get3A_627] {strides = array<i32>} : memref<240x128xbf16, #tpu.memory_space<vmem>>, vector<32xbf16>,
          %mul3A_629 = arith.mulf %get3A_628, %pack3A_610 : vector<32xbf16>
          %max3A_630 = arith.maximumf %max3A_602, %mul3A_629 : vector<32xbf16>
          %mul3A_631 = arith.constant 16 : i32
          %mul3A_632 = arith.muli %scan3A_338, %mul3A_631 : i32
          %add3A_633 = arith.constant 10 : i32
          %add3A_634 = arith.addi %mul3A_632, %add3A_633 : i32
          %slice3A_635 = vector.extract_strided_slice %mul3A_354 {offsets = [10], sizes = [1], strides = [1]} : vector<16xf32> to vector<1xf32>
          %squeeze3A_636 = vector.extract %slice3A_635[0] : f32 from vector<1xf32>
          %broadcast_in_dim3A_637 = vector.broadcast %squeeze3A_636 : f32 to vector<16xf32>
          %pack3A_638 = tpu.pack_subelements %broadcast_in_dim3A_637, %broadcast_in_dim3A_637 {pack_format = #tpu.pack_format<interleaved>, positions = array<i32: 0, 1>} : vector<16xf32>, vector<16xf32> -> vector<32xbf16>
          %get3A_639 = arith.index_cast %add3A_634 : i32 to index
          %get3A_640 = arith.constant 0 : index
          %get3A_641 = tpu.vector_load %arg10[%get3A_639, %get3A_640] {strides = array<i32>} : memref<240x128xbf16, #tpu.memory_space<vmem>>, vector<32xbf16>,
          %mul3A_642 = arith.mulf %get3A_641, %pack3A_638 : vector<32xbf16>
          %max3A_643 = arith.maximumf %max3A_615, %mul3A_642 : vector<32xbf16>
          %get3A_644 = arith.index_cast %add3A_634 : i32 to index
          %get3A_645 = arith.constant 32 : index
          %get3A_646 = tpu.vector_load %arg10[%get3A_644, %get3A_645] {strides = array<i32>} : memref<240x128xbf16, #tpu.memory_space<vmem>>, vector<32xbf16>,
          %mul3A_647 = arith.mulf %get3A_646, %pack3A_638 : vector<32xbf16>
          %max3A_648 = arith.maximumf %max3A_620, %mul3A_647 : vector<32xbf16>
          %get3A_649 = arith.index_cast %add3A_634 : i32 to index
          %get3A_650 = arith.constant 64 : index
          %get3A_651 = tpu.vector_load %arg10[%get3A_649, %get3A_650] {strides = array<i32>} : memref<240x128xbf16, #tpu.memory_space<vmem>>, vector<32xbf16>,
          %mul3A_652 = arith.mulf %get3A_651, %pack3A_638 : vector<32xbf16>
          %max3A_653 = arith.maximumf %max3A_625, %mul3A_652 : vector<32xbf16>
          %get3A_654 = arith.index_cast %add3A_634 : i32 to index
          %get3A_655 = arith.constant 96 : index
          %get3A_656 = tpu.vector_load %arg10[%get3A_654, %get3A_655] {strides = array<i32>} : memref<240x128xbf16, #tpu.memory_space<vmem>>, vector<32xbf16>,
          %mul3A_657 = arith.mulf %get3A_656, %pack3A_638 : vector<32xbf16>
          %max3A_658 = arith.maximumf %max3A_630, %mul3A_657 : vector<32xbf16>
          %mul3A_659 = arith.constant 16 : i32
          %mul3A_660 = arith.muli %scan3A_338, %mul3A_659 : i32
          %add3A_661 = arith.constant 11 : i32
          %add3A_662 = arith.addi %mul3A_660, %add3A_661 : i32
          %slice3A_663 = vector.extract_strided_slice %mul3A_354 {offsets = [11], sizes = [1], strides = [1]} : vector<16xf32> to vector<1xf32>
          %squeeze3A_664 = vector.extract %slice3A_663[0] : f32 from vector<1xf32>
          %broadcast_in_dim3A_665 = vector.broadcast %squeeze3A_664 : f32 to vector<16xf32>
          %pack3A_666 = tpu.pack_subelements %broadcast_in_dim3A_665, %broadcast_in_dim3A_665 {pack_format = #tpu.pack_format<interleaved>, positions = array<i32: 0, 1>} : vector<16xf32>, vector<16xf32> -> vector<32xbf16>
          %get3A_667 = arith.index_cast %add3A_662 : i32 to index
          %get3A_668 = arith.constant 0 : index
          %get3A_669 = tpu.vector_load %arg10[%get3A_667, %get3A_668] {strides = array<i32>} : memref<240x128xbf16, #tpu.memory_space<vmem>>, vector<32xbf16>,
          %mul3A_670 = arith.mulf %get3A_669, %pack3A_666 : vector<32xbf16>
          %max3A_671 = arith.maximumf %max3A_643, %mul3A_670 : vector<32xbf16>
          %get3A_672 = arith.index_cast %add3A_662 : i32 to index
          %get3A_673 = arith.constant 32 : index
          %get3A_674 = tpu.vector_load %arg10[%get3A_672, %get3A_673] {strides = array<i32>} : memref<240x128xbf16, #tpu.memory_space<vmem>>, vector<32xbf16>,
          %mul3A_675 = arith.mulf %get3A_674, %pack3A_666 : vector<32xbf16>
          %max3A_676 = arith.maximumf %max3A_648, %mul3A_675 : vector<32xbf16>
          %get3A_677 = arith.index_cast %add3A_662 : i32 to index
          %get3A_678 = arith.constant 64 : index
          %get3A_679 = tpu.vector_load %arg10[%get3A_677, %get3A_678] {strides = array<i32>} : memref<240x128xbf16, #tpu.memory_space<vmem>>, vector<32xbf16>,
          %mul3A_680 = arith.mulf %get3A_679, %pack3A_666 : vector<32xbf16>
          %max3A_681 = arith.maximumf %max3A_653, %mul3A_680 : vector<32xbf16>
          %get3A_682 = arith.index_cast %add3A_662 : i32 to index
          %get3A_683 = arith.constant 96 : index
          %get3A_684 = tpu.vector_load %arg10[%get3A_682, %get3A_683] {strides = array<i32>} : memref<240x128xbf16, #tpu.memory_space<vmem>>, vector<32xbf16>,
          %mul3A_685 = arith.mulf %get3A_684, %pack3A_666 : vector<32xbf16>
          %max3A_686 = arith.maximumf %max3A_658, %mul3A_685 : vector<32xbf16>
          %mul3A_687 = arith.constant 16 : i32
          %mul3A_688 = arith.muli %scan3A_338, %mul3A_687 : i32
          %add3A_689 = arith.constant 12 : i32
          %add3A_690 = arith.addi %mul3A_688, %add3A_689 : i32
          %slice3A_691 = vector.extract_strided_slice %mul3A_354 {offsets = [12], sizes = [1], strides = [1]} : vector<16xf32> to vector<1xf32>
          %squeeze3A_692 = vector.extract %slice3A_691[0] : f32 from vector<1xf32>
          %broadcast_in_dim3A_693 = vector.broadcast %squeeze3A_692 : f32 to vector<16xf32>
          %pack3A_694 = tpu.pack_subelements %broadcast_in_dim3A_693, %broadcast_in_dim3A_693 {pack_format = #tpu.pack_format<interleaved>, positions = array<i32: 0, 1>} : vector<16xf32>, vector<16xf32> -> vector<32xbf16>
          %get3A_695 = arith.index_cast %add3A_690 : i32 to index
          %get3A_696 = arith.constant 0 : index
          %get3A_697 = tpu.vector_load %arg10[%get3A_695, %get3A_696] {strides = array<i32>} : memref<240x128xbf16, #tpu.memory_space<vmem>>, vector<32xbf16>,
          %mul3A_698 = arith.mulf %get3A_697, %pack3A_694 : vector<32xbf16>
          %max3A_699 = arith.maximumf %max3A_671, %mul3A_698 : vector<32xbf16>
          %get3A_700 = arith.index_cast %add3A_690 : i32 to index
          %get3A_701 = arith.constant 32 : index
          %get3A_702 = tpu.vector_load %arg10[%get3A_700, %get3A_701] {strides = array<i32>} : memref<240x128xbf16, #tpu.memory_space<vmem>>, vector<32xbf16>,
          %mul3A_703 = arith.mulf %get3A_702, %pack3A_694 : vector<32xbf16>
          %max3A_704 = arith.maximumf %max3A_676, %mul3A_703 : vector<32xbf16>
          %get3A_705 = arith.index_cast %add3A_690 : i32 to index
          %get3A_706 = arith.constant 64 : index
          %get3A_707 = tpu.vector_load %arg10[%get3A_705, %get3A_706] {strides = array<i32>} : memref<240x128xbf16, #tpu.memory_space<vmem>>, vector<32xbf16>,
          %mul3A_708 = arith.mulf %get3A_707, %pack3A_694 : vector<32xbf16>
          %max3A_709 = arith.maximumf %max3A_681, %mul3A_708 : vector<32xbf16>
          %get3A_710 = arith.index_cast %add3A_690 : i32 to index
          %get3A_711 = arith.constant 96 : index
          %get3A_712 = tpu.vector_load %arg10[%get3A_710, %get3A_711] {strides = array<i32>} : memref<240x128xbf16, #tpu.memory_space<vmem>>, vector<32xbf16>,
          %mul3A_713 = arith.mulf %get3A_712, %pack3A_694 : vector<32xbf16>
          %max3A_714 = arith.maximumf %max3A_686, %mul3A_713 : vector<32xbf16>
          %mul3A_715 = arith.constant 16 : i32
          %mul3A_716 = arith.muli %scan3A_338, %mul3A_715 : i32
          %add3A_717 = arith.constant 13 : i32
          %add3A_718 = arith.addi %mul3A_716, %add3A_717 : i32
          %slice3A_719 = vector.extract_strided_slice %mul3A_354 {offsets = [13], sizes = [1], strides = [1]} : vector<16xf32> to vector<1xf32>
          %squeeze3A_720 = vector.extract %slice3A_719[0] : f32 from vector<1xf32>
          %broadcast_in_dim3A_721 = vector.broadcast %squeeze3A_720 : f32 to vector<16xf32>
          %pack3A_722 = tpu.pack_subelements %broadcast_in_dim3A_721, %broadcast_in_dim3A_721 {pack_format = #tpu.pack_format<interleaved>, positions = array<i32: 0, 1>} : vector<16xf32>, vector<16xf32> -> vector<32xbf16>
          %get3A_723 = arith.index_cast %add3A_718 : i32 to index
          %get3A_724 = arith.constant 0 : index
          %get3A_725 = tpu.vector_load %arg10[%get3A_723, %get3A_724] {strides = array<i32>} : memref<240x128xbf16, #tpu.memory_space<vmem>>, vector<32xbf16>,
          %mul3A_726 = arith.mulf %get3A_725, %pack3A_722 : vector<32xbf16>
          %max3A_727 = arith.maximumf %max3A_699, %mul3A_726 : vector<32xbf16>
          %get3A_728 = arith.index_cast %add3A_718 : i32 to index
          %get3A_729 = arith.constant 32 : index
          %get3A_730 = tpu.vector_load %arg10[%get3A_728, %get3A_729] {strides = array<i32>} : memref<240x128xbf16, #tpu.memory_space<vmem>>, vector<32xbf16>,
          %mul3A_731 = arith.mulf %get3A_730, %pack3A_722 : vector<32xbf16>
          %max3A_732 = arith.maximumf %max3A_704, %mul3A_731 : vector<32xbf16>
          %get3A_733 = arith.index_cast %add3A_718 : i32 to index
          %get3A_734 = arith.constant 64 : index
          %get3A_735 = tpu.vector_load %arg10[%get3A_733, %get3A_734] {strides = array<i32>} : memref<240x128xbf16, #tpu.memory_space<vmem>>, vector<32xbf16>,
          %mul3A_736 = arith.mulf %get3A_735, %pack3A_722 : vector<32xbf16>
          %max3A_737 = arith.maximumf %max3A_709, %mul3A_736 : vector<32xbf16>
          %get3A_738 = arith.index_cast %add3A_718 : i32 to index
          %get3A_739 = arith.constant 96 : index
          %get3A_740 = tpu.vector_load %arg10[%get3A_738, %get3A_739] {strides = array<i32>} : memref<240x128xbf16, #tpu.memory_space<vmem>>, vector<32xbf16>,
          %mul3A_741 = arith.mulf %get3A_740, %pack3A_722 : vector<32xbf16>
          %max3A_742 = arith.maximumf %max3A_714, %mul3A_741 : vector<32xbf16>
          %mul3A_743 = arith.constant 16 : i32
          %mul3A_744 = arith.muli %scan3A_338, %mul3A_743 : i32
          %add3A_745 = arith.constant 14 : i32
          %add3A_746 = arith.addi %mul3A_744, %add3A_745 : i32
          %slice3A_747 = vector.extract_strided_slice %mul3A_354 {offsets = [14], sizes = [1], strides = [1]} : vector<16xf32> to vector<1xf32>
          %squeeze3A_748 = vector.extract %slice3A_747[0] : f32 from vector<1xf32>
          %broadcast_in_dim3A_749 = vector.broadcast %squeeze3A_748 : f32 to vector<16xf32>
          %pack3A_750 = tpu.pack_subelements %broadcast_in_dim3A_749, %broadcast_in_dim3A_749 {pack_format = #tpu.pack_format<interleaved>, positions = array<i32: 0, 1>} : vector<16xf32>, vector<16xf32> -> vector<32xbf16>
          %get3A_751 = arith.index_cast %add3A_746 : i32 to index
          %get3A_752 = arith.constant 0 : index
          %get3A_753 = tpu.vector_load %arg10[%get3A_751, %get3A_752] {strides = array<i32>} : memref<240x128xbf16, #tpu.memory_space<vmem>>, vector<32xbf16>,
          %mul3A_754 = arith.mulf %get3A_753, %pack3A_750 : vector<32xbf16>
          %max3A_755 = arith.maximumf %max3A_727, %mul3A_754 : vector<32xbf16>
          %get3A_756 = arith.index_cast %add3A_746 : i32 to index
          %get3A_757 = arith.constant 32 : index
          %get3A_758 = tpu.vector_load %arg10[%get3A_756, %get3A_757] {strides = array<i32>} : memref<240x128xbf16, #tpu.memory_space<vmem>>, vector<32xbf16>,
          %mul3A_759 = arith.mulf %get3A_758, %pack3A_750 : vector<32xbf16>
          %max3A_760 = arith.maximumf %max3A_732, %mul3A_759 : vector<32xbf16>
          %get3A_761 = arith.index_cast %add3A_746 : i32 to index
          %get3A_762 = arith.constant 64 : index
          %get3A_763 = tpu.vector_load %arg10[%get3A_761, %get3A_762] {strides = array<i32>} : memref<240x128xbf16, #tpu.memory_space<vmem>>, vector<32xbf16>,
          %mul3A_764 = arith.mulf %get3A_763, %pack3A_750 : vector<32xbf16>
          %max3A_765 = arith.maximumf %max3A_737, %mul3A_764 : vector<32xbf16>
          %get3A_766 = arith.index_cast %add3A_746 : i32 to index
          %get3A_767 = arith.constant 96 : index
          %get3A_768 = tpu.vector_load %arg10[%get3A_766, %get3A_767] {strides = array<i32>} : memref<240x128xbf16, #tpu.memory_space<vmem>>, vector<32xbf16>,
          %mul3A_769 = arith.mulf %get3A_768, %pack3A_750 : vector<32xbf16>
          %max3A_770 = arith.maximumf %max3A_742, %mul3A_769 : vector<32xbf16>
          %mul3A_771 = arith.constant 16 : i32
          %mul3A_772 = arith.muli %scan3A_338, %mul3A_771 : i32
          %add3A_773 = arith.constant 15 : i32
          %add3A_774 = arith.addi %mul3A_772, %add3A_773 : i32
          %slice3A_775 = vector.extract_strided_slice %mul3A_354 {offsets = [15], sizes = [1], strides = [1]} : vector<16xf32> to vector<1xf32>
          %squeeze3A_776 = vector.extract %slice3A_775[0] : f32 from vector<1xf32>
          %broadcast_in_dim3A_777 = vector.broadcast %squeeze3A_776 : f32 to vector<16xf32>
          %pack3A_778 = tpu.pack_subelements %broadcast_in_dim3A_777, %broadcast_in_dim3A_777 {pack_format = #tpu.pack_format<interleaved>, positions = array<i32: 0, 1>} : vector<16xf32>, vector<16xf32> -> vector<32xbf16>
          %get3A_779 = arith.index_cast %add3A_774 : i32 to index
          %get3A_780 = arith.constant 0 : index
          %get3A_781 = tpu.vector_load %arg10[%get3A_779, %get3A_780] {strides = array<i32>} : memref<240x128xbf16, #tpu.memory_space<vmem>>, vector<32xbf16>,
          %mul3A_782 = arith.mulf %get3A_781, %pack3A_778 : vector<32xbf16>
          %max3A_783 = arith.maximumf %max3A_755, %mul3A_782 : vector<32xbf16>
          %get3A_784 = arith.index_cast %add3A_774 : i32 to index
          %get3A_785 = arith.constant 32 : index
          %get3A_786 = tpu.vector_load %arg10[%get3A_784, %get3A_785] {strides = array<i32>} : memref<240x128xbf16, #tpu.memory_space<vmem>>, vector<32xbf16>,
          %mul3A_787 = arith.mulf %get3A_786, %pack3A_778 : vector<32xbf16>
          %max3A_788 = arith.maximumf %max3A_760, %mul3A_787 : vector<32xbf16>
          %get3A_789 = arith.index_cast %add3A_774 : i32 to index
          %get3A_790 = arith.constant 64 : index
          %get3A_791 = tpu.vector_load %arg10[%get3A_789, %get3A_790] {strides = array<i32>} : memref<240x128xbf16, #tpu.memory_space<vmem>>, vector<32xbf16>,
          %mul3A_792 = arith.mulf %get3A_791, %pack3A_778 : vector<32xbf16>
          %max3A_793 = arith.maximumf %max3A_765, %mul3A_792 : vector<32xbf16>
          %get3A_794 = arith.index_cast %add3A_774 : i32 to index
          %get3A_795 = arith.constant 96 : index
          %get3A_796 = tpu.vector_load %arg10[%get3A_794, %get3A_795] {strides = array<i32>} : memref<240x128xbf16, #tpu.memory_space<vmem>>, vector<32xbf16>,
          %mul3A_797 = arith.mulf %get3A_796, %pack3A_778 : vector<32xbf16>
          %max3A_798 = arith.maximumf %max3A_770, %mul3A_797 : vector<32xbf16>
          scf.yield %max3A_783, %max3A_788, %max3A_793, %max3A_798 : vector<32xbf16>, vector<32xbf16>, vector<32xbf16>, vector<32xbf16>
        }
        %scan3A_240 = arith.constant 13 : i32
        %scan3A_241 = arith.constant 13 : i32
        %scan3A_242 = arith.constant 2 : i32
        %scan3A_243 = arith.addi %scan3A_241, %scan3A_242 : i32
        %scan3A_244 = arith.constant 1 : i32
        %scan3A_245:4 = scf.for %scan3A_338 = %scan3A_241 to %scan3A_243 step %scan3A_244 iter_args(%scan3A_339 = %broadcast_in_dim3A_3, %scan3A_340 = %broadcast_in_dim3A_3, %scan3A_341 = %broadcast_in_dim3A_3, %scan3A_342 = %broadcast_in_dim3A_3) -> (vector<32xbf16>, vector<32xbf16>, vector<32xbf16>, vector<32xbf16>)  : i32 {
          %mul3A_343 = arith.constant 240 : i32
          %mul3A_344 = arith.muli %add3A_207, %mul3A_343 : i32
          %mul3A_345 = arith.constant 16 : i32
          %mul3A_346 = arith.muli %scan3A_338, %mul3A_345 : i32
          %add3A_347 = arith.addi %mul3A_344, %mul3A_346 : i32
          %get3A = arith.index_cast %add3A_347 : i32 to index
          %get3A_348 = tpu.vector_load %arg6[%get3A] {strides = array<i32>} : memref<7680xi32, #tpu.memory_space<vmem>>, vector<16xi32>,
          %shift_right_logical3A = arith.constant 17 : i32
          %shift_right_logical3A_349 = vector.broadcast %shift_right_logical3A : i32 to vector<16xi32>
          %shift_right_logical3A_350 = arith.shrui %get3A_348, %shift_right_logical3A_349 : vector<16xi32>
          %convert_element_type3A_351 = arith.sitofp %shift_right_logical3A_350 : vector<16xi32> to vector<16xf32>
          %mul3A_352 = arith.constant 3.05185094E-5 : f32
          %mul3A_353 = vector.broadcast %mul3A_352 : f32 to vector<16xf32>
          %mul3A_354 = arith.mulf %convert_element_type3A_351, %mul3A_353 : vector<16xf32>
          %mul3A_355 = arith.constant 16 : i32
          %mul3A_356 = arith.muli %scan3A_338, %mul3A_355 : i32
          %add3A_357 = arith.constant 0 : i32
          %add3A_358 = arith.addi %mul3A_356, %add3A_357 : i32
          %slice3A = vector.extract_strided_slice %mul3A_354 {offsets = [0], sizes = [1], strides = [1]} : vector<16xf32> to vector<1xf32>
          %squeeze3A = vector.extract %slice3A[0] : f32 from vector<1xf32>
          %broadcast_in_dim3A_359 = vector.broadcast %squeeze3A : f32 to vector<16xf32>
          %pack3A = tpu.pack_subelements %broadcast_in_dim3A_359, %broadcast_in_dim3A_359 {pack_format = #tpu.pack_format<interleaved>, positions = array<i32: 0, 1>} : vector<16xf32>, vector<16xf32> -> vector<32xbf16>
          %get3A_360 = arith.index_cast %add3A_358 : i32 to index
          %get3A_361 = arith.constant 0 : index
          %get3A_362 = tpu.vector_load %arg10[%get3A_360, %get3A_361] {strides = array<i32>} : memref<240x128xbf16, #tpu.memory_space<vmem>>, vector<32xbf16>,
          %mul3A_363 = arith.mulf %get3A_362, %pack3A : vector<32xbf16>
          %max3A = arith.maximumf %scan3A_339, %mul3A_363 : vector<32xbf16>
          %get3A_364 = arith.index_cast %add3A_358 : i32 to index
          %get3A_365 = arith.constant 32 : index
          %get3A_366 = tpu.vector_load %arg10[%get3A_364, %get3A_365] {strides = array<i32>} : memref<240x128xbf16, #tpu.memory_space<vmem>>, vector<32xbf16>,
          %mul3A_367 = arith.mulf %get3A_366, %pack3A : vector<32xbf16>
          %max3A_368 = arith.maximumf %scan3A_340, %mul3A_367 : vector<32xbf16>
          %get3A_369 = arith.index_cast %add3A_358 : i32 to index
          %get3A_370 = arith.constant 64 : index
          %get3A_371 = tpu.vector_load %arg10[%get3A_369, %get3A_370] {strides = array<i32>} : memref<240x128xbf16, #tpu.memory_space<vmem>>, vector<32xbf16>,
          %mul3A_372 = arith.mulf %get3A_371, %pack3A : vector<32xbf16>
          %max3A_373 = arith.maximumf %scan3A_341, %mul3A_372 : vector<32xbf16>
          %get3A_374 = arith.index_cast %add3A_358 : i32 to index
          %get3A_375 = arith.constant 96 : index
          %get3A_376 = tpu.vector_load %arg10[%get3A_374, %get3A_375] {strides = array<i32>} : memref<240x128xbf16, #tpu.memory_space<vmem>>, vector<32xbf16>,
          %mul3A_377 = arith.mulf %get3A_376, %pack3A : vector<32xbf16>
          %max3A_378 = arith.maximumf %scan3A_342, %mul3A_377 : vector<32xbf16>
          %mul3A_379 = arith.constant 16 : i32
          %mul3A_380 = arith.muli %scan3A_338, %mul3A_379 : i32
          %add3A_381 = arith.constant 1 : i32
          %add3A_382 = arith.addi %mul3A_380, %add3A_381 : i32
          %slice3A_383 = vector.extract_strided_slice %mul3A_354 {offsets = [1], sizes = [1], strides = [1]} : vector<16xf32> to vector<1xf32>
          %squeeze3A_384 = vector.extract %slice3A_383[0] : f32 from vector<1xf32>
          %broadcast_in_dim3A_385 = vector.broadcast %squeeze3A_384 : f32 to vector<16xf32>
          %pack3A_386 = tpu.pack_subelements %broadcast_in_dim3A_385, %broadcast_in_dim3A_385 {pack_format = #tpu.pack_format<interleaved>, positions = array<i32: 0, 1>} : vector<16xf32>, vector<16xf32> -> vector<32xbf16>
          %get3A_387 = arith.index_cast %add3A_382 : i32 to index
          %get3A_388 = arith.constant 0 : index
          %get3A_389 = tpu.vector_load %arg10[%get3A_387, %get3A_388] {strides = array<i32>} : memref<240x128xbf16, #tpu.memory_space<vmem>>, vector<32xbf16>,
          %mul3A_390 = arith.mulf %get3A_389, %pack3A_386 : vector<32xbf16>
          %max3A_391 = arith.maximumf %max3A, %mul3A_390 : vector<32xbf16>
          %get3A_392 = arith.index_cast %add3A_382 : i32 to index
          %get3A_393 = arith.constant 32 : index
          %get3A_394 = tpu.vector_load %arg10[%get3A_392, %get3A_393] {strides = array<i32>} : memref<240x128xbf16, #tpu.memory_space<vmem>>, vector<32xbf16>,
          %mul3A_395 = arith.mulf %get3A_394, %pack3A_386 : vector<32xbf16>
          %max3A_396 = arith.maximumf %max3A_368, %mul3A_395 : vector<32xbf16>
          %get3A_397 = arith.index_cast %add3A_382 : i32 to index
          %get3A_398 = arith.constant 64 : index
          %get3A_399 = tpu.vector_load %arg10[%get3A_397, %get3A_398] {strides = array<i32>} : memref<240x128xbf16, #tpu.memory_space<vmem>>, vector<32xbf16>,
          %mul3A_400 = arith.mulf %get3A_399, %pack3A_386 : vector<32xbf16>
          %max3A_401 = arith.maximumf %max3A_373, %mul3A_400 : vector<32xbf16>
          %get3A_402 = arith.index_cast %add3A_382 : i32 to index
          %get3A_403 = arith.constant 96 : index
          %get3A_404 = tpu.vector_load %arg10[%get3A_402, %get3A_403] {strides = array<i32>} : memref<240x128xbf16, #tpu.memory_space<vmem>>, vector<32xbf16>,
          %mul3A_405 = arith.mulf %get3A_404, %pack3A_386 : vector<32xbf16>
          %max3A_406 = arith.maximumf %max3A_378, %mul3A_405 : vector<32xbf16>
          %mul3A_407 = arith.constant 16 : i32
          %mul3A_408 = arith.muli %scan3A_338, %mul3A_407 : i32
          %add3A_409 = arith.constant 2 : i32
          %add3A_410 = arith.addi %mul3A_408, %add3A_409 : i32
          %slice3A_411 = vector.extract_strided_slice %mul3A_354 {offsets = [2], sizes = [1], strides = [1]} : vector<16xf32> to vector<1xf32>
          %squeeze3A_412 = vector.extract %slice3A_411[0] : f32 from vector<1xf32>
          %broadcast_in_dim3A_413 = vector.broadcast %squeeze3A_412 : f32 to vector<16xf32>
          %pack3A_414 = tpu.pack_subelements %broadcast_in_dim3A_413, %broadcast_in_dim3A_413 {pack_format = #tpu.pack_format<interleaved>, positions = array<i32: 0, 1>} : vector<16xf32>, vector<16xf32> -> vector<32xbf16>
          %get3A_415 = arith.index_cast %add3A_410 : i32 to index
          %get3A_416 = arith.constant 0 : index
          %get3A_417 = tpu.vector_load %arg10[%get3A_415, %get3A_416] {strides = array<i32>} : memref<240x128xbf16, #tpu.memory_space<vmem>>, vector<32xbf16>,
          %mul3A_418 = arith.mulf %get3A_417, %pack3A_414 : vector<32xbf16>
          %max3A_419 = arith.maximumf %max3A_391, %mul3A_418 : vector<32xbf16>
          %get3A_420 = arith.index_cast %add3A_410 : i32 to index
          %get3A_421 = arith.constant 32 : index
          %get3A_422 = tpu.vector_load %arg10[%get3A_420, %get3A_421] {strides = array<i32>} : memref<240x128xbf16, #tpu.memory_space<vmem>>, vector<32xbf16>,
          %mul3A_423 = arith.mulf %get3A_422, %pack3A_414 : vector<32xbf16>
          %max3A_424 = arith.maximumf %max3A_396, %mul3A_423 : vector<32xbf16>
          %get3A_425 = arith.index_cast %add3A_410 : i32 to index
          %get3A_426 = arith.constant 64 : index
          %get3A_427 = tpu.vector_load %arg10[%get3A_425, %get3A_426] {strides = array<i32>} : memref<240x128xbf16, #tpu.memory_space<vmem>>, vector<32xbf16>,
          %mul3A_428 = arith.mulf %get3A_427, %pack3A_414 : vector<32xbf16>
          %max3A_429 = arith.maximumf %max3A_401, %mul3A_428 : vector<32xbf16>
          %get3A_430 = arith.index_cast %add3A_410 : i32 to index
          %get3A_431 = arith.constant 96 : index
          %get3A_432 = tpu.vector_load %arg10[%get3A_430, %get3A_431] {strides = array<i32>} : memref<240x128xbf16, #tpu.memory_space<vmem>>, vector<32xbf16>,
          %mul3A_433 = arith.mulf %get3A_432, %pack3A_414 : vector<32xbf16>
          %max3A_434 = arith.maximumf %max3A_406, %mul3A_433 : vector<32xbf16>
          %mul3A_435 = arith.constant 16 : i32
          %mul3A_436 = arith.muli %scan3A_338, %mul3A_435 : i32
          %add3A_437 = arith.constant 3 : i32
          %add3A_438 = arith.addi %mul3A_436, %add3A_437 : i32
          %slice3A_439 = vector.extract_strided_slice %mul3A_354 {offsets = [3], sizes = [1], strides = [1]} : vector<16xf32> to vector<1xf32>
          %squeeze3A_440 = vector.extract %slice3A_439[0] : f32 from vector<1xf32>
          %broadcast_in_dim3A_441 = vector.broadcast %squeeze3A_440 : f32 to vector<16xf32>
          %pack3A_442 = tpu.pack_subelements %broadcast_in_dim3A_441, %broadcast_in_dim3A_441 {pack_format = #tpu.pack_format<interleaved>, positions = array<i32: 0, 1>} : vector<16xf32>, vector<16xf32> -> vector<32xbf16>
          %get3A_443 = arith.index_cast %add3A_438 : i32 to index
          %get3A_444 = arith.constant 0 : index
          %get3A_445 = tpu.vector_load %arg10[%get3A_443, %get3A_444] {strides = array<i32>} : memref<240x128xbf16, #tpu.memory_space<vmem>>, vector<32xbf16>,
          %mul3A_446 = arith.mulf %get3A_445, %pack3A_442 : vector<32xbf16>
          %max3A_447 = arith.maximumf %max3A_419, %mul3A_446 : vector<32xbf16>
          %get3A_448 = arith.index_cast %add3A_438 : i32 to index
          %get3A_449 = arith.constant 32 : index
          %get3A_450 = tpu.vector_load %arg10[%get3A_448, %get3A_449] {strides = array<i32>} : memref<240x128xbf16, #tpu.memory_space<vmem>>, vector<32xbf16>,
          %mul3A_451 = arith.mulf %get3A_450, %pack3A_442 : vector<32xbf16>
          %max3A_452 = arith.maximumf %max3A_424, %mul3A_451 : vector<32xbf16>
          %get3A_453 = arith.index_cast %add3A_438 : i32 to index
          %get3A_454 = arith.constant 64 : index
          %get3A_455 = tpu.vector_load %arg10[%get3A_453, %get3A_454] {strides = array<i32>} : memref<240x128xbf16, #tpu.memory_space<vmem>>, vector<32xbf16>,
          %mul3A_456 = arith.mulf %get3A_455, %pack3A_442 : vector<32xbf16>
          %max3A_457 = arith.maximumf %max3A_429, %mul3A_456 : vector<32xbf16>
          %get3A_458 = arith.index_cast %add3A_438 : i32 to index
          %get3A_459 = arith.constant 96 : index
          %get3A_460 = tpu.vector_load %arg10[%get3A_458, %get3A_459] {strides = array<i32>} : memref<240x128xbf16, #tpu.memory_space<vmem>>, vector<32xbf16>,
          %mul3A_461 = arith.mulf %get3A_460, %pack3A_442 : vector<32xbf16>
          %max3A_462 = arith.maximumf %max3A_434, %mul3A_461 : vector<32xbf16>
          %mul3A_463 = arith.constant 16 : i32
          %mul3A_464 = arith.muli %scan3A_338, %mul3A_463 : i32
          %add3A_465 = arith.constant 4 : i32
          %add3A_466 = arith.addi %mul3A_464, %add3A_465 : i32
          %slice3A_467 = vector.extract_strided_slice %mul3A_354 {offsets = [4], sizes = [1], strides = [1]} : vector<16xf32> to vector<1xf32>
          %squeeze3A_468 = vector.extract %slice3A_467[0] : f32 from vector<1xf32>
          %broadcast_in_dim3A_469 = vector.broadcast %squeeze3A_468 : f32 to vector<16xf32>
          %pack3A_470 = tpu.pack_subelements %broadcast_in_dim3A_469, %broadcast_in_dim3A_469 {pack_format = #tpu.pack_format<interleaved>, positions = array<i32: 0, 1>} : vector<16xf32>, vector<16xf32> -> vector<32xbf16>
          %get3A_471 = arith.index_cast %add3A_466 : i32 to index
          %get3A_472 = arith.constant 0 : index
          %get3A_473 = tpu.vector_load %arg10[%get3A_471, %get3A_472] {strides = array<i32>} : memref<240x128xbf16, #tpu.memory_space<vmem>>, vector<32xbf16>,
          %mul3A_474 = arith.mulf %get3A_473, %pack3A_470 : vector<32xbf16>
          %max3A_475 = arith.maximumf %max3A_447, %mul3A_474 : vector<32xbf16>
          %get3A_476 = arith.index_cast %add3A_466 : i32 to index
          %get3A_477 = arith.constant 32 : index
          %get3A_478 = tpu.vector_load %arg10[%get3A_476, %get3A_477] {strides = array<i32>} : memref<240x128xbf16, #tpu.memory_space<vmem>>, vector<32xbf16>,
          %mul3A_479 = arith.mulf %get3A_478, %pack3A_470 : vector<32xbf16>
          %max3A_480 = arith.maximumf %max3A_452, %mul3A_479 : vector<32xbf16>
          %get3A_481 = arith.index_cast %add3A_466 : i32 to index
          %get3A_482 = arith.constant 64 : index
          %get3A_483 = tpu.vector_load %arg10[%get3A_481, %get3A_482] {strides = array<i32>} : memref<240x128xbf16, #tpu.memory_space<vmem>>, vector<32xbf16>,
          %mul3A_484 = arith.mulf %get3A_483, %pack3A_470 : vector<32xbf16>
          %max3A_485 = arith.maximumf %max3A_457, %mul3A_484 : vector<32xbf16>
          %get3A_486 = arith.index_cast %add3A_466 : i32 to index
          %get3A_487 = arith.constant 96 : index
          %get3A_488 = tpu.vector_load %arg10[%get3A_486, %get3A_487] {strides = array<i32>} : memref<240x128xbf16, #tpu.memory_space<vmem>>, vector<32xbf16>,
          %mul3A_489 = arith.mulf %get3A_488, %pack3A_470 : vector<32xbf16>
          %max3A_490 = arith.maximumf %max3A_462, %mul3A_489 : vector<32xbf16>
          %mul3A_491 = arith.constant 16 : i32
          %mul3A_492 = arith.muli %scan3A_338, %mul3A_491 : i32
          %add3A_493 = arith.constant 5 : i32
          %add3A_494 = arith.addi %mul3A_492, %add3A_493 : i32
          %slice3A_495 = vector.extract_strided_slice %mul3A_354 {offsets = [5], sizes = [1], strides = [1]} : vector<16xf32> to vector<1xf32>
          %squeeze3A_496 = vector.extract %slice3A_495[0] : f32 from vector<1xf32>
          %broadcast_in_dim3A_497 = vector.broadcast %squeeze3A_496 : f32 to vector<16xf32>
          %pack3A_498 = tpu.pack_subelements %broadcast_in_dim3A_497, %broadcast_in_dim3A_497 {pack_format = #tpu.pack_format<interleaved>, positions = array<i32: 0, 1>} : vector<16xf32>, vector<16xf32> -> vector<32xbf16>
          %get3A_499 = arith.index_cast %add3A_494 : i32 to index
          %get3A_500 = arith.constant 0 : index
          %get3A_501 = tpu.vector_load %arg10[%get3A_499, %get3A_500] {strides = array<i32>} : memref<240x128xbf16, #tpu.memory_space<vmem>>, vector<32xbf16>,
          %mul3A_502 = arith.mulf %get3A_501, %pack3A_498 : vector<32xbf16>
          %max3A_503 = arith.maximumf %max3A_475, %mul3A_502 : vector<32xbf16>
          %get3A_504 = arith.index_cast %add3A_494 : i32 to index
          %get3A_505 = arith.constant 32 : index
          %get3A_506 = tpu.vector_load %arg10[%get3A_504, %get3A_505] {strides = array<i32>} : memref<240x128xbf16, #tpu.memory_space<vmem>>, vector<32xbf16>,
          %mul3A_507 = arith.mulf %get3A_506, %pack3A_498 : vector<32xbf16>
          %max3A_508 = arith.maximumf %max3A_480, %mul3A_507 : vector<32xbf16>
          %get3A_509 = arith.index_cast %add3A_494 : i32 to index
          %get3A_510 = arith.constant 64 : index
          %get3A_511 = tpu.vector_load %arg10[%get3A_509, %get3A_510] {strides = array<i32>} : memref<240x128xbf16, #tpu.memory_space<vmem>>, vector<32xbf16>,
          %mul3A_512 = arith.mulf %get3A_511, %pack3A_498 : vector<32xbf16>
          %max3A_513 = arith.maximumf %max3A_485, %mul3A_512 : vector<32xbf16>
          %get3A_514 = arith.index_cast %add3A_494 : i32 to index
          %get3A_515 = arith.constant 96 : index
          %get3A_516 = tpu.vector_load %arg10[%get3A_514, %get3A_515] {strides = array<i32>} : memref<240x128xbf16, #tpu.memory_space<vmem>>, vector<32xbf16>,
          %mul3A_517 = arith.mulf %get3A_516, %pack3A_498 : vector<32xbf16>
          %max3A_518 = arith.maximumf %max3A_490, %mul3A_517 : vector<32xbf16>
          %mul3A_519 = arith.constant 16 : i32
          %mul3A_520 = arith.muli %scan3A_338, %mul3A_519 : i32
          %add3A_521 = arith.constant 6 : i32
          %add3A_522 = arith.addi %mul3A_520, %add3A_521 : i32
          %slice3A_523 = vector.extract_strided_slice %mul3A_354 {offsets = [6], sizes = [1], strides = [1]} : vector<16xf32> to vector<1xf32>
          %squeeze3A_524 = vector.extract %slice3A_523[0] : f32 from vector<1xf32>
          %broadcast_in_dim3A_525 = vector.broadcast %squeeze3A_524 : f32 to vector<16xf32>
          %pack3A_526 = tpu.pack_subelements %broadcast_in_dim3A_525, %broadcast_in_dim3A_525 {pack_format = #tpu.pack_format<interleaved>, positions = array<i32: 0, 1>} : vector<16xf32>, vector<16xf32> -> vector<32xbf16>
          %get3A_527 = arith.index_cast %add3A_522 : i32 to index
          %get3A_528 = arith.constant 0 : index
          %get3A_529 = tpu.vector_load %arg10[%get3A_527, %get3A_528] {strides = array<i32>} : memref<240x128xbf16, #tpu.memory_space<vmem>>, vector<32xbf16>,
          %mul3A_530 = arith.mulf %get3A_529, %pack3A_526 : vector<32xbf16>
          %max3A_531 = arith.maximumf %max3A_503, %mul3A_530 : vector<32xbf16>
          %get3A_532 = arith.index_cast %add3A_522 : i32 to index
          %get3A_533 = arith.constant 32 : index
          %get3A_534 = tpu.vector_load %arg10[%get3A_532, %get3A_533] {strides = array<i32>} : memref<240x128xbf16, #tpu.memory_space<vmem>>, vector<32xbf16>,
          %mul3A_535 = arith.mulf %get3A_534, %pack3A_526 : vector<32xbf16>
          %max3A_536 = arith.maximumf %max3A_508, %mul3A_535 : vector<32xbf16>
          %get3A_537 = arith.index_cast %add3A_522 : i32 to index
          %get3A_538 = arith.constant 64 : index
          %get3A_539 = tpu.vector_load %arg10[%get3A_537, %get3A_538] {strides = array<i32>} : memref<240x128xbf16, #tpu.memory_space<vmem>>, vector<32xbf16>,
          %mul3A_540 = arith.mulf %get3A_539, %pack3A_526 : vector<32xbf16>
          %max3A_541 = arith.maximumf %max3A_513, %mul3A_540 : vector<32xbf16>
          %get3A_542 = arith.index_cast %add3A_522 : i32 to index
          %get3A_543 = arith.constant 96 : index
          %get3A_544 = tpu.vector_load %arg10[%get3A_542, %get3A_543] {strides = array<i32>} : memref<240x128xbf16, #tpu.memory_space<vmem>>, vector<32xbf16>,
          %mul3A_545 = arith.mulf %get3A_544, %pack3A_526 : vector<32xbf16>
          %max3A_546 = arith.maximumf %max3A_518, %mul3A_545 : vector<32xbf16>
          %mul3A_547 = arith.constant 16 : i32
          %mul3A_548 = arith.muli %scan3A_338, %mul3A_547 : i32
          %add3A_549 = arith.constant 7 : i32
          %add3A_550 = arith.addi %mul3A_548, %add3A_549 : i32
          %slice3A_551 = vector.extract_strided_slice %mul3A_354 {offsets = [7], sizes = [1], strides = [1]} : vector<16xf32> to vector<1xf32>
          %squeeze3A_552 = vector.extract %slice3A_551[0] : f32 from vector<1xf32>
          %broadcast_in_dim3A_553 = vector.broadcast %squeeze3A_552 : f32 to vector<16xf32>
          %pack3A_554 = tpu.pack_subelements %broadcast_in_dim3A_553, %broadcast_in_dim3A_553 {pack_format = #tpu.pack_format<interleaved>, positions = array<i32: 0, 1>} : vector<16xf32>, vector<16xf32> -> vector<32xbf16>
          %get3A_555 = arith.index_cast %add3A_550 : i32 to index
          %get3A_556 = arith.constant 0 : index
          %get3A_557 = tpu.vector_load %arg10[%get3A_555, %get3A_556] {strides = array<i32>} : memref<240x128xbf16, #tpu.memory_space<vmem>>, vector<32xbf16>,
          %mul3A_558 = arith.mulf %get3A_557, %pack3A_554 : vector<32xbf16>
          %max3A_559 = arith.maximumf %max3A_531, %mul3A_558 : vector<32xbf16>
          %get3A_560 = arith.index_cast %add3A_550 : i32 to index
          %get3A_561 = arith.constant 32 : index
          %get3A_562 = tpu.vector_load %arg10[%get3A_560, %get3A_561] {strides = array<i32>} : memref<240x128xbf16, #tpu.memory_space<vmem>>, vector<32xbf16>,
          %mul3A_563 = arith.mulf %get3A_562, %pack3A_554 : vector<32xbf16>
          %max3A_564 = arith.maximumf %max3A_536, %mul3A_563 : vector<32xbf16>
          %get3A_565 = arith.index_cast %add3A_550 : i32 to index
          %get3A_566 = arith.constant 64 : index
          %get3A_567 = tpu.vector_load %arg10[%get3A_565, %get3A_566] {strides = array<i32>} : memref<240x128xbf16, #tpu.memory_space<vmem>>, vector<32xbf16>,
          %mul3A_568 = arith.mulf %get3A_567, %pack3A_554 : vector<32xbf16>
          %max3A_569 = arith.maximumf %max3A_541, %mul3A_568 : vector<32xbf16>
          %get3A_570 = arith.index_cast %add3A_550 : i32 to index
          %get3A_571 = arith.constant 96 : index
          %get3A_572 = tpu.vector_load %arg10[%get3A_570, %get3A_571] {strides = array<i32>} : memref<240x128xbf16, #tpu.memory_space<vmem>>, vector<32xbf16>,
          %mul3A_573 = arith.mulf %get3A_572, %pack3A_554 : vector<32xbf16>
          %max3A_574 = arith.maximumf %max3A_546, %mul3A_573 : vector<32xbf16>
          %mul3A_575 = arith.constant 16 : i32
          %mul3A_576 = arith.muli %scan3A_338, %mul3A_575 : i32
          %add3A_577 = arith.constant 8 : i32
          %add3A_578 = arith.addi %mul3A_576, %add3A_577 : i32
          %slice3A_579 = vector.extract_strided_slice %mul3A_354 {offsets = [8], sizes = [1], strides = [1]} : vector<16xf32> to vector<1xf32>
          %squeeze3A_580 = vector.extract %slice3A_579[0] : f32 from vector<1xf32>
          %broadcast_in_dim3A_581 = vector.broadcast %squeeze3A_580 : f32 to vector<16xf32>
          %pack3A_582 = tpu.pack_subelements %broadcast_in_dim3A_581, %broadcast_in_dim3A_581 {pack_format = #tpu.pack_format<interleaved>, positions = array<i32: 0, 1>} : vector<16xf32>, vector<16xf32> -> vector<32xbf16>
          %get3A_583 = arith.index_cast %add3A_578 : i32 to index
          %get3A_584 = arith.constant 0 : index
          %get3A_585 = tpu.vector_load %arg10[%get3A_583, %get3A_584] {strides = array<i32>} : memref<240x128xbf16, #tpu.memory_space<vmem>>, vector<32xbf16>,
          %mul3A_586 = arith.mulf %get3A_585, %pack3A_582 : vector<32xbf16>
          %max3A_587 = arith.maximumf %max3A_559, %mul3A_586 : vector<32xbf16>
          %get3A_588 = arith.index_cast %add3A_578 : i32 to index
          %get3A_589 = arith.constant 32 : index
          %get3A_590 = tpu.vector_load %arg10[%get3A_588, %get3A_589] {strides = array<i32>} : memref<240x128xbf16, #tpu.memory_space<vmem>>, vector<32xbf16>,
          %mul3A_591 = arith.mulf %get3A_590, %pack3A_582 : vector<32xbf16>
          %max3A_592 = arith.maximumf %max3A_564, %mul3A_591 : vector<32xbf16>
          %get3A_593 = arith.index_cast %add3A_578 : i32 to index
          %get3A_594 = arith.constant 64 : index
          %get3A_595 = tpu.vector_load %arg10[%get3A_593, %get3A_594] {strides = array<i32>} : memref<240x128xbf16, #tpu.memory_space<vmem>>, vector<32xbf16>,
          %mul3A_596 = arith.mulf %get3A_595, %pack3A_582 : vector<32xbf16>
          %max3A_597 = arith.maximumf %max3A_569, %mul3A_596 : vector<32xbf16>
          %get3A_598 = arith.index_cast %add3A_578 : i32 to index
          %get3A_599 = arith.constant 96 : index
          %get3A_600 = tpu.vector_load %arg10[%get3A_598, %get3A_599] {strides = array<i32>} : memref<240x128xbf16, #tpu.memory_space<vmem>>, vector<32xbf16>,
          %mul3A_601 = arith.mulf %get3A_600, %pack3A_582 : vector<32xbf16>
          %max3A_602 = arith.maximumf %max3A_574, %mul3A_601 : vector<32xbf16>
          %mul3A_603 = arith.constant 16 : i32
          %mul3A_604 = arith.muli %scan3A_338, %mul3A_603 : i32
          %add3A_605 = arith.constant 9 : i32
          %add3A_606 = arith.addi %mul3A_604, %add3A_605 : i32
          %slice3A_607 = vector.extract_strided_slice %mul3A_354 {offsets = [9], sizes = [1], strides = [1]} : vector<16xf32> to vector<1xf32>
          %squeeze3A_608 = vector.extract %slice3A_607[0] : f32 from vector<1xf32>
          %broadcast_in_dim3A_609 = vector.broadcast %squeeze3A_608 : f32 to vector<16xf32>
          %pack3A_610 = tpu.pack_subelements %broadcast_in_dim3A_609, %broadcast_in_dim3A_609 {pack_format = #tpu.pack_format<interleaved>, positions = array<i32: 0, 1>} : vector<16xf32>, vector<16xf32> -> vector<32xbf16>
          %get3A_611 = arith.index_cast %add3A_606 : i32 to index
          %get3A_612 = arith.constant 0 : index
          %get3A_613 = tpu.vector_load %arg10[%get3A_611, %get3A_612] {strides = array<i32>} : memref<240x128xbf16, #tpu.memory_space<vmem>>, vector<32xbf16>,
          %mul3A_614 = arith.mulf %get3A_613, %pack3A_610 : vector<32xbf16>
          %max3A_615 = arith.maximumf %max3A_587, %mul3A_614 : vector<32xbf16>
          %get3A_616 = arith.index_cast %add3A_606 : i32 to index
          %get3A_617 = arith.constant 32 : index
          %get3A_618 = tpu.vector_load %arg10[%get3A_616, %get3A_617] {strides = array<i32>} : memref<240x128xbf16, #tpu.memory_space<vmem>>, vector<32xbf16>,
          %mul3A_619 = arith.mulf %get3A_618, %pack3A_610 : vector<32xbf16>
          %max3A_620 = arith.maximumf %max3A_592, %mul3A_619 : vector<32xbf16>
          %get3A_621 = arith.index_cast %add3A_606 : i32 to index
          %get3A_622 = arith.constant 64 : index
          %get3A_623 = tpu.vector_load %arg10[%get3A_621, %get3A_622] {strides = array<i32>} : memref<240x128xbf16, #tpu.memory_space<vmem>>, vector<32xbf16>,
          %mul3A_624 = arith.mulf %get3A_623, %pack3A_610 : vector<32xbf16>
          %max3A_625 = arith.maximumf %max3A_597, %mul3A_624 : vector<32xbf16>
          %get3A_626 = arith.index_cast %add3A_606 : i32 to index
          %get3A_627 = arith.constant 96 : index
          %get3A_628 = tpu.vector_load %arg10[%get3A_626, %get3A_627] {strides = array<i32>} : memref<240x128xbf16, #tpu.memory_space<vmem>>, vector<32xbf16>,
          %mul3A_629 = arith.mulf %get3A_628, %pack3A_610 : vector<32xbf16>
          %max3A_630 = arith.maximumf %max3A_602, %mul3A_629 : vector<32xbf16>
          %mul3A_631 = arith.constant 16 : i32
          %mul3A_632 = arith.muli %scan3A_338, %mul3A_631 : i32
          %add3A_633 = arith.constant 10 : i32
          %add3A_634 = arith.addi %mul3A_632, %add3A_633 : i32
          %slice3A_635 = vector.extract_strided_slice %mul3A_354 {offsets = [10], sizes = [1], strides = [1]} : vector<16xf32> to vector<1xf32>
          %squeeze3A_636 = vector.extract %slice3A_635[0] : f32 from vector<1xf32>
          %broadcast_in_dim3A_637 = vector.broadcast %squeeze3A_636 : f32 to vector<16xf32>
          %pack3A_638 = tpu.pack_subelements %broadcast_in_dim3A_637, %broadcast_in_dim3A_637 {pack_format = #tpu.pack_format<interleaved>, positions = array<i32: 0, 1>} : vector<16xf32>, vector<16xf32> -> vector<32xbf16>
          %get3A_639 = arith.index_cast %add3A_634 : i32 to index
          %get3A_640 = arith.constant 0 : index
          %get3A_641 = tpu.vector_load %arg10[%get3A_639, %get3A_640] {strides = array<i32>} : memref<240x128xbf16, #tpu.memory_space<vmem>>, vector<32xbf16>,
          %mul3A_642 = arith.mulf %get3A_641, %pack3A_638 : vector<32xbf16>
          %max3A_643 = arith.maximumf %max3A_615, %mul3A_642 : vector<32xbf16>
          %get3A_644 = arith.index_cast %add3A_634 : i32 to index
          %get3A_645 = arith.constant 32 : index
          %get3A_646 = tpu.vector_load %arg10[%get3A_644, %get3A_645] {strides = array<i32>} : memref<240x128xbf16, #tpu.memory_space<vmem>>, vector<32xbf16>,
          %mul3A_647 = arith.mulf %get3A_646, %pack3A_638 : vector<32xbf16>
          %max3A_648 = arith.maximumf %max3A_620, %mul3A_647 : vector<32xbf16>
          %get3A_649 = arith.index_cast %add3A_634 : i32 to index
          %get3A_650 = arith.constant 64 : index
          %get3A_651 = tpu.vector_load %arg10[%get3A_649, %get3A_650] {strides = array<i32>} : memref<240x128xbf16, #tpu.memory_space<vmem>>, vector<32xbf16>,
          %mul3A_652 = arith.mulf %get3A_651, %pack3A_638 : vector<32xbf16>
          %max3A_653 = arith.maximumf %max3A_625, %mul3A_652 : vector<32xbf16>
          %get3A_654 = arith.index_cast %add3A_634 : i32 to index
          %get3A_655 = arith.constant 96 : index
          %get3A_656 = tpu.vector_load %arg10[%get3A_654, %get3A_655] {strides = array<i32>} : memref<240x128xbf16, #tpu.memory_space<vmem>>, vector<32xbf16>,
          %mul3A_657 = arith.mulf %get3A_656, %pack3A_638 : vector<32xbf16>
          %max3A_658 = arith.maximumf %max3A_630, %mul3A_657 : vector<32xbf16>
          %mul3A_659 = arith.constant 16 : i32
          %mul3A_660 = arith.muli %scan3A_338, %mul3A_659 : i32
          %add3A_661 = arith.constant 11 : i32
          %add3A_662 = arith.addi %mul3A_660, %add3A_661 : i32
          %slice3A_663 = vector.extract_strided_slice %mul3A_354 {offsets = [11], sizes = [1], strides = [1]} : vector<16xf32> to vector<1xf32>
          %squeeze3A_664 = vector.extract %slice3A_663[0] : f32 from vector<1xf32>
          %broadcast_in_dim3A_665 = vector.broadcast %squeeze3A_664 : f32 to vector<16xf32>
          %pack3A_666 = tpu.pack_subelements %broadcast_in_dim3A_665, %broadcast_in_dim3A_665 {pack_format = #tpu.pack_format<interleaved>, positions = array<i32: 0, 1>} : vector<16xf32>, vector<16xf32> -> vector<32xbf16>
          %get3A_667 = arith.index_cast %add3A_662 : i32 to index
          %get3A_668 = arith.constant 0 : index
          %get3A_669 = tpu.vector_load %arg10[%get3A_667, %get3A_668] {strides = array<i32>} : memref<240x128xbf16, #tpu.memory_space<vmem>>, vector<32xbf16>,
          %mul3A_670 = arith.mulf %get3A_669, %pack3A_666 : vector<32xbf16>
          %max3A_671 = arith.maximumf %max3A_643, %mul3A_670 : vector<32xbf16>
          %get3A_672 = arith.index_cast %add3A_662 : i32 to index
          %get3A_673 = arith.constant 32 : index
          %get3A_674 = tpu.vector_load %arg10[%get3A_672, %get3A_673] {strides = array<i32>} : memref<240x128xbf16, #tpu.memory_space<vmem>>, vector<32xbf16>,
          %mul3A_675 = arith.mulf %get3A_674, %pack3A_666 : vector<32xbf16>
          %max3A_676 = arith.maximumf %max3A_648, %mul3A_675 : vector<32xbf16>
          %get3A_677 = arith.index_cast %add3A_662 : i32 to index
          %get3A_678 = arith.constant 64 : index
          %get3A_679 = tpu.vector_load %arg10[%get3A_677, %get3A_678] {strides = array<i32>} : memref<240x128xbf16, #tpu.memory_space<vmem>>, vector<32xbf16>,
          %mul3A_680 = arith.mulf %get3A_679, %pack3A_666 : vector<32xbf16>
          %max3A_681 = arith.maximumf %max3A_653, %mul3A_680 : vector<32xbf16>
          %get3A_682 = arith.index_cast %add3A_662 : i32 to index
          %get3A_683 = arith.constant 96 : index
          %get3A_684 = tpu.vector_load %arg10[%get3A_682, %get3A_683] {strides = array<i32>} : memref<240x128xbf16, #tpu.memory_space<vmem>>, vector<32xbf16>,
          %mul3A_685 = arith.mulf %get3A_684, %pack3A_666 : vector<32xbf16>
          %max3A_686 = arith.maximumf %max3A_658, %mul3A_685 : vector<32xbf16>
          %mul3A_687 = arith.constant 16 : i32
          %mul3A_688 = arith.muli %scan3A_338, %mul3A_687 : i32
          %add3A_689 = arith.constant 12 : i32
          %add3A_690 = arith.addi %mul3A_688, %add3A_689 : i32
          %slice3A_691 = vector.extract_strided_slice %mul3A_354 {offsets = [12], sizes = [1], strides = [1]} : vector<16xf32> to vector<1xf32>
          %squeeze3A_692 = vector.extract %slice3A_691[0] : f32 from vector<1xf32>
          %broadcast_in_dim3A_693 = vector.broadcast %squeeze3A_692 : f32 to vector<16xf32>
          %pack3A_694 = tpu.pack_subelements %broadcast_in_dim3A_693, %broadcast_in_dim3A_693 {pack_format = #tpu.pack_format<interleaved>, positions = array<i32: 0, 1>} : vector<16xf32>, vector<16xf32> -> vector<32xbf16>
          %get3A_695 = arith.index_cast %add3A_690 : i32 to index
          %get3A_696 = arith.constant 0 : index
          %get3A_697 = tpu.vector_load %arg10[%get3A_695, %get3A_696] {strides = array<i32>} : memref<240x128xbf16, #tpu.memory_space<vmem>>, vector<32xbf16>,
          %mul3A_698 = arith.mulf %get3A_697, %pack3A_694 : vector<32xbf16>
          %max3A_699 = arith.maximumf %max3A_671, %mul3A_698 : vector<32xbf16>
          %get3A_700 = arith.index_cast %add3A_690 : i32 to index
          %get3A_701 = arith.constant 32 : index
          %get3A_702 = tpu.vector_load %arg10[%get3A_700, %get3A_701] {strides = array<i32>} : memref<240x128xbf16, #tpu.memory_space<vmem>>, vector<32xbf16>,
          %mul3A_703 = arith.mulf %get3A_702, %pack3A_694 : vector<32xbf16>
          %max3A_704 = arith.maximumf %max3A_676, %mul3A_703 : vector<32xbf16>
          %get3A_705 = arith.index_cast %add3A_690 : i32 to index
          %get3A_706 = arith.constant 64 : index
          %get3A_707 = tpu.vector_load %arg10[%get3A_705, %get3A_706] {strides = array<i32>} : memref<240x128xbf16, #tpu.memory_space<vmem>>, vector<32xbf16>,
          %mul3A_708 = arith.mulf %get3A_707, %pack3A_694 : vector<32xbf16>
          %max3A_709 = arith.maximumf %max3A_681, %mul3A_708 : vector<32xbf16>
          %get3A_710 = arith.index_cast %add3A_690 : i32 to index
          %get3A_711 = arith.constant 96 : index
          %get3A_712 = tpu.vector_load %arg10[%get3A_710, %get3A_711] {strides = array<i32>} : memref<240x128xbf16, #tpu.memory_space<vmem>>, vector<32xbf16>,
          %mul3A_713 = arith.mulf %get3A_712, %pack3A_694 : vector<32xbf16>
          %max3A_714 = arith.maximumf %max3A_686, %mul3A_713 : vector<32xbf16>
          %mul3A_715 = arith.constant 16 : i32
          %mul3A_716 = arith.muli %scan3A_338, %mul3A_715 : i32
          %add3A_717 = arith.constant 13 : i32
          %add3A_718 = arith.addi %mul3A_716, %add3A_717 : i32
          %slice3A_719 = vector.extract_strided_slice %mul3A_354 {offsets = [13], sizes = [1], strides = [1]} : vector<16xf32> to vector<1xf32>
          %squeeze3A_720 = vector.extract %slice3A_719[0] : f32 from vector<1xf32>
          %broadcast_in_dim3A_721 = vector.broadcast %squeeze3A_720 : f32 to vector<16xf32>
          %pack3A_722 = tpu.pack_subelements %broadcast_in_dim3A_721, %broadcast_in_dim3A_721 {pack_format = #tpu.pack_format<interleaved>, positions = array<i32: 0, 1>} : vector<16xf32>, vector<16xf32> -> vector<32xbf16>
          %get3A_723 = arith.index_cast %add3A_718 : i32 to index
          %get3A_724 = arith.constant 0 : index
          %get3A_725 = tpu.vector_load %arg10[%get3A_723, %get3A_724] {strides = array<i32>} : memref<240x128xbf16, #tpu.memory_space<vmem>>, vector<32xbf16>,
          %mul3A_726 = arith.mulf %get3A_725, %pack3A_722 : vector<32xbf16>
          %max3A_727 = arith.maximumf %max3A_699, %mul3A_726 : vector<32xbf16>
          %get3A_728 = arith.index_cast %add3A_718 : i32 to index
          %get3A_729 = arith.constant 32 : index
          %get3A_730 = tpu.vector_load %arg10[%get3A_728, %get3A_729] {strides = array<i32>} : memref<240x128xbf16, #tpu.memory_space<vmem>>, vector<32xbf16>,
          %mul3A_731 = arith.mulf %get3A_730, %pack3A_722 : vector<32xbf16>
          %max3A_732 = arith.maximumf %max3A_704, %mul3A_731 : vector<32xbf16>
          %get3A_733 = arith.index_cast %add3A_718 : i32 to index
          %get3A_734 = arith.constant 64 : index
          %get3A_735 = tpu.vector_load %arg10[%get3A_733, %get3A_734] {strides = array<i32>} : memref<240x128xbf16, #tpu.memory_space<vmem>>, vector<32xbf16>,
          %mul3A_736 = arith.mulf %get3A_735, %pack3A_722 : vector<32xbf16>
          %max3A_737 = arith.maximumf %max3A_709, %mul3A_736 : vector<32xbf16>
          %get3A_738 = arith.index_cast %add3A_718 : i32 to index
          %get3A_739 = arith.constant 96 : index
          %get3A_740 = tpu.vector_load %arg10[%get3A_738, %get3A_739] {strides = array<i32>} : memref<240x128xbf16, #tpu.memory_space<vmem>>, vector<32xbf16>,
          %mul3A_741 = arith.mulf %get3A_740, %pack3A_722 : vector<32xbf16>
          %max3A_742 = arith.maximumf %max3A_714, %mul3A_741 : vector<32xbf16>
          %mul3A_743 = arith.constant 16 : i32
          %mul3A_744 = arith.muli %scan3A_338, %mul3A_743 : i32
          %add3A_745 = arith.constant 14 : i32
          %add3A_746 = arith.addi %mul3A_744, %add3A_745 : i32
          %slice3A_747 = vector.extract_strided_slice %mul3A_354 {offsets = [14], sizes = [1], strides = [1]} : vector<16xf32> to vector<1xf32>
          %squeeze3A_748 = vector.extract %slice3A_747[0] : f32 from vector<1xf32>
          %broadcast_in_dim3A_749 = vector.broadcast %squeeze3A_748 : f32 to vector<16xf32>
          %pack3A_750 = tpu.pack_subelements %broadcast_in_dim3A_749, %broadcast_in_dim3A_749 {pack_format = #tpu.pack_format<interleaved>, positions = array<i32: 0, 1>} : vector<16xf32>, vector<16xf32> -> vector<32xbf16>
          %get3A_751 = arith.index_cast %add3A_746 : i32 to index
          %get3A_752 = arith.constant 0 : index
          %get3A_753 = tpu.vector_load %arg10[%get3A_751, %get3A_752] {strides = array<i32>} : memref<240x128xbf16, #tpu.memory_space<vmem>>, vector<32xbf16>,
          %mul3A_754 = arith.mulf %get3A_753, %pack3A_750 : vector<32xbf16>
          %max3A_755 = arith.maximumf %max3A_727, %mul3A_754 : vector<32xbf16>
          %get3A_756 = arith.index_cast %add3A_746 : i32 to index
          %get3A_757 = arith.constant 32 : index
          %get3A_758 = tpu.vector_load %arg10[%get3A_756, %get3A_757] {strides = array<i32>} : memref<240x128xbf16, #tpu.memory_space<vmem>>, vector<32xbf16>,
          %mul3A_759 = arith.mulf %get3A_758, %pack3A_750 : vector<32xbf16>
          %max3A_760 = arith.maximumf %max3A_732, %mul3A_759 : vector<32xbf16>
          %get3A_761 = arith.index_cast %add3A_746 : i32 to index
          %get3A_762 = arith.constant 64 : index
          %get3A_763 = tpu.vector_load %arg10[%get3A_761, %get3A_762] {strides = array<i32>} : memref<240x128xbf16, #tpu.memory_space<vmem>>, vector<32xbf16>,
          %mul3A_764 = arith.mulf %get3A_763, %pack3A_750 : vector<32xbf16>
          %max3A_765 = arith.maximumf %max3A_737, %mul3A_764 : vector<32xbf16>
          %get3A_766 = arith.index_cast %add3A_746 : i32 to index
          %get3A_767 = arith.constant 96 : index
          %get3A_768 = tpu.vector_load %arg10[%get3A_766, %get3A_767] {strides = array<i32>} : memref<240x128xbf16, #tpu.memory_space<vmem>>, vector<32xbf16>,
          %mul3A_769 = arith.mulf %get3A_768, %pack3A_750 : vector<32xbf16>
          %max3A_770 = arith.maximumf %max3A_742, %mul3A_769 : vector<32xbf16>
          %mul3A_771 = arith.constant 16 : i32
          %mul3A_772 = arith.muli %scan3A_338, %mul3A_771 : i32
          %add3A_773 = arith.constant 15 : i32
          %add3A_774 = arith.addi %mul3A_772, %add3A_773 : i32
          %slice3A_775 = vector.extract_strided_slice %mul3A_354 {offsets = [15], sizes = [1], strides = [1]} : vector<16xf32> to vector<1xf32>
          %squeeze3A_776 = vector.extract %slice3A_775[0] : f32 from vector<1xf32>
          %broadcast_in_dim3A_777 = vector.broadcast %squeeze3A_776 : f32 to vector<16xf32>
          %pack3A_778 = tpu.pack_subelements %broadcast_in_dim3A_777, %broadcast_in_dim3A_777 {pack_format = #tpu.pack_format<interleaved>, positions = array<i32: 0, 1>} : vector<16xf32>, vector<16xf32> -> vector<32xbf16>
          %get3A_779 = arith.index_cast %add3A_774 : i32 to index
          %get3A_780 = arith.constant 0 : index
          %get3A_781 = tpu.vector_load %arg10[%get3A_779, %get3A_780] {strides = array<i32>} : memref<240x128xbf16, #tpu.memory_space<vmem>>, vector<32xbf16>,
          %mul3A_782 = arith.mulf %get3A_781, %pack3A_778 : vector<32xbf16>
          %max3A_783 = arith.maximumf %max3A_755, %mul3A_782 : vector<32xbf16>
          %get3A_784 = arith.index_cast %add3A_774 : i32 to index
          %get3A_785 = arith.constant 32 : index
          %get3A_786 = tpu.vector_load %arg10[%get3A_784, %get3A_785] {strides = array<i32>} : memref<240x128xbf16, #tpu.memory_space<vmem>>, vector<32xbf16>,
          %mul3A_787 = arith.mulf %get3A_786, %pack3A_778 : vector<32xbf16>
          %max3A_788 = arith.maximumf %max3A_760, %mul3A_787 : vector<32xbf16>
          %get3A_789 = arith.index_cast %add3A_774 : i32 to index
          %get3A_790 = arith.constant 64 : index
          %get3A_791 = tpu.vector_load %arg10[%get3A_789, %get3A_790] {strides = array<i32>} : memref<240x128xbf16, #tpu.memory_space<vmem>>, vector<32xbf16>,
          %mul3A_792 = arith.mulf %get3A_791, %pack3A_778 : vector<32xbf16>
          %max3A_793 = arith.maximumf %max3A_765, %mul3A_792 : vector<32xbf16>
          %get3A_794 = arith.index_cast %add3A_774 : i32 to index
          %get3A_795 = arith.constant 96 : index
          %get3A_796 = tpu.vector_load %arg10[%get3A_794, %get3A_795] {strides = array<i32>} : memref<240x128xbf16, #tpu.memory_space<vmem>>, vector<32xbf16>,
          %mul3A_797 = arith.mulf %get3A_796, %pack3A_778 : vector<32xbf16>
          %max3A_798 = arith.maximumf %max3A_770, %mul3A_797 : vector<32xbf16>
          scf.yield %max3A_783, %max3A_788, %max3A_793, %max3A_798 : vector<32xbf16>, vector<32xbf16>, vector<32xbf16>, vector<32xbf16>
        }
        %scan3A_246 = arith.constant 2 : i32
        %swap3A_247 = arith.index_cast %add3A_207 : i32 to index
        %swap3A_248 = arith.constant 0 : index
        %swap3A_249 = tpu.vector_load %arg13[%swap3A_247, %swap3A_248] {strides = array<i32>} : memref<32x128xbf16, #tpu.memory_space<vmem>>, vector<32xbf16>,
        tpu.vector_store %arg13[%swap3A_247, %swap3A_248], %scan3A_239#0 {strides = array<i32>} : memref<32x128xbf16, #tpu.memory_space<vmem>>, vector<32xbf16>,
        %swap3A_250 = arith.index_cast %add3A_207 : i32 to index
        %swap3A_251 = arith.constant 0 : index
        %swap3A_252 = tpu.vector_load %arg12[%swap3A_250, %swap3A_251] {strides = array<i32>} : memref<32x128xbf16, #tpu.memory_space<vmem>>, vector<32xbf16>,
        tpu.vector_store %arg12[%swap3A_250, %swap3A_251], %scan3A_245#0 {strides = array<i32>} : memref<32x128xbf16, #tpu.memory_space<vmem>>, vector<32xbf16>,
        %swap3A_253 = arith.index_cast %add3A_207 : i32 to index
        %swap3A_254 = arith.constant 32 : index
        %swap3A_255 = tpu.vector_load %arg13[%swap3A_253, %swap3A_254] {strides = array<i32>} : memref<32x128xbf16, #tpu.memory_space<vmem>>, vector<32xbf16>,
        tpu.vector_store %arg13[%swap3A_253, %swap3A_254], %scan3A_239#1 {strides = array<i32>} : memref<32x128xbf16, #tpu.memory_space<vmem>>, vector<32xbf16>,
        %swap3A_256 = arith.index_cast %add3A_207 : i32 to index
        %swap3A_257 = arith.constant 32 : index
        %swap3A_258 = tpu.vector_load %arg12[%swap3A_256, %swap3A_257] {strides = array<i32>} : memref<32x128xbf16, #tpu.memory_space<vmem>>, vector<32xbf16>,
        tpu.vector_store %arg12[%swap3A_256, %swap3A_257], %scan3A_245#1 {strides = array<i32>} : memref<32x128xbf16, #tpu.memory_space<vmem>>, vector<32xbf16>,
        %swap3A_259 = arith.index_cast %add3A_207 : i32 to index
        %swap3A_260 = arith.constant 64 : index
        %swap3A_261 = tpu.vector_load %arg13[%swap3A_259, %swap3A_260] {strides = array<i32>} : memref<32x128xbf16, #tpu.memory_space<vmem>>, vector<32xbf16>,
        tpu.vector_store %arg13[%swap3A_259, %swap3A_260], %scan3A_239#2 {strides = array<i32>} : memref<32x128xbf16, #tpu.memory_space<vmem>>, vector<32xbf16>,
        %swap3A_262 = arith.index_cast %add3A_207 : i32 to index
        %swap3A_263 = arith.constant 64 : index
        %swap3A_264 = tpu.vector_load %arg12[%swap3A_262, %swap3A_263] {strides = array<i32>} : memref<32x128xbf16, #tpu.memory_space<vmem>>, vector<32xbf16>,
        tpu.vector_store %arg12[%swap3A_262, %swap3A_263], %scan3A_245#2 {strides = array<i32>} : memref<32x128xbf16, #tpu.memory_space<vmem>>, vector<32xbf16>,
        %swap3A_265 = arith.index_cast %add3A_207 : i32 to index
        %swap3A_266 = arith.constant 96 : index
        %swap3A_267 = tpu.vector_load %arg13[%swap3A_265, %swap3A_266] {strides = array<i32>} : memref<32x128xbf16, #tpu.memory_space<vmem>>, vector<32xbf16>,
        tpu.vector_store %arg13[%swap3A_265, %swap3A_266], %scan3A_239#3 {strides = array<i32>} : memref<32x128xbf16, #tpu.memory_space<vmem>>, vector<32xbf16>,
        %swap3A_268 = arith.index_cast %add3A_207 : i32 to index
        %swap3A_269 = arith.constant 96 : index
        %swap3A_270 = tpu.vector_load %arg12[%swap3A_268, %swap3A_269] {strides = array<i32>} : memref<32x128xbf16, #tpu.memory_space<vmem>>, vector<32xbf16>,
        tpu.vector_store %arg12[%swap3A_268, %swap3A_269], %scan3A_245#3 {strides = array<i32>} : memref<32x128xbf16, #tpu.memory_space<vmem>>, vector<32xbf16>,
        %mul3A_271 = arith.constant 4 : i32
        %mul3A_272 = arith.muli %mul3A_271, %scan3A_74 : i32
        %add3A_273 = arith.constant 3 : i32
        %add3A_274 = arith.addi %mul3A_272, %add3A_273 : i32
        %add3A_275 = arith.constant 3 : i32
        %add3A_276 = arith.addi %add3A_274, %add3A_275 : i32
        %lt3A_277 = arith.constant 32 : i32
        %lt3A_278 = arith.cmpi slt, %add3A_276, %lt3A_277 : i32
        %convert_element_type3A_279 = arith.extui %lt3A_278 : i1 to i32
        %cond3A_280 = arith.constant 0 : i32
        %cond3A_281 = arith.cmpi ne, %convert_element_type3A_279, %cond3A_280 : i32
        scf.if %cond3A_281 {
          %add3A_338 = arith.constant 3 : i32
          %add3A_339 = arith.addi %add3A_274, %add3A_338 : i32
          %mul3A_340 = arith.constant 240 : i32
          %mul3A_341 = arith.muli %add3A_339, %mul3A_340 : i32
          %mul3A_342 = arith.constant 240 : i32
          %mul3A_343 = arith.muli %add3A_339, %mul3A_342 : i32
          %add3A_344 = arith.constant 120 : i32
          %add3A_345 = arith.addi %mul3A_343, %add3A_344 : i32
          %dma_start3A_346 = arith.constant 0 : i32
          %dma_start3A_347 = arith.constant 0 : i32
          %dma_start3A_348 = tpu.memref_slice %arg10[%dma_start3A_346, %dma_start3A_347] : memref<240x128xbf16, #tpu.memory_space<vmem>> -> memref<120x128xbf16, #tpu.memory_space<vmem>>
          %dma_start3A_349 = tpu.memref_slice %arg7[%mul3A_341] : memref<7680xi32, #tpu.memory_space<vmem>> -> memref<120xi32, #tpu.memory_space<vmem>>
          %dma_start3A_350 = arith.constant 0 : i32
          %dma_start3A_351 = arith.constant 0 : i32
          %dma_start3A_352 = tpu.memref_slice %arg2[%dma_start3A_350, %dma_start3A_351] : memref<100000x128xbf16, #tpu.memory_space<hbm>> -> memref<100000x128xbf16, #tpu.memory_space<hbm>>
          tpu.enqueue_indirect_dma source(%dma_start3A_352 : memref<100000x128xbf16, #tpu.memory_space<hbm>>) target(%dma_start3A_348 : memref<120x128xbf16, #tpu.memory_space<vmem>>) offsets(%dma_start3A_349 : memref<120xi32, #tpu.memory_space<vmem>>) semaphore(%arg16 : memref<!tpu.dma_semaphore, #tpu.memory_space<semaphore_mem>>)
          %dma_start3A_353 = arith.constant 120 : i32
          %dma_start3A_354 = arith.constant 0 : i32
          %dma_start3A_355 = tpu.memref_slice %arg10[%dma_start3A_353, %dma_start3A_354] : memref<240x128xbf16, #tpu.memory_space<vmem>> -> memref<120x128xbf16, #tpu.memory_space<vmem>>
          %dma_start3A_356 = tpu.memref_slice %arg7[%add3A_345] : memref<7680xi32, #tpu.memory_space<vmem>> -> memref<120xi32, #tpu.memory_space<vmem>>
          %dma_start3A_357 = arith.constant 0 : i32
          %dma_start3A_358 = arith.constant 0 : i32
          %dma_start3A_359 = tpu.memref_slice %arg2[%dma_start3A_357, %dma_start3A_358] : memref<100000x128xbf16, #tpu.memory_space<hbm>> -> memref<100000x128xbf16, #tpu.memory_space<hbm>>
          tpu.enqueue_indirect_dma source(%dma_start3A_359 : memref<100000x128xbf16, #tpu.memory_space<hbm>>) target(%dma_start3A_355 : memref<120x128xbf16, #tpu.memory_space<vmem>>) offsets(%dma_start3A_356 : memref<120xi32, #tpu.memory_space<vmem>>) semaphore(%arg16 : memref<!tpu.dma_semaphore, #tpu.memory_space<semaphore_mem>>)
        } else {
        }
        %mul3A_282 = arith.constant 240 : i32
        %mul3A_283 = arith.muli %add3A_274, %mul3A_282 : i32
        %mul3A_284 = arith.constant 240 : i32
        %mul3A_285 = arith.muli %add3A_274, %mul3A_284 : i32
        %add3A_286 = arith.constant 120 : i32
        %add3A_287 = arith.addi %mul3A_285, %add3A_286 : i32
        %dma_wait3A_288 = arith.constant 0 : i32
        %dma_wait3A_289 = arith.constant 0 : i32
        %dma_wait3A_290 = tpu.memref_slice %arg11[%dma_wait3A_288, %dma_wait3A_289] : memref<240x128xbf16, #tpu.memory_space<vmem>> -> memref<120x128xbf16, #tpu.memory_space<vmem>>
        %dma_wait3A_291 = tpu.memref_slice %arg7[%mul3A_283] : memref<7680xi32, #tpu.memory_space<vmem>> -> memref<120xi32, #tpu.memory_space<vmem>>
        %dma_wait3A_292 = arith.constant 0 : i32
        %dma_wait3A_293 = arith.constant 0 : i32
        %dma_wait3A_294 = tpu.memref_slice %arg2[%dma_wait3A_292, %dma_wait3A_293] : memref<100000x128xbf16, #tpu.memory_space<hbm>> -> memref<100000x128xbf16, #tpu.memory_space<hbm>>
        tpu.wait_indirect_dma semaphore(%arg17 : memref<!tpu.dma_semaphore, #tpu.memory_space<semaphore_mem>>) src(%dma_wait3A_294 : memref<100000x128xbf16, #tpu.memory_space<hbm>>) dst(%dma_wait3A_290 : memref<120x128xbf16, #tpu.memory_space<vmem>>)
        %dma_wait3A_295 = arith.constant 120 : i32
        %dma_wait3A_296 = arith.constant 0 : i32
        %dma_wait3A_297 = tpu.memref_slice %arg11[%dma_wait3A_295, %dma_wait3A_296] : memref<240x128xbf16, #tpu.memory_space<vmem>> -> memref<120x128xbf16, #tpu.memory_space<vmem>>
        %dma_wait3A_298 = tpu.memref_slice %arg7[%add3A_287] : memref<7680xi32, #tpu.memory_space<vmem>> -> memref<120xi32, #tpu.memory_space<vmem>>
        %dma_wait3A_299 = arith.constant 0 : i32
        %dma_wait3A_300 = arith.constant 0 : i32
        %dma_wait3A_301 = tpu.memref_slice %arg2[%dma_wait3A_299, %dma_wait3A_300] : memref<100000x128xbf16, #tpu.memory_space<hbm>> -> memref<100000x128xbf16, #tpu.memory_space<hbm>>
        tpu.wait_indirect_dma semaphore(%arg17 : memref<!tpu.dma_semaphore, #tpu.memory_space<semaphore_mem>>) src(%dma_wait3A_301 : memref<100000x128xbf16, #tpu.memory_space<hbm>>) dst(%dma_wait3A_297 : memref<120x128xbf16, #tpu.memory_space<vmem>>)
        %scan3A_302 = arith.constant 0 : i32
        %scan3A_303 = arith.constant 13 : i32
        %scan3A_304 = arith.addi %scan3A_302, %scan3A_303 : i32
        %scan3A_305 = arith.constant 1 : i32
        %scan3A_306:4 = scf.for %scan3A_338 = %scan3A_302 to %scan3A_304 step %scan3A_305 iter_args(%scan3A_339 = %broadcast_in_dim3A_3, %scan3A_340 = %broadcast_in_dim3A_3, %scan3A_341 = %broadcast_in_dim3A_3, %scan3A_342 = %broadcast_in_dim3A_3) -> (vector<32xbf16>, vector<32xbf16>, vector<32xbf16>, vector<32xbf16>)  : i32 {
          %mul3A_343 = arith.constant 240 : i32
          %mul3A_344 = arith.muli %add3A_274, %mul3A_343 : i32
          %mul3A_345 = arith.constant 16 : i32
          %mul3A_346 = arith.muli %scan3A_338, %mul3A_345 : i32
          %add3A_347 = arith.addi %mul3A_344, %mul3A_346 : i32
          %get3A = arith.index_cast %add3A_347 : i32 to index
          %get3A_348 = tpu.vector_load %arg6[%get3A] {strides = array<i32>} : memref<7680xi32, #tpu.memory_space<vmem>>, vector<16xi32>,
          %shift_right_logical3A = arith.constant 17 : i32
          %shift_right_logical3A_349 = vector.broadcast %shift_right_logical3A : i32 to vector<16xi32>
          %shift_right_logical3A_350 = arith.shrui %get3A_348, %shift_right_logical3A_349 : vector<16xi32>
          %convert_element_type3A_351 = arith.sitofp %shift_right_logical3A_350 : vector<16xi32> to vector<16xf32>
          %mul3A_352 = arith.constant 3.05185094E-5 : f32
          %mul3A_353 = vector.broadcast %mul3A_352 : f32 to vector<16xf32>
          %mul3A_354 = arith.mulf %convert_element_type3A_351, %mul3A_353 : vector<16xf32>
          %mul3A_355 = arith.constant 16 : i32
          %mul3A_356 = arith.muli %scan3A_338, %mul3A_355 : i32
          %add3A_357 = arith.constant 0 : i32
          %add3A_358 = arith.addi %mul3A_356, %add3A_357 : i32
          %slice3A = vector.extract_strided_slice %mul3A_354 {offsets = [0], sizes = [1], strides = [1]} : vector<16xf32> to vector<1xf32>
          %squeeze3A = vector.extract %slice3A[0] : f32 from vector<1xf32>
          %broadcast_in_dim3A_359 = vector.broadcast %squeeze3A : f32 to vector<16xf32>
          %pack3A = tpu.pack_subelements %broadcast_in_dim3A_359, %broadcast_in_dim3A_359 {pack_format = #tpu.pack_format<interleaved>, positions = array<i32: 0, 1>} : vector<16xf32>, vector<16xf32> -> vector<32xbf16>
          %get3A_360 = arith.index_cast %add3A_358 : i32 to index
          %get3A_361 = arith.constant 0 : index
          %get3A_362 = tpu.vector_load %arg11[%get3A_360, %get3A_361] {strides = array<i32>} : memref<240x128xbf16, #tpu.memory_space<vmem>>, vector<32xbf16>,
          %mul3A_363 = arith.mulf %get3A_362, %pack3A : vector<32xbf16>
          %max3A = arith.maximumf %scan3A_339, %mul3A_363 : vector<32xbf16>
          %get3A_364 = arith.index_cast %add3A_358 : i32 to index
          %get3A_365 = arith.constant 32 : index
          %get3A_366 = tpu.vector_load %arg11[%get3A_364, %get3A_365] {strides = array<i32>} : memref<240x128xbf16, #tpu.memory_space<vmem>>, vector<32xbf16>,
          %mul3A_367 = arith.mulf %get3A_366, %pack3A : vector<32xbf16>
          %max3A_368 = arith.maximumf %scan3A_340, %mul3A_367 : vector<32xbf16>
          %get3A_369 = arith.index_cast %add3A_358 : i32 to index
          %get3A_370 = arith.constant 64 : index
          %get3A_371 = tpu.vector_load %arg11[%get3A_369, %get3A_370] {strides = array<i32>} : memref<240x128xbf16, #tpu.memory_space<vmem>>, vector<32xbf16>,
          %mul3A_372 = arith.mulf %get3A_371, %pack3A : vector<32xbf16>
          %max3A_373 = arith.maximumf %scan3A_341, %mul3A_372 : vector<32xbf16>
          %get3A_374 = arith.index_cast %add3A_358 : i32 to index
          %get3A_375 = arith.constant 96 : index
          %get3A_376 = tpu.vector_load %arg11[%get3A_374, %get3A_375] {strides = array<i32>} : memref<240x128xbf16, #tpu.memory_space<vmem>>, vector<32xbf16>,
          %mul3A_377 = arith.mulf %get3A_376, %pack3A : vector<32xbf16>
          %max3A_378 = arith.maximumf %scan3A_342, %mul3A_377 : vector<32xbf16>
          %mul3A_379 = arith.constant 16 : i32
          %mul3A_380 = arith.muli %scan3A_338, %mul3A_379 : i32
          %add3A_381 = arith.constant 1 : i32
          %add3A_382 = arith.addi %mul3A_380, %add3A_381 : i32
          %slice3A_383 = vector.extract_strided_slice %mul3A_354 {offsets = [1], sizes = [1], strides = [1]} : vector<16xf32> to vector<1xf32>
          %squeeze3A_384 = vector.extract %slice3A_383[0] : f32 from vector<1xf32>
          %broadcast_in_dim3A_385 = vector.broadcast %squeeze3A_384 : f32 to vector<16xf32>
          %pack3A_386 = tpu.pack_subelements %broadcast_in_dim3A_385, %broadcast_in_dim3A_385 {pack_format = #tpu.pack_format<interleaved>, positions = array<i32: 0, 1>} : vector<16xf32>, vector<16xf32> -> vector<32xbf16>
          %get3A_387 = arith.index_cast %add3A_382 : i32 to index
          %get3A_388 = arith.constant 0 : index
          %get3A_389 = tpu.vector_load %arg11[%get3A_387, %get3A_388] {strides = array<i32>} : memref<240x128xbf16, #tpu.memory_space<vmem>>, vector<32xbf16>,
          %mul3A_390 = arith.mulf %get3A_389, %pack3A_386 : vector<32xbf16>
          %max3A_391 = arith.maximumf %max3A, %mul3A_390 : vector<32xbf16>
          %get3A_392 = arith.index_cast %add3A_382 : i32 to index
          %get3A_393 = arith.constant 32 : index
          %get3A_394 = tpu.vector_load %arg11[%get3A_392, %get3A_393] {strides = array<i32>} : memref<240x128xbf16, #tpu.memory_space<vmem>>, vector<32xbf16>,
          %mul3A_395 = arith.mulf %get3A_394, %pack3A_386 : vector<32xbf16>
          %max3A_396 = arith.maximumf %max3A_368, %mul3A_395 : vector<32xbf16>
          %get3A_397 = arith.index_cast %add3A_382 : i32 to index
          %get3A_398 = arith.constant 64 : index
          %get3A_399 = tpu.vector_load %arg11[%get3A_397, %get3A_398] {strides = array<i32>} : memref<240x128xbf16, #tpu.memory_space<vmem>>, vector<32xbf16>,
          %mul3A_400 = arith.mulf %get3A_399, %pack3A_386 : vector<32xbf16>
          %max3A_401 = arith.maximumf %max3A_373, %mul3A_400 : vector<32xbf16>
          %get3A_402 = arith.index_cast %add3A_382 : i32 to index
          %get3A_403 = arith.constant 96 : index
          %get3A_404 = tpu.vector_load %arg11[%get3A_402, %get3A_403] {strides = array<i32>} : memref<240x128xbf16, #tpu.memory_space<vmem>>, vector<32xbf16>,
          %mul3A_405 = arith.mulf %get3A_404, %pack3A_386 : vector<32xbf16>
          %max3A_406 = arith.maximumf %max3A_378, %mul3A_405 : vector<32xbf16>
          %mul3A_407 = arith.constant 16 : i32
          %mul3A_408 = arith.muli %scan3A_338, %mul3A_407 : i32
          %add3A_409 = arith.constant 2 : i32
          %add3A_410 = arith.addi %mul3A_408, %add3A_409 : i32
          %slice3A_411 = vector.extract_strided_slice %mul3A_354 {offsets = [2], sizes = [1], strides = [1]} : vector<16xf32> to vector<1xf32>
          %squeeze3A_412 = vector.extract %slice3A_411[0] : f32 from vector<1xf32>
          %broadcast_in_dim3A_413 = vector.broadcast %squeeze3A_412 : f32 to vector<16xf32>
          %pack3A_414 = tpu.pack_subelements %broadcast_in_dim3A_413, %broadcast_in_dim3A_413 {pack_format = #tpu.pack_format<interleaved>, positions = array<i32: 0, 1>} : vector<16xf32>, vector<16xf32> -> vector<32xbf16>
          %get3A_415 = arith.index_cast %add3A_410 : i32 to index
          %get3A_416 = arith.constant 0 : index
          %get3A_417 = tpu.vector_load %arg11[%get3A_415, %get3A_416] {strides = array<i32>} : memref<240x128xbf16, #tpu.memory_space<vmem>>, vector<32xbf16>,
          %mul3A_418 = arith.mulf %get3A_417, %pack3A_414 : vector<32xbf16>
          %max3A_419 = arith.maximumf %max3A_391, %mul3A_418 : vector<32xbf16>
          %get3A_420 = arith.index_cast %add3A_410 : i32 to index
          %get3A_421 = arith.constant 32 : index
          %get3A_422 = tpu.vector_load %arg11[%get3A_420, %get3A_421] {strides = array<i32>} : memref<240x128xbf16, #tpu.memory_space<vmem>>, vector<32xbf16>,
          %mul3A_423 = arith.mulf %get3A_422, %pack3A_414 : vector<32xbf16>
          %max3A_424 = arith.maximumf %max3A_396, %mul3A_423 : vector<32xbf16>
          %get3A_425 = arith.index_cast %add3A_410 : i32 to index
          %get3A_426 = arith.constant 64 : index
          %get3A_427 = tpu.vector_load %arg11[%get3A_425, %get3A_426] {strides = array<i32>} : memref<240x128xbf16, #tpu.memory_space<vmem>>, vector<32xbf16>,
          %mul3A_428 = arith.mulf %get3A_427, %pack3A_414 : vector<32xbf16>
          %max3A_429 = arith.maximumf %max3A_401, %mul3A_428 : vector<32xbf16>
          %get3A_430 = arith.index_cast %add3A_410 : i32 to index
          %get3A_431 = arith.constant 96 : index
          %get3A_432 = tpu.vector_load %arg11[%get3A_430, %get3A_431] {strides = array<i32>} : memref<240x128xbf16, #tpu.memory_space<vmem>>, vector<32xbf16>,
          %mul3A_433 = arith.mulf %get3A_432, %pack3A_414 : vector<32xbf16>
          %max3A_434 = arith.maximumf %max3A_406, %mul3A_433 : vector<32xbf16>
          %mul3A_435 = arith.constant 16 : i32
          %mul3A_436 = arith.muli %scan3A_338, %mul3A_435 : i32
          %add3A_437 = arith.constant 3 : i32
          %add3A_438 = arith.addi %mul3A_436, %add3A_437 : i32
          %slice3A_439 = vector.extract_strided_slice %mul3A_354 {offsets = [3], sizes = [1], strides = [1]} : vector<16xf32> to vector<1xf32>
          %squeeze3A_440 = vector.extract %slice3A_439[0] : f32 from vector<1xf32>
          %broadcast_in_dim3A_441 = vector.broadcast %squeeze3A_440 : f32 to vector<16xf32>
          %pack3A_442 = tpu.pack_subelements %broadcast_in_dim3A_441, %broadcast_in_dim3A_441 {pack_format = #tpu.pack_format<interleaved>, positions = array<i32: 0, 1>} : vector<16xf32>, vector<16xf32> -> vector<32xbf16>
          %get3A_443 = arith.index_cast %add3A_438 : i32 to index
          %get3A_444 = arith.constant 0 : index
          %get3A_445 = tpu.vector_load %arg11[%get3A_443, %get3A_444] {strides = array<i32>} : memref<240x128xbf16, #tpu.memory_space<vmem>>, vector<32xbf16>,
          %mul3A_446 = arith.mulf %get3A_445, %pack3A_442 : vector<32xbf16>
          %max3A_447 = arith.maximumf %max3A_419, %mul3A_446 : vector<32xbf16>
          %get3A_448 = arith.index_cast %add3A_438 : i32 to index
          %get3A_449 = arith.constant 32 : index
          %get3A_450 = tpu.vector_load %arg11[%get3A_448, %get3A_449] {strides = array<i32>} : memref<240x128xbf16, #tpu.memory_space<vmem>>, vector<32xbf16>,
          %mul3A_451 = arith.mulf %get3A_450, %pack3A_442 : vector<32xbf16>
          %max3A_452 = arith.maximumf %max3A_424, %mul3A_451 : vector<32xbf16>
          %get3A_453 = arith.index_cast %add3A_438 : i32 to index
          %get3A_454 = arith.constant 64 : index
          %get3A_455 = tpu.vector_load %arg11[%get3A_453, %get3A_454] {strides = array<i32>} : memref<240x128xbf16, #tpu.memory_space<vmem>>, vector<32xbf16>,
          %mul3A_456 = arith.mulf %get3A_455, %pack3A_442 : vector<32xbf16>
          %max3A_457 = arith.maximumf %max3A_429, %mul3A_456 : vector<32xbf16>
          %get3A_458 = arith.index_cast %add3A_438 : i32 to index
          %get3A_459 = arith.constant 96 : index
          %get3A_460 = tpu.vector_load %arg11[%get3A_458, %get3A_459] {strides = array<i32>} : memref<240x128xbf16, #tpu.memory_space<vmem>>, vector<32xbf16>,
          %mul3A_461 = arith.mulf %get3A_460, %pack3A_442 : vector<32xbf16>
          %max3A_462 = arith.maximumf %max3A_434, %mul3A_461 : vector<32xbf16>
          %mul3A_463 = arith.constant 16 : i32
          %mul3A_464 = arith.muli %scan3A_338, %mul3A_463 : i32
          %add3A_465 = arith.constant 4 : i32
          %add3A_466 = arith.addi %mul3A_464, %add3A_465 : i32
          %slice3A_467 = vector.extract_strided_slice %mul3A_354 {offsets = [4], sizes = [1], strides = [1]} : vector<16xf32> to vector<1xf32>
          %squeeze3A_468 = vector.extract %slice3A_467[0] : f32 from vector<1xf32>
          %broadcast_in_dim3A_469 = vector.broadcast %squeeze3A_468 : f32 to vector<16xf32>
          %pack3A_470 = tpu.pack_subelements %broadcast_in_dim3A_469, %broadcast_in_dim3A_469 {pack_format = #tpu.pack_format<interleaved>, positions = array<i32: 0, 1>} : vector<16xf32>, vector<16xf32> -> vector<32xbf16>
          %get3A_471 = arith.index_cast %add3A_466 : i32 to index
          %get3A_472 = arith.constant 0 : index
          %get3A_473 = tpu.vector_load %arg11[%get3A_471, %get3A_472] {strides = array<i32>} : memref<240x128xbf16, #tpu.memory_space<vmem>>, vector<32xbf16>,
          %mul3A_474 = arith.mulf %get3A_473, %pack3A_470 : vector<32xbf16>
          %max3A_475 = arith.maximumf %max3A_447, %mul3A_474 : vector<32xbf16>
          %get3A_476 = arith.index_cast %add3A_466 : i32 to index
          %get3A_477 = arith.constant 32 : index
          %get3A_478 = tpu.vector_load %arg11[%get3A_476, %get3A_477] {strides = array<i32>} : memref<240x128xbf16, #tpu.memory_space<vmem>>, vector<32xbf16>,
          %mul3A_479 = arith.mulf %get3A_478, %pack3A_470 : vector<32xbf16>
          %max3A_480 = arith.maximumf %max3A_452, %mul3A_479 : vector<32xbf16>
          %get3A_481 = arith.index_cast %add3A_466 : i32 to index
          %get3A_482 = arith.constant 64 : index
          %get3A_483 = tpu.vector_load %arg11[%get3A_481, %get3A_482] {strides = array<i32>} : memref<240x128xbf16, #tpu.memory_space<vmem>>, vector<32xbf16>,
          %mul3A_484 = arith.mulf %get3A_483, %pack3A_470 : vector<32xbf16>
          %max3A_485 = arith.maximumf %max3A_457, %mul3A_484 : vector<32xbf16>
          %get3A_486 = arith.index_cast %add3A_466 : i32 to index
          %get3A_487 = arith.constant 96 : index
          %get3A_488 = tpu.vector_load %arg11[%get3A_486, %get3A_487] {strides = array<i32>} : memref<240x128xbf16, #tpu.memory_space<vmem>>, vector<32xbf16>,
          %mul3A_489 = arith.mulf %get3A_488, %pack3A_470 : vector<32xbf16>
          %max3A_490 = arith.maximumf %max3A_462, %mul3A_489 : vector<32xbf16>
          %mul3A_491 = arith.constant 16 : i32
          %mul3A_492 = arith.muli %scan3A_338, %mul3A_491 : i32
          %add3A_493 = arith.constant 5 : i32
          %add3A_494 = arith.addi %mul3A_492, %add3A_493 : i32
          %slice3A_495 = vector.extract_strided_slice %mul3A_354 {offsets = [5], sizes = [1], strides = [1]} : vector<16xf32> to vector<1xf32>
          %squeeze3A_496 = vector.extract %slice3A_495[0] : f32 from vector<1xf32>
          %broadcast_in_dim3A_497 = vector.broadcast %squeeze3A_496 : f32 to vector<16xf32>
          %pack3A_498 = tpu.pack_subelements %broadcast_in_dim3A_497, %broadcast_in_dim3A_497 {pack_format = #tpu.pack_format<interleaved>, positions = array<i32: 0, 1>} : vector<16xf32>, vector<16xf32> -> vector<32xbf16>
          %get3A_499 = arith.index_cast %add3A_494 : i32 to index
          %get3A_500 = arith.constant 0 : index
          %get3A_501 = tpu.vector_load %arg11[%get3A_499, %get3A_500] {strides = array<i32>} : memref<240x128xbf16, #tpu.memory_space<vmem>>, vector<32xbf16>,
          %mul3A_502 = arith.mulf %get3A_501, %pack3A_498 : vector<32xbf16>
          %max3A_503 = arith.maximumf %max3A_475, %mul3A_502 : vector<32xbf16>
          %get3A_504 = arith.index_cast %add3A_494 : i32 to index
          %get3A_505 = arith.constant 32 : index
          %get3A_506 = tpu.vector_load %arg11[%get3A_504, %get3A_505] {strides = array<i32>} : memref<240x128xbf16, #tpu.memory_space<vmem>>, vector<32xbf16>,
          %mul3A_507 = arith.mulf %get3A_506, %pack3A_498 : vector<32xbf16>
          %max3A_508 = arith.maximumf %max3A_480, %mul3A_507 : vector<32xbf16>
          %get3A_509 = arith.index_cast %add3A_494 : i32 to index
          %get3A_510 = arith.constant 64 : index
          %get3A_511 = tpu.vector_load %arg11[%get3A_509, %get3A_510] {strides = array<i32>} : memref<240x128xbf16, #tpu.memory_space<vmem>>, vector<32xbf16>,
          %mul3A_512 = arith.mulf %get3A_511, %pack3A_498 : vector<32xbf16>
          %max3A_513 = arith.maximumf %max3A_485, %mul3A_512 : vector<32xbf16>
          %get3A_514 = arith.index_cast %add3A_494 : i32 to index
          %get3A_515 = arith.constant 96 : index
          %get3A_516 = tpu.vector_load %arg11[%get3A_514, %get3A_515] {strides = array<i32>} : memref<240x128xbf16, #tpu.memory_space<vmem>>, vector<32xbf16>,
          %mul3A_517 = arith.mulf %get3A_516, %pack3A_498 : vector<32xbf16>
          %max3A_518 = arith.maximumf %max3A_490, %mul3A_517 : vector<32xbf16>
          %mul3A_519 = arith.constant 16 : i32
          %mul3A_520 = arith.muli %scan3A_338, %mul3A_519 : i32
          %add3A_521 = arith.constant 6 : i32
          %add3A_522 = arith.addi %mul3A_520, %add3A_521 : i32
          %slice3A_523 = vector.extract_strided_slice %mul3A_354 {offsets = [6], sizes = [1], strides = [1]} : vector<16xf32> to vector<1xf32>
          %squeeze3A_524 = vector.extract %slice3A_523[0] : f32 from vector<1xf32>
          %broadcast_in_dim3A_525 = vector.broadcast %squeeze3A_524 : f32 to vector<16xf32>
          %pack3A_526 = tpu.pack_subelements %broadcast_in_dim3A_525, %broadcast_in_dim3A_525 {pack_format = #tpu.pack_format<interleaved>, positions = array<i32: 0, 1>} : vector<16xf32>, vector<16xf32> -> vector<32xbf16>
          %get3A_527 = arith.index_cast %add3A_522 : i32 to index
          %get3A_528 = arith.constant 0 : index
          %get3A_529 = tpu.vector_load %arg11[%get3A_527, %get3A_528] {strides = array<i32>} : memref<240x128xbf16, #tpu.memory_space<vmem>>, vector<32xbf16>,
          %mul3A_530 = arith.mulf %get3A_529, %pack3A_526 : vector<32xbf16>
          %max3A_531 = arith.maximumf %max3A_503, %mul3A_530 : vector<32xbf16>
          %get3A_532 = arith.index_cast %add3A_522 : i32 to index
          %get3A_533 = arith.constant 32 : index
          %get3A_534 = tpu.vector_load %arg11[%get3A_532, %get3A_533] {strides = array<i32>} : memref<240x128xbf16, #tpu.memory_space<vmem>>, vector<32xbf16>,
          %mul3A_535 = arith.mulf %get3A_534, %pack3A_526 : vector<32xbf16>
          %max3A_536 = arith.maximumf %max3A_508, %mul3A_535 : vector<32xbf16>
          %get3A_537 = arith.index_cast %add3A_522 : i32 to index
          %get3A_538 = arith.constant 64 : index
          %get3A_539 = tpu.vector_load %arg11[%get3A_537, %get3A_538] {strides = array<i32>} : memref<240x128xbf16, #tpu.memory_space<vmem>>, vector<32xbf16>,
          %mul3A_540 = arith.mulf %get3A_539, %pack3A_526 : vector<32xbf16>
          %max3A_541 = arith.maximumf %max3A_513, %mul3A_540 : vector<32xbf16>
          %get3A_542 = arith.index_cast %add3A_522 : i32 to index
          %get3A_543 = arith.constant 96 : index
          %get3A_544 = tpu.vector_load %arg11[%get3A_542, %get3A_543] {strides = array<i32>} : memref<240x128xbf16, #tpu.memory_space<vmem>>, vector<32xbf16>,
          %mul3A_545 = arith.mulf %get3A_544, %pack3A_526 : vector<32xbf16>
          %max3A_546 = arith.maximumf %max3A_518, %mul3A_545 : vector<32xbf16>
          %mul3A_547 = arith.constant 16 : i32
          %mul3A_548 = arith.muli %scan3A_338, %mul3A_547 : i32
          %add3A_549 = arith.constant 7 : i32
          %add3A_550 = arith.addi %mul3A_548, %add3A_549 : i32
          %slice3A_551 = vector.extract_strided_slice %mul3A_354 {offsets = [7], sizes = [1], strides = [1]} : vector<16xf32> to vector<1xf32>
          %squeeze3A_552 = vector.extract %slice3A_551[0] : f32 from vector<1xf32>
          %broadcast_in_dim3A_553 = vector.broadcast %squeeze3A_552 : f32 to vector<16xf32>
          %pack3A_554 = tpu.pack_subelements %broadcast_in_dim3A_553, %broadcast_in_dim3A_553 {pack_format = #tpu.pack_format<interleaved>, positions = array<i32: 0, 1>} : vector<16xf32>, vector<16xf32> -> vector<32xbf16>
          %get3A_555 = arith.index_cast %add3A_550 : i32 to index
          %get3A_556 = arith.constant 0 : index
          %get3A_557 = tpu.vector_load %arg11[%get3A_555, %get3A_556] {strides = array<i32>} : memref<240x128xbf16, #tpu.memory_space<vmem>>, vector<32xbf16>,
          %mul3A_558 = arith.mulf %get3A_557, %pack3A_554 : vector<32xbf16>
          %max3A_559 = arith.maximumf %max3A_531, %mul3A_558 : vector<32xbf16>
          %get3A_560 = arith.index_cast %add3A_550 : i32 to index
          %get3A_561 = arith.constant 32 : index
          %get3A_562 = tpu.vector_load %arg11[%get3A_560, %get3A_561] {strides = array<i32>} : memref<240x128xbf16, #tpu.memory_space<vmem>>, vector<32xbf16>,
          %mul3A_563 = arith.mulf %get3A_562, %pack3A_554 : vector<32xbf16>
          %max3A_564 = arith.maximumf %max3A_536, %mul3A_563 : vector<32xbf16>
          %get3A_565 = arith.index_cast %add3A_550 : i32 to index
          %get3A_566 = arith.constant 64 : index
          %get3A_567 = tpu.vector_load %arg11[%get3A_565, %get3A_566] {strides = array<i32>} : memref<240x128xbf16, #tpu.memory_space<vmem>>, vector<32xbf16>,
          %mul3A_568 = arith.mulf %get3A_567, %pack3A_554 : vector<32xbf16>
          %max3A_569 = arith.maximumf %max3A_541, %mul3A_568 : vector<32xbf16>
          %get3A_570 = arith.index_cast %add3A_550 : i32 to index
          %get3A_571 = arith.constant 96 : index
          %get3A_572 = tpu.vector_load %arg11[%get3A_570, %get3A_571] {strides = array<i32>} : memref<240x128xbf16, #tpu.memory_space<vmem>>, vector<32xbf16>,
          %mul3A_573 = arith.mulf %get3A_572, %pack3A_554 : vector<32xbf16>
          %max3A_574 = arith.maximumf %max3A_546, %mul3A_573 : vector<32xbf16>
          %mul3A_575 = arith.constant 16 : i32
          %mul3A_576 = arith.muli %scan3A_338, %mul3A_575 : i32
          %add3A_577 = arith.constant 8 : i32
          %add3A_578 = arith.addi %mul3A_576, %add3A_577 : i32
          %slice3A_579 = vector.extract_strided_slice %mul3A_354 {offsets = [8], sizes = [1], strides = [1]} : vector<16xf32> to vector<1xf32>
          %squeeze3A_580 = vector.extract %slice3A_579[0] : f32 from vector<1xf32>
          %broadcast_in_dim3A_581 = vector.broadcast %squeeze3A_580 : f32 to vector<16xf32>
          %pack3A_582 = tpu.pack_subelements %broadcast_in_dim3A_581, %broadcast_in_dim3A_581 {pack_format = #tpu.pack_format<interleaved>, positions = array<i32: 0, 1>} : vector<16xf32>, vector<16xf32> -> vector<32xbf16>
          %get3A_583 = arith.index_cast %add3A_578 : i32 to index
          %get3A_584 = arith.constant 0 : index
          %get3A_585 = tpu.vector_load %arg11[%get3A_583, %get3A_584] {strides = array<i32>} : memref<240x128xbf16, #tpu.memory_space<vmem>>, vector<32xbf16>,
          %mul3A_586 = arith.mulf %get3A_585, %pack3A_582 : vector<32xbf16>
          %max3A_587 = arith.maximumf %max3A_559, %mul3A_586 : vector<32xbf16>
          %get3A_588 = arith.index_cast %add3A_578 : i32 to index
          %get3A_589 = arith.constant 32 : index
          %get3A_590 = tpu.vector_load %arg11[%get3A_588, %get3A_589] {strides = array<i32>} : memref<240x128xbf16, #tpu.memory_space<vmem>>, vector<32xbf16>,
          %mul3A_591 = arith.mulf %get3A_590, %pack3A_582 : vector<32xbf16>
          %max3A_592 = arith.maximumf %max3A_564, %mul3A_591 : vector<32xbf16>
          %get3A_593 = arith.index_cast %add3A_578 : i32 to index
          %get3A_594 = arith.constant 64 : index
          %get3A_595 = tpu.vector_load %arg11[%get3A_593, %get3A_594] {strides = array<i32>} : memref<240x128xbf16, #tpu.memory_space<vmem>>, vector<32xbf16>,
          %mul3A_596 = arith.mulf %get3A_595, %pack3A_582 : vector<32xbf16>
          %max3A_597 = arith.maximumf %max3A_569, %mul3A_596 : vector<32xbf16>
          %get3A_598 = arith.index_cast %add3A_578 : i32 to index
          %get3A_599 = arith.constant 96 : index
          %get3A_600 = tpu.vector_load %arg11[%get3A_598, %get3A_599] {strides = array<i32>} : memref<240x128xbf16, #tpu.memory_space<vmem>>, vector<32xbf16>,
          %mul3A_601 = arith.mulf %get3A_600, %pack3A_582 : vector<32xbf16>
          %max3A_602 = arith.maximumf %max3A_574, %mul3A_601 : vector<32xbf16>
          %mul3A_603 = arith.constant 16 : i32
          %mul3A_604 = arith.muli %scan3A_338, %mul3A_603 : i32
          %add3A_605 = arith.constant 9 : i32
          %add3A_606 = arith.addi %mul3A_604, %add3A_605 : i32
          %slice3A_607 = vector.extract_strided_slice %mul3A_354 {offsets = [9], sizes = [1], strides = [1]} : vector<16xf32> to vector<1xf32>
          %squeeze3A_608 = vector.extract %slice3A_607[0] : f32 from vector<1xf32>
          %broadcast_in_dim3A_609 = vector.broadcast %squeeze3A_608 : f32 to vector<16xf32>
          %pack3A_610 = tpu.pack_subelements %broadcast_in_dim3A_609, %broadcast_in_dim3A_609 {pack_format = #tpu.pack_format<interleaved>, positions = array<i32: 0, 1>} : vector<16xf32>, vector<16xf32> -> vector<32xbf16>
          %get3A_611 = arith.index_cast %add3A_606 : i32 to index
          %get3A_612 = arith.constant 0 : index
          %get3A_613 = tpu.vector_load %arg11[%get3A_611, %get3A_612] {strides = array<i32>} : memref<240x128xbf16, #tpu.memory_space<vmem>>, vector<32xbf16>,
          %mul3A_614 = arith.mulf %get3A_613, %pack3A_610 : vector<32xbf16>
          %max3A_615 = arith.maximumf %max3A_587, %mul3A_614 : vector<32xbf16>
          %get3A_616 = arith.index_cast %add3A_606 : i32 to index
          %get3A_617 = arith.constant 32 : index
          %get3A_618 = tpu.vector_load %arg11[%get3A_616, %get3A_617] {strides = array<i32>} : memref<240x128xbf16, #tpu.memory_space<vmem>>, vector<32xbf16>,
          %mul3A_619 = arith.mulf %get3A_618, %pack3A_610 : vector<32xbf16>
          %max3A_620 = arith.maximumf %max3A_592, %mul3A_619 : vector<32xbf16>
          %get3A_621 = arith.index_cast %add3A_606 : i32 to index
          %get3A_622 = arith.constant 64 : index
          %get3A_623 = tpu.vector_load %arg11[%get3A_621, %get3A_622] {strides = array<i32>} : memref<240x128xbf16, #tpu.memory_space<vmem>>, vector<32xbf16>,
          %mul3A_624 = arith.mulf %get3A_623, %pack3A_610 : vector<32xbf16>
          %max3A_625 = arith.maximumf %max3A_597, %mul3A_624 : vector<32xbf16>
          %get3A_626 = arith.index_cast %add3A_606 : i32 to index
          %get3A_627 = arith.constant 96 : index
          %get3A_628 = tpu.vector_load %arg11[%get3A_626, %get3A_627] {strides = array<i32>} : memref<240x128xbf16, #tpu.memory_space<vmem>>, vector<32xbf16>,
          %mul3A_629 = arith.mulf %get3A_628, %pack3A_610 : vector<32xbf16>
          %max3A_630 = arith.maximumf %max3A_602, %mul3A_629 : vector<32xbf16>
          %mul3A_631 = arith.constant 16 : i32
          %mul3A_632 = arith.muli %scan3A_338, %mul3A_631 : i32
          %add3A_633 = arith.constant 10 : i32
          %add3A_634 = arith.addi %mul3A_632, %add3A_633 : i32
          %slice3A_635 = vector.extract_strided_slice %mul3A_354 {offsets = [10], sizes = [1], strides = [1]} : vector<16xf32> to vector<1xf32>
          %squeeze3A_636 = vector.extract %slice3A_635[0] : f32 from vector<1xf32>
          %broadcast_in_dim3A_637 = vector.broadcast %squeeze3A_636 : f32 to vector<16xf32>
          %pack3A_638 = tpu.pack_subelements %broadcast_in_dim3A_637, %broadcast_in_dim3A_637 {pack_format = #tpu.pack_format<interleaved>, positions = array<i32: 0, 1>} : vector<16xf32>, vector<16xf32> -> vector<32xbf16>
          %get3A_639 = arith.index_cast %add3A_634 : i32 to index
          %get3A_640 = arith.constant 0 : index
          %get3A_641 = tpu.vector_load %arg11[%get3A_639, %get3A_640] {strides = array<i32>} : memref<240x128xbf16, #tpu.memory_space<vmem>>, vector<32xbf16>,
          %mul3A_642 = arith.mulf %get3A_641, %pack3A_638 : vector<32xbf16>
          %max3A_643 = arith.maximumf %max3A_615, %mul3A_642 : vector<32xbf16>
          %get3A_644 = arith.index_cast %add3A_634 : i32 to index
          %get3A_645 = arith.constant 32 : index
          %get3A_646 = tpu.vector_load %arg11[%get3A_644, %get3A_645] {strides = array<i32>} : memref<240x128xbf16, #tpu.memory_space<vmem>>, vector<32xbf16>,
          %mul3A_647 = arith.mulf %get3A_646, %pack3A_638 : vector<32xbf16>
          %max3A_648 = arith.maximumf %max3A_620, %mul3A_647 : vector<32xbf16>
          %get3A_649 = arith.index_cast %add3A_634 : i32 to index
          %get3A_650 = arith.constant 64 : index
          %get3A_651 = tpu.vector_load %arg11[%get3A_649, %get3A_650] {strides = array<i32>} : memref<240x128xbf16, #tpu.memory_space<vmem>>, vector<32xbf16>,
          %mul3A_652 = arith.mulf %get3A_651, %pack3A_638 : vector<32xbf16>
          %max3A_653 = arith.maximumf %max3A_625, %mul3A_652 : vector<32xbf16>
          %get3A_654 = arith.index_cast %add3A_634 : i32 to index
          %get3A_655 = arith.constant 96 : index
          %get3A_656 = tpu.vector_load %arg11[%get3A_654, %get3A_655] {strides = array<i32>} : memref<240x128xbf16, #tpu.memory_space<vmem>>, vector<32xbf16>,
          %mul3A_657 = arith.mulf %get3A_656, %pack3A_638 : vector<32xbf16>
          %max3A_658 = arith.maximumf %max3A_630, %mul3A_657 : vector<32xbf16>
          %mul3A_659 = arith.constant 16 : i32
          %mul3A_660 = arith.muli %scan3A_338, %mul3A_659 : i32
          %add3A_661 = arith.constant 11 : i32
          %add3A_662 = arith.addi %mul3A_660, %add3A_661 : i32
          %slice3A_663 = vector.extract_strided_slice %mul3A_354 {offsets = [11], sizes = [1], strides = [1]} : vector<16xf32> to vector<1xf32>
          %squeeze3A_664 = vector.extract %slice3A_663[0] : f32 from vector<1xf32>
          %broadcast_in_dim3A_665 = vector.broadcast %squeeze3A_664 : f32 to vector<16xf32>
          %pack3A_666 = tpu.pack_subelements %broadcast_in_dim3A_665, %broadcast_in_dim3A_665 {pack_format = #tpu.pack_format<interleaved>, positions = array<i32: 0, 1>} : vector<16xf32>, vector<16xf32> -> vector<32xbf16>
          %get3A_667 = arith.index_cast %add3A_662 : i32 to index
          %get3A_668 = arith.constant 0 : index
          %get3A_669 = tpu.vector_load %arg11[%get3A_667, %get3A_668] {strides = array<i32>} : memref<240x128xbf16, #tpu.memory_space<vmem>>, vector<32xbf16>,
          %mul3A_670 = arith.mulf %get3A_669, %pack3A_666 : vector<32xbf16>
          %max3A_671 = arith.maximumf %max3A_643, %mul3A_670 : vector<32xbf16>
          %get3A_672 = arith.index_cast %add3A_662 : i32 to index
          %get3A_673 = arith.constant 32 : index
          %get3A_674 = tpu.vector_load %arg11[%get3A_672, %get3A_673] {strides = array<i32>} : memref<240x128xbf16, #tpu.memory_space<vmem>>, vector<32xbf16>,
          %mul3A_675 = arith.mulf %get3A_674, %pack3A_666 : vector<32xbf16>
          %max3A_676 = arith.maximumf %max3A_648, %mul3A_675 : vector<32xbf16>
          %get3A_677 = arith.index_cast %add3A_662 : i32 to index
          %get3A_678 = arith.constant 64 : index
          %get3A_679 = tpu.vector_load %arg11[%get3A_677, %get3A_678] {strides = array<i32>} : memref<240x128xbf16, #tpu.memory_space<vmem>>, vector<32xbf16>,
          %mul3A_680 = arith.mulf %get3A_679, %pack3A_666 : vector<32xbf16>
          %max3A_681 = arith.maximumf %max3A_653, %mul3A_680 : vector<32xbf16>
          %get3A_682 = arith.index_cast %add3A_662 : i32 to index
          %get3A_683 = arith.constant 96 : index
          %get3A_684 = tpu.vector_load %arg11[%get3A_682, %get3A_683] {strides = array<i32>} : memref<240x128xbf16, #tpu.memory_space<vmem>>, vector<32xbf16>,
          %mul3A_685 = arith.mulf %get3A_684, %pack3A_666 : vector<32xbf16>
          %max3A_686 = arith.maximumf %max3A_658, %mul3A_685 : vector<32xbf16>
          %mul3A_687 = arith.constant 16 : i32
          %mul3A_688 = arith.muli %scan3A_338, %mul3A_687 : i32
          %add3A_689 = arith.constant 12 : i32
          %add3A_690 = arith.addi %mul3A_688, %add3A_689 : i32
          %slice3A_691 = vector.extract_strided_slice %mul3A_354 {offsets = [12], sizes = [1], strides = [1]} : vector<16xf32> to vector<1xf32>
          %squeeze3A_692 = vector.extract %slice3A_691[0] : f32 from vector<1xf32>
          %broadcast_in_dim3A_693 = vector.broadcast %squeeze3A_692 : f32 to vector<16xf32>
          %pack3A_694 = tpu.pack_subelements %broadcast_in_dim3A_693, %broadcast_in_dim3A_693 {pack_format = #tpu.pack_format<interleaved>, positions = array<i32: 0, 1>} : vector<16xf32>, vector<16xf32> -> vector<32xbf16>
          %get3A_695 = arith.index_cast %add3A_690 : i32 to index
          %get3A_696 = arith.constant 0 : index
          %get3A_697 = tpu.vector_load %arg11[%get3A_695, %get3A_696] {strides = array<i32>} : memref<240x128xbf16, #tpu.memory_space<vmem>>, vector<32xbf16>,
          %mul3A_698 = arith.mulf %get3A_697, %pack3A_694 : vector<32xbf16>
          %max3A_699 = arith.maximumf %max3A_671, %mul3A_698 : vector<32xbf16>
          %get3A_700 = arith.index_cast %add3A_690 : i32 to index
          %get3A_701 = arith.constant 32 : index
          %get3A_702 = tpu.vector_load %arg11[%get3A_700, %get3A_701] {strides = array<i32>} : memref<240x128xbf16, #tpu.memory_space<vmem>>, vector<32xbf16>,
          %mul3A_703 = arith.mulf %get3A_702, %pack3A_694 : vector<32xbf16>
          %max3A_704 = arith.maximumf %max3A_676, %mul3A_703 : vector<32xbf16>
          %get3A_705 = arith.index_cast %add3A_690 : i32 to index
          %get3A_706 = arith.constant 64 : index
          %get3A_707 = tpu.vector_load %arg11[%get3A_705, %get3A_706] {strides = array<i32>} : memref<240x128xbf16, #tpu.memory_space<vmem>>, vector<32xbf16>,
          %mul3A_708 = arith.mulf %get3A_707, %pack3A_694 : vector<32xbf16>
          %max3A_709 = arith.maximumf %max3A_681, %mul3A_708 : vector<32xbf16>
          %get3A_710 = arith.index_cast %add3A_690 : i32 to index
          %get3A_711 = arith.constant 96 : index
          %get3A_712 = tpu.vector_load %arg11[%get3A_710, %get3A_711] {strides = array<i32>} : memref<240x128xbf16, #tpu.memory_space<vmem>>, vector<32xbf16>,
          %mul3A_713 = arith.mulf %get3A_712, %pack3A_694 : vector<32xbf16>
          %max3A_714 = arith.maximumf %max3A_686, %mul3A_713 : vector<32xbf16>
          %mul3A_715 = arith.constant 16 : i32
          %mul3A_716 = arith.muli %scan3A_338, %mul3A_715 : i32
          %add3A_717 = arith.constant 13 : i32
          %add3A_718 = arith.addi %mul3A_716, %add3A_717 : i32
          %slice3A_719 = vector.extract_strided_slice %mul3A_354 {offsets = [13], sizes = [1], strides = [1]} : vector<16xf32> to vector<1xf32>
          %squeeze3A_720 = vector.extract %slice3A_719[0] : f32 from vector<1xf32>
          %broadcast_in_dim3A_721 = vector.broadcast %squeeze3A_720 : f32 to vector<16xf32>
          %pack3A_722 = tpu.pack_subelements %broadcast_in_dim3A_721, %broadcast_in_dim3A_721 {pack_format = #tpu.pack_format<interleaved>, positions = array<i32: 0, 1>} : vector<16xf32>, vector<16xf32> -> vector<32xbf16>
          %get3A_723 = arith.index_cast %add3A_718 : i32 to index
          %get3A_724 = arith.constant 0 : index
          %get3A_725 = tpu.vector_load %arg11[%get3A_723, %get3A_724] {strides = array<i32>} : memref<240x128xbf16, #tpu.memory_space<vmem>>, vector<32xbf16>,
          %mul3A_726 = arith.mulf %get3A_725, %pack3A_722 : vector<32xbf16>
          %max3A_727 = arith.maximumf %max3A_699, %mul3A_726 : vector<32xbf16>
          %get3A_728 = arith.index_cast %add3A_718 : i32 to index
          %get3A_729 = arith.constant 32 : index
          %get3A_730 = tpu.vector_load %arg11[%get3A_728, %get3A_729] {strides = array<i32>} : memref<240x128xbf16, #tpu.memory_space<vmem>>, vector<32xbf16>,
          %mul3A_731 = arith.mulf %get3A_730, %pack3A_722 : vector<32xbf16>
          %max3A_732 = arith.maximumf %max3A_704, %mul3A_731 : vector<32xbf16>
          %get3A_733 = arith.index_cast %add3A_718 : i32 to index
          %get3A_734 = arith.constant 64 : index
          %get3A_735 = tpu.vector_load %arg11[%get3A_733, %get3A_734] {strides = array<i32>} : memref<240x128xbf16, #tpu.memory_space<vmem>>, vector<32xbf16>,
          %mul3A_736 = arith.mulf %get3A_735, %pack3A_722 : vector<32xbf16>
          %max3A_737 = arith.maximumf %max3A_709, %mul3A_736 : vector<32xbf16>
          %get3A_738 = arith.index_cast %add3A_718 : i32 to index
          %get3A_739 = arith.constant 96 : index
          %get3A_740 = tpu.vector_load %arg11[%get3A_738, %get3A_739] {strides = array<i32>} : memref<240x128xbf16, #tpu.memory_space<vmem>>, vector<32xbf16>,
          %mul3A_741 = arith.mulf %get3A_740, %pack3A_722 : vector<32xbf16>
          %max3A_742 = arith.maximumf %max3A_714, %mul3A_741 : vector<32xbf16>
          %mul3A_743 = arith.constant 16 : i32
          %mul3A_744 = arith.muli %scan3A_338, %mul3A_743 : i32
          %add3A_745 = arith.constant 14 : i32
          %add3A_746 = arith.addi %mul3A_744, %add3A_745 : i32
          %slice3A_747 = vector.extract_strided_slice %mul3A_354 {offsets = [14], sizes = [1], strides = [1]} : vector<16xf32> to vector<1xf32>
          %squeeze3A_748 = vector.extract %slice3A_747[0] : f32 from vector<1xf32>
          %broadcast_in_dim3A_749 = vector.broadcast %squeeze3A_748 : f32 to vector<16xf32>
          %pack3A_750 = tpu.pack_subelements %broadcast_in_dim3A_749, %broadcast_in_dim3A_749 {pack_format = #tpu.pack_format<interleaved>, positions = array<i32: 0, 1>} : vector<16xf32>, vector<16xf32> -> vector<32xbf16>
          %get3A_751 = arith.index_cast %add3A_746 : i32 to index
          %get3A_752 = arith.constant 0 : index
          %get3A_753 = tpu.vector_load %arg11[%get3A_751, %get3A_752] {strides = array<i32>} : memref<240x128xbf16, #tpu.memory_space<vmem>>, vector<32xbf16>,
          %mul3A_754 = arith.mulf %get3A_753, %pack3A_750 : vector<32xbf16>
          %max3A_755 = arith.maximumf %max3A_727, %mul3A_754 : vector<32xbf16>
          %get3A_756 = arith.index_cast %add3A_746 : i32 to index
          %get3A_757 = arith.constant 32 : index
          %get3A_758 = tpu.vector_load %arg11[%get3A_756, %get3A_757] {strides = array<i32>} : memref<240x128xbf16, #tpu.memory_space<vmem>>, vector<32xbf16>,
          %mul3A_759 = arith.mulf %get3A_758, %pack3A_750 : vector<32xbf16>
          %max3A_760 = arith.maximumf %max3A_732, %mul3A_759 : vector<32xbf16>
          %get3A_761 = arith.index_cast %add3A_746 : i32 to index
          %get3A_762 = arith.constant 64 : index
          %get3A_763 = tpu.vector_load %arg11[%get3A_761, %get3A_762] {strides = array<i32>} : memref<240x128xbf16, #tpu.memory_space<vmem>>, vector<32xbf16>,
          %mul3A_764 = arith.mulf %get3A_763, %pack3A_750 : vector<32xbf16>
          %max3A_765 = arith.maximumf %max3A_737, %mul3A_764 : vector<32xbf16>
          %get3A_766 = arith.index_cast %add3A_746 : i32 to index
          %get3A_767 = arith.constant 96 : index
          %get3A_768 = tpu.vector_load %arg11[%get3A_766, %get3A_767] {strides = array<i32>} : memref<240x128xbf16, #tpu.memory_space<vmem>>, vector<32xbf16>,
          %mul3A_769 = arith.mulf %get3A_768, %pack3A_750 : vector<32xbf16>
          %max3A_770 = arith.maximumf %max3A_742, %mul3A_769 : vector<32xbf16>
          %mul3A_771 = arith.constant 16 : i32
          %mul3A_772 = arith.muli %scan3A_338, %mul3A_771 : i32
          %add3A_773 = arith.constant 15 : i32
          %add3A_774 = arith.addi %mul3A_772, %add3A_773 : i32
          %slice3A_775 = vector.extract_strided_slice %mul3A_354 {offsets = [15], sizes = [1], strides = [1]} : vector<16xf32> to vector<1xf32>
          %squeeze3A_776 = vector.extract %slice3A_775[0] : f32 from vector<1xf32>
          %broadcast_in_dim3A_777 = vector.broadcast %squeeze3A_776 : f32 to vector<16xf32>
          %pack3A_778 = tpu.pack_subelements %broadcast_in_dim3A_777, %broadcast_in_dim3A_777 {pack_format = #tpu.pack_format<interleaved>, positions = array<i32: 0, 1>} : vector<16xf32>, vector<16xf32> -> vector<32xbf16>
          %get3A_779 = arith.index_cast %add3A_774 : i32 to index
          %get3A_780 = arith.constant 0 : index
          %get3A_781 = tpu.vector_load %arg11[%get3A_779, %get3A_780] {strides = array<i32>} : memref<240x128xbf16, #tpu.memory_space<vmem>>, vector<32xbf16>,
          %mul3A_782 = arith.mulf %get3A_781, %pack3A_778 : vector<32xbf16>
          %max3A_783 = arith.maximumf %max3A_755, %mul3A_782 : vector<32xbf16>
          %get3A_784 = arith.index_cast %add3A_774 : i32 to index
          %get3A_785 = arith.constant 32 : index
          %get3A_786 = tpu.vector_load %arg11[%get3A_784, %get3A_785] {strides = array<i32>} : memref<240x128xbf16, #tpu.memory_space<vmem>>, vector<32xbf16>,
          %mul3A_787 = arith.mulf %get3A_786, %pack3A_778 : vector<32xbf16>
          %max3A_788 = arith.maximumf %max3A_760, %mul3A_787 : vector<32xbf16>
          %get3A_789 = arith.index_cast %add3A_774 : i32 to index
          %get3A_790 = arith.constant 64 : index
          %get3A_791 = tpu.vector_load %arg11[%get3A_789, %get3A_790] {strides = array<i32>} : memref<240x128xbf16, #tpu.memory_space<vmem>>, vector<32xbf16>,
          %mul3A_792 = arith.mulf %get3A_791, %pack3A_778 : vector<32xbf16>
          %max3A_793 = arith.maximumf %max3A_765, %mul3A_792 : vector<32xbf16>
          %get3A_794 = arith.index_cast %add3A_774 : i32 to index
          %get3A_795 = arith.constant 96 : index
          %get3A_796 = tpu.vector_load %arg11[%get3A_794, %get3A_795] {strides = array<i32>} : memref<240x128xbf16, #tpu.memory_space<vmem>>, vector<32xbf16>,
          %mul3A_797 = arith.mulf %get3A_796, %pack3A_778 : vector<32xbf16>
          %max3A_798 = arith.maximumf %max3A_770, %mul3A_797 : vector<32xbf16>
          scf.yield %max3A_783, %max3A_788, %max3A_793, %max3A_798 : vector<32xbf16>, vector<32xbf16>, vector<32xbf16>, vector<32xbf16>
        }
        %scan3A_307 = arith.constant 13 : i32
        %scan3A_308 = arith.constant 13 : i32
        %scan3A_309 = arith.constant 2 : i32
        %scan3A_310 = arith.addi %scan3A_308, %scan3A_309 : i32
        %scan3A_311 = arith.constant 1 : i32
        %scan3A_312:4 = scf.for %scan3A_338 = %scan3A_308 to %scan3A_310 step %scan3A_311 iter_args(%scan3A_339 = %broadcast_in_dim3A_3, %scan3A_340 = %broadcast_in_dim3A_3, %scan3A_341 = %broadcast_in_dim3A_3, %scan3A_342 = %broadcast_in_dim3A_3) -> (vector<32xbf16>, vector<32xbf16>, vector<32xbf16>, vector<32xbf16>)  : i32 {
          %mul3A_343 = arith.constant 240 : i32
          %mul3A_344 = arith.muli %add3A_274, %mul3A_343 : i32
          %mul3A_345 = arith.constant 16 : i32
          %mul3A_346 = arith.muli %scan3A_338, %mul3A_345 : i32
          %add3A_347 = arith.addi %mul3A_344, %mul3A_346 : i32
          %get3A = arith.index_cast %add3A_347 : i32 to index
          %get3A_348 = tpu.vector_load %arg6[%get3A] {strides = array<i32>} : memref<7680xi32, #tpu.memory_space<vmem>>, vector<16xi32>,
          %shift_right_logical3A = arith.constant 17 : i32
          %shift_right_logical3A_349 = vector.broadcast %shift_right_logical3A : i32 to vector<16xi32>
          %shift_right_logical3A_350 = arith.shrui %get3A_348, %shift_right_logical3A_349 : vector<16xi32>
          %convert_element_type3A_351 = arith.sitofp %shift_right_logical3A_350 : vector<16xi32> to vector<16xf32>
          %mul3A_352 = arith.constant 3.05185094E-5 : f32
          %mul3A_353 = vector.broadcast %mul3A_352 : f32 to vector<16xf32>
          %mul3A_354 = arith.mulf %convert_element_type3A_351, %mul3A_353 : vector<16xf32>
          %mul3A_355 = arith.constant 16 : i32
          %mul3A_356 = arith.muli %scan3A_338, %mul3A_355 : i32
          %add3A_357 = arith.constant 0 : i32
          %add3A_358 = arith.addi %mul3A_356, %add3A_357 : i32
          %slice3A = vector.extract_strided_slice %mul3A_354 {offsets = [0], sizes = [1], strides = [1]} : vector<16xf32> to vector<1xf32>
          %squeeze3A = vector.extract %slice3A[0] : f32 from vector<1xf32>
          %broadcast_in_dim3A_359 = vector.broadcast %squeeze3A : f32 to vector<16xf32>
          %pack3A = tpu.pack_subelements %broadcast_in_dim3A_359, %broadcast_in_dim3A_359 {pack_format = #tpu.pack_format<interleaved>, positions = array<i32: 0, 1>} : vector<16xf32>, vector<16xf32> -> vector<32xbf16>
          %get3A_360 = arith.index_cast %add3A_358 : i32 to index
          %get3A_361 = arith.constant 0 : index
          %get3A_362 = tpu.vector_load %arg11[%get3A_360, %get3A_361] {strides = array<i32>} : memref<240x128xbf16, #tpu.memory_space<vmem>>, vector<32xbf16>,
          %mul3A_363 = arith.mulf %get3A_362, %pack3A : vector<32xbf16>
          %max3A = arith.maximumf %scan3A_339, %mul3A_363 : vector<32xbf16>
          %get3A_364 = arith.index_cast %add3A_358 : i32 to index
          %get3A_365 = arith.constant 32 : index
          %get3A_366 = tpu.vector_load %arg11[%get3A_364, %get3A_365] {strides = array<i32>} : memref<240x128xbf16, #tpu.memory_space<vmem>>, vector<32xbf16>,
          %mul3A_367 = arith.mulf %get3A_366, %pack3A : vector<32xbf16>
          %max3A_368 = arith.maximumf %scan3A_340, %mul3A_367 : vector<32xbf16>
          %get3A_369 = arith.index_cast %add3A_358 : i32 to index
          %get3A_370 = arith.constant 64 : index
          %get3A_371 = tpu.vector_load %arg11[%get3A_369, %get3A_370] {strides = array<i32>} : memref<240x128xbf16, #tpu.memory_space<vmem>>, vector<32xbf16>,
          %mul3A_372 = arith.mulf %get3A_371, %pack3A : vector<32xbf16>
          %max3A_373 = arith.maximumf %scan3A_341, %mul3A_372 : vector<32xbf16>
          %get3A_374 = arith.index_cast %add3A_358 : i32 to index
          %get3A_375 = arith.constant 96 : index
          %get3A_376 = tpu.vector_load %arg11[%get3A_374, %get3A_375] {strides = array<i32>} : memref<240x128xbf16, #tpu.memory_space<vmem>>, vector<32xbf16>,
          %mul3A_377 = arith.mulf %get3A_376, %pack3A : vector<32xbf16>
          %max3A_378 = arith.maximumf %scan3A_342, %mul3A_377 : vector<32xbf16>
          %mul3A_379 = arith.constant 16 : i32
          %mul3A_380 = arith.muli %scan3A_338, %mul3A_379 : i32
          %add3A_381 = arith.constant 1 : i32
          %add3A_382 = arith.addi %mul3A_380, %add3A_381 : i32
          %slice3A_383 = vector.extract_strided_slice %mul3A_354 {offsets = [1], sizes = [1], strides = [1]} : vector<16xf32> to vector<1xf32>
          %squeeze3A_384 = vector.extract %slice3A_383[0] : f32 from vector<1xf32>
          %broadcast_in_dim3A_385 = vector.broadcast %squeeze3A_384 : f32 to vector<16xf32>
          %pack3A_386 = tpu.pack_subelements %broadcast_in_dim3A_385, %broadcast_in_dim3A_385 {pack_format = #tpu.pack_format<interleaved>, positions = array<i32: 0, 1>} : vector<16xf32>, vector<16xf32> -> vector<32xbf16>
          %get3A_387 = arith.index_cast %add3A_382 : i32 to index
          %get3A_388 = arith.constant 0 : index
          %get3A_389 = tpu.vector_load %arg11[%get3A_387, %get3A_388] {strides = array<i32>} : memref<240x128xbf16, #tpu.memory_space<vmem>>, vector<32xbf16>,
          %mul3A_390 = arith.mulf %get3A_389, %pack3A_386 : vector<32xbf16>
          %max3A_391 = arith.maximumf %max3A, %mul3A_390 : vector<32xbf16>
          %get3A_392 = arith.index_cast %add3A_382 : i32 to index
          %get3A_393 = arith.constant 32 : index
          %get3A_394 = tpu.vector_load %arg11[%get3A_392, %get3A_393] {strides = array<i32>} : memref<240x128xbf16, #tpu.memory_space<vmem>>, vector<32xbf16>,
          %mul3A_395 = arith.mulf %get3A_394, %pack3A_386 : vector<32xbf16>
          %max3A_396 = arith.maximumf %max3A_368, %mul3A_395 : vector<32xbf16>
          %get3A_397 = arith.index_cast %add3A_382 : i32 to index
          %get3A_398 = arith.constant 64 : index
          %get3A_399 = tpu.vector_load %arg11[%get3A_397, %get3A_398] {strides = array<i32>} : memref<240x128xbf16, #tpu.memory_space<vmem>>, vector<32xbf16>,
          %mul3A_400 = arith.mulf %get3A_399, %pack3A_386 : vector<32xbf16>
          %max3A_401 = arith.maximumf %max3A_373, %mul3A_400 : vector<32xbf16>
          %get3A_402 = arith.index_cast %add3A_382 : i32 to index
          %get3A_403 = arith.constant 96 : index
          %get3A_404 = tpu.vector_load %arg11[%get3A_402, %get3A_403] {strides = array<i32>} : memref<240x128xbf16, #tpu.memory_space<vmem>>, vector<32xbf16>,
          %mul3A_405 = arith.mulf %get3A_404, %pack3A_386 : vector<32xbf16>
          %max3A_406 = arith.maximumf %max3A_378, %mul3A_405 : vector<32xbf16>
          %mul3A_407 = arith.constant 16 : i32
          %mul3A_408 = arith.muli %scan3A_338, %mul3A_407 : i32
          %add3A_409 = arith.constant 2 : i32
          %add3A_410 = arith.addi %mul3A_408, %add3A_409 : i32
          %slice3A_411 = vector.extract_strided_slice %mul3A_354 {offsets = [2], sizes = [1], strides = [1]} : vector<16xf32> to vector<1xf32>
          %squeeze3A_412 = vector.extract %slice3A_411[0] : f32 from vector<1xf32>
          %broadcast_in_dim3A_413 = vector.broadcast %squeeze3A_412 : f32 to vector<16xf32>
          %pack3A_414 = tpu.pack_subelements %broadcast_in_dim3A_413, %broadcast_in_dim3A_413 {pack_format = #tpu.pack_format<interleaved>, positions = array<i32: 0, 1>} : vector<16xf32>, vector<16xf32> -> vector<32xbf16>
          %get3A_415 = arith.index_cast %add3A_410 : i32 to index
          %get3A_416 = arith.constant 0 : index
          %get3A_417 = tpu.vector_load %arg11[%get3A_415, %get3A_416] {strides = array<i32>} : memref<240x128xbf16, #tpu.memory_space<vmem>>, vector<32xbf16>,
          %mul3A_418 = arith.mulf %get3A_417, %pack3A_414 : vector<32xbf16>
          %max3A_419 = arith.maximumf %max3A_391, %mul3A_418 : vector<32xbf16>
          %get3A_420 = arith.index_cast %add3A_410 : i32 to index
          %get3A_421 = arith.constant 32 : index
          %get3A_422 = tpu.vector_load %arg11[%get3A_420, %get3A_421] {strides = array<i32>} : memref<240x128xbf16, #tpu.memory_space<vmem>>, vector<32xbf16>,
          %mul3A_423 = arith.mulf %get3A_422, %pack3A_414 : vector<32xbf16>
          %max3A_424 = arith.maximumf %max3A_396, %mul3A_423 : vector<32xbf16>
          %get3A_425 = arith.index_cast %add3A_410 : i32 to index
          %get3A_426 = arith.constant 64 : index
          %get3A_427 = tpu.vector_load %arg11[%get3A_425, %get3A_426] {strides = array<i32>} : memref<240x128xbf16, #tpu.memory_space<vmem>>, vector<32xbf16>,
          %mul3A_428 = arith.mulf %get3A_427, %pack3A_414 : vector<32xbf16>
          %max3A_429 = arith.maximumf %max3A_401, %mul3A_428 : vector<32xbf16>
          %get3A_430 = arith.index_cast %add3A_410 : i32 to index
          %get3A_431 = arith.constant 96 : index
          %get3A_432 = tpu.vector_load %arg11[%get3A_430, %get3A_431] {strides = array<i32>} : memref<240x128xbf16, #tpu.memory_space<vmem>>, vector<32xbf16>,
          %mul3A_433 = arith.mulf %get3A_432, %pack3A_414 : vector<32xbf16>
          %max3A_434 = arith.maximumf %max3A_406, %mul3A_433 : vector<32xbf16>
          %mul3A_435 = arith.constant 16 : i32
          %mul3A_436 = arith.muli %scan3A_338, %mul3A_435 : i32
          %add3A_437 = arith.constant 3 : i32
          %add3A_438 = arith.addi %mul3A_436, %add3A_437 : i32
          %slice3A_439 = vector.extract_strided_slice %mul3A_354 {offsets = [3], sizes = [1], strides = [1]} : vector<16xf32> to vector<1xf32>
          %squeeze3A_440 = vector.extract %slice3A_439[0] : f32 from vector<1xf32>
          %broadcast_in_dim3A_441 = vector.broadcast %squeeze3A_440 : f32 to vector<16xf32>
          %pack3A_442 = tpu.pack_subelements %broadcast_in_dim3A_441, %broadcast_in_dim3A_441 {pack_format = #tpu.pack_format<interleaved>, positions = array<i32: 0, 1>} : vector<16xf32>, vector<16xf32> -> vector<32xbf16>
          %get3A_443 = arith.index_cast %add3A_438 : i32 to index
          %get3A_444 = arith.constant 0 : index
          %get3A_445 = tpu.vector_load %arg11[%get3A_443, %get3A_444] {strides = array<i32>} : memref<240x128xbf16, #tpu.memory_space<vmem>>, vector<32xbf16>,
          %mul3A_446 = arith.mulf %get3A_445, %pack3A_442 : vector<32xbf16>
          %max3A_447 = arith.maximumf %max3A_419, %mul3A_446 : vector<32xbf16>
          %get3A_448 = arith.index_cast %add3A_438 : i32 to index
          %get3A_449 = arith.constant 32 : index
          %get3A_450 = tpu.vector_load %arg11[%get3A_448, %get3A_449] {strides = array<i32>} : memref<240x128xbf16, #tpu.memory_space<vmem>>, vector<32xbf16>,
          %mul3A_451 = arith.mulf %get3A_450, %pack3A_442 : vector<32xbf16>
          %max3A_452 = arith.maximumf %max3A_424, %mul3A_451 : vector<32xbf16>
          %get3A_453 = arith.index_cast %add3A_438 : i32 to index
          %get3A_454 = arith.constant 64 : index
          %get3A_455 = tpu.vector_load %arg11[%get3A_453, %get3A_454] {strides = array<i32>} : memref<240x128xbf16, #tpu.memory_space<vmem>>, vector<32xbf16>,
          %mul3A_456 = arith.mulf %get3A_455, %pack3A_442 : vector<32xbf16>
          %max3A_457 = arith.maximumf %max3A_429, %mul3A_456 : vector<32xbf16>
          %get3A_458 = arith.index_cast %add3A_438 : i32 to index
          %get3A_459 = arith.constant 96 : index
          %get3A_460 = tpu.vector_load %arg11[%get3A_458, %get3A_459] {strides = array<i32>} : memref<240x128xbf16, #tpu.memory_space<vmem>>, vector<32xbf16>,
          %mul3A_461 = arith.mulf %get3A_460, %pack3A_442 : vector<32xbf16>
          %max3A_462 = arith.maximumf %max3A_434, %mul3A_461 : vector<32xbf16>
          %mul3A_463 = arith.constant 16 : i32
          %mul3A_464 = arith.muli %scan3A_338, %mul3A_463 : i32
          %add3A_465 = arith.constant 4 : i32
          %add3A_466 = arith.addi %mul3A_464, %add3A_465 : i32
          %slice3A_467 = vector.extract_strided_slice %mul3A_354 {offsets = [4], sizes = [1], strides = [1]} : vector<16xf32> to vector<1xf32>
          %squeeze3A_468 = vector.extract %slice3A_467[0] : f32 from vector<1xf32>
          %broadcast_in_dim3A_469 = vector.broadcast %squeeze3A_468 : f32 to vector<16xf32>
          %pack3A_470 = tpu.pack_subelements %broadcast_in_dim3A_469, %broadcast_in_dim3A_469 {pack_format = #tpu.pack_format<interleaved>, positions = array<i32: 0, 1>} : vector<16xf32>, vector<16xf32> -> vector<32xbf16>
          %get3A_471 = arith.index_cast %add3A_466 : i32 to index
          %get3A_472 = arith.constant 0 : index
          %get3A_473 = tpu.vector_load %arg11[%get3A_471, %get3A_472] {strides = array<i32>} : memref<240x128xbf16, #tpu.memory_space<vmem>>, vector<32xbf16>,
          %mul3A_474 = arith.mulf %get3A_473, %pack3A_470 : vector<32xbf16>
          %max3A_475 = arith.maximumf %max3A_447, %mul3A_474 : vector<32xbf16>
          %get3A_476 = arith.index_cast %add3A_466 : i32 to index
          %get3A_477 = arith.constant 32 : index
          %get3A_478 = tpu.vector_load %arg11[%get3A_476, %get3A_477] {strides = array<i32>} : memref<240x128xbf16, #tpu.memory_space<vmem>>, vector<32xbf16>,
          %mul3A_479 = arith.mulf %get3A_478, %pack3A_470 : vector<32xbf16>
          %max3A_480 = arith.maximumf %max3A_452, %mul3A_479 : vector<32xbf16>
          %get3A_481 = arith.index_cast %add3A_466 : i32 to index
          %get3A_482 = arith.constant 64 : index
          %get3A_483 = tpu.vector_load %arg11[%get3A_481, %get3A_482] {strides = array<i32>} : memref<240x128xbf16, #tpu.memory_space<vmem>>, vector<32xbf16>,
          %mul3A_484 = arith.mulf %get3A_483, %pack3A_470 : vector<32xbf16>
          %max3A_485 = arith.maximumf %max3A_457, %mul3A_484 : vector<32xbf16>
          %get3A_486 = arith.index_cast %add3A_466 : i32 to index
          %get3A_487 = arith.constant 96 : index
          %get3A_488 = tpu.vector_load %arg11[%get3A_486, %get3A_487] {strides = array<i32>} : memref<240x128xbf16, #tpu.memory_space<vmem>>, vector<32xbf16>,
          %mul3A_489 = arith.mulf %get3A_488, %pack3A_470 : vector<32xbf16>
          %max3A_490 = arith.maximumf %max3A_462, %mul3A_489 : vector<32xbf16>
          %mul3A_491 = arith.constant 16 : i32
          %mul3A_492 = arith.muli %scan3A_338, %mul3A_491 : i32
          %add3A_493 = arith.constant 5 : i32
          %add3A_494 = arith.addi %mul3A_492, %add3A_493 : i32
          %slice3A_495 = vector.extract_strided_slice %mul3A_354 {offsets = [5], sizes = [1], strides = [1]} : vector<16xf32> to vector<1xf32>
          %squeeze3A_496 = vector.extract %slice3A_495[0] : f32 from vector<1xf32>
          %broadcast_in_dim3A_497 = vector.broadcast %squeeze3A_496 : f32 to vector<16xf32>
          %pack3A_498 = tpu.pack_subelements %broadcast_in_dim3A_497, %broadcast_in_dim3A_497 {pack_format = #tpu.pack_format<interleaved>, positions = array<i32: 0, 1>} : vector<16xf32>, vector<16xf32> -> vector<32xbf16>
          %get3A_499 = arith.index_cast %add3A_494 : i32 to index
          %get3A_500 = arith.constant 0 : index
          %get3A_501 = tpu.vector_load %arg11[%get3A_499, %get3A_500] {strides = array<i32>} : memref<240x128xbf16, #tpu.memory_space<vmem>>, vector<32xbf16>,
          %mul3A_502 = arith.mulf %get3A_501, %pack3A_498 : vector<32xbf16>
          %max3A_503 = arith.maximumf %max3A_475, %mul3A_502 : vector<32xbf16>
          %get3A_504 = arith.index_cast %add3A_494 : i32 to index
          %get3A_505 = arith.constant 32 : index
          %get3A_506 = tpu.vector_load %arg11[%get3A_504, %get3A_505] {strides = array<i32>} : memref<240x128xbf16, #tpu.memory_space<vmem>>, vector<32xbf16>,
          %mul3A_507 = arith.mulf %get3A_506, %pack3A_498 : vector<32xbf16>
          %max3A_508 = arith.maximumf %max3A_480, %mul3A_507 : vector<32xbf16>
          %get3A_509 = arith.index_cast %add3A_494 : i32 to index
          %get3A_510 = arith.constant 64 : index
          %get3A_511 = tpu.vector_load %arg11[%get3A_509, %get3A_510] {strides = array<i32>} : memref<240x128xbf16, #tpu.memory_space<vmem>>, vector<32xbf16>,
          %mul3A_512 = arith.mulf %get3A_511, %pack3A_498 : vector<32xbf16>
          %max3A_513 = arith.maximumf %max3A_485, %mul3A_512 : vector<32xbf16>
          %get3A_514 = arith.index_cast %add3A_494 : i32 to index
          %get3A_515 = arith.constant 96 : index
          %get3A_516 = tpu.vector_load %arg11[%get3A_514, %get3A_515] {strides = array<i32>} : memref<240x128xbf16, #tpu.memory_space<vmem>>, vector<32xbf16>,
          %mul3A_517 = arith.mulf %get3A_516, %pack3A_498 : vector<32xbf16>
          %max3A_518 = arith.maximumf %max3A_490, %mul3A_517 : vector<32xbf16>
          %mul3A_519 = arith.constant 16 : i32
          %mul3A_520 = arith.muli %scan3A_338, %mul3A_519 : i32
          %add3A_521 = arith.constant 6 : i32
          %add3A_522 = arith.addi %mul3A_520, %add3A_521 : i32
          %slice3A_523 = vector.extract_strided_slice %mul3A_354 {offsets = [6], sizes = [1], strides = [1]} : vector<16xf32> to vector<1xf32>
          %squeeze3A_524 = vector.extract %slice3A_523[0] : f32 from vector<1xf32>
          %broadcast_in_dim3A_525 = vector.broadcast %squeeze3A_524 : f32 to vector<16xf32>
          %pack3A_526 = tpu.pack_subelements %broadcast_in_dim3A_525, %broadcast_in_dim3A_525 {pack_format = #tpu.pack_format<interleaved>, positions = array<i32: 0, 1>} : vector<16xf32>, vector<16xf32> -> vector<32xbf16>
          %get3A_527 = arith.index_cast %add3A_522 : i32 to index
          %get3A_528 = arith.constant 0 : index
          %get3A_529 = tpu.vector_load %arg11[%get3A_527, %get3A_528] {strides = array<i32>} : memref<240x128xbf16, #tpu.memory_space<vmem>>, vector<32xbf16>,
          %mul3A_530 = arith.mulf %get3A_529, %pack3A_526 : vector<32xbf16>
          %max3A_531 = arith.maximumf %max3A_503, %mul3A_530 : vector<32xbf16>
          %get3A_532 = arith.index_cast %add3A_522 : i32 to index
          %get3A_533 = arith.constant 32 : index
          %get3A_534 = tpu.vector_load %arg11[%get3A_532, %get3A_533] {strides = array<i32>} : memref<240x128xbf16, #tpu.memory_space<vmem>>, vector<32xbf16>,
          %mul3A_535 = arith.mulf %get3A_534, %pack3A_526 : vector<32xbf16>
          %max3A_536 = arith.maximumf %max3A_508, %mul3A_535 : vector<32xbf16>
          %get3A_537 = arith.index_cast %add3A_522 : i32 to index
          %get3A_538 = arith.constant 64 : index
          %get3A_539 = tpu.vector_load %arg11[%get3A_537, %get3A_538] {strides = array<i32>} : memref<240x128xbf16, #tpu.memory_space<vmem>>, vector<32xbf16>,
          %mul3A_540 = arith.mulf %get3A_539, %pack3A_526 : vector<32xbf16>
          %max3A_541 = arith.maximumf %max3A_513, %mul3A_540 : vector<32xbf16>
          %get3A_542 = arith.index_cast %add3A_522 : i32 to index
          %get3A_543 = arith.constant 96 : index
          %get3A_544 = tpu.vector_load %arg11[%get3A_542, %get3A_543] {strides = array<i32>} : memref<240x128xbf16, #tpu.memory_space<vmem>>, vector<32xbf16>,
          %mul3A_545 = arith.mulf %get3A_544, %pack3A_526 : vector<32xbf16>
          %max3A_546 = arith.maximumf %max3A_518, %mul3A_545 : vector<32xbf16>
          %mul3A_547 = arith.constant 16 : i32
          %mul3A_548 = arith.muli %scan3A_338, %mul3A_547 : i32
          %add3A_549 = arith.constant 7 : i32
          %add3A_550 = arith.addi %mul3A_548, %add3A_549 : i32
          %slice3A_551 = vector.extract_strided_slice %mul3A_354 {offsets = [7], sizes = [1], strides = [1]} : vector<16xf32> to vector<1xf32>
          %squeeze3A_552 = vector.extract %slice3A_551[0] : f32 from vector<1xf32>
          %broadcast_in_dim3A_553 = vector.broadcast %squeeze3A_552 : f32 to vector<16xf32>
          %pack3A_554 = tpu.pack_subelements %broadcast_in_dim3A_553, %broadcast_in_dim3A_553 {pack_format = #tpu.pack_format<interleaved>, positions = array<i32: 0, 1>} : vector<16xf32>, vector<16xf32> -> vector<32xbf16>
          %get3A_555 = arith.index_cast %add3A_550 : i32 to index
          %get3A_556 = arith.constant 0 : index
          %get3A_557 = tpu.vector_load %arg11[%get3A_555, %get3A_556] {strides = array<i32>} : memref<240x128xbf16, #tpu.memory_space<vmem>>, vector<32xbf16>,
          %mul3A_558 = arith.mulf %get3A_557, %pack3A_554 : vector<32xbf16>
          %max3A_559 = arith.maximumf %max3A_531, %mul3A_558 : vector<32xbf16>
          %get3A_560 = arith.index_cast %add3A_550 : i32 to index
          %get3A_561 = arith.constant 32 : index
          %get3A_562 = tpu.vector_load %arg11[%get3A_560, %get3A_561] {strides = array<i32>} : memref<240x128xbf16, #tpu.memory_space<vmem>>, vector<32xbf16>,
          %mul3A_563 = arith.mulf %get3A_562, %pack3A_554 : vector<32xbf16>
          %max3A_564 = arith.maximumf %max3A_536, %mul3A_563 : vector<32xbf16>
          %get3A_565 = arith.index_cast %add3A_550 : i32 to index
          %get3A_566 = arith.constant 64 : index
          %get3A_567 = tpu.vector_load %arg11[%get3A_565, %get3A_566] {strides = array<i32>} : memref<240x128xbf16, #tpu.memory_space<vmem>>, vector<32xbf16>,
          %mul3A_568 = arith.mulf %get3A_567, %pack3A_554 : vector<32xbf16>
          %max3A_569 = arith.maximumf %max3A_541, %mul3A_568 : vector<32xbf16>
          %get3A_570 = arith.index_cast %add3A_550 : i32 to index
          %get3A_571 = arith.constant 96 : index
          %get3A_572 = tpu.vector_load %arg11[%get3A_570, %get3A_571] {strides = array<i32>} : memref<240x128xbf16, #tpu.memory_space<vmem>>, vector<32xbf16>,
          %mul3A_573 = arith.mulf %get3A_572, %pack3A_554 : vector<32xbf16>
          %max3A_574 = arith.maximumf %max3A_546, %mul3A_573 : vector<32xbf16>
          %mul3A_575 = arith.constant 16 : i32
          %mul3A_576 = arith.muli %scan3A_338, %mul3A_575 : i32
          %add3A_577 = arith.constant 8 : i32
          %add3A_578 = arith.addi %mul3A_576, %add3A_577 : i32
          %slice3A_579 = vector.extract_strided_slice %mul3A_354 {offsets = [8], sizes = [1], strides = [1]} : vector<16xf32> to vector<1xf32>
          %squeeze3A_580 = vector.extract %slice3A_579[0] : f32 from vector<1xf32>
          %broadcast_in_dim3A_581 = vector.broadcast %squeeze3A_580 : f32 to vector<16xf32>
          %pack3A_582 = tpu.pack_subelements %broadcast_in_dim3A_581, %broadcast_in_dim3A_581 {pack_format = #tpu.pack_format<interleaved>, positions = array<i32: 0, 1>} : vector<16xf32>, vector<16xf32> -> vector<32xbf16>
          %get3A_583 = arith.index_cast %add3A_578 : i32 to index
          %get3A_584 = arith.constant 0 : index
          %get3A_585 = tpu.vector_load %arg11[%get3A_583, %get3A_584] {strides = array<i32>} : memref<240x128xbf16, #tpu.memory_space<vmem>>, vector<32xbf16>,
          %mul3A_586 = arith.mulf %get3A_585, %pack3A_582 : vector<32xbf16>
          %max3A_587 = arith.maximumf %max3A_559, %mul3A_586 : vector<32xbf16>
          %get3A_588 = arith.index_cast %add3A_578 : i32 to index
          %get3A_589 = arith.constant 32 : index
          %get3A_590 = tpu.vector_load %arg11[%get3A_588, %get3A_589] {strides = array<i32>} : memref<240x128xbf16, #tpu.memory_space<vmem>>, vector<32xbf16>,
          %mul3A_591 = arith.mulf %get3A_590, %pack3A_582 : vector<32xbf16>
          %max3A_592 = arith.maximumf %max3A_564, %mul3A_591 : vector<32xbf16>
          %get3A_593 = arith.index_cast %add3A_578 : i32 to index
          %get3A_594 = arith.constant 64 : index
          %get3A_595 = tpu.vector_load %arg11[%get3A_593, %get3A_594] {strides = array<i32>} : memref<240x128xbf16, #tpu.memory_space<vmem>>, vector<32xbf16>,
          %mul3A_596 = arith.mulf %get3A_595, %pack3A_582 : vector<32xbf16>
          %max3A_597 = arith.maximumf %max3A_569, %mul3A_596 : vector<32xbf16>
          %get3A_598 = arith.index_cast %add3A_578 : i32 to index
          %get3A_599 = arith.constant 96 : index
          %get3A_600 = tpu.vector_load %arg11[%get3A_598, %get3A_599] {strides = array<i32>} : memref<240x128xbf16, #tpu.memory_space<vmem>>, vector<32xbf16>,
          %mul3A_601 = arith.mulf %get3A_600, %pack3A_582 : vector<32xbf16>
          %max3A_602 = arith.maximumf %max3A_574, %mul3A_601 : vector<32xbf16>
          %mul3A_603 = arith.constant 16 : i32
          %mul3A_604 = arith.muli %scan3A_338, %mul3A_603 : i32
          %add3A_605 = arith.constant 9 : i32
          %add3A_606 = arith.addi %mul3A_604, %add3A_605 : i32
          %slice3A_607 = vector.extract_strided_slice %mul3A_354 {offsets = [9], sizes = [1], strides = [1]} : vector<16xf32> to vector<1xf32>
          %squeeze3A_608 = vector.extract %slice3A_607[0] : f32 from vector<1xf32>
          %broadcast_in_dim3A_609 = vector.broadcast %squeeze3A_608 : f32 to vector<16xf32>
          %pack3A_610 = tpu.pack_subelements %broadcast_in_dim3A_609, %broadcast_in_dim3A_609 {pack_format = #tpu.pack_format<interleaved>, positions = array<i32: 0, 1>} : vector<16xf32>, vector<16xf32> -> vector<32xbf16>
          %get3A_611 = arith.index_cast %add3A_606 : i32 to index
          %get3A_612 = arith.constant 0 : index
          %get3A_613 = tpu.vector_load %arg11[%get3A_611, %get3A_612] {strides = array<i32>} : memref<240x128xbf16, #tpu.memory_space<vmem>>, vector<32xbf16>,
          %mul3A_614 = arith.mulf %get3A_613, %pack3A_610 : vector<32xbf16>
          %max3A_615 = arith.maximumf %max3A_587, %mul3A_614 : vector<32xbf16>
          %get3A_616 = arith.index_cast %add3A_606 : i32 to index
          %get3A_617 = arith.constant 32 : index
          %get3A_618 = tpu.vector_load %arg11[%get3A_616, %get3A_617] {strides = array<i32>} : memref<240x128xbf16, #tpu.memory_space<vmem>>, vector<32xbf16>,
          %mul3A_619 = arith.mulf %get3A_618, %pack3A_610 : vector<32xbf16>
          %max3A_620 = arith.maximumf %max3A_592, %mul3A_619 : vector<32xbf16>
          %get3A_621 = arith.index_cast %add3A_606 : i32 to index
          %get3A_622 = arith.constant 64 : index
          %get3A_623 = tpu.vector_load %arg11[%get3A_621, %get3A_622] {strides = array<i32>} : memref<240x128xbf16, #tpu.memory_space<vmem>>, vector<32xbf16>,
          %mul3A_624 = arith.mulf %get3A_623, %pack3A_610 : vector<32xbf16>
          %max3A_625 = arith.maximumf %max3A_597, %mul3A_624 : vector<32xbf16>
          %get3A_626 = arith.index_cast %add3A_606 : i32 to index
          %get3A_627 = arith.constant 96 : index
          %get3A_628 = tpu.vector_load %arg11[%get3A_626, %get3A_627] {strides = array<i32>} : memref<240x128xbf16, #tpu.memory_space<vmem>>, vector<32xbf16>,
          %mul3A_629 = arith.mulf %get3A_628, %pack3A_610 : vector<32xbf16>
          %max3A_630 = arith.maximumf %max3A_602, %mul3A_629 : vector<32xbf16>
          %mul3A_631 = arith.constant 16 : i32
          %mul3A_632 = arith.muli %scan3A_338, %mul3A_631 : i32
          %add3A_633 = arith.constant 10 : i32
          %add3A_634 = arith.addi %mul3A_632, %add3A_633 : i32
          %slice3A_635 = vector.extract_strided_slice %mul3A_354 {offsets = [10], sizes = [1], strides = [1]} : vector<16xf32> to vector<1xf32>
          %squeeze3A_636 = vector.extract %slice3A_635[0] : f32 from vector<1xf32>
          %broadcast_in_dim3A_637 = vector.broadcast %squeeze3A_636 : f32 to vector<16xf32>
          %pack3A_638 = tpu.pack_subelements %broadcast_in_dim3A_637, %broadcast_in_dim3A_637 {pack_format = #tpu.pack_format<interleaved>, positions = array<i32: 0, 1>} : vector<16xf32>, vector<16xf32> -> vector<32xbf16>
          %get3A_639 = arith.index_cast %add3A_634 : i32 to index
          %get3A_640 = arith.constant 0 : index
          %get3A_641 = tpu.vector_load %arg11[%get3A_639, %get3A_640] {strides = array<i32>} : memref<240x128xbf16, #tpu.memory_space<vmem>>, vector<32xbf16>,
          %mul3A_642 = arith.mulf %get3A_641, %pack3A_638 : vector<32xbf16>
          %max3A_643 = arith.maximumf %max3A_615, %mul3A_642 : vector<32xbf16>
          %get3A_644 = arith.index_cast %add3A_634 : i32 to index
          %get3A_645 = arith.constant 32 : index
          %get3A_646 = tpu.vector_load %arg11[%get3A_644, %get3A_645] {strides = array<i32>} : memref<240x128xbf16, #tpu.memory_space<vmem>>, vector<32xbf16>,
          %mul3A_647 = arith.mulf %get3A_646, %pack3A_638 : vector<32xbf16>
          %max3A_648 = arith.maximumf %max3A_620, %mul3A_647 : vector<32xbf16>
          %get3A_649 = arith.index_cast %add3A_634 : i32 to index
          %get3A_650 = arith.constant 64 : index
          %get3A_651 = tpu.vector_load %arg11[%get3A_649, %get3A_650] {strides = array<i32>} : memref<240x128xbf16, #tpu.memory_space<vmem>>, vector<32xbf16>,
          %mul3A_652 = arith.mulf %get3A_651, %pack3A_638 : vector<32xbf16>
          %max3A_653 = arith.maximumf %max3A_625, %mul3A_652 : vector<32xbf16>
          %get3A_654 = arith.index_cast %add3A_634 : i32 to index
          %get3A_655 = arith.constant 96 : index
          %get3A_656 = tpu.vector_load %arg11[%get3A_654, %get3A_655] {strides = array<i32>} : memref<240x128xbf16, #tpu.memory_space<vmem>>, vector<32xbf16>,
          %mul3A_657 = arith.mulf %get3A_656, %pack3A_638 : vector<32xbf16>
          %max3A_658 = arith.maximumf %max3A_630, %mul3A_657 : vector<32xbf16>
          %mul3A_659 = arith.constant 16 : i32
          %mul3A_660 = arith.muli %scan3A_338, %mul3A_659 : i32
          %add3A_661 = arith.constant 11 : i32
          %add3A_662 = arith.addi %mul3A_660, %add3A_661 : i32
          %slice3A_663 = vector.extract_strided_slice %mul3A_354 {offsets = [11], sizes = [1], strides = [1]} : vector<16xf32> to vector<1xf32>
          %squeeze3A_664 = vector.extract %slice3A_663[0] : f32 from vector<1xf32>
          %broadcast_in_dim3A_665 = vector.broadcast %squeeze3A_664 : f32 to vector<16xf32>
          %pack3A_666 = tpu.pack_subelements %broadcast_in_dim3A_665, %broadcast_in_dim3A_665 {pack_format = #tpu.pack_format<interleaved>, positions = array<i32: 0, 1>} : vector<16xf32>, vector<16xf32> -> vector<32xbf16>
          %get3A_667 = arith.index_cast %add3A_662 : i32 to index
          %get3A_668 = arith.constant 0 : index
          %get3A_669 = tpu.vector_load %arg11[%get3A_667, %get3A_668] {strides = array<i32>} : memref<240x128xbf16, #tpu.memory_space<vmem>>, vector<32xbf16>,
          %mul3A_670 = arith.mulf %get3A_669, %pack3A_666 : vector<32xbf16>
          %max3A_671 = arith.maximumf %max3A_643, %mul3A_670 : vector<32xbf16>
          %get3A_672 = arith.index_cast %add3A_662 : i32 to index
          %get3A_673 = arith.constant 32 : index
          %get3A_674 = tpu.vector_load %arg11[%get3A_672, %get3A_673] {strides = array<i32>} : memref<240x128xbf16, #tpu.memory_space<vmem>>, vector<32xbf16>,
          %mul3A_675 = arith.mulf %get3A_674, %pack3A_666 : vector<32xbf16>
          %max3A_676 = arith.maximumf %max3A_648, %mul3A_675 : vector<32xbf16>
          %get3A_677 = arith.index_cast %add3A_662 : i32 to index
          %get3A_678 = arith.constant 64 : index
          %get3A_679 = tpu.vector_load %arg11[%get3A_677, %get3A_678] {strides = array<i32>} : memref<240x128xbf16, #tpu.memory_space<vmem>>, vector<32xbf16>,
          %mul3A_680 = arith.mulf %get3A_679, %pack3A_666 : vector<32xbf16>
          %max3A_681 = arith.maximumf %max3A_653, %mul3A_680 : vector<32xbf16>
          %get3A_682 = arith.index_cast %add3A_662 : i32 to index
          %get3A_683 = arith.constant 96 : index
          %get3A_684 = tpu.vector_load %arg11[%get3A_682, %get3A_683] {strides = array<i32>} : memref<240x128xbf16, #tpu.memory_space<vmem>>, vector<32xbf16>,
          %mul3A_685 = arith.mulf %get3A_684, %pack3A_666 : vector<32xbf16>
          %max3A_686 = arith.maximumf %max3A_658, %mul3A_685 : vector<32xbf16>
          %mul3A_687 = arith.constant 16 : i32
          %mul3A_688 = arith.muli %scan3A_338, %mul3A_687 : i32
          %add3A_689 = arith.constant 12 : i32
          %add3A_690 = arith.addi %mul3A_688, %add3A_689 : i32
          %slice3A_691 = vector.extract_strided_slice %mul3A_354 {offsets = [12], sizes = [1], strides = [1]} : vector<16xf32> to vector<1xf32>
          %squeeze3A_692 = vector.extract %slice3A_691[0] : f32 from vector<1xf32>
          %broadcast_in_dim3A_693 = vector.broadcast %squeeze3A_692 : f32 to vector<16xf32>
          %pack3A_694 = tpu.pack_subelements %broadcast_in_dim3A_693, %broadcast_in_dim3A_693 {pack_format = #tpu.pack_format<interleaved>, positions = array<i32: 0, 1>} : vector<16xf32>, vector<16xf32> -> vector<32xbf16>
          %get3A_695 = arith.index_cast %add3A_690 : i32 to index
          %get3A_696 = arith.constant 0 : index
          %get3A_697 = tpu.vector_load %arg11[%get3A_695, %get3A_696] {strides = array<i32>} : memref<240x128xbf16, #tpu.memory_space<vmem>>, vector<32xbf16>,
          %mul3A_698 = arith.mulf %get3A_697, %pack3A_694 : vector<32xbf16>
          %max3A_699 = arith.maximumf %max3A_671, %mul3A_698 : vector<32xbf16>
          %get3A_700 = arith.index_cast %add3A_690 : i32 to index
          %get3A_701 = arith.constant 32 : index
          %get3A_702 = tpu.vector_load %arg11[%get3A_700, %get3A_701] {strides = array<i32>} : memref<240x128xbf16, #tpu.memory_space<vmem>>, vector<32xbf16>,
          %mul3A_703 = arith.mulf %get3A_702, %pack3A_694 : vector<32xbf16>
          %max3A_704 = arith.maximumf %max3A_676, %mul3A_703 : vector<32xbf16>
          %get3A_705 = arith.index_cast %add3A_690 : i32 to index
          %get3A_706 = arith.constant 64 : index
          %get3A_707 = tpu.vector_load %arg11[%get3A_705, %get3A_706] {strides = array<i32>} : memref<240x128xbf16, #tpu.memory_space<vmem>>, vector<32xbf16>,
          %mul3A_708 = arith.mulf %get3A_707, %pack3A_694 : vector<32xbf16>
          %max3A_709 = arith.maximumf %max3A_681, %mul3A_708 : vector<32xbf16>
          %get3A_710 = arith.index_cast %add3A_690 : i32 to index
          %get3A_711 = arith.constant 96 : index
          %get3A_712 = tpu.vector_load %arg11[%get3A_710, %get3A_711] {strides = array<i32>} : memref<240x128xbf16, #tpu.memory_space<vmem>>, vector<32xbf16>,
          %mul3A_713 = arith.mulf %get3A_712, %pack3A_694 : vector<32xbf16>
          %max3A_714 = arith.maximumf %max3A_686, %mul3A_713 : vector<32xbf16>
          %mul3A_715 = arith.constant 16 : i32
          %mul3A_716 = arith.muli %scan3A_338, %mul3A_715 : i32
          %add3A_717 = arith.constant 13 : i32
          %add3A_718 = arith.addi %mul3A_716, %add3A_717 : i32
          %slice3A_719 = vector.extract_strided_slice %mul3A_354 {offsets = [13], sizes = [1], strides = [1]} : vector<16xf32> to vector<1xf32>
          %squeeze3A_720 = vector.extract %slice3A_719[0] : f32 from vector<1xf32>
          %broadcast_in_dim3A_721 = vector.broadcast %squeeze3A_720 : f32 to vector<16xf32>
          %pack3A_722 = tpu.pack_subelements %broadcast_in_dim3A_721, %broadcast_in_dim3A_721 {pack_format = #tpu.pack_format<interleaved>, positions = array<i32: 0, 1>} : vector<16xf32>, vector<16xf32> -> vector<32xbf16>
          %get3A_723 = arith.index_cast %add3A_718 : i32 to index
          %get3A_724 = arith.constant 0 : index
          %get3A_725 = tpu.vector_load %arg11[%get3A_723, %get3A_724] {strides = array<i32>} : memref<240x128xbf16, #tpu.memory_space<vmem>>, vector<32xbf16>,
          %mul3A_726 = arith.mulf %get3A_725, %pack3A_722 : vector<32xbf16>
          %max3A_727 = arith.maximumf %max3A_699, %mul3A_726 : vector<32xbf16>
          %get3A_728 = arith.index_cast %add3A_718 : i32 to index
          %get3A_729 = arith.constant 32 : index
          %get3A_730 = tpu.vector_load %arg11[%get3A_728, %get3A_729] {strides = array<i32>} : memref<240x128xbf16, #tpu.memory_space<vmem>>, vector<32xbf16>,
          %mul3A_731 = arith.mulf %get3A_730, %pack3A_722 : vector<32xbf16>
          %max3A_732 = arith.maximumf %max3A_704, %mul3A_731 : vector<32xbf16>
          %get3A_733 = arith.index_cast %add3A_718 : i32 to index
          %get3A_734 = arith.constant 64 : index
          %get3A_735 = tpu.vector_load %arg11[%get3A_733, %get3A_734] {strides = array<i32>} : memref<240x128xbf16, #tpu.memory_space<vmem>>, vector<32xbf16>,
          %mul3A_736 = arith.mulf %get3A_735, %pack3A_722 : vector<32xbf16>
          %max3A_737 = arith.maximumf %max3A_709, %mul3A_736 : vector<32xbf16>
          %get3A_738 = arith.index_cast %add3A_718 : i32 to index
          %get3A_739 = arith.constant 96 : index
          %get3A_740 = tpu.vector_load %arg11[%get3A_738, %get3A_739] {strides = array<i32>} : memref<240x128xbf16, #tpu.memory_space<vmem>>, vector<32xbf16>,
          %mul3A_741 = arith.mulf %get3A_740, %pack3A_722 : vector<32xbf16>
          %max3A_742 = arith.maximumf %max3A_714, %mul3A_741 : vector<32xbf16>
          %mul3A_743 = arith.constant 16 : i32
          %mul3A_744 = arith.muli %scan3A_338, %mul3A_743 : i32
          %add3A_745 = arith.constant 14 : i32
          %add3A_746 = arith.addi %mul3A_744, %add3A_745 : i32
          %slice3A_747 = vector.extract_strided_slice %mul3A_354 {offsets = [14], sizes = [1], strides = [1]} : vector<16xf32> to vector<1xf32>
          %squeeze3A_748 = vector.extract %slice3A_747[0] : f32 from vector<1xf32>
          %broadcast_in_dim3A_749 = vector.broadcast %squeeze3A_748 : f32 to vector<16xf32>
          %pack3A_750 = tpu.pack_subelements %broadcast_in_dim3A_749, %broadcast_in_dim3A_749 {pack_format = #tpu.pack_format<interleaved>, positions = array<i32: 0, 1>} : vector<16xf32>, vector<16xf32> -> vector<32xbf16>
          %get3A_751 = arith.index_cast %add3A_746 : i32 to index
          %get3A_752 = arith.constant 0 : index
          %get3A_753 = tpu.vector_load %arg11[%get3A_751, %get3A_752] {strides = array<i32>} : memref<240x128xbf16, #tpu.memory_space<vmem>>, vector<32xbf16>,
          %mul3A_754 = arith.mulf %get3A_753, %pack3A_750 : vector<32xbf16>
          %max3A_755 = arith.maximumf %max3A_727, %mul3A_754 : vector<32xbf16>
          %get3A_756 = arith.index_cast %add3A_746 : i32 to index
          %get3A_757 = arith.constant 32 : index
          %get3A_758 = tpu.vector_load %arg11[%get3A_756, %get3A_757] {strides = array<i32>} : memref<240x128xbf16, #tpu.memory_space<vmem>>, vector<32xbf16>,
          %mul3A_759 = arith.mulf %get3A_758, %pack3A_750 : vector<32xbf16>
          %max3A_760 = arith.maximumf %max3A_732, %mul3A_759 : vector<32xbf16>
          %get3A_761 = arith.index_cast %add3A_746 : i32 to index
          %get3A_762 = arith.constant 64 : index
          %get3A_763 = tpu.vector_load %arg11[%get3A_761, %get3A_762] {strides = array<i32>} : memref<240x128xbf16, #tpu.memory_space<vmem>>, vector<32xbf16>,
          %mul3A_764 = arith.mulf %get3A_763, %pack3A_750 : vector<32xbf16>
          %max3A_765 = arith.maximumf %max3A_737, %mul3A_764 : vector<32xbf16>
          %get3A_766 = arith.index_cast %add3A_746 : i32 to index
          %get3A_767 = arith.constant 96 : index
          %get3A_768 = tpu.vector_load %arg11[%get3A_766, %get3A_767] {strides = array<i32>} : memref<240x128xbf16, #tpu.memory_space<vmem>>, vector<32xbf16>,
          %mul3A_769 = arith.mulf %get3A_768, %pack3A_750 : vector<32xbf16>
          %max3A_770 = arith.maximumf %max3A_742, %mul3A_769 : vector<32xbf16>
          %mul3A_771 = arith.constant 16 : i32
          %mul3A_772 = arith.muli %scan3A_338, %mul3A_771 : i32
          %add3A_773 = arith.constant 15 : i32
          %add3A_774 = arith.addi %mul3A_772, %add3A_773 : i32
          %slice3A_775 = vector.extract_strided_slice %mul3A_354 {offsets = [15], sizes = [1], strides = [1]} : vector<16xf32> to vector<1xf32>
          %squeeze3A_776 = vector.extract %slice3A_775[0] : f32 from vector<1xf32>
          %broadcast_in_dim3A_777 = vector.broadcast %squeeze3A_776 : f32 to vector<16xf32>
          %pack3A_778 = tpu.pack_subelements %broadcast_in_dim3A_777, %broadcast_in_dim3A_777 {pack_format = #tpu.pack_format<interleaved>, positions = array<i32: 0, 1>} : vector<16xf32>, vector<16xf32> -> vector<32xbf16>
          %get3A_779 = arith.index_cast %add3A_774 : i32 to index
          %get3A_780 = arith.constant 0 : index
          %get3A_781 = tpu.vector_load %arg11[%get3A_779, %get3A_780] {strides = array<i32>} : memref<240x128xbf16, #tpu.memory_space<vmem>>, vector<32xbf16>,
          %mul3A_782 = arith.mulf %get3A_781, %pack3A_778 : vector<32xbf16>
          %max3A_783 = arith.maximumf %max3A_755, %mul3A_782 : vector<32xbf16>
          %get3A_784 = arith.index_cast %add3A_774 : i32 to index
          %get3A_785 = arith.constant 32 : index
          %get3A_786 = tpu.vector_load %arg11[%get3A_784, %get3A_785] {strides = array<i32>} : memref<240x128xbf16, #tpu.memory_space<vmem>>, vector<32xbf16>,
          %mul3A_787 = arith.mulf %get3A_786, %pack3A_778 : vector<32xbf16>
          %max3A_788 = arith.maximumf %max3A_760, %mul3A_787 : vector<32xbf16>
          %get3A_789 = arith.index_cast %add3A_774 : i32 to index
          %get3A_790 = arith.constant 64 : index
          %get3A_791 = tpu.vector_load %arg11[%get3A_789, %get3A_790] {strides = array<i32>} : memref<240x128xbf16, #tpu.memory_space<vmem>>, vector<32xbf16>,
          %mul3A_792 = arith.mulf %get3A_791, %pack3A_778 : vector<32xbf16>
          %max3A_793 = arith.maximumf %max3A_765, %mul3A_792 : vector<32xbf16>
          %get3A_794 = arith.index_cast %add3A_774 : i32 to index
          %get3A_795 = arith.constant 96 : index
          %get3A_796 = tpu.vector_load %arg11[%get3A_794, %get3A_795] {strides = array<i32>} : memref<240x128xbf16, #tpu.memory_space<vmem>>, vector<32xbf16>,
          %mul3A_797 = arith.mulf %get3A_796, %pack3A_778 : vector<32xbf16>
          %max3A_798 = arith.maximumf %max3A_770, %mul3A_797 : vector<32xbf16>
          scf.yield %max3A_783, %max3A_788, %max3A_793, %max3A_798 : vector<32xbf16>, vector<32xbf16>, vector<32xbf16>, vector<32xbf16>
        }
        %scan3A_313 = arith.constant 2 : i32
        %swap3A_314 = arith.index_cast %add3A_274 : i32 to index
        %swap3A_315 = arith.constant 0 : index
        %swap3A_316 = tpu.vector_load %arg13[%swap3A_314, %swap3A_315] {strides = array<i32>} : memref<32x128xbf16, #tpu.memory_space<vmem>>, vector<32xbf16>,
        tpu.vector_store %arg13[%swap3A_314, %swap3A_315], %scan3A_306#0 {strides = array<i32>} : memref<32x128xbf16, #tpu.memory_space<vmem>>, vector<32xbf16>,
        %swap3A_317 = arith.index_cast %add3A_274 : i32 to index
        %swap3A_318 = arith.constant 0 : index
        %swap3A_319 = tpu.vector_load %arg12[%swap3A_317, %swap3A_318] {strides = array<i32>} : memref<32x128xbf16, #tpu.memory_space<vmem>>, vector<32xbf16>,
        tpu.vector_store %arg12[%swap3A_317, %swap3A_318], %scan3A_312#0 {strides = array<i32>} : memref<32x128xbf16, #tpu.memory_space<vmem>>, vector<32xbf16>,
        %swap3A_320 = arith.index_cast %add3A_274 : i32 to index
        %swap3A_321 = arith.constant 32 : index
        %swap3A_322 = tpu.vector_load %arg13[%swap3A_320, %swap3A_321] {strides = array<i32>} : memref<32x128xbf16, #tpu.memory_space<vmem>>, vector<32xbf16>,
        tpu.vector_store %arg13[%swap3A_320, %swap3A_321], %scan3A_306#1 {strides = array<i32>} : memref<32x128xbf16, #tpu.memory_space<vmem>>, vector<32xbf16>,
        %swap3A_323 = arith.index_cast %add3A_274 : i32 to index
        %swap3A_324 = arith.constant 32 : index
        %swap3A_325 = tpu.vector_load %arg12[%swap3A_323, %swap3A_324] {strides = array<i32>} : memref<32x128xbf16, #tpu.memory_space<vmem>>, vector<32xbf16>,
        tpu.vector_store %arg12[%swap3A_323, %swap3A_324], %scan3A_312#1 {strides = array<i32>} : memref<32x128xbf16, #tpu.memory_space<vmem>>, vector<32xbf16>,
        %swap3A_326 = arith.index_cast %add3A_274 : i32 to index
        %swap3A_327 = arith.constant 64 : index
        %swap3A_328 = tpu.vector_load %arg13[%swap3A_326, %swap3A_327] {strides = array<i32>} : memref<32x128xbf16, #tpu.memory_space<vmem>>, vector<32xbf16>,
        tpu.vector_store %arg13[%swap3A_326, %swap3A_327], %scan3A_306#2 {strides = array<i32>} : memref<32x128xbf16, #tpu.memory_space<vmem>>, vector<32xbf16>,
        %swap3A_329 = arith.index_cast %add3A_274 : i32 to index
        %swap3A_330 = arith.constant 64 : index
        %swap3A_331 = tpu.vector_load %arg12[%swap3A_329, %swap3A_330] {strides = array<i32>} : memref<32x128xbf16, #tpu.memory_space<vmem>>, vector<32xbf16>,
        tpu.vector_store %arg12[%swap3A_329, %swap3A_330], %scan3A_312#2 {strides = array<i32>} : memref<32x128xbf16, #tpu.memory_space<vmem>>, vector<32xbf16>,
        %swap3A_332 = arith.index_cast %add3A_274 : i32 to index
        %swap3A_333 = arith.constant 96 : index
        %swap3A_334 = tpu.vector_load %arg13[%swap3A_332, %swap3A_333] {strides = array<i32>} : memref<32x128xbf16, #tpu.memory_space<vmem>>, vector<32xbf16>,
        tpu.vector_store %arg13[%swap3A_332, %swap3A_333], %scan3A_306#3 {strides = array<i32>} : memref<32x128xbf16, #tpu.memory_space<vmem>>, vector<32xbf16>,
        %swap3A_335 = arith.index_cast %add3A_274 : i32 to index
        %swap3A_336 = arith.constant 96 : index
        %swap3A_337 = tpu.vector_load %arg12[%swap3A_335, %swap3A_336] {strides = array<i32>} : memref<32x128xbf16, #tpu.memory_space<vmem>>, vector<32xbf16>,
        tpu.vector_store %arg12[%swap3A_335, %swap3A_336], %scan3A_312#3 {strides = array<i32>} : memref<32x128xbf16, #tpu.memory_space<vmem>>, vector<32xbf16>,
      }
      %scan3A_73 = arith.constant 8 : i32
      "tpu.region"() ({
        %run_scoped3A = tpu.sem_alloc : memref<!tpu.dma_semaphore, #tpu.memory_space<semaphore_mem>>
        %dma_start3A_74 = arith.constant 0 : i32
        %dma_start3A_75 = tpu.memref_slice %arg4[%add3A_12, %dma_start3A_74] : memref<4096x128xbf16, #tpu.memory_space<hbm>> -> memref<32x128xbf16, #tpu.memory_space<hbm>>
        %dma_start3A_76 = arith.constant 0 : i32
        %dma_start3A_77 = tpu.memref_slice %arg4[%add3A_12, %dma_start3A_76] : memref<4096x128xbf16, #tpu.memory_space<hbm>> -> memref<32x128xbf16, #tpu.memory_space<hbm>>
        tpu.enqueue_dma source(%arg12 : memref<32x128xbf16, #tpu.memory_space<vmem>>) target(%dma_start3A_77 : memref<32x128xbf16, #tpu.memory_space<hbm>>) target_semaphore(%run_scoped3A : memref<!tpu.dma_semaphore, #tpu.memory_space<semaphore_mem>>)
        %dma_wait3A = arith.constant 0 : i32
        %dma_wait3A_78 = tpu.memref_slice %arg4[%add3A_12, %dma_wait3A] : memref<4096x128xbf16, #tpu.memory_space<hbm>> -> memref<32x128xbf16, #tpu.memory_space<hbm>>
        %dma_wait3A_79 = arith.constant 0 : i32
        %dma_wait3A_80 = tpu.memref_slice %arg4[%add3A_12, %dma_wait3A_79] : memref<4096x128xbf16, #tpu.memory_space<hbm>> -> memref<32x128xbf16, #tpu.memory_space<hbm>>
        tpu.wait_dma2 semaphore(%run_scoped3A : memref<!tpu.dma_semaphore, #tpu.memory_space<semaphore_mem>>) src(%arg12 : memref<32x128xbf16, #tpu.memory_space<vmem>>) dst(%dma_wait3A_80 : memref<32x128xbf16, #tpu.memory_space<hbm>>)
        tpu.yield
      }) : () -> ()
      "tpu.region"() ({
        %run_scoped3A = tpu.sem_alloc : memref<!tpu.dma_semaphore, #tpu.memory_space<semaphore_mem>>
        %dma_start3A_74 = arith.constant 0 : i32
        %dma_start3A_75 = tpu.memref_slice %arg5[%add3A_12, %dma_start3A_74] : memref<4096x128xbf16, #tpu.memory_space<hbm>> -> memref<32x128xbf16, #tpu.memory_space<hbm>>
        %dma_start3A_76 = arith.constant 0 : i32
        %dma_start3A_77 = tpu.memref_slice %arg5[%add3A_12, %dma_start3A_76] : memref<4096x128xbf16, #tpu.memory_space<hbm>> -> memref<32x128xbf16, #tpu.memory_space<hbm>>
        tpu.enqueue_dma source(%arg13 : memref<32x128xbf16, #tpu.memory_space<vmem>>) target(%dma_start3A_77 : memref<32x128xbf16, #tpu.memory_space<hbm>>) target_semaphore(%run_scoped3A : memref<!tpu.dma_semaphore, #tpu.memory_space<semaphore_mem>>)
        %dma_wait3A = arith.constant 0 : i32
        %dma_wait3A_78 = tpu.memref_slice %arg5[%add3A_12, %dma_wait3A] : memref<4096x128xbf16, #tpu.memory_space<hbm>> -> memref<32x128xbf16, #tpu.memory_space<hbm>>
        %dma_wait3A_79 = arith.constant 0 : i32
        %dma_wait3A_80 = tpu.memref_slice %arg5[%add3A_12, %dma_wait3A_79] : memref<4096x128xbf16, #tpu.memory_space<hbm>> -> memref<32x128xbf16, #tpu.memory_space<hbm>>
        tpu.wait_dma2 semaphore(%run_scoped3A : memref<!tpu.dma_semaphore, #tpu.memory_space<semaphore_mem>>) src(%arg13 : memref<32x128xbf16, #tpu.memory_space<vmem>>) dst(%dma_wait3A_80 : memref<32x128xbf16, #tpu.memory_space<hbm>>)
        tpu.yield
      }) : () -> ()
    }
    %scan3A_8 = arith.constant 4 : i32
    return
  }
}

module attributes {stable_mosaic.version = 14 : i64} {
  func.func @_normalize_body(%arg0: i32, %arg1: memref<1000x128xf32, #tpu.memory_space<vmem>>, %arg2: memref<1000x128xbf16, #tpu.memory_space<vmem>>) attributes {dimension_semantics = [#tpu.dimension_semantics<arbitrary>], iteration_bounds = array<i64: 100>, scalar_prefetch = 0 : i64, scratch_operands = 0 : i64, tpu.core_type = #tpu.core_type<tc>, window_params = [{transform_indices = @transform_0, window_bounds = array<i64: 1000, 128>}, {transform_indices = @transform_1, window_bounds = array<i64: 1000, 128>}]} {
    %get3A = arith.constant 0 : index
    %get3A_0 = arith.constant 0 : index
    %get3A_1 = vector.load %arg1[%get3A, %get3A_0] : memref<1000x128xf32, #tpu.memory_space<vmem>>, vector<1000x128xf32>
    %mul3A = arith.mulf %get3A_1, %get3A_1 : vector<1000x128xf32>
    %reduce_sum3A = arith.constant dense<0.000000e+00> : vector<1000xf32>
    %reduce_sum3A_2 = vector.multi_reduction <add>, %mul3A, %reduce_sum3A [1] : vector<1000x128xf32> to vector<1000xf32>
    %broadcast_in_dim3A = vector.shape_cast %reduce_sum3A_2 : vector<1000xf32> to vector<1000x1xf32>
    %max3A = arith.constant 1.000000e-24 : f32
    %max3A_3 = vector.broadcast %max3A : f32 to vector<1000x1xf32>
    %max3A_4 = arith.maximumf %broadcast_in_dim3A, %max3A_3 : vector<1000x1xf32>
    %rsqrt3A = math.rsqrt %max3A_4 : vector<1000x1xf32>
    %mul3A_5 = vector.broadcast %rsqrt3A : vector<1000x1xf32> to vector<1000x128xf32>
    %mul3A_6 = arith.mulf %get3A_1, %mul3A_5 : vector<1000x128xf32>
    %convert_element_type3A = arith.truncf %mul3A_6 : vector<1000x128xf32> to vector<1000x128xbf16>
    %swap3A = arith.constant 0 : index
    %swap3A_7 = arith.constant 0 : index
    %swap3A_8 = vector.load %arg2[%swap3A, %swap3A_7] : memref<1000x128xbf16, #tpu.memory_space<vmem>>, vector<1000x128xbf16>
    tpu.vector_store %arg2[%swap3A, %swap3A_7], %convert_element_type3A {strides = array<i32>} : memref<1000x128xbf16, #tpu.memory_space<vmem>>, vector<1000x128xbf16>,
    return
  }
  func.func @transform_0(%arg0: i32) -> (i32, i32) {
    %c0_i32 = arith.constant 0 : i32
    %c0_i32_0 = arith.constant 0 : i32
    return %arg0, %c0_i32 : i32, i32
  }
  func.func @transform_1(%arg0: i32) -> (i32, i32) {
    %c0_i32 = arith.constant 0 : i32
    %c0_i32_0 = arith.constant 0 : i32
    return %arg0, %c0_i32 : i32, i32
  }
}

module attributes {stable_mosaic.version = 14 : i64} {
  func.func @_cos_body(%arg0: i32, %arg1: memref<512x128xbf16, #tpu.memory_space<vmem>>, %arg2: memref<512x128xbf16, #tpu.memory_space<vmem>>, %arg3: memref<512xf32, #tpu.memory_space<vmem>>) attributes {dimension_semantics = [#tpu.dimension_semantics<arbitrary>], iteration_bounds = array<i64: 8>, scalar_prefetch = 0 : i64, scratch_operands = 0 : i64, tpu.core_type = #tpu.core_type<tc>, window_params = [{transform_indices = @transform_0, window_bounds = array<i64: 512, 128>}, {transform_indices = @transform_1, window_bounds = array<i64: 512, 128>}, {transform_indices = @transform_2, window_bounds = array<i64: 512>}]} {
    %get3A = arith.constant 0 : index
    %get3A_0 = arith.constant 0 : index
    %get3A_1 = vector.load %arg1[%get3A, %get3A_0] : memref<512x128xbf16, #tpu.memory_space<vmem>>, vector<512x128xbf16>
    %convert_element_type3A = arith.extf %get3A_1 : vector<512x128xbf16> to vector<512x128xf32>
    %get3A_2 = arith.constant 0 : index
    %get3A_3 = arith.constant 0 : index
    %get3A_4 = vector.load %arg2[%get3A_2, %get3A_3] : memref<512x128xbf16, #tpu.memory_space<vmem>>, vector<512x128xbf16>
    %convert_element_type3A_5 = arith.extf %get3A_4 : vector<512x128xbf16> to vector<512x128xf32>
    %mul3A = arith.mulf %convert_element_type3A, %convert_element_type3A_5 : vector<512x128xf32>
    %reduce_sum3A = arith.constant dense<0.000000e+00> : vector<512xf32>
    %reduce_sum3A_6 = vector.multi_reduction <add>, %mul3A, %reduce_sum3A [1] : vector<512x128xf32> to vector<512xf32>
    %mul3A_7 = arith.mulf %convert_element_type3A, %convert_element_type3A : vector<512x128xf32>
    %reduce_sum3A_8 = arith.constant dense<0.000000e+00> : vector<512xf32>
    %reduce_sum3A_9 = vector.multi_reduction <add>, %mul3A_7, %reduce_sum3A_8 [1] : vector<512x128xf32> to vector<512xf32>
    %sqrt3A = math.sqrt %reduce_sum3A_9 : vector<512xf32>
    %max3A = arith.constant 9.99999993E-9 : f32
    %max3A_10 = vector.broadcast %max3A : f32 to vector<512xf32>
    %max3A_11 = arith.maximumf %sqrt3A, %max3A_10 : vector<512xf32>
    %mul3A_12 = arith.mulf %convert_element_type3A_5, %convert_element_type3A_5 : vector<512x128xf32>
    %reduce_sum3A_13 = arith.constant dense<0.000000e+00> : vector<512xf32>
    %reduce_sum3A_14 = vector.multi_reduction <add>, %mul3A_12, %reduce_sum3A_13 [1] : vector<512x128xf32> to vector<512xf32>
    %sqrt3A_15 = math.sqrt %reduce_sum3A_14 : vector<512xf32>
    %max3A_16 = arith.constant 9.99999993E-9 : f32
    %max3A_17 = vector.broadcast %max3A_16 : f32 to vector<512xf32>
    %max3A_18 = arith.maximumf %sqrt3A_15, %max3A_17 : vector<512xf32>
    %mul3A_19 = arith.mulf %max3A_11, %max3A_18 : vector<512xf32>
    %div3A = arith.divf %reduce_sum3A_6, %mul3A_19 : vector<512xf32>
    %swap3A = arith.constant 0 : index
    %swap3A_20 = vector.load %arg3[%swap3A] : memref<512xf32, #tpu.memory_space<vmem>>, vector<512xf32>
    tpu.vector_store %arg3[%swap3A], %div3A {strides = array<i32>} : memref<512xf32, #tpu.memory_space<vmem>>, vector<512xf32>,
    return
  }
  func.func @transform_0(%arg0: i32) -> (i32, i32) {
    %c0_i32 = arith.constant 0 : i32
    %c0_i32_0 = arith.constant 0 : i32
    return %arg0, %c0_i32 : i32, i32
  }
  func.func @transform_1(%arg0: i32) -> (i32, i32) {
    %c0_i32 = arith.constant 0 : i32
    %c0_i32_0 = arith.constant 0 : i32
    return %arg0, %c0_i32 : i32, i32
  }
  func.func @transform_2(%arg0: i32) -> i32 {
    %c0_i32 = arith.constant 0 : i32
    return %arg0 : i32
  }
}

</mosaic_0001>

<sc_bundles>
// kernel: kernel.5.cloned.1.call-start
scs
__scs_entry_jumppad:
0x0: {  	(pc) =	sbr.rel $0x88, $3  }
0x1: {  	(tag) =	ssettag $0x0;
	lr =	simm.s32 $0x1  }
0x2: {  	[smem:$0x3F9C] =	sst lr;
	_ =	strace $0xD0000000  }
0x3: {  	_ = 	snop  }
0x4: {  	_ = 	snop  }
0x5: {  	_ = 	snop  }
0x6: {  	_ = 	snop  }
0x7: {  	_ = 	snop  }
__scs_overlays_trampoline_lowered:
0x8: {  	[smem:$0x3FAB] =	sst s0  }
0x9: {  	[smem:$0x3FAC] =	sst s1  }
0xa: {  	[smem:$0x3FAD] =	sst s2  }
0xb: {  	[smem:$0x3FAE] =	sst s3  }
0xc: {  	[smem:$0x3FAF] =	sst s4  }
0xd: {  	[smem:$0x3FB0] =	sst s5  }
0xe: {  	[smem:$0x3FB1] =	sst s6  }
0xf: {  	[smem:$0x3FB2] =	sst s7  }
0x10: {  	[smem:$0x3FB3] =	sst s8  }
0x11: {  	[smem:$0x3FB4] =	sst s9;
	s0 =	simm.s32 @!p0 $0x0  }
0x12: {  	s1 =	sld [smem:$0x3F9A];
	s0 =	simm.s32 @p0 $0x1  }
0x13: {  	[smem:$0x3FB5] =	sst s0;
	s0 =	simm.s32 @!p1 $0x0  }
0x14: {  	s2 =	sld [smem:$0x3F99];
	s0 =	simm.s32 @p1 $0x1  }
0x15: {  	[smem:$0x3FB6] =	sst s0;
	s0 =	simm.s32 @!p2 $0x0  }
0x16: {  	s3 =	sld [smem:$0x3FDB];
	s0 =	simm.s32 @p2 $0x1  }
0x17: {  	s4 =	simm.s32 $0x1BF5;
	[smem:$0x3FB8] =	sst s0  }
0x18: {  	s0 =	sld [smem:$0x3F9B];
	_ =	swait.ge [sflag:s4], $0x0  }
0x19: {  	s7 =	sld [smem:$0x3F9C]  }
0x1a: {  	s8 =	sadd.s32 $0xFFFFE003, lr  }
0x1b: {  	s9 =	sadd.s32 $0xFFFFFEF7, lr;
	s5 =	simm.s32 $0xFFFFFFFF;
	p2 =	slt.u32 s8, $0xFFFFF086  }
0x1c: {  	p1 =	slt.u32 s9, $0xF7A;
	s5 =	simm.s32 @!p2 $0x0  }
0x1d: {  	s5 =	simm.s32 @p1 $0x1;
	p0 =	seq.s32 s7, s2  }
0x1e: {  	s7 =	smul.u32 @!p0 $0xF7A, s2;
	p2 =	seq.s32 @!p0 s5, $0x0  }
0x1f: {  	s9 =	smul.u32 $0xF7A, s1;
	s8 =	simm.s32 @!p0 $0x1BF5;
	p2 =	por !p2, p0  }
0x20: {  	[sflag:s8] =	ssyncset.s32 @!p0 $0xFFFFF086;
	s6 =	sadd.s32 @!p0 s3, s7;
	s7 =	simm.s32 @!p0 $0x108  }
0x21: {  	s3 =	sadd.s32 s3, s9;
	s6 =	sadd.s32 @!p0 $0x88, s6;
	s7 =	simm.s32 @p2 $0x1082  }
0x22: {  	[simem:s7], [sflag:s8] =	dma.local @!p0 [hbm:s6], $0xF7A  }
0x23: {  	s9 =	sor.u32 $0xD0000000, s2;
	s6 =	simm.s32 $0x108;
	_ =	swait.ge @!p0 [sflag:s8], $0x0  }
0x24: {  	s3 =	sadd.s32 $0x88, s3;
	s6 =	simm.s32 @!p1 $0x1082;
	[sflag:s4] =	ssyncset.s32 $0xFFFFF086  }
0x25: {  	[simem:s6], [sflag:s4] =	dma.local [hbm:s3], $0xF7A  }
0x26: {  	[smem:$0x3F9C] =	sst s1;
	(tag) =	ssettag s2;
	_ =	strace s9  }
0x27: {  	s1 =	sld [smem:$0x3FAC]  }
0x28: {  	s2 =	sld [smem:$0x3FAD]  }
0x29: {  	s4 =	sld [smem:$0x3FAF]  }
0x2a: {  	p0 =	seq.s32 s5, $0x0;
	s5 =	sld [smem:$0x3FB0]  }
0x2b: {  	s6 =	sld [smem:$0x3FB1]  }
0x2c: {  	s7 =	sld [smem:$0x3FB2]  }
0x2d: {  	s3 =	simm.s32 $0x108;
	s8 =	sld [smem:$0x3FB3]  }
0x2e: {  	s3 =	simm.s32 @!p0 $0x1082;
	s9 =	sld [smem:$0x3FB4]  }
0x2f: {  	lr =	sadd.s32 s0, s3;
	s0 =	sld [smem:$0x3FAB]  }
0x30: {  	s3 =	sld [smem:$0x3FAE]  }
0x31: {  	[smem:$0x3FB7] =	sst s10  }
0x32: {  	s10 =	sld [smem:$0x3FB5];
	_ =	sdelay $0x3  }
0x33: {  	p0 =	seq.s32 s10, $0x1;
	s10 =	sld [smem:$0x3FB7];
	_ =	sdelay $0x3  }
0x34: {  	[smem:$0x3FB7] =	sst s10  }
0x35: {  	s10 =	sld [smem:$0x3FB6];
	_ =	sdelay $0x3  }
0x36: {  	p1 =	seq.s32 s10, $0x1;
	s10 =	sld [smem:$0x3FB7];
	_ =	sdelay $0x3  }
0x37: {  	[smem:$0x3FB7] =	sst s10  }
0x38: {  	s10 =	sld [smem:$0x3FB8]  }
0x39: {  	_ = 	snop;
	(pc) =	sbr.ind lr, $3  }
0x3a: {  	_ = 	snop  }
0x3b: {  	_ = 	snop  }
0x3c: {  	p2 =	seq.s32 s10, $0x1;
	s10 =	sld [smem:$0x3FB7]  }
0x3d: {  	_ =	shalt  }
0x3e: {  	_ =	shalt  }
0x3f: {  	_ =	shalt  }
0x40: {  	_ =	shalt  }
0x41: {  	_ =	shalt  }
0x42: {  	_ =	shalt  }
0x43: {  	_ =	shalt  }
0x44: {  	_ =	shalt  }
0x45: {  	_ =	shalt  }
0x46: {  	_ =	shalt  }
0x47: {  	_ =	shalt  }
0x48: {  	_ =	shalt  }
0x49: {  	_ =	shalt  }
0x4a: {  	_ =	shalt  }
0x4b: {  	_ =	shalt  }
0x4c: {  	_ =	shalt  }
0x4d: {  	_ =	shalt  }
0x4e: {  	_ =	shalt  }
0x4f: {  	_ =	shalt  }
0x50: {  	_ =	shalt  }
0x51: {  	_ =	shalt  }
0x52: {  	_ =	shalt  }
0x53: {  	_ =	shalt  }
0x54: {  	_ =	shalt  }
0x55: {  	_ =	shalt  }
0x56: {  	_ =	shalt  }
0x57: {  	_ =	shalt  }
0x58: {  	_ =	shalt  }
0x59: {  	_ =	shalt  }
0x5a: {  	_ =	shalt  }
0x5b: {  	_ =	shalt  }
0x5c: {  	_ =	shalt  }
0x5d: {  	_ =	shalt  }
0x5e: {  	_ =	shalt  }
0x5f: {  	_ =	shalt  }
0x60: {  	_ =	shalt  }
0x61: {  	_ =	shalt  }
0x62: {  	_ =	shalt  }
0x63: {  	_ =	shalt  }
0x64: {  	_ =	shalt  }
0x65: {  	_ =	shalt  }
0x66: {  	_ =	shalt  }
0x67: {  	_ =	shalt  }
0x68: {  	_ =	shalt  }
0x69: {  	_ =	shalt  }
0x6a: {  	_ =	shalt  }
0x6b: {  	_ =	shalt  }
0x6c: {  	_ =	shalt  }
0x6d: {  	_ =	shalt  }
0x6e: {  	_ =	shalt  }
0x6f: {  	_ =	shalt  }
0x70: {  	_ =	shalt  }
0x71: {  	_ =	shalt  }
0x72: {  	_ =	shalt  }
0x73: {  	_ =	shalt  }
0x74: {  	_ =	shalt  }
0x75: {  	_ =	shalt  }
0x76: {  	_ =	shalt  }
0x77: {  	_ =	shalt  }
0x78: {  	_ =	shalt  }
0x79: {  	_ =	shalt  }
0x7a: {  	_ =	shalt  }
0x7b: {  	_ =	shalt  }
0x7c: {  	_ =	shalt  }
0x7d: {  	_ =	shalt  }
0x7e: {  	_ =	shalt  }
0x7f: {  	_ =	shalt  }
0x80: {  	_ =	shalt  }
0x81: {  	_ =	shalt  }
0x82: {  	_ =	shalt  }
0x83: {  	_ =	shalt  }
0x84: {  	_ =	shalt  }
0x85: {  	_ =	shalt  }
0x86: {  	_ =	shalt  }
0x87: {  	_ =	shalt  }
.Lfunc_end0:
.L_simem_size_0:
called_computation_lowered:
.L_overlay_start_0:
0x88: {  	s2 =	sld [smem:$0x3FD9]  }
0x89: {  	s3 =	sld [smem:$0x3FFE];
	_ =	sdelay $0x1  }
0x8a: {  	s1 =	srdreg.scid  }
0x8b: {  	s0 =	sand.u32 $0x1, s1  }
0x8c: {  	s16 =	sshll.u32 s0, $0xA;
	s2 =	sadd.s32 s3, s2  }
0x8d: {  	s2 =	sadd.s32 s2, s16  }
0x8e: {  	[smem:$0x3FC3] =	sst s2  }
0x8f: {  	_ = 	snop  }
0x90: {  	(tm) =	ssettm $0x1  }
0x91: {  	s17 =	sld [smem:$0x3FFB];
	_ =	sdelay $0x3  }
0x92: {  	_ =	strace s17  }
0x93: {  	s2 =	sld [smem:$0x3FFC];
	_ =	sdelay $0x3  }
0x94: {  	_ =	strace s2  }
0x95: {  	s2 =	sld [smem:$0x3FFD];
	_ =	sdelay $0x3  }
0x96: {  	_ =	strace s2  }
0x97: {  	_ =	strace $0x8FFFFFFF  }
0x98: {  	s18 =	sld [smem:$0x3FDB];
	_ =	sdelay $0x1  }
0x99: {  	s19 =	simm.s32 $_scs_section_size  }
0x9a: {  	s4 =	simm.s32 $_size__tile_overlayer_lowered;
	s5 =	simm.s32 $_tile_overlayer_lowered  }
0x9b: {  	s22 =	simm.s32 $0x1BFF;
	s21 =	sshll.u32 s5, $0x1;
	s2 =	sadd.s32 s19, s18  }
0x9c: {  	s6 =	simm.s32 $0x0;
	s20 =	sshll.u32 s4, $0x1;
	s4 =	sadd.s32 s21, s2  }
0x9d: {  	[timem:s6], [sflag:s22] =	dma.local [hbm:s4], s20  }
0x9e: {  	_ =	swait.ge [sflag:s22], s20  }
0x9f: {  	s3 =	ssub.s32 $0x0, s20;
	[sflag:s22] =	ssyncset.done $0x0  }
0xa0: {  	[sflag:s22] =	ssyncadd.s32 s3;
	_ =	sdelay $0x1  }
0xa1: {  	s23 =	simm.s32 $0x1B8B  }
0xa2: {  	_ =	swait.ge [sflag:s23], $0x1  }
0xa3: {  	[sflag:s23] =	ssyncset.done $0x0  }
0xa4: {  	s25 =	simm.s32 $0x1B8E;
	s24 =	sld [smem:$0x3FFE];
	[sflag:s23] =	ssyncadd.s32 $0xFFFFFFFF  }
0xa5: {  	s26 =	simm.s32 $execute0_lowered;
	[smem:$0x3FD2] =	sst s25  }
0xa6: {  	s4 =	sshll.u32 s26, $0x1;
	_ =	strace $0x80000046;
	[dreg:$0x1] =	wrdreg $0xFFFFFFFF  }
0xa7: {  	s28 =	simm.s32 $_size_execute0_lowered;
	s2 =	sadd.s32 s2, s4;
	[dreg:$0x0] =	wrdreg $0x0  }
0xa8: {  	s4 =	sshll.u32 s28, $0x1;
	[dreg:$0x2] =	wrdreg s2  }
0xa9: {  	[dreg:$0x3] =	wrdreg s4  }
0xaa: {  	[dreg:$0x4] =	wrdreg $0xC0  }
0xab: {  	_ =	task [dreg:s6], $0x5FFFF  }
0xac: {  	[dreg:$0x1] =	wrdreg $0xFFFFFFFF  }
0xad: {  	[dreg:$0x0] =	wrdreg $0x60  }
0xae: {  	[dreg:$0x2] =	wrdreg s24  }
0xaf: {  	[dreg:$0x3] =	wrdreg $0x9  }
0xb0: {  	_ =	task.clear_ibuf [dreg:s6], $0x4FFFF;
	_ =	strace $0x90000046  }
0xb1: {  	s29 =	simm.s32 $0x9;
	_ =	strace $0x80000048  }
0xb2: {  	_ =	swait.ge [sflag:s29], $0x1  }
0xb3: {  	[sflag:s29] =	ssyncadd.s32 $0xFFFFFFFF  }
0xb4: {  	_ =	strace $0x90000048  }
0xb5: {  	_ =	sfence  }
0xb6: {  	s30 =	sld [smem:$0x0];
	_ =	sdelay $0x2  }
0xb7: {  	s31 =	sshll.u32 s1, $0xD;
	s1 =	sshrl.u32 s1, $0x2  }
0xb8: {  	s3 =	sand.u32 $0x4000, s31;
	s1 =	sadd.s32 s1, s30  }
0xb9: {  	s0 =	sor.u32 s3, s0;
	s1 =	sshll.u32 s1, $0x11  }
0xba: {  	s0 =	sor.u32 s1, s0  }
0xbb: {  	s0 =	sadd.s32 $0x8F2B, s0  }
0xbc: {  	[sflag:s0] =	ssyncadd.remote.s32 $0x1  }
0xbd: {  	_ =	sfence.sel $0xFFFF  }
0xbe: {  	[dreg:$0x0] =	wrdreg $0xFFFFFFFF;
	(pc) =	sbr.abs _section_cstart, $3  }
0xbf: {  	[dreg:$0x1] =	wrdreg $0xFFFFFFFF  }
0xc0: {  	_ =	task.clear_ibuf [dreg:s6], $0x2FFFF;
	_ =	strace $0x9FFFFFFF  }
0xc1: {  	(tm) =	ssettm $0x7FFFFFFF  }
tec
execute0_lowered:
.L_overlay_start_1:
0x0: {  	(tag) =	ssettag $0x1  }
0x1: {  	s0 =	rddreg [dreg:$0x0];
	s1 =	simm.s32 $0x0  }
0x2: {  	s26 =	srdreg.scid;
	s4 =	stileid.u32;
	s9 =	simm.s32 $0x5  }
0x3: {  	s10 =	simm.s32 $0x78;
	s23 =	simm.s32 $0xF000;
	s24 =	simm.s32 $0x10E00  }
0x4: {  	s25 =	simm.s32 $0x1;
	s28 =	simm.s32 $0x3;
	s29 =	simm.s32 $0x4  }
0x5: {  	[smem:$0x7FF] =	sst s1;
	s3 =	sadd.s32 $0xC5800, s0;
	s1 =	sand.u32 $0x1, s26  }
0x6: {  	s2 =	sadd.s32 $0x2200, s0;
	s5 =	sadd.s32 $0x28200, s0;
	s30 =	ssub.s32 $0x2, s1  }
0x7: {  	s8 =	sshll.u32 s4, $0x8;
	s6 =	sadd.s32 $0x20200, s0;
	s7 =	sshrl.u32 s30, $0x1  }
0x8: {  	s26 =	simm.s32 $0x2;
	_ =	strace $0x80000047;
	s31 =	ssub.s32 s30, s7  }
0x9: {  	[dreg:$0x2] =	wrdreg s2;
	s1 =	sshll.u32 s1, $0x7;
	s0 =	smax.u32 s31, $0x1  }
0xa: {  	s7 =	sor.u32 s1, s8;
	s1 =	simm.s32 $0x0;
	[dreg:$0x3] =	wrdreg s0  }
.LBB2_1:
0xb: {  	[dreg:$0x4] =	wrdreg s1;
	s2 =	simm.s32 $0x0  }
.LBB2_2:
0xc: {  	s0 =	sshll.u32 s2, $0x5  }
0xd: {  	s8 =	sadd.s32 s7, s0  }
0xe: {  	s0 =	smul.u32 $0x1E, s8  }
0xf: {  	s1 =	rddreg [dreg:$0x2]  }
0x10: {  	s31 =	simm.s32 $0x0;
	s0 =	sadd.s32 s1, s0  }
0x11: {  	[tilespmem:s31], [sflag:$0x5] =	stream.linear.gather [hbm4b:s0+s31], $0x1E00, $0x38;
	[tilespmem:$0x13C00] =	vst v63  }
0x12: {  	_ =	swait.ge [sflag:s9], $0x1E00  }
0x13: {  	[sflag:s9] =	ssyncset.done $0x0  }
0x14: {  	s0 =	simm.s32 $0x0;
	[sflag:s9] =	ssyncadd.s32 $0xFFFFE200  }
0x15: {  	s1 =	simm.s32 $0x40;
	v0 =	vld [tilespmem:s0+$0x0]  }
.LBB2_3:
0x16: {  	p0 =	sne.s32 s1, $0x77C0  }
.Ltmp0:
0x17: {  	_ = 	snop;
	(pc) =	sbr.rel @p0 .LBB2_3-.Ltmp0, $3  }
0x18: {  	_ =	sdelay $0x1  }
0x19: {  	s11 =	sshra.s32 s1, $0x2;
	s1 =	sadd.s32 $0x40, s1;
	v1 =	vand.u32 $0x1FFFF, v0  }
0x1a: {  	v0 =	vld [tilespmem:s11+$0x0];
	[tilespmem:s0+$0x1E00] =	vst v1;
	s0 =	smov.u32 s11  }
0x1b: {  	_ =	sdelay $0x3  }
0x1c: {  	s14 =	simm.s32 $0x1E00;
	s1 =	simm.s32 $0x3C00;
	s15 =	simm.s32 $0x1E78;
	v0 =	vand.u32 $0x1FFFF, v0  }
0x1d: {  	s16 =	simm.s32 $0x5A00;
	s17 =	simm.s32 $0x1EF0;
	s18 =	simm.s32 $0x7800;
	[tilespmem:s0+$0x1E00] =	vst v0  }
0x1e: {  	[tilespmem:s1], [sflag:$0x1] =	stream.indirect.gather [hbm4b:s3+s10], $0x40, s14, s10, $0xb8;
	[tilespmem:$0x13C00] =	vst v63  }
0x1f: {  	s19 =	simm.s32 $0x1F68;
	s20 =	simm.s32 $0x9600;
	s21 =	simm.s32 $0x1FE0  }
0x20: {  	[tilespmem:s16], [sflag:$0x1] =	stream.indirect.gather [hbm4b:s3+s10], $0x40, s15, s10, $0xb8;
	[tilespmem:$0x13C00] =	vst v63  }
0x21: {  	s22 =	simm.s32 $0xB400;
	s30 =	simm.s32 $0x2058;
	s31 =	simm.s32 $0xD200  }
0x22: {  	[tilespmem:s18], [sflag:$0x2] =	stream.indirect.gather [hbm4b:s3+s10], $0x40, s17, s10, $0xb8;
	[tilespmem:$0x13C00] =	vst v63  }
0x23: {  	s11 =	simm.s32 $0xD0;
	s12 =	simm.s32 $0xF0;
	s13 =	simm.s32 $0x1C0  }
0x24: {  	[tilespmem:s20], [sflag:$0x2] =	stream.indirect.gather [hbm4b:s3+s10], $0x40, s19, s10, $0xb8;
	[tilespmem:$0x13C00] =	vst v63  }
0x25: {  	s0 =	simm.s32 $0x0;
	s14 =	simm.s32 $0x1E0;
	s15 =	simm.s32 $0x2B0  }
0x26: {  	[tilespmem:s22], [sflag:$0x3] =	stream.indirect.gather [hbm4b:s3+s10], $0x40, s21, s10, $0xb8;
	[tilespmem:$0x13C00] =	vst v63  }
0x27: {  	s16 =	simm.s32 $0x2D0;
	s17 =	simm.s32 $0x3A0;
	s18 =	simm.s32 $0x0  }
0x28: {  	[tilespmem:s31], [sflag:$0x3] =	stream.indirect.gather [hbm4b:s3+s10], $0x40, s30, s10, $0xb8;
	[tilespmem:$0x13C00] =	vst v63  }
.LBB2_5:
0x29: {  	s19 =	sshllo.u32 s18, $0x2  }
0x2a: {  	s1 =	smul.u32 $0x3C0, s19;
	_ =	sdelay $0x1  }
0x2b: {  	s1 =	sshra.s32 s1, $0x2  }
0x2c: {  	s20 =	sadd.s32 $0x1E00, s1  }
0x2d: {  	[tilespmem:s23], [sflag:$0x4] =	stream.indirect.gather [hbm4b:s3+s10], $0x40, s20, s10, $0xb8;
	[tilespmem:$0x13C00] =	vst v63  }
0x2e: {  	s1 =	sadd.s32 $0x1E78, s1  }
0x2f: {  	[tilespmem:s24], [sflag:$0x4] =	stream.indirect.gather [hbm4b:s3+s10], $0x40, s1, s10, $0xb8;
	[tilespmem:$0x13C00] =	vst v63  }
0x30: {  	_ =	swait.ge [sflag:s25], $0x1E00  }
0x31: {  	[sflag:s25] =	ssyncset.done $0x0  }
0x32: {  	[sflag:s25] =	ssyncadd.s32 $0xFFFFE200  }
0x33: {  	_ =	swait.ge [sflag:s25], $0x1E00  }
0x34: {  	[sflag:s25] =	ssyncset.done $0x0  }
0x35: {  	s22 =	simm.s32 $0x3E00;
	[sflag:s25] =	ssyncadd.s32 $0xFFFFE200  }
0x36: {  	v0 =	vld [tilespmem:s22+$0x1C0]  }
0x37: {  	v1 =	vld [tilespmem:s22+$0x1D0]  }
0x38: {  	v2 =	vld [tilespmem:s22+$0x1E0]  }
0x39: {  	v3 =	vld [tilespmem:s22+$0x1F0]  }
0x3a: {  	v5 =	vld [tilespmem:s22+$0x180]  }
0x3b: {  	v6 =	vld [tilespmem:s22+$0x190]  }
0x3c: {  	v7 =	vld [tilespmem:s22+$0x1A0]  }
0x3d: {  	v8 =	vld [tilespmem:s22+$0x1B0]  }
0x3e: {  	v9 =	vld [tilespmem:s22+$0x140]  }
0x3f: {  	v10 =	vld [tilespmem:s22+$0x150]  }
0x40: {  	v11 =	vld [tilespmem:s22+$0x160]  }
0x41: {  	v12 =	vld [tilespmem:s22+$0x170]  }
0x42: {  	v13 =	vld [tilespmem:s22+$0x100]  }
0x43: {  	v4 =	vmov s0;
	v14 =	vld [tilespmem:s22+$0x110]  }
0x44: {  	v15 =	vld [tilespmem:s22+$0x120]  }
0x45: {  	v16 =	vld [tilespmem:s22+$0x130]  }
0x46: {  	v18 =	vld [tilespmem:s22+$0xC0]  }
0x47: {  	s31 =	simm.s32 $0x0;
	v53 =	vld [tilespmem:s22+$0xD0]  }
0x48: {  	[tilespmem:$0x1FF80] =	vst v4;
	v4 =	vld.idx.msk [tilespmem:v4+s31+$0x0 ss:$0x1], $0xffff  }
0x49: {  	v20 =	vld [tilespmem:s22+$0xE0]  }
0x4a: {  	v21 =	vld [tilespmem:s22+$0xF0]  }
0x4b: {  	v22 =	vld [tilespmem:s22+$0x80]  }
0x4c: {  	v23 =	vld [tilespmem:s22+$0x90]  }
0x4d: {  	v25 =	vld [tilespmem:s22+$0xA0];
	v4 =	vshrl.u32 v4, $0x11  }
0x4e: {  	v26 =	vld [tilespmem:s22+$0xB0];
	v4 =	vcvt.s32.f32 v4  }
0x4f: {  	v55 =	vld [tilespmem:s22+$0x40]  }
0x50: {  	v29 =	vld [tilespmem:s22+$0x50];
	v4 =	vmul.f32 $3.051850940e-05, v4  }
0x51: {  	v30 =	vld [tilespmem:s22+$0x60]  }
0x52: {  	v47 =	vld [tilespmem:s22+$0x70];
	v24 =	vbroadcast v4, $0xE;
	v17 =	vbroadcast v4, $0xF  }
0x53: {  	v59 =	vld [tilespmem:s22+$0x0];
	v28 =	vbroadcast v4, $0xC;
	v31 =	vbroadcast v4, $0xD  }
0x54: {  	v60 =	vld [tilespmem:s22+$0x10];
	v42 =	vbroadcast v4, $0xA;
	v43 =	vbroadcast v4, $0xB  }
0x55: {  	v36 =	vld [tilespmem:s22+$0x20];
	v46 =	vbroadcast v4, $0x8;
	v45 =	vbroadcast v4, $0x9  }
0x56: {  	v37 =	vld [tilespmem:s22+$0x30];
	v48 =	vbroadcast v4, $0x6;
	v50 =	vbroadcast v4, $0x7  }
0x57: {  	v32 =	vld [tilespmem:s22+$0xFFFFFFC0];
	v51 =	vbroadcast v4, $0x4;
	v52 =	vbroadcast v4, $0x5;
	v40 =	vpack.i.f32.bf16 v17, v17  }
0x58: {  	v33 =	vld [tilespmem:s22+$0xFFFFFFD0];
	v17 =	vmul.bf16 v0, v40;
	v0 =	vmul.bf16 v1, v40  }
0x59: {  	v34 =	vld [tilespmem:s22+$0xFFFFFFE0];
	v56 =	vbroadcast v4, $0x2;
	v1 =	vmul.bf16 v2, v40  }
0x5a: {  	v35 =	vld [tilespmem:s22+$0xFFFFFFF0];
	v58 =	vbroadcast v4, $0x3;
	v61 =	vbroadcast v4, $0x0;
	[tilespmem:$0x1FF90] =	vst v0  }
0x5b: {  	v38 =	vld [tilespmem:s22+$0xFFFFFF80];
	v19 =	vbroadcast v4, $0x1;
	v0 =	vpack.i.f32.bf16 v24, v24;
	[tilespmem:$0x1FFA0] =	vst v1;
	v1 =	vmul.bf16 v3, v40  }
0x5c: {  	v39 =	vld [tilespmem:s22+$0xFFFFFF90];
	v27 =	vpack.i.f32.bf16 v45, v45;
	v62 =	vpack.i.f32.bf16 v46, v46;
	v2 =	vmul.bf16 v6, v0  }
0x5d: {  	v41 =	vld [tilespmem:s22+$0xFFFFFFB0];
	v46 =	vpack.i.f32.bf16 v61, v61;
	v55 =	vmul.bf16 v55, v27;
	v61 =	vmul.bf16 v59, v62;
	[tilespmem:$0x1FFB0] =	vst v1  }
0x5e: {  	v49 =	vld [tilespmem:s22+$0xFFFFFF40];
	v24 =	vmul.bf16 v5, v0;
	v1 =	vpack.i.f32.bf16 v31, v31;
	[tilespmem:$0x1FFC0] =	vst v2;
	v2 =	vmul.bf16 v7, v0  }
0x5f: {  	v44 =	vld [tilespmem:s22+$0xFFFFFF60];
	v0 =	vmul.bf16 v8, v0;
	v3 =	vmul.bf16 v10, v1  }
0x60: {  	v63 =	vld [tilespmem:s22+$0xFFFFFF00];
	v10 =	vmul.bf16 v12, v1;
	[tilespmem:$0x1FFD0] =	vst v2;
	v2 =	vpack.i.f32.bf16 v28, v28;
	v28 =	vmul.bf16 v9, v1  }
0x61: {  	v45 =	vld [tilespmem:s22+$0xFFFFFF70];
	v57 =	vpack.i.f32.bf16 v50, v50;
	v9 =	vmul.bf16 v11, v1;
	v31 =	vmul.bf16 v13, v2  }
0x62: {  	v50 =	vld [tilespmem:s22+$0xFFFFFF10];
	[tilespmem:$0x1FFE0] =	vst v0;
	v0 =	vpack.i.f32.bf16 v43, v43;
	v11 =	vmul.bf16 v14, v2;
	v12 =	vmul.bf16 v15, v2  }
0x63: {  	v59 =	vld [tilespmem:s22+$0xFFFFFF30];
	[tilespmem:$0x1FFF0] =	vst v3;
	v3 =	vpack.i.f32.bf16 v42, v42;
	v13 =	vmul.bf16 v16, v2;
	v42 =	vmul.bf16 v18, v0  }
0x64: {  	v40 =	vld [tilespmem:s22+$0xFFFFFFA0];
	v14 =	vmul.bf16 v53, v0;
	v15 =	vmul.bf16 v20, v0  }
0x65: {  	v54 =	vpack.i.f32.bf16 v48, v48;
	v2 =	vld [tilespmem:s22+$0xFFFFFE00];
	v16 =	vmul.bf16 v21, v0;
	v48 =	vmul.bf16 v22, v3  }
0x66: {  	v56 =	vpack.i.f32.bf16 v56, v56;
	v18 =	vld [tilespmem:s22+$0xFFFFFE40];
	v21 =	vmul.bf16 v23, v3;
	v22 =	vmul.bf16 v25, v3  }
0x67: {  	v43 =	vld [tilespmem:s22+$0xFFFFFF50];
	v53 =	vpack.i.f32.bf16 v52, v52;
	v23 =	vmul.bf16 v26, v3;
	v25 =	vmul.bf16 v29, v27  }
0x68: {  	v52 =	vpack.i.f32.bf16 v51, v51;
	v0 =	vld [tilespmem:s22+$0xFFFFFE80];
	v26 =	vmul.bf16 v30, v27;
	v27 =	vmul.bf16 v47, v27  }
0x69: {  	v1 =	vld [tilespmem:s22+$0xFFFFFEC0];
	v47 =	vpack.i.f32.bf16 v19, v19;
	v51 =	vpack.i.f32.bf16 v58, v58;
	v30 =	vmul.bf16 v60, v62  }
0x6a: {  	v58 =	vld [tilespmem:s22+$0xFFFFFF20];
	v29 =	vimm.bf16 $-Inf;
	v19 =	vimm.bf16 $-Inf;
	v20 =	vimm.bf16 $-Inf  }
0x6b: {  	s21 =	sshll.u32 s18, $0x2;
	s30 =	simm.s32 $0x40;
	s20 =	smul.u32 $0xF00, s18;
	v60 =	vld [tilespmem:s22+$0xFFFFFED0];
	v2 =	vmul.bf16 v2, v46;
	v3 =	vmul.bf16 v18, v47;
	v18 =	vimm.bf16 $-Inf  }
.LBB2_6:
0x6c: {  	_ = 	snop  }
0x6d: {  	v2 =	vmax.bf16 v29, v2;
	v29 =	vld [tilespmem:s22+$0xFFFFFEE0];
	v0 =	vmul.bf16 v0, v56  }
0x6e: {  	v2 =	vmax.bf16 v2, v3;
	v3 =	vld [tilespmem:s22+$0xFFFFFEF0];
	v36 =	vmul.bf16 v36, v62;
	v1 =	vmul.bf16 v1, v51  }
0x6f: {  	v37 =	vmul.bf16 v37, v62;
	v7 =	vmul.bf16 v63, v52;
	v63 =	vld [tilespmem:s22+$0xFFFFFEA0]  }
0x70: {  	v32 =	vmul.bf16 v32, v57;
	v33 =	vmul.bf16 v33, v57;
	v62 =	vld [tilespmem:s22+$0xFFFFFE50]  }
0x71: {  	v34 =	vmul.bf16 v34, v57;
	v35 =	vmul.bf16 v35, v57;
	v57 =	vld [tilespmem:s22+$0xFFFFFE10]  }
0x72: {  	v4 =	vmul.bf16 v43, v53;
	v43 =	vld [tilespmem:s22+$0xFFFFFE30];
	v0 =	vmax.bf16 v2, v0  }
0x73: {  	v5 =	vmul.bf16 v44, v53;
	v44 =	vld [tilespmem:s22+$0xFFFFFE70];
	v0 =	vmax.bf16 v0, v1;
	v1 =	vmul.bf16 v49, v53  }
0x74: {  	v38 =	vmul.bf16 v38, v54;
	v2 =	vld [tilespmem:s22+$0xFFFFFE90];
	v0 =	vmax.bf16 v0, v7  }
0x75: {  	v49 =	vld [tilespmem:s22+$0xFFFFFEB0];
	v0 =	vmax.bf16 v0, v1  }
0x76: {  	v1 =	vmul.bf16 v39, v54;
	v39 =	vld [tilespmem:s22+$0xFFFFFE60];
	v0 =	vmax.bf16 v0, v38  }
0x77: {  	v0 =	vmax.bf16 v0, v32;
	v32 =	vld [tilespmem:s22+$0xFFFFFE20];
	s22 =	sadd.s32 $0x400, s22  }
0x78: {  	v38 =	vmul.bf16 v40, v54;
	v40 =	vld [tilespmem:s22+$0x1C0]  }
0x79: {  	v54 =	vmul.bf16 v41, v54;
	v41 =	vld [tilespmem:s22+$0x1D0]  }
0x7a: {  	v53 =	vmul.bf16 v45, v53;
	v3 =	vmul.bf16 v3, v51;
	v45 =	vld [tilespmem:s22+$0x140]  }
0x7b: {  	v0 =	vmax.bf16 v0, v61;
	v61 =	vmul.bf16 v63, v56;
	v63 =	vmul.bf16 v49, v56;
	v49 =	vld [tilespmem:$0x1FFD0]  }
0x7c: {  	v7 =	vmul.bf16 v62, v47;
	v2 =	vmul.bf16 v2, v56;
	v56 =	vld [tilespmem:s22+$0x0]  }
0x7d: {  	v0 =	vmax.bf16 v0, v55;
	v55 =	vmul.bf16 v60, v51;
	v60 =	vmul.bf16 v29, v51;
	v51 =	vld [tilespmem:$0x1FFE0]  }
0x7e: {  	v44 =	vmul.bf16 v44, v47;
	v39 =	vmul.bf16 v39, v47;
	v47 =	vld [tilespmem:s22+$0x160]  }
0x7f: {  	v0 =	vmax.bf16 v0, v48;
	v48 =	vld [tilespmem:s22+$0x170]  }
0x80: {  	v0 =	vmax.bf16 v0, v42;
	v42 =	vld [tilespmem:s22+$0x190]  }
0x81: {  	v6 =	vmul.bf16 v57, v46;
	v0 =	vmax.bf16 v0, v31;
	v31 =	vld [tilespmem:s22+$0x1E0]  }
0x82: {  	v43 =	vmul.bf16 v43, v46;
	v32 =	vmul.bf16 v32, v46;
	v46 =	vld [tilespmem:s22+$0x150];
	v0 =	vmax.bf16 v0, v28  }
0x83: {  	v28 =	vld [tilespmem:s22+$0x1F0];
	v0 =	vmax.bf16 v0, v24  }
0x84: {  	v24 =	vld [tilespmem:s22+$0x180];
	v29 =	vmax.bf16 v0, v17  }
0x85: {  	v0 =	vmax.bf16 v18, v6;
	v17 =	vmax.bf16 v19, v32;
	v18 =	vmax.bf16 v20, v43;
	v43 =	vld [tilespmem:s22+$0x1A0]  }
0x86: {  	v50 =	vmul.bf16 v50, v52;
	v6 =	vld [tilespmem:$0x1FFF0];
	v0 =	vmax.bf16 v0, v7;
	v17 =	vmax.bf16 v17, v39  }
0x87: {  	v58 =	vmul.bf16 v58, v52;
	v32 =	vld [tilespmem:s22+$0xFFFFFFC0];
	v0 =	vmax.bf16 v0, v2;
	v2 =	vmax.bf16 v17, v61  }
0x88: {  	v18 =	vmax.bf16 v18, v44;
	v44 =	vld [tilespmem:s22+$0x1B0];
	v0 =	vmax.bf16 v0, v55;
	v2 =	vmax.bf16 v2, v60  }
0x89: {  	v39 =	vld [tilespmem:$0x1FFC0];
	v0 =	vmax.bf16 v0, v50;
	v2 =	vmax.bf16 v2, v58  }
0x8a: {  	v7 =	vld [tilespmem:s22+$0x10];
	v0 =	vmax.bf16 v0, v4;
	v2 =	vmax.bf16 v2, v5  }
0x8b: {  	v0 =	vmax.bf16 v0, v1;
	v1 =	vmax.bf16 v2, v38;
	v38 =	vld [tilespmem:$0x1FF80]  }
0x8c: {  	v52 =	vmul.bf16 v59, v52;
	v17 =	vmax.bf16 v18, v63;
	v63 =	vld [tilespmem:s22+$0xFFFFFF00]  }
0x8d: {  	v3 =	vmax.bf16 v17, v3;
	v50 =	vld [tilespmem:s22+$0x100]  }
0x8e: {  	v3 =	vmax.bf16 v3, v52;
	v52 =	vld [tilespmem:$0x1FF90]  }
0x8f: {  	v4 =	vld [tilespmem:s22+$0x120]  }
0x90: {  	v3 =	vmax.bf16 v3, v53;
	v5 =	vld [tilespmem:s22+$0x130]  }
0x91: {  	v2 =	vmax.bf16 v3, v54;
	v3 =	vld [tilespmem:s22+$0x110]  }
0x92: {  	s1 =	sshra.s32 s30, $0x2;
	v0 =	vmax.bf16 v0, v33;
	v33 =	vld [tilespmem:s22+$0xFFFFFFD0]  }
0x93: {  	v8 =	vld.idx.msk [tilespmem:v38+s1+$0x0 ss:$0x1], $0xffff  }
0x94: {  	v1 =	vmax.bf16 v1, v34;
	v34 =	vld [tilespmem:s22+$0xFFFFFFE0];
	v0 =	vmax.bf16 v0, v30  }
0x95: {  	v2 =	vmax.bf16 v2, v35;
	v35 =	vld [tilespmem:s22+$0xFFFFFFF0];
	v0 =	vmax.bf16 v0, v25  }
0x96: {  	v1 =	vmax.bf16 v1, v36;
	v30 =	vld [tilespmem:s22+$0x70];
	v0 =	vmax.bf16 v0, v21  }
0x97: {  	v2 =	vmax.bf16 v2, v37;
	v36 =	vld [tilespmem:s22+$0x20];
	v1 =	vmax.bf16 v1, v26;
	v0 =	vmax.bf16 v0, v14  }
0x98: {  	v37 =	vld [tilespmem:s22+$0x30];
	v2 =	vmax.bf16 v2, v27;
	v0 =	vmax.bf16 v0, v11;
	v53 =	vshrl.u32 v8, $0x11  }
0x99: {  	v25 =	vld [tilespmem:s22+$0x40];
	v1 =	vmax.bf16 v1, v22;
	v0 =	vmax.bf16 v0, v6;
	v6 =	vcvt.s32.f32 v53  }
0x9a: {  	v26 =	vld [tilespmem:s22+$0x50];
	v2 =	vmax.bf16 v2, v23;
	v1 =	vmax.bf16 v1, v15  }
0x9b: {  	v27 =	vld [tilespmem:s22+$0x60];
	v2 =	vmax.bf16 v2, v16;
	v1 =	vmax.bf16 v1, v12;
	v6 =	vmul.f32 $3.051850940e-05, v6  }
0x9c: {  	v21 =	vld [tilespmem:s22+$0xC0];
	v2 =	vmax.bf16 v2, v13;
	v1 =	vmax.bf16 v1, v9;
	v0 =	vmax.bf16 v0, v39  }
0x9d: {  	v18 =	vmax.bf16 v0, v52;
	v0 =	vld [tilespmem:$0x1FFA0];
	v8 =	vbroadcast v6, $0xE;
	v9 =	vbroadcast v6, $0xF  }
0x9e: {  	v23 =	vld [tilespmem:s22+$0xB0];
	v2 =	vmax.bf16 v2, v10;
	v10 =	vbroadcast v6, $0xC;
	v11 =	vbroadcast v6, $0xD  }
0x9f: {  	v14 =	vld [tilespmem:s22+$0xD0];
	v1 =	vmax.bf16 v1, v49;
	v12 =	vbroadcast v6, $0xA;
	v13 =	vbroadcast v6, $0xB  }
0xa0: {  	v15 =	vld [tilespmem:s22+$0xE0];
	v2 =	vmax.bf16 v2, v51;
	v22 =	vbroadcast v6, $0x8;
	v51 =	vbroadcast v6, $0x9  }
0xa1: {  	v16 =	vld [tilespmem:s22+$0xF0];
	v52 =	vbroadcast v6, $0x6;
	v53 =	vbroadcast v6, $0x7;
	v9 =	vpack.i.f32.bf16 v9, v9  }
0xa2: {  	v19 =	vmax.bf16 v1, v0;
	v0 =	vld [tilespmem:$0x1FFB0];
	v17 =	vmul.bf16 v40, v9;
	v54 =	vmul.bf16 v41, v9  }
0xa3: {  	v38 =	vld [tilespmem:s22+$0xFFFFFF80];
	v31 =	vmul.bf16 v31, v9;
	v9 =	vmul.bf16 v28, v9  }
0xa4: {  	v39 =	vld [tilespmem:s22+$0xFFFFFF90];
	v55 =	vbroadcast v6, $0x4;
	v58 =	vbroadcast v6, $0x5;
	v8 =	vpack.i.f32.bf16 v8, v8  }
0xa5: {  	v49 =	vld [tilespmem:s22+$0xFFFFFF40];
	v60 =	vbroadcast v6, $0x2;
	[tilespmem:$0x1FFB0] =	vst v9;
	v9 =	vmul.bf16 v42, v8  }
0xa6: {  	v1 =	vld [tilespmem:s22+$0x90];
	v59 =	vbroadcast v6, $0x3;
	v61 =	vbroadcast v6, $0x0  }
0xa7: {  	v6 =	vbroadcast v6, $0x1;
	v20 =	vmax.bf16 v2, v0;
	v0 =	vld [tilespmem:s22+$0x80];
	[tilespmem:$0x1FFC0] =	vst v9;
	v9 =	vmul.bf16 v43, v8  }
0xa8: {  	v2 =	vld [tilespmem:s22+$0xA0];
	v11 =	vpack.i.f32.bf16 v11, v11;
	v24 =	vmul.bf16 v24, v8;
	[tilespmem:$0x1FFA0] =	vst v31;
	v8 =	vmul.bf16 v44, v8  }
0xa9: {  	v57 =	vpack.i.f32.bf16 v10, v10;
	v40 =	vld [tilespmem:s22+$0xFFFFFFA0];
	v28 =	vmul.bf16 v45, v11;
	v10 =	vmul.bf16 v48, v11;
	[tilespmem:$0x1FFD0] =	vst v9  }
0xaa: {  	v41 =	vld [tilespmem:s22+$0xFFFFFFB0];
	v31 =	vmul.bf16 v50, v57;
	[tilespmem:$0x1FFE0] =	vst v8;
	v8 =	vpack.i.f32.bf16 v13, v13;
	v9 =	vmul.bf16 v46, v11  }
0xab: {  	v45 =	vld [tilespmem:s22+$0xFFFFFF70];
	v46 =	vpack.i.f32.bf16 v12, v12;
	v12 =	vmul.bf16 v4, v57;
	v13 =	vmul.bf16 v5, v57  }
0xac: {  	v50 =	vld [tilespmem:s22+$0xFFFFFF10];
	v42 =	vmul.bf16 v21, v8;
	v14 =	vmul.bf16 v14, v8  }
0xad: {  	v43 =	vld [tilespmem:s22+$0xFFFFFF50];
	v15 =	vmul.bf16 v15, v8;
	v16 =	vmul.bf16 v16, v8  }
0xae: {  	v62 =	vpack.i.f32.bf16 v22, v22;
	v44 =	vld [tilespmem:s22+$0xFFFFFF60];
	v48 =	vmul.bf16 v0, v46;
	v21 =	vmul.bf16 v1, v46  }
0xaf: {  	[tilespmem:$0x1FF90] =	vst v54;
	v54 =	vpack.i.f32.bf16 v52, v52;
	v4 =	vld [tilespmem:s22+$0xFFFFFE40];
	v22 =	vmul.bf16 v2, v46;
	v23 =	vmul.bf16 v23, v46  }
0xb0: {  	p0 =	sne.s32 s30, $0x300;
	v52 =	vpack.i.f32.bf16 v55, v55;
	[tilespmem:$0x1FFF0] =	vst v9;
	v9 =	vmul.bf16 v47, v11;
	v11 =	vmul.bf16 v3, v57;
	v3 =	vld [tilespmem:s22+$0xFFFFFE00]  }
.Ltmp1:
0xb1: {  	v0 =	vld [tilespmem:s22+$0xFFFFFE80];
	v46 =	vpack.i.f32.bf16 v61, v61;
	v61 =	vmul.bf16 v56, v62;
	v47 =	vpack.i.f32.bf16 v51, v51;
	(pc) =	sbr.rel @p0 .LBB2_6-.Ltmp1, $4  }
0xb2: {  	v1 =	vld [tilespmem:s22+$0xFFFFFEC0];
	v56 =	vpack.i.f32.bf16 v60, v60;
	v57 =	vpack.i.f32.bf16 v53, v53;
	v55 =	vmul.bf16 v25, v47  }
0xb3: {  	v60 =	vld [tilespmem:s22+$0xFFFFFED0];
	v53 =	vpack.i.f32.bf16 v58, v58;
	v25 =	vmul.bf16 v26, v47;
	v26 =	vmul.bf16 v27, v47  }
0xb4: {  	v58 =	vld [tilespmem:s22+$0xFFFFFF20];
	v27 =	vmul.bf16 v30, v47;
	v47 =	vpack.i.f32.bf16 v6, v6;
	v30 =	vmul.bf16 v7, v62  }
0xb5: {  	s30 =	sadd.s32 $0x40, s30;
	v51 =	vpack.i.f32.bf16 v59, v59;
	v59 =	vld [tilespmem:s22+$0xFFFFFF30];
	v2 =	vmul.bf16 v3, v46;
	v3 =	vmul.bf16 v4, v47  }
0xb6: {  	_ = 	snop  }
0xb7: {  	v0 =	vmul.bf16 v0, v56;
	v2 =	vmax.bf16 v29, v2  }
0xb8: {  	v8 =	vmul.bf16 v49, v53;
	v1 =	vmul.bf16 v1, v51;
	v2 =	vmax.bf16 v2, v3  }
0xb9: {  	v3 =	vmul.bf16 v63, v52;
	v0 =	vmax.bf16 v2, v0;
	v2 =	vmul.bf16 v32, v57  }
0xba: {  	v32 =	vmul.bf16 v33, v57;
	v33 =	vmul.bf16 v34, v57;
	v0 =	vmax.bf16 v0, v1  }
0xbb: {  	v29 =	vld [tilespmem:s22+$0xFFFFFE90];
	v0 =	vmax.bf16 v0, v3;
	v3 =	vmul.bf16 v35, v57;
	v57 =	vmul.bf16 v38, v54  }
0xbc: {  	v63 =	vld [tilespmem:s22+$0xFFFFFE60];
	v0 =	vmax.bf16 v0, v8  }
0xbd: {  	v4 =	vmul.bf16 v36, v62;
	v1 =	vld [tilespmem:s22+$0xFFFFFEA0];
	v0 =	vmax.bf16 v0, v57  }
0xbe: {  	v5 =	vmul.bf16 v37, v62;
	v36 =	vmul.bf16 v39, v54;
	v38 =	vld [tilespmem:s22+$0xFFFFFE10];
	v0 =	vmax.bf16 v0, v2  }
0xbf: {  	v37 =	vmul.bf16 v40, v54;
	v35 =	vmul.bf16 v41, v54;
	v41 =	vld [tilespmem:s22+$0xFFFFFE20];
	v0 =	vmax.bf16 v0, v61  }
0xc0: {  	v39 =	vmul.bf16 v43, v53;
	v40 =	vmul.bf16 v45, v53;
	v8 =	vld [tilespmem:s22+$0xFFFFFE50];
	v0 =	vmax.bf16 v0, v55  }
0xc1: {  	v43 =	vmul.bf16 v50, v52;
	v45 =	vmul.bf16 v58, v52;
	v0 =	vmax.bf16 v0, v48  }
0xc2: {  	v6 =	vld [tilespmem:s22+$0xFFFFFEE0];
	v49 =	vmul.bf16 v59, v52;
	v52 =	vmul.bf16 v60, v51;
	v0 =	vmax.bf16 v0, v42  }
0xc3: {  	v29 =	vmul.bf16 v29, v56;
	v59 =	vmul.bf16 v63, v47;
	v0 =	vmax.bf16 v0, v31  }
0xc4: {  	v31 =	vmul.bf16 v38, v46;
	v0 =	vmax.bf16 v0, v28;
	v28 =	vmul.bf16 v41, v46  }
0xc5: {  	v57 =	vmul.bf16 v1, v56;
	v8 =	vmul.bf16 v8, v47;
	v0 =	vmax.bf16 v0, v24  }
0xc6: {  	v1 =	vmax.bf16 v0, v17;
	v0 =	vmax.bf16 v18, v31;
	v61 =	vmax.bf16 v19, v28  }
0xc7: {  	v6 =	vmul.bf16 v6, v51;
	v0 =	vmax.bf16 v0, v8;
	v8 =	vmax.bf16 v61, v59  }
0xc8: {  	v0 =	vmax.bf16 v0, v29;
	v8 =	vmax.bf16 v8, v57  }
0xc9: {  	v2 =	vmul.bf16 v44, v53;
	v0 =	vmax.bf16 v0, v52;
	v6 =	vmax.bf16 v8, v6  }
0xca: {  	v0 =	vmax.bf16 v0, v43;
	v6 =	vmax.bf16 v6, v45  }
0xcb: {  	v0 =	vmax.bf16 v0, v39;
	v2 =	vmax.bf16 v6, v2  }
0xcc: {  	v62 =	vld [tilespmem:s22+$0xFFFFFE30];
	v0 =	vmax.bf16 v0, v36;
	v2 =	vmax.bf16 v2, v37  }
0xcd: {  	v55 =	vld [tilespmem:s22+$0xFFFFFE70];
	v0 =	vmax.bf16 v0, v32;
	v2 =	vmax.bf16 v2, v33  }
0xce: {  	v0 =	vmax.bf16 v0, v30;
	v2 =	vmax.bf16 v2, v4;
	v4 =	vld [tilespmem:$0x1FFF0]  }
0xcf: {  	v34 =	vld [tilespmem:s22+$0xFFFFFEB0];
	v0 =	vmax.bf16 v0, v25  }
0xd0: {  	v7 =	vld [tilespmem:s22+$0xFFFFFEF0];
	v0 =	vmax.bf16 v0, v21  }
0xd1: {  	v0 =	vmax.bf16 v0, v14  }
0xd2: {  	v58 =	vmul.bf16 v62, v46;
	v0 =	vmax.bf16 v0, v11  }
0xd3: {  	v60 =	vmul.bf16 v55, v47;
	v0 =	vmax.bf16 v0, v4;
	v4 =	vld [tilespmem:$0x1FFC0]  }
0xd4: {  	v62 =	vmax.bf16 v20, v58;
	v34 =	vmul.bf16 v34, v56  }
0xd5: {  	v7 =	vmul.bf16 v7, v51;
	v63 =	vmax.bf16 v62, v60  }
0xd6: {  	v17 =	vmax.bf16 v63, v34  }
0xd7: {  	v7 =	vmax.bf16 v17, v7  }
0xd8: {  	v7 =	vmax.bf16 v7, v49;
	v2 =	vmax.bf16 v2, v26;
	v0 =	vmax.bf16 v0, v4;
	v4 =	vld [tilespmem:$0x1FFD0]  }
0xd9: {  	v6 =	vmax.bf16 v7, v40;
	v2 =	vmax.bf16 v2, v22  }
0xda: {  	v6 =	vmax.bf16 v6, v35;
	v2 =	vmax.bf16 v2, v15  }
0xdb: {  	v3 =	vmax.bf16 v6, v3;
	v2 =	vmax.bf16 v2, v12  }
0xdc: {  	v3 =	vmax.bf16 v3, v5;
	v2 =	vmax.bf16 v2, v9  }
0xdd: {  	v3 =	vmax.bf16 v3, v27;
	v2 =	vmax.bf16 v2, v4;
	v4 =	vld [tilespmem:$0x1FFE0]  }
0xde: {  	v3 =	vmax.bf16 v3, v23  }
0xdf: {  	v3 =	vmax.bf16 v3, v16  }
0xe0: {  	v3 =	vmax.bf16 v3, v13  }
0xe1: {  	v3 =	vmax.bf16 v3, v10  }
0xe2: {  	v4 =	vmax.bf16 v3, v4;
	v3 =	vld [tilespmem:$0x1FF90];
	_ =	sdelay $0x4  }
0xe3: {  	v5 =	vmax.bf16 v0, v3;
	v0 =	vld [tilespmem:$0x1FFA0];
	_ =	sdelay $0x4  }
0xe4: {  	v3 =	vmax.bf16 v2, v0;
	v0 =	vld [tilespmem:$0x1FFB0];
	_ =	sdelay $0x3  }
0xe5: {  	v8 =	vimm.bf16 $-Inf;
	v7 =	vimm.bf16 $-Inf;
	v30 =	vimm.bf16 $-Inf  }
0xe6: {  	s1 =	simm.s32 $0x0;
	s22 =	simm.s32 $0x73F0;
	v2 =	vmax.bf16 v4, v0;
	v4 =	vmov s11;
	v0 =	vimm.bf16 $-Inf  }
.LBB2_8:
0xe7: {  	v9 =	vld [tilespmem:s22+$0xFFFFFC10]  }
0xe8: {  	v10 =	vld [tilespmem:s22+$0xFFFFFC20]  }
0xe9: {  	v11 =	vld [tilespmem:s22+$0xFFFFFC30]  }
0xea: {  	v12 =	vld [tilespmem:s22+$0xFFFFFC40]  }
0xeb: {  	v13 =	vld [tilespmem:s22+$0xFFFFFC50]  }
0xec: {  	s30 =	sshra.s32 s1, $0x2;
	v14 =	vld [tilespmem:s22+$0xFFFFFC60]  }
0xed: {  	v6 =	vld.idx.msk [tilespmem:v4+s30+$0x0 ss:$0x1], $0xffff  }
0xee: {  	v15 =	vld [tilespmem:s22+$0xFFFFFC70]  }
0xef: {  	v16 =	vld [tilespmem:s22+$0xFFFFFC80]  }
0xf0: {  	v17 =	vld [tilespmem:s22+$0xFFFFFC90]  }
0xf1: {  	v18 =	vld [tilespmem:s22+$0xFFFFFCA0]  }
0xf2: {  	v19 =	vld [tilespmem:s22+$0xFFFFFCB0];
	v6 =	vshrl.u32 v6, $0x11  }
0xf3: {  	v20 =	vld [tilespmem:s22+$0xFFFFFCC0];
	v6 =	vcvt.s32.f32 v6  }
0xf4: {  	v21 =	vld [tilespmem:s22+$0xFFFFFCD0]  }
0xf5: {  	v22 =	vld [tilespmem:s22+$0xFFFFFCE0];
	v6 =	vmul.f32 $3.051850940e-05, v6  }
0xf6: {  	v24 =	vld [tilespmem:s22+$0xFFFFFCF0]  }
0xf7: {  	v25 =	vld [tilespmem:s22+$0xFFFFFD00];
	v23 =	vbroadcast v6, $0x0  }
0xf8: {  	v26 =	vld [tilespmem:s22+$0xFFFFFD10]  }
0xf9: {  	v27 =	vld [tilespmem:s22+$0xFFFFFD20];
	v28 =	vbroadcast v6, $0x1;
	v56 =	vbroadcast v6, $0x2;
	v23 =	vpack.i.f32.bf16 v23, v23  }
0xfa: {  	v29 =	vld [tilespmem:s22+$0xFFFFFD30];
	v61 =	vbroadcast v6, $0x3;
	v9 =	vmul.bf16 v9, v23  }
0xfb: {  	v55 =	vld [tilespmem:s22+$0xFFFFFD50];
	v33 =	vbroadcast v6, $0x4;
	v42 =	vbroadcast v6, $0x5  }
0xfc: {  	v58 =	vld [tilespmem:s22+$0xFFFFFD80];
	v48 =	vbroadcast v6, $0x6;
	v8 =	vmax.bf16 v8, v9;
	v9 =	vmul.bf16 v11, v23  }
0xfd: {  	v60 =	vld [tilespmem:s22+$0xFFFFFD90];
	v54 =	vpack.i.f32.bf16 v28, v28;
	v57 =	vpack.i.f32.bf16 v56, v56;
	v10 =	vmul.bf16 v10, v23  }
0xfe: {  	v62 =	vld [tilespmem:s22+$0xFFFFFDA0];
	v46 =	vpack.i.f32.bf16 v42, v42;
	v0 =	vmax.bf16 v0, v9;
	v9 =	vmul.bf16 v13, v54  }
0xff: {  	v32 =	vld [tilespmem:s22+$0xFFFFFDB0];
	v14 =	vmul.bf16 v14, v54;
	v7 =	vmax.bf16 v7, v10;
	v10 =	vmul.bf16 v12, v23  }
0x100: {  	v34 =	vld [tilespmem:s22+$0xFFFFFDC0];
	v15 =	vmul.bf16 v15, v54;
	v8 =	vmax.bf16 v8, v9;
	v9 =	vmul.bf16 v16, v54  }
0x101: {  	v36 =	vld [tilespmem:s22+$0xFFFFFDD0];
	v59 =	vmul.bf16 v17, v57;
	v63 =	vmul.bf16 v19, v57;
	v10 =	vmax.bf16 v30, v10  }
0x102: {  	v39 =	vld [tilespmem:s22+$0xFFFFFDE0];
	v23 =	vpack.i.f32.bf16 v48, v48;
	v9 =	vmax.bf16 v10, v9;
	v10 =	vmul.bf16 v18, v57  }
0x103: {  	v41 =	vld [tilespmem:s22+$0xFFFFFDF0];
	v12 =	vmul.bf16 v20, v57;
	v7 =	vmax.bf16 v7, v14;
	v52 =	vmul.bf16 v60, v23  }
0x104: {  	v11 =	vld [tilespmem:s22+$0xFFFFFD40];
	v0 =	vmax.bf16 v0, v15;
	v7 =	vmax.bf16 v7, v10;
	v10 =	vpack.i.f32.bf16 v61, v61  }
0x105: {  	v43 =	vld [tilespmem:s22+$0xFFFFFE00];
	v0 =	vmax.bf16 v0, v63;
	v35 =	vmul.bf16 v21, v10;
	v37 =	vmul.bf16 v22, v10  }
0x106: {  	v28 =	vld [tilespmem:s22+$0xFFFFFD60];
	v16 =	vpack.i.f32.bf16 v33, v33;
	v38 =	vmul.bf16 v24, v10;
	v10 =	vmul.bf16 v25, v10  }
0x107: {  	v30 =	vld [tilespmem:s22+$0xFFFFFD70];
	v54 =	vbroadcast v6, $0x7;
	v8 =	vmax.bf16 v8, v59;
	v9 =	vmax.bf16 v9, v12  }
0x108: {  	v44 =	vld [tilespmem:s22+$0xFFFFFE10];
	v40 =	vmul.bf16 v26, v16;
	v9 =	vmax.bf16 v9, v10;
	v10 =	vmul.bf16 v27, v16  }
0x109: {  	v47 =	vld [tilespmem:s22+$0xFFFFFE20];
	v45 =	vmul.bf16 v29, v16;
	v11 =	vmul.bf16 v11, v16;
	v7 =	vmax.bf16 v7, v37  }
0x10a: {  	v49 =	vld [tilespmem:s22+$0xFFFFFE30];
	v8 =	vmax.bf16 v8, v35;
	v7 =	vmax.bf16 v7, v10;
	v10 =	vmul.bf16 v55, v46  }
0x10b: {  	v50 =	vld [tilespmem:s22+$0xFFFFFE40];
	v8 =	vmax.bf16 v8, v40;
	v9 =	vmax.bf16 v9, v11;
	v11 =	vmul.bf16 v28, v46  }
0x10c: {  	v51 =	vld [tilespmem:s22+$0xFFFFFE50];
	v0 =	vmax.bf16 v0, v38;
	v8 =	vmax.bf16 v8, v10;
	v10 =	vmul.bf16 v30, v46  }
0x10d: {  	v53 =	vld [tilespmem:s22+$0xFFFFFE60];
	v0 =	vmax.bf16 v0, v45;
	v7 =	vmax.bf16 v7, v11;
	v11 =	vmul.bf16 v58, v46  }
0x10e: {  	v56 =	vld [tilespmem:s22+$0xFFFFFE80];
	v16 =	vpack.i.f32.bf16 v54, v54;
	v0 =	vmax.bf16 v0, v10;
	v10 =	vmul.bf16 v62, v23  }
0x10f: {  	v48 =	vld [tilespmem:s22+$0xFFFFFF90];
	v35 =	vbroadcast v6, $0xA;
	v9 =	vmax.bf16 v9, v11;
	v11 =	vmul.bf16 v32, v23  }
0x110: {  	v63 =	vld [tilespmem:s22+$0xFFFFFED0];
	v60 =	vmul.bf16 v41, v16;
	v7 =	vmax.bf16 v7, v10;
	v10 =	vmul.bf16 v34, v23  }
0x111: {  	v33 =	vld [tilespmem:s22+$0xFFFFFEE0];
	v58 =	vbroadcast v6, $0x8;
	v0 =	vmax.bf16 v0, v11;
	v11 =	vmul.bf16 v36, v16  }
0x112: {  	v59 =	vld [tilespmem:s22+$0xFFFFFEA0];
	v8 =	vmax.bf16 v8, v52;
	v9 =	vmax.bf16 v9, v10;
	v10 =	vmul.bf16 v39, v16  }
0x113: {  	v61 =	vld [tilespmem:s22+$0xFFFFFEB0];
	v14 =	vpack.i.f32.bf16 v58, v58;
	v8 =	vmax.bf16 v8, v11;
	v11 =	vmul.bf16 v43, v16  }
0x114: {  	v40 =	vbroadcast v6, $0xB;
	v62 =	vld [tilespmem:s22+$0xFFFFFEC0];
	v7 =	vmax.bf16 v7, v10;
	v10 =	vmul.bf16 v44, v14  }
0x115: {  	v57 =	vld [tilespmem:s22+$0xFFFFFE90];
	v32 =	vbroadcast v6, $0x9;
	v9 =	vmax.bf16 v9, v11;
	v11 =	vmul.bf16 v47, v14  }
0x116: {  	v55 =	vld [tilespmem:s22+$0xFFFFFE70];
	v20 =	vpack.i.f32.bf16 v35, v35;
	v8 =	vmax.bf16 v8, v10;
	v10 =	vmul.bf16 v49, v14  }
0x117: {  	v37 =	vld [tilespmem:s22+$0xFFFFFF10];
	v0 =	vmax.bf16 v0, v60;
	v7 =	vmax.bf16 v7, v11;
	v11 =	vpack.i.f32.bf16 v32, v32  }
0x118: {  	v38 =	vld [tilespmem:s22+$0xFFFFFF20];
	v42 =	vmul.bf16 v61, v20;
	v0 =	vmax.bf16 v0, v10;
	v10 =	vmul.bf16 v51, v11  }
0x119: {  	v54 =	vld [tilespmem:s22+$0xFFFFFFD0];
	v16 =	vmul.bf16 v62, v20;
	v14 =	vmul.bf16 v50, v14  }
0x11a: {  	v39 =	vld [tilespmem:s22+$0xFFFFFF30];
	v44 =	vbroadcast v6, $0xC;
	v8 =	vmax.bf16 v8, v10;
	v10 =	vmul.bf16 v56, v11  }
0x11b: {  	v34 =	vld [tilespmem:s22+$0xFFFFFEF0];
	v15 =	vmul.bf16 v53, v11;
	v17 =	vmul.bf16 v55, v11;
	v9 =	vmax.bf16 v9, v14  }
0x11c: {  	v41 =	vld [tilespmem:s22+$0xFFFFFF40];
	v12 =	vpack.i.f32.bf16 v44, v44;
	v9 =	vmax.bf16 v9, v10;
	v10 =	vmul.bf16 v59, v20  }
0x11d: {  	v43 =	vld [tilespmem:s22+$0xFFFFFF60];
	v7 =	vmax.bf16 v7, v15;
	v15 =	vpack.i.f32.bf16 v40, v40;
	v11 =	vmul.bf16 v57, v20  }
0x11e: {  	v36 =	vld [tilespmem:s22+$0xFFFFFF00];
	v50 =	vbroadcast v6, $0xD;
	v7 =	vmax.bf16 v7, v10;
	v10 =	vmul.bf16 v63, v15  }
0x11f: {  	v45 =	vld [tilespmem:s22+$0xFFFFFF70];
	v13 =	vmul.bf16 v39, v12;
	v14 =	vmul.bf16 v37, v12;
	v8 =	vmax.bf16 v8, v11  }
0x120: {  	v0 =	vmax.bf16 v0, v17;
	v11 =	vld [tilespmem:s22+$0xFFFFFF50];
	v8 =	vmax.bf16 v8, v10;
	v10 =	vmul.bf16 v34, v15  }
0x121: {  	v52 =	vld [tilespmem:s22+$0xFFFFFFC0];
	v53 =	vpack.i.f32.bf16 v50, v50;
	v46 =	vmul.bf16 v33, v15;
	v0 =	vmax.bf16 v0, v42  }
0x122: {  	v47 =	vld [tilespmem:s22+$0xFFFFFF80];
	v55 =	vmul.bf16 v43, v53;
	v0 =	vmax.bf16 v0, v10;
	v10 =	vmul.bf16 v38, v12  }
0x123: {  	v58 =	vld [tilespmem:s22+$0xFFFFFFF0];
	v57 =	vbroadcast v6, $0xE;
	v7 =	vmax.bf16 v7, v46;
	v15 =	vmul.bf16 v36, v15  }
0x124: {  	v49 =	vld [tilespmem:s22+$0xFFFFFFA0];
	v9 =	vmax.bf16 v9, v16;
	v7 =	vmax.bf16 v7, v10;
	v10 =	vmul.bf16 v41, v12  }
0x125: {  	v56 =	vld [tilespmem:s22+$0xFFFFFFE0];
	v6 =	vbroadcast v6, $0xF;
	v11 =	vmul.bf16 v11, v53;
	v9 =	vmax.bf16 v9, v15  }
0x126: {  	v51 =	vld [tilespmem:s22+$0xFFFFFFB0];
	v8 =	vmax.bf16 v8, v14;
	v9 =	vmax.bf16 v9, v10;
	v10 =	vmul.bf16 v45, v53  }
0x127: {  	v59 =	vld [tilespmem:s22+$0x0];
	v0 =	vmax.bf16 v0, v13;
	v8 =	vmax.bf16 v8, v11;
	v11 =	vmul.bf16 v47, v53  }
0x128: {  	v6 =	vpack.i.f32.bf16 v6, v6;
	v0 =	vmax.bf16 v0, v10;
	v10 =	vpack.i.f32.bf16 v57, v57  }
0x129: {  	p0 =	sne.s32 s1, $0x40;
	v63 =	vmul.bf16 v58, v6;
	v9 =	vmax.bf16 v9, v11;
	v11 =	vmul.bf16 v48, v10  }
.Ltmp2:
0x12a: {  	v62 =	vmul.bf16 v56, v6;
	v7 =	vmax.bf16 v7, v55;
	v60 =	vmul.bf16 v49, v10;
	(pc) =	sbr.rel @p0 .LBB2_8-.Ltmp2, $4  }
0x12b: {  	v61 =	vmul.bf16 v51, v10;
	v10 =	vmul.bf16 v52, v10;
	v8 =	vmax.bf16 v8, v11  }
0x12c: {  	v11 =	vmul.bf16 v54, v6;
	v7 =	vmax.bf16 v7, v60;
	v6 =	vmul.bf16 v59, v6  }
0x12d: {  	v0 =	vmax.bf16 v0, v61;
	v9 =	vmax.bf16 v9, v10;
	v7 =	vmax.bf16 v7, v62  }
0x12e: {  	s1 =	sadd.s32 $0x40, s1;
	s22 =	sadd.s32 $0x400, s22;
	v0 =	vmax.bf16 v0, v63;
	v8 =	vmax.bf16 v8, v11;
	v30 =	vmax.bf16 v9, v6  }
0x12f: {  	s1 =	sshll.u32 s18, $0x8  }
0x130: {  	s1 =	sand.u32 $0x7FFFFF00, s1  }
0x131: {  	[tilespmem:s1+$0x13400] =	vst v1  }
0x132: {  	[tilespmem:s1+$0x12C00] =	vst v8  }
0x133: {  	[tilespmem:s1+$0x13410] =	vst v5  }
0x134: {  	[tilespmem:s1+$0x12C10] =	vst v7  }
0x135: {  	[tilespmem:s1+$0x13420] =	vst v3  }
0x136: {  	p0 =	seq.s32 s18, $0x7;
	[tilespmem:s1+$0x12C20] =	vst v0  }
0x137: {  	s20 =	sshra.s32 @!p0 s20, $0x2;
	[tilespmem:s1+$0x13430] =	vst v2  }
0x138: {  	s22 =	simm.s32 @!p0 $0x78;
	s30 =	simm.s32 @!p0 $0x3C00;
	[tilespmem:s1+$0x12C30] =	vst v30;
	s1 =	sadd.s32 @!p0 $0x21C0, s20  }
0x139: {  	[tilespmem:s30], [sflag:$0x1] =	stream.indirect.gather @!p0 [hbm4b:s3+s22], $0x40, s1, s22, $0xb8;
	[tilespmem:$0x13C00] =	vst v63  }
0x13a: {  	s1 =	sadd.s32 @!p0 $0x2238, s20;
	s30 =	simm.s32 @!p0 $0x5A00  }
0x13b: {  	[tilespmem:s30], [sflag:$0x1] =	stream.indirect.gather @!p0 [hbm4b:s3+s22], $0x40, s1, s22, $0xb8;
	[tilespmem:$0x13C00] =	vst v63  }
0x13c: {  	_ =	swait.ge [sflag:s26], $0x1E00  }
0x13d: {  	[sflag:s26] =	ssyncset.done $0x0  }
0x13e: {  	[sflag:s26] =	ssyncadd.s32 $0xFFFFE200  }
0x13f: {  	_ =	swait.ge [sflag:s26], $0x1E00  }
0x140: {  	[sflag:s26] =	ssyncset.done $0x0  }
0x141: {  	s31 =	simm.s32 $0x7A00;
	[sflag:s26] =	ssyncadd.s32 $0xFFFFE200  }
0x142: {  	v0 =	vld [tilespmem:s31+$0x1C0]  }
0x143: {  	v1 =	vld [tilespmem:s31+$0x1D0]  }
0x144: {  	v2 =	vld [tilespmem:s31+$0x1E0]  }
0x145: {  	v3 =	vld [tilespmem:s31+$0x1F0]  }
0x146: {  	v5 =	vld [tilespmem:s31+$0x180]  }
0x147: {  	v6 =	vld [tilespmem:s31+$0x190]  }
0x148: {  	v7 =	vld [tilespmem:s31+$0x1A0]  }
0x149: {  	v8 =	vld [tilespmem:s31+$0x1B0]  }
0x14a: {  	v9 =	vld [tilespmem:s31+$0x140]  }
0x14b: {  	v10 =	vld [tilespmem:s31+$0x150]  }
0x14c: {  	v11 =	vld [tilespmem:s31+$0x160]  }
0x14d: {  	v12 =	vld [tilespmem:s31+$0x170]  }
0x14e: {  	v13 =	vld [tilespmem:s31+$0x100]  }
0x14f: {  	v4 =	vmov s12;
	v14 =	vld [tilespmem:s31+$0x110]  }
0x150: {  	v15 =	vld [tilespmem:s31+$0x120]  }
0x151: {  	v16 =	vld [tilespmem:s31+$0x130]  }
0x152: {  	v18 =	vld [tilespmem:s31+$0xC0]  }
0x153: {  	s22 =	simm.s32 $0x0;
	v53 =	vld [tilespmem:s31+$0xD0]  }
0x154: {  	[tilespmem:$0x1FF00] =	vst v4;
	v4 =	vld.idx.msk [tilespmem:v4+s22+$0x0 ss:$0x1], $0xffff  }
0x155: {  	v20 =	vld [tilespmem:s31+$0xE0]  }
0x156: {  	v21 =	vld [tilespmem:s31+$0xF0]  }
0x157: {  	v22 =	vld [tilespmem:s31+$0x80]  }
0x158: {  	v23 =	vld [tilespmem:s31+$0x90]  }
0x159: {  	v25 =	vld [tilespmem:s31+$0xA0];
	v4 =	vshrl.u32 v4, $0x11  }
0x15a: {  	v26 =	vld [tilespmem:s31+$0xB0];
	v4 =	vcvt.s32.f32 v4  }
0x15b: {  	v55 =	vld [tilespmem:s31+$0x40]  }
0x15c: {  	v29 =	vld [tilespmem:s31+$0x50];
	v4 =	vmul.f32 $3.051850940e-05, v4  }
0x15d: {  	v30 =	vld [tilespmem:s31+$0x60]  }
0x15e: {  	v47 =	vld [tilespmem:s31+$0x70];
	v24 =	vbroadcast v4, $0xE;
	v17 =	vbroadcast v4, $0xF  }
0x15f: {  	v59 =	vld [tilespmem:s31+$0x0];
	v28 =	vbroadcast v4, $0xC;
	v31 =	vbroadcast v4, $0xD  }
0x160: {  	v60 =	vld [tilespmem:s31+$0x10];
	v42 =	vbroadcast v4, $0xA;
	v43 =	vbroadcast v4, $0xB  }
0x161: {  	v36 =	vld [tilespmem:s31+$0x20];
	v46 =	vbroadcast v4, $0x8;
	v45 =	vbroadcast v4, $0x9  }
0x162: {  	v37 =	vld [tilespmem:s31+$0x30];
	v48 =	vbroadcast v4, $0x6;
	v50 =	vbroadcast v4, $0x7  }
0x163: {  	v32 =	vld [tilespmem:s31+$0xFFFFFFC0];
	v51 =	vbroadcast v4, $0x4;
	v52 =	vbroadcast v4, $0x5;
	v40 =	vpack.i.f32.bf16 v17, v17  }
0x164: {  	v33 =	vld [tilespmem:s31+$0xFFFFFFD0];
	v17 =	vmul.bf16 v0, v40;
	v0 =	vmul.bf16 v1, v40  }
0x165: {  	v34 =	vld [tilespmem:s31+$0xFFFFFFE0];
	v56 =	vbroadcast v4, $0x2;
	v1 =	vmul.bf16 v2, v40  }
0x166: {  	v35 =	vld [tilespmem:s31+$0xFFFFFFF0];
	v58 =	vbroadcast v4, $0x3;
	v61 =	vbroadcast v4, $0x0;
	[tilespmem:$0x1FF10] =	vst v0  }
0x167: {  	v38 =	vld [tilespmem:s31+$0xFFFFFF80];
	v19 =	vbroadcast v4, $0x1;
	v0 =	vpack.i.f32.bf16 v24, v24;
	[tilespmem:$0x1FF20] =	vst v1;
	v1 =	vmul.bf16 v3, v40  }
0x168: {  	v39 =	vld [tilespmem:s31+$0xFFFFFF90];
	v27 =	vpack.i.f32.bf16 v45, v45;
	v62 =	vpack.i.f32.bf16 v46, v46;
	v2 =	vmul.bf16 v6, v0  }
0x169: {  	v41 =	vld [tilespmem:s31+$0xFFFFFFB0];
	v46 =	vpack.i.f32.bf16 v61, v61;
	v55 =	vmul.bf16 v55, v27;
	v61 =	vmul.bf16 v59, v62;
	[tilespmem:$0x1FF30] =	vst v1  }
0x16a: {  	v49 =	vld [tilespmem:s31+$0xFFFFFF40];
	v24 =	vmul.bf16 v5, v0;
	v1 =	vpack.i.f32.bf16 v31, v31;
	[tilespmem:$0x1FF40] =	vst v2;
	v2 =	vmul.bf16 v7, v0  }
0x16b: {  	v44 =	vld [tilespmem:s31+$0xFFFFFF60];
	v0 =	vmul.bf16 v8, v0;
	v3 =	vmul.bf16 v10, v1  }
0x16c: {  	v63 =	vld [tilespmem:s31+$0xFFFFFF00];
	v10 =	vmul.bf16 v12, v1;
	[tilespmem:$0x1FF50] =	vst v2;
	v2 =	vpack.i.f32.bf16 v28, v28;
	v28 =	vmul.bf16 v9, v1  }
0x16d: {  	v45 =	vld [tilespmem:s31+$0xFFFFFF70];
	v57 =	vpack.i.f32.bf16 v50, v50;
	v9 =	vmul.bf16 v11, v1;
	v31 =	vmul.bf16 v13, v2  }
0x16e: {  	v50 =	vld [tilespmem:s31+$0xFFFFFF10];
	[tilespmem:$0x1FF60] =	vst v0;
	v0 =	vpack.i.f32.bf16 v43, v43;
	v11 =	vmul.bf16 v14, v2;
	v12 =	vmul.bf16 v15, v2  }
0x16f: {  	v59 =	vld [tilespmem:s31+$0xFFFFFF30];
	[tilespmem:$0x1FF70] =	vst v3;
	v3 =	vpack.i.f32.bf16 v42, v42;
	v13 =	vmul.bf16 v16, v2;
	v42 =	vmul.bf16 v18, v0  }
0x170: {  	v40 =	vld [tilespmem:s31+$0xFFFFFFA0];
	v14 =	vmul.bf16 v53, v0;
	v15 =	vmul.bf16 v20, v0  }
0x171: {  	v54 =	vpack.i.f32.bf16 v48, v48;
	v2 =	vld [tilespmem:s31+$0xFFFFFE00];
	v16 =	vmul.bf16 v21, v0;
	v48 =	vmul.bf16 v22, v3  }
0x172: {  	v56 =	vpack.i.f32.bf16 v56, v56;
	v18 =	vld [tilespmem:s31+$0xFFFFFE40];
	v21 =	vmul.bf16 v23, v3;
	v22 =	vmul.bf16 v25, v3  }
0x173: {  	v43 =	vld [tilespmem:s31+$0xFFFFFF50];
	v53 =	vpack.i.f32.bf16 v52, v52;
	v23 =	vmul.bf16 v26, v3;
	v25 =	vmul.bf16 v29, v27  }
0x174: {  	v52 =	vpack.i.f32.bf16 v51, v51;
	v0 =	vld [tilespmem:s31+$0xFFFFFE80];
	v26 =	vmul.bf16 v30, v27;
	v27 =	vmul.bf16 v47, v27  }
0x175: {  	v1 =	vld [tilespmem:s31+$0xFFFFFEC0];
	v47 =	vpack.i.f32.bf16 v19, v19;
	v51 =	vpack.i.f32.bf16 v58, v58;
	v30 =	vmul.bf16 v60, v62  }
0x176: {  	v58 =	vld [tilespmem:s31+$0xFFFFFF20];
	v29 =	vimm.bf16 $-Inf;
	v19 =	vimm.bf16 $-Inf;
	v20 =	vimm.bf16 $-Inf  }
0x177: {  	s30 =	simm.s32 $0x0;
	s1 =	simm.s32 $0x40;
	s22 =	sor.u32 $0x1, s21;
	v60 =	vld [tilespmem:s31+$0xFFFFFED0];
	v2 =	vmul.bf16 v2, v46;
	v3 =	vmul.bf16 v18, v47;
	v18 =	vimm.bf16 $-Inf  }
.LBB2_10:
0x178: {  	_ = 	snop  }
0x179: {  	v2 =	vmax.bf16 v29, v2;
	v29 =	vld [tilespmem:s31+$0xFFFFFEE0];
	v0 =	vmul.bf16 v0, v56  }
0x17a: {  	v2 =	vmax.bf16 v2, v3;
	v3 =	vld [tilespmem:s31+$0xFFFFFEF0];
	v36 =	vmul.bf16 v36, v62;
	v1 =	vmul.bf16 v1, v51  }
0x17b: {  	v37 =	vmul.bf16 v37, v62;
	v7 =	vmul.bf16 v63, v52;
	v63 =	vld [tilespmem:s31+$0xFFFFFEA0]  }
0x17c: {  	v32 =	vmul.bf16 v32, v57;
	v33 =	vmul.bf16 v33, v57;
	v62 =	vld [tilespmem:s31+$0xFFFFFE50]  }
0x17d: {  	v34 =	vmul.bf16 v34, v57;
	v35 =	vmul.bf16 v35, v57;
	v57 =	vld [tilespmem:s31+$0xFFFFFE10]  }
0x17e: {  	v4 =	vmul.bf16 v43, v53;
	v43 =	vld [tilespmem:s31+$0xFFFFFE30];
	v0 =	vmax.bf16 v2, v0  }
0x17f: {  	v5 =	vmul.bf16 v44, v53;
	v44 =	vld [tilespmem:s31+$0xFFFFFE70];
	v0 =	vmax.bf16 v0, v1;
	v1 =	vmul.bf16 v49, v53  }
0x180: {  	v38 =	vmul.bf16 v38, v54;
	v2 =	vld [tilespmem:s31+$0xFFFFFE90];
	v0 =	vmax.bf16 v0, v7  }
0x181: {  	v49 =	vld [tilespmem:s31+$0xFFFFFEB0];
	v0 =	vmax.bf16 v0, v1  }
0x182: {  	v1 =	vmul.bf16 v39, v54;
	v39 =	vld [tilespmem:s31+$0xFFFFFE60];
	v0 =	vmax.bf16 v0, v38  }
0x183: {  	v0 =	vmax.bf16 v0, v32;
	v32 =	vld [tilespmem:s31+$0xFFFFFE20];
	s31 =	sadd.s32 $0x400, s31  }
0x184: {  	v38 =	vmul.bf16 v40, v54;
	v40 =	vld [tilespmem:s31+$0x1C0]  }
0x185: {  	v54 =	vmul.bf16 v41, v54;
	v41 =	vld [tilespmem:s31+$0x1D0]  }
0x186: {  	v53 =	vmul.bf16 v45, v53;
	v3 =	vmul.bf16 v3, v51;
	v45 =	vld [tilespmem:s31+$0x140]  }
0x187: {  	v0 =	vmax.bf16 v0, v61;
	v61 =	vmul.bf16 v63, v56;
	v63 =	vmul.bf16 v49, v56;
	v49 =	vld [tilespmem:$0x1FF50]  }
0x188: {  	v7 =	vmul.bf16 v62, v47;
	v2 =	vmul.bf16 v2, v56;
	v56 =	vld [tilespmem:s31+$0x0]  }
0x189: {  	v0 =	vmax.bf16 v0, v55;
	v55 =	vmul.bf16 v60, v51;
	v60 =	vmul.bf16 v29, v51;
	v51 =	vld [tilespmem:$0x1FF60]  }
0x18a: {  	v44 =	vmul.bf16 v44, v47;
	v39 =	vmul.bf16 v39, v47;
	v47 =	vld [tilespmem:s31+$0x160]  }
0x18b: {  	v0 =	vmax.bf16 v0, v48;
	v48 =	vld [tilespmem:s31+$0x170]  }
0x18c: {  	v0 =	vmax.bf16 v0, v42;
	v42 =	vld [tilespmem:s31+$0x190]  }
0x18d: {  	v6 =	vmul.bf16 v57, v46;
	v0 =	vmax.bf16 v0, v31;
	v31 =	vld [tilespmem:s31+$0x1E0]  }
0x18e: {  	v43 =	vmul.bf16 v43, v46;
	v32 =	vmul.bf16 v32, v46;
	v46 =	vld [tilespmem:s31+$0x150];
	v0 =	vmax.bf16 v0, v28  }
0x18f: {  	v28 =	vld [tilespmem:s31+$0x1F0];
	v0 =	vmax.bf16 v0, v24  }
0x190: {  	v24 =	vld [tilespmem:s31+$0x180];
	v29 =	vmax.bf16 v0, v17  }
0x191: {  	v0 =	vmax.bf16 v18, v6;
	v17 =	vmax.bf16 v19, v32;
	v18 =	vmax.bf16 v20, v43;
	v43 =	vld [tilespmem:s31+$0x1A0]  }
0x192: {  	v50 =	vmul.bf16 v50, v52;
	v6 =	vld [tilespmem:$0x1FF70];
	v0 =	vmax.bf16 v0, v7;
	v17 =	vmax.bf16 v17, v39  }
0x193: {  	v58 =	vmul.bf16 v58, v52;
	v32 =	vld [tilespmem:s31+$0xFFFFFFC0];
	v0 =	vmax.bf16 v0, v2;
	v2 =	vmax.bf16 v17, v61  }
0x194: {  	v18 =	vmax.bf16 v18, v44;
	v44 =	vld [tilespmem:s31+$0x1B0];
	v0 =	vmax.bf16 v0, v55;
	v2 =	vmax.bf16 v2, v60  }
0x195: {  	v39 =	vld [tilespmem:$0x1FF40];
	v0 =	vmax.bf16 v0, v50;
	v2 =	vmax.bf16 v2, v58  }
0x196: {  	v7 =	vld [tilespmem:s31+$0x10];
	v0 =	vmax.bf16 v0, v4;
	v2 =	vmax.bf16 v2, v5  }
0x197: {  	v0 =	vmax.bf16 v0, v1;
	v1 =	vmax.bf16 v2, v38;
	v38 =	vld [tilespmem:$0x1FF00]  }
0x198: {  	v52 =	vmul.bf16 v59, v52;
	v17 =	vmax.bf16 v18, v63;
	v63 =	vld [tilespmem:s31+$0xFFFFFF00]  }
0x199: {  	v3 =	vmax.bf16 v17, v3;
	v50 =	vld [tilespmem:s31+$0x100]  }
0x19a: {  	v3 =	vmax.bf16 v3, v52;
	v52 =	vld [tilespmem:$0x1FF10]  }
0x19b: {  	v4 =	vld [tilespmem:s31+$0x120]  }
0x19c: {  	v3 =	vmax.bf16 v3, v53;
	v5 =	vld [tilespmem:s31+$0x130]  }
0x19d: {  	v2 =	vmax.bf16 v3, v54;
	v3 =	vld [tilespmem:s31+$0x110]  }
0x19e: {  	s4 =	sshra.s32 s1, $0x2;
	v0 =	vmax.bf16 v0, v33;
	v33 =	vld [tilespmem:s31+$0xFFFFFFD0]  }
0x19f: {  	v8 =	vld.idx.msk [tilespmem:v38+s4+$0x0 ss:$0x1], $0xffff  }
0x1a0: {  	v1 =	vmax.bf16 v1, v34;
	v34 =	vld [tilespmem:s31+$0xFFFFFFE0];
	v0 =	vmax.bf16 v0, v30  }
0x1a1: {  	v2 =	vmax.bf16 v2, v35;
	v35 =	vld [tilespmem:s31+$0xFFFFFFF0];
	v0 =	vmax.bf16 v0, v25  }
0x1a2: {  	v1 =	vmax.bf16 v1, v36;
	v30 =	vld [tilespmem:s31+$0x70];
	v0 =	vmax.bf16 v0, v21  }
0x1a3: {  	v2 =	vmax.bf16 v2, v37;
	v36 =	vld [tilespmem:s31+$0x20];
	v1 =	vmax.bf16 v1, v26;
	v0 =	vmax.bf16 v0, v14  }
0x1a4: {  	v37 =	vld [tilespmem:s31+$0x30];
	v2 =	vmax.bf16 v2, v27;
	v0 =	vmax.bf16 v0, v11;
	v53 =	vshrl.u32 v8, $0x11  }
0x1a5: {  	v25 =	vld [tilespmem:s31+$0x40];
	v1 =	vmax.bf16 v1, v22;
	v0 =	vmax.bf16 v0, v6;
	v6 =	vcvt.s32.f32 v53  }
0x1a6: {  	v26 =	vld [tilespmem:s31+$0x50];
	v2 =	vmax.bf16 v2, v23;
	v1 =	vmax.bf16 v1, v15  }
0x1a7: {  	v27 =	vld [tilespmem:s31+$0x60];
	v2 =	vmax.bf16 v2, v16;
	v1 =	vmax.bf16 v1, v12;
	v6 =	vmul.f32 $3.051850940e-05, v6  }
0x1a8: {  	v21 =	vld [tilespmem:s31+$0xC0];
	v2 =	vmax.bf16 v2, v13;
	v1 =	vmax.bf16 v1, v9;
	v0 =	vmax.bf16 v0, v39  }
0x1a9: {  	v18 =	vmax.bf16 v0, v52;
	v0 =	vld [tilespmem:$0x1FF20];
	v8 =	vbroadcast v6, $0xE;
	v9 =	vbroadcast v6, $0xF  }
0x1aa: {  	v23 =	vld [tilespmem:s31+$0xB0];
	v2 =	vmax.bf16 v2, v10;
	v10 =	vbroadcast v6, $0xC;
	v11 =	vbroadcast v6, $0xD  }
0x1ab: {  	v14 =	vld [tilespmem:s31+$0xD0];
	v1 =	vmax.bf16 v1, v49;
	v12 =	vbroadcast v6, $0xA;
	v13 =	vbroadcast v6, $0xB  }
0x1ac: {  	v15 =	vld [tilespmem:s31+$0xE0];
	v2 =	vmax.bf16 v2, v51;
	v22 =	vbroadcast v6, $0x8;
	v51 =	vbroadcast v6, $0x9  }
0x1ad: {  	v16 =	vld [tilespmem:s31+$0xF0];
	v52 =	vbroadcast v6, $0x6;
	v53 =	vbroadcast v6, $0x7;
	v9 =	vpack.i.f32.bf16 v9, v9  }
0x1ae: {  	v19 =	vmax.bf16 v1, v0;
	v0 =	vld [tilespmem:$0x1FF30];
	v17 =	vmul.bf16 v40, v9;
	v54 =	vmul.bf16 v41, v9  }
0x1af: {  	v38 =	vld [tilespmem:s31+$0xFFFFFF80];
	v31 =	vmul.bf16 v31, v9;
	v9 =	vmul.bf16 v28, v9  }
0x1b0: {  	v39 =	vld [tilespmem:s31+$0xFFFFFF90];
	v55 =	vbroadcast v6, $0x4;
	v58 =	vbroadcast v6, $0x5;
	v8 =	vpack.i.f32.bf16 v8, v8  }
0x1b1: {  	v49 =	vld [tilespmem:s31+$0xFFFFFF40];
	v60 =	vbroadcast v6, $0x2;
	[tilespmem:$0x1FF30] =	vst v9;
	v9 =	vmul.bf16 v42, v8  }
0x1b2: {  	v1 =	vld [tilespmem:s31+$0x90];
	v59 =	vbroadcast v6, $0x3;
	v61 =	vbroadcast v6, $0x0  }
0x1b3: {  	v6 =	vbroadcast v6, $0x1;
	v20 =	vmax.bf16 v2, v0;
	v0 =	vld [tilespmem:s31+$0x80];
	[tilespmem:$0x1FF40] =	vst v9;
	v9 =	vmul.bf16 v43, v8  }
0x1b4: {  	v2 =	vld [tilespmem:s31+$0xA0];
	v11 =	vpack.i.f32.bf16 v11, v11;
	v24 =	vmul.bf16 v24, v8;
	[tilespmem:$0x1FF20] =	vst v31;
	v8 =	vmul.bf16 v44, v8  }
0x1b5: {  	v57 =	vpack.i.f32.bf16 v10, v10;
	v40 =	vld [tilespmem:s31+$0xFFFFFFA0];
	v28 =	vmul.bf16 v45, v11;
	v10 =	vmul.bf16 v48, v11;
	[tilespmem:$0x1FF50] =	vst v9  }
0x1b6: {  	v41 =	vld [tilespmem:s31+$0xFFFFFFB0];
	v31 =	vmul.bf16 v50, v57;
	[tilespmem:$0x1FF60] =	vst v8;
	v8 =	vpack.i.f32.bf16 v13, v13;
	v9 =	vmul.bf16 v46, v11  }
0x1b7: {  	v45 =	vld [tilespmem:s31+$0xFFFFFF70];
	v46 =	vpack.i.f32.bf16 v12, v12;
	v12 =	vmul.bf16 v4, v57;
	v13 =	vmul.bf16 v5, v57  }
0x1b8: {  	v50 =	vld [tilespmem:s31+$0xFFFFFF10];
	v42 =	vmul.bf16 v21, v8;
	v14 =	vmul.bf16 v14, v8  }
0x1b9: {  	v43 =	vld [tilespmem:s31+$0xFFFFFF50];
	v15 =	vmul.bf16 v15, v8;
	v16 =	vmul.bf16 v16, v8  }
0x1ba: {  	v62 =	vpack.i.f32.bf16 v22, v22;
	v44 =	vld [tilespmem:s31+$0xFFFFFF60];
	v48 =	vmul.bf16 v0, v46;
	v21 =	vmul.bf16 v1, v46  }
0x1bb: {  	[tilespmem:$0x1FF10] =	vst v54;
	v54 =	vpack.i.f32.bf16 v52, v52;
	v4 =	vld [tilespmem:s31+$0xFFFFFE40];
	v22 =	vmul.bf16 v2, v46;
	v23 =	vmul.bf16 v23, v46  }
0x1bc: {  	p1 =	sne.s32 s1, $0x300;
	v52 =	vpack.i.f32.bf16 v55, v55;
	[tilespmem:$0x1FF70] =	vst v9;
	v9 =	vmul.bf16 v47, v11;
	v11 =	vmul.bf16 v3, v57;
	v3 =	vld [tilespmem:s31+$0xFFFFFE00]  }
.Ltmp3:
0x1bd: {  	v0 =	vld [tilespmem:s31+$0xFFFFFE80];
	v46 =	vpack.i.f32.bf16 v61, v61;
	v61 =	vmul.bf16 v56, v62;
	v47 =	vpack.i.f32.bf16 v51, v51;
	(pc) =	sbr.rel @p1 .LBB2_10-.Ltmp3, $4  }
0x1be: {  	v1 =	vld [tilespmem:s31+$0xFFFFFEC0];
	v56 =	vpack.i.f32.bf16 v60, v60;
	v57 =	vpack.i.f32.bf16 v53, v53;
	v55 =	vmul.bf16 v25, v47  }
0x1bf: {  	v60 =	vld [tilespmem:s31+$0xFFFFFED0];
	v53 =	vpack.i.f32.bf16 v58, v58;
	v25 =	vmul.bf16 v26, v47;
	v26 =	vmul.bf16 v27, v47  }
0x1c0: {  	v58 =	vld [tilespmem:s31+$0xFFFFFF20];
	v27 =	vmul.bf16 v30, v47;
	v47 =	vpack.i.f32.bf16 v6, v6;
	v30 =	vmul.bf16 v7, v62  }
0x1c1: {  	s1 =	sadd.s32 $0x40, s1;
	v51 =	vpack.i.f32.bf16 v59, v59;
	v59 =	vld [tilespmem:s31+$0xFFFFFF30];
	v2 =	vmul.bf16 v3, v46;
	v3 =	vmul.bf16 v4, v47  }
0x1c2: {  	_ = 	snop  }
0x1c3: {  	v0 =	vmul.bf16 v0, v56;
	v2 =	vmax.bf16 v29, v2  }
0x1c4: {  	v8 =	vmul.bf16 v49, v53;
	v1 =	vmul.bf16 v1, v51;
	v2 =	vmax.bf16 v2, v3  }
0x1c5: {  	v3 =	vmul.bf16 v63, v52;
	v0 =	vmax.bf16 v2, v0;
	v2 =	vmul.bf16 v32, v57  }
0x1c6: {  	v32 =	vmul.bf16 v33, v57;
	v33 =	vmul.bf16 v34, v57;
	v0 =	vmax.bf16 v0, v1  }
0x1c7: {  	v29 =	vld [tilespmem:s31+$0xFFFFFE90];
	v0 =	vmax.bf16 v0, v3;
	v3 =	vmul.bf16 v35, v57;
	v57 =	vmul.bf16 v38, v54  }
0x1c8: {  	v63 =	vld [tilespmem:s31+$0xFFFFFE60];
	v0 =	vmax.bf16 v0, v8  }
0x1c9: {  	v4 =	vmul.bf16 v36, v62;
	v1 =	vld [tilespmem:s31+$0xFFFFFEA0];
	v0 =	vmax.bf16 v0, v57  }
0x1ca: {  	v5 =	vmul.bf16 v37, v62;
	v36 =	vmul.bf16 v39, v54;
	v38 =	vld [tilespmem:s31+$0xFFFFFE10];
	v0 =	vmax.bf16 v0, v2  }
0x1cb: {  	v37 =	vmul.bf16 v40, v54;
	v35 =	vmul.bf16 v41, v54;
	v41 =	vld [tilespmem:s31+$0xFFFFFE20];
	v0 =	vmax.bf16 v0, v61  }
0x1cc: {  	v39 =	vmul.bf16 v43, v53;
	v40 =	vmul.bf16 v45, v53;
	v8 =	vld [tilespmem:s31+$0xFFFFFE50];
	v0 =	vmax.bf16 v0, v55  }
0x1cd: {  	v43 =	vmul.bf16 v50, v52;
	v45 =	vmul.bf16 v58, v52;
	v0 =	vmax.bf16 v0, v48  }
0x1ce: {  	v6 =	vld [tilespmem:s31+$0xFFFFFEE0];
	v49 =	vmul.bf16 v59, v52;
	v52 =	vmul.bf16 v60, v51;
	v0 =	vmax.bf16 v0, v42  }
0x1cf: {  	v29 =	vmul.bf16 v29, v56;
	v59 =	vmul.bf16 v63, v47;
	v0 =	vmax.bf16 v0, v31  }
0x1d0: {  	v31 =	vmul.bf16 v38, v46;
	v0 =	vmax.bf16 v0, v28;
	v28 =	vmul.bf16 v41, v46  }
0x1d1: {  	v57 =	vmul.bf16 v1, v56;
	v8 =	vmul.bf16 v8, v47;
	v0 =	vmax.bf16 v0, v24  }
0x1d2: {  	v1 =	vmax.bf16 v0, v17;
	v0 =	vmax.bf16 v18, v31;
	v61 =	vmax.bf16 v19, v28  }
0x1d3: {  	v6 =	vmul.bf16 v6, v51;
	v0 =	vmax.bf16 v0, v8;
	v8 =	vmax.bf16 v61, v59  }
0x1d4: {  	v0 =	vmax.bf16 v0, v29;
	v8 =	vmax.bf16 v8, v57  }
0x1d5: {  	v2 =	vmul.bf16 v44, v53;
	v0 =	vmax.bf16 v0, v52;
	v6 =	vmax.bf16 v8, v6  }
0x1d6: {  	v0 =	vmax.bf16 v0, v43;
	v6 =	vmax.bf16 v6, v45  }
0x1d7: {  	v0 =	vmax.bf16 v0, v39;
	v2 =	vmax.bf16 v6, v2  }
0x1d8: {  	v62 =	vld [tilespmem:s31+$0xFFFFFE30];
	v0 =	vmax.bf16 v0, v36;
	v2 =	vmax.bf16 v2, v37  }
0x1d9: {  	v55 =	vld [tilespmem:s31+$0xFFFFFE70];
	v0 =	vmax.bf16 v0, v32;
	v2 =	vmax.bf16 v2, v33  }
0x1da: {  	v0 =	vmax.bf16 v0, v30;
	v2 =	vmax.bf16 v2, v4;
	v4 =	vld [tilespmem:$0x1FF70]  }
0x1db: {  	v34 =	vld [tilespmem:s31+$0xFFFFFEB0];
	v0 =	vmax.bf16 v0, v25  }
0x1dc: {  	v7 =	vld [tilespmem:s31+$0xFFFFFEF0];
	v0 =	vmax.bf16 v0, v21  }
0x1dd: {  	v0 =	vmax.bf16 v0, v14  }
0x1de: {  	v58 =	vmul.bf16 v62, v46;
	v0 =	vmax.bf16 v0, v11  }
0x1df: {  	v60 =	vmul.bf16 v55, v47;
	v0 =	vmax.bf16 v0, v4;
	v4 =	vld [tilespmem:$0x1FF40]  }
0x1e0: {  	v62 =	vmax.bf16 v20, v58;
	v34 =	vmul.bf16 v34, v56  }
0x1e1: {  	v7 =	vmul.bf16 v7, v51;
	v63 =	vmax.bf16 v62, v60  }
0x1e2: {  	v17 =	vmax.bf16 v63, v34  }
0x1e3: {  	v7 =	vmax.bf16 v17, v7  }
0x1e4: {  	v7 =	vmax.bf16 v7, v49;
	v2 =	vmax.bf16 v2, v26;
	v0 =	vmax.bf16 v0, v4;
	v4 =	vld [tilespmem:$0x1FF50]  }
0x1e5: {  	v6 =	vmax.bf16 v7, v40;
	v2 =	vmax.bf16 v2, v22  }
0x1e6: {  	v6 =	vmax.bf16 v6, v35;
	v2 =	vmax.bf16 v2, v15  }
0x1e7: {  	v3 =	vmax.bf16 v6, v3;
	v2 =	vmax.bf16 v2, v12  }
0x1e8: {  	v3 =	vmax.bf16 v3, v5;
	v2 =	vmax.bf16 v2, v9  }
0x1e9: {  	v3 =	vmax.bf16 v3, v27;
	v2 =	vmax.bf16 v2, v4;
	v4 =	vld [tilespmem:$0x1FF60]  }
0x1ea: {  	v3 =	vmax.bf16 v3, v23  }
0x1eb: {  	v3 =	vmax.bf16 v3, v16  }
0x1ec: {  	v3 =	vmax.bf16 v3, v13  }
0x1ed: {  	v3 =	vmax.bf16 v3, v10  }
0x1ee: {  	v4 =	vmax.bf16 v3, v4;
	v3 =	vld [tilespmem:$0x1FF10];
	_ =	sdelay $0x4  }
0x1ef: {  	v5 =	vmax.bf16 v0, v3;
	v0 =	vld [tilespmem:$0x1FF20];
	_ =	sdelay $0x4  }
0x1f0: {  	v3 =	vmax.bf16 v2, v0;
	v0 =	vld [tilespmem:$0x1FF30];
	_ =	sdelay $0x3  }
0x1f1: {  	v8 =	vimm.bf16 $-Inf;
	v7 =	vimm.bf16 $-Inf;
	v30 =	vimm.bf16 $-Inf  }
0x1f2: {  	s1 =	simm.s32 $0xAFF0;
	v2 =	vmax.bf16 v4, v0;
	v4 =	vmov s13;
	v0 =	vimm.bf16 $-Inf  }
.LBB2_12:
0x1f3: {  	v9 =	vld [tilespmem:s1+$0xFFFFFC10]  }
0x1f4: {  	v10 =	vld [tilespmem:s1+$0xFFFFFC20]  }
0x1f5: {  	v11 =	vld [tilespmem:s1+$0xFFFFFC30]  }
0x1f6: {  	v12 =	vld [tilespmem:s1+$0xFFFFFC40]  }
0x1f7: {  	v13 =	vld [tilespmem:s1+$0xFFFFFC50]  }
0x1f8: {  	s4 =	sshra.s32 s30, $0x2;
	v14 =	vld [tilespmem:s1+$0xFFFFFC60]  }
0x1f9: {  	v6 =	vld.idx.msk [tilespmem:v4+s4+$0x0 ss:$0x1], $0xffff  }
0x1fa: {  	v15 =	vld [tilespmem:s1+$0xFFFFFC70]  }
0x1fb: {  	v16 =	vld [tilespmem:s1+$0xFFFFFC80]  }
0x1fc: {  	v17 =	vld [tilespmem:s1+$0xFFFFFC90]  }
0x1fd: {  	v18 =	vld [tilespmem:s1+$0xFFFFFCA0]  }
0x1fe: {  	v19 =	vld [tilespmem:s1+$0xFFFFFCB0];
	v6 =	vshrl.u32 v6, $0x11  }
0x1ff: {  	v20 =	vld [tilespmem:s1+$0xFFFFFCC0];
	v6 =	vcvt.s32.f32 v6  }
0x200: {  	v21 =	vld [tilespmem:s1+$0xFFFFFCD0]  }
0x201: {  	v22 =	vld [tilespmem:s1+$0xFFFFFCE0];
	v6 =	vmul.f32 $3.051850940e-05, v6  }
0x202: {  	v24 =	vld [tilespmem:s1+$0xFFFFFCF0]  }
0x203: {  	v25 =	vld [tilespmem:s1+$0xFFFFFD00];
	v23 =	vbroadcast v6, $0x0  }
0x204: {  	v26 =	vld [tilespmem:s1+$0xFFFFFD10]  }
0x205: {  	v27 =	vld [tilespmem:s1+$0xFFFFFD20];
	v28 =	vbroadcast v6, $0x1;
	v56 =	vbroadcast v6, $0x2;
	v23 =	vpack.i.f32.bf16 v23, v23  }
0x206: {  	v29 =	vld [tilespmem:s1+$0xFFFFFD30];
	v61 =	vbroadcast v6, $0x3;
	v9 =	vmul.bf16 v9, v23  }
0x207: {  	v55 =	vld [tilespmem:s1+$0xFFFFFD50];
	v33 =	vbroadcast v6, $0x4;
	v42 =	vbroadcast v6, $0x5  }
0x208: {  	v58 =	vld [tilespmem:s1+$0xFFFFFD80];
	v48 =	vbroadcast v6, $0x6;
	v8 =	vmax.bf16 v8, v9;
	v9 =	vmul.bf16 v11, v23  }
0x209: {  	v60 =	vld [tilespmem:s1+$0xFFFFFD90];
	v54 =	vpack.i.f32.bf16 v28, v28;
	v57 =	vpack.i.f32.bf16 v56, v56;
	v10 =	vmul.bf16 v10, v23  }
0x20a: {  	v62 =	vld [tilespmem:s1+$0xFFFFFDA0];
	v46 =	vpack.i.f32.bf16 v42, v42;
	v0 =	vmax.bf16 v0, v9;
	v9 =	vmul.bf16 v13, v54  }
0x20b: {  	v32 =	vld [tilespmem:s1+$0xFFFFFDB0];
	v14 =	vmul.bf16 v14, v54;
	v7 =	vmax.bf16 v7, v10;
	v10 =	vmul.bf16 v12, v23  }
0x20c: {  	v34 =	vld [tilespmem:s1+$0xFFFFFDC0];
	v15 =	vmul.bf16 v15, v54;
	v8 =	vmax.bf16 v8, v9;
	v9 =	vmul.bf16 v16, v54  }
0x20d: {  	v36 =	vld [tilespmem:s1+$0xFFFFFDD0];
	v59 =	vmul.bf16 v17, v57;
	v63 =	vmul.bf16 v19, v57;
	v10 =	vmax.bf16 v30, v10  }
0x20e: {  	v39 =	vld [tilespmem:s1+$0xFFFFFDE0];
	v23 =	vpack.i.f32.bf16 v48, v48;
	v9 =	vmax.bf16 v10, v9;
	v10 =	vmul.bf16 v18, v57  }
0x20f: {  	v41 =	vld [tilespmem:s1+$0xFFFFFDF0];
	v12 =	vmul.bf16 v20, v57;
	v7 =	vmax.bf16 v7, v14;
	v52 =	vmul.bf16 v60, v23  }
0x210: {  	v11 =	vld [tilespmem:s1+$0xFFFFFD40];
	v0 =	vmax.bf16 v0, v15;
	v7 =	vmax.bf16 v7, v10;
	v10 =	vpack.i.f32.bf16 v61, v61  }
0x211: {  	v43 =	vld [tilespmem:s1+$0xFFFFFE00];
	v0 =	vmax.bf16 v0, v63;
	v35 =	vmul.bf16 v21, v10;
	v37 =	vmul.bf16 v22, v10  }
0x212: {  	v28 =	vld [tilespmem:s1+$0xFFFFFD60];
	v16 =	vpack.i.f32.bf16 v33, v33;
	v38 =	vmul.bf16 v24, v10;
	v10 =	vmul.bf16 v25, v10  }
0x213: {  	v30 =	vld [tilespmem:s1+$0xFFFFFD70];
	v54 =	vbroadcast v6, $0x7;
	v8 =	vmax.bf16 v8, v59;
	v9 =	vmax.bf16 v9, v12  }
0x214: {  	v44 =	vld [tilespmem:s1+$0xFFFFFE10];
	v40 =	vmul.bf16 v26, v16;
	v9 =	vmax.bf16 v9, v10;
	v10 =	vmul.bf16 v27, v16  }
0x215: {  	v47 =	vld [tilespmem:s1+$0xFFFFFE20];
	v45 =	vmul.bf16 v29, v16;
	v11 =	vmul.bf16 v11, v16;
	v7 =	vmax.bf16 v7, v37  }
0x216: {  	v49 =	vld [tilespmem:s1+$0xFFFFFE30];
	v8 =	vmax.bf16 v8, v35;
	v7 =	vmax.bf16 v7, v10;
	v10 =	vmul.bf16 v55, v46  }
0x217: {  	v50 =	vld [tilespmem:s1+$0xFFFFFE40];
	v8 =	vmax.bf16 v8, v40;
	v9 =	vmax.bf16 v9, v11;
	v11 =	vmul.bf16 v28, v46  }
0x218: {  	v51 =	vld [tilespmem:s1+$0xFFFFFE50];
	v0 =	vmax.bf16 v0, v38;
	v8 =	vmax.bf16 v8, v10;
	v10 =	vmul.bf16 v30, v46  }
0x219: {  	v53 =	vld [tilespmem:s1+$0xFFFFFE60];
	v0 =	vmax.bf16 v0, v45;
	v7 =	vmax.bf16 v7, v11;
	v11 =	vmul.bf16 v58, v46  }
0x21a: {  	v56 =	vld [tilespmem:s1+$0xFFFFFE80];
	v16 =	vpack.i.f32.bf16 v54, v54;
	v0 =	vmax.bf16 v0, v10;
	v10 =	vmul.bf16 v62, v23  }
0x21b: {  	v48 =	vld [tilespmem:s1+$0xFFFFFF90];
	v35 =	vbroadcast v6, $0xA;
	v9 =	vmax.bf16 v9, v11;
	v11 =	vmul.bf16 v32, v23  }
0x21c: {  	v63 =	vld [tilespmem:s1+$0xFFFFFED0];
	v60 =	vmul.bf16 v41, v16;
	v7 =	vmax.bf16 v7, v10;
	v10 =	vmul.bf16 v34, v23  }
0x21d: {  	v33 =	vld [tilespmem:s1+$0xFFFFFEE0];
	v58 =	vbroadcast v6, $0x8;
	v0 =	vmax.bf16 v0, v11;
	v11 =	vmul.bf16 v36, v16  }
0x21e: {  	v59 =	vld [tilespmem:s1+$0xFFFFFEA0];
	v8 =	vmax.bf16 v8, v52;
	v9 =	vmax.bf16 v9, v10;
	v10 =	vmul.bf16 v39, v16  }
0x21f: {  	v61 =	vld [tilespmem:s1+$0xFFFFFEB0];
	v14 =	vpack.i.f32.bf16 v58, v58;
	v8 =	vmax.bf16 v8, v11;
	v11 =	vmul.bf16 v43, v16  }
0x220: {  	v40 =	vbroadcast v6, $0xB;
	v62 =	vld [tilespmem:s1+$0xFFFFFEC0];
	v7 =	vmax.bf16 v7, v10;
	v10 =	vmul.bf16 v44, v14  }
0x221: {  	v57 =	vld [tilespmem:s1+$0xFFFFFE90];
	v32 =	vbroadcast v6, $0x9;
	v9 =	vmax.bf16 v9, v11;
	v11 =	vmul.bf16 v47, v14  }
0x222: {  	v55 =	vld [tilespmem:s1+$0xFFFFFE70];
	v20 =	vpack.i.f32.bf16 v35, v35;
	v8 =	vmax.bf16 v8, v10;
	v10 =	vmul.bf16 v49, v14  }
0x223: {  	v37 =	vld [tilespmem:s1+$0xFFFFFF10];
	v0 =	vmax.bf16 v0, v60;
	v7 =	vmax.bf16 v7, v11;
	v11 =	vpack.i.f32.bf16 v32, v32  }
0x224: {  	v38 =	vld [tilespmem:s1+$0xFFFFFF20];
	v42 =	vmul.bf16 v61, v20;
	v0 =	vmax.bf16 v0, v10;
	v10 =	vmul.bf16 v51, v11  }
0x225: {  	v54 =	vld [tilespmem:s1+$0xFFFFFFD0];
	v16 =	vmul.bf16 v62, v20;
	v14 =	vmul.bf16 v50, v14  }
0x226: {  	v39 =	vld [tilespmem:s1+$0xFFFFFF30];
	v44 =	vbroadcast v6, $0xC;
	v8 =	vmax.bf16 v8, v10;
	v10 =	vmul.bf16 v56, v11  }
0x227: {  	v34 =	vld [tilespmem:s1+$0xFFFFFEF0];
	v15 =	vmul.bf16 v53, v11;
	v17 =	vmul.bf16 v55, v11;
	v9 =	vmax.bf16 v9, v14  }
0x228: {  	v41 =	vld [tilespmem:s1+$0xFFFFFF40];
	v12 =	vpack.i.f32.bf16 v44, v44;
	v9 =	vmax.bf16 v9, v10;
	v10 =	vmul.bf16 v59, v20  }
0x229: {  	v43 =	vld [tilespmem:s1+$0xFFFFFF60];
	v7 =	vmax.bf16 v7, v15;
	v15 =	vpack.i.f32.bf16 v40, v40;
	v11 =	vmul.bf16 v57, v20  }
0x22a: {  	v36 =	vld [tilespmem:s1+$0xFFFFFF00];
	v50 =	vbroadcast v6, $0xD;
	v7 =	vmax.bf16 v7, v10;
	v10 =	vmul.bf16 v63, v15  }
0x22b: {  	v45 =	vld [tilespmem:s1+$0xFFFFFF70];
	v13 =	vmul.bf16 v39, v12;
	v14 =	vmul.bf16 v37, v12;
	v8 =	vmax.bf16 v8, v11  }
0x22c: {  	v0 =	vmax.bf16 v0, v17;
	v11 =	vld [tilespmem:s1+$0xFFFFFF50];
	v8 =	vmax.bf16 v8, v10;
	v10 =	vmul.bf16 v34, v15  }
0x22d: {  	v52 =	vld [tilespmem:s1+$0xFFFFFFC0];
	v53 =	vpack.i.f32.bf16 v50, v50;
	v46 =	vmul.bf16 v33, v15;
	v0 =	vmax.bf16 v0, v42  }
0x22e: {  	v47 =	vld [tilespmem:s1+$0xFFFFFF80];
	v55 =	vmul.bf16 v43, v53;
	v0 =	vmax.bf16 v0, v10;
	v10 =	vmul.bf16 v38, v12  }
0x22f: {  	v58 =	vld [tilespmem:s1+$0xFFFFFFF0];
	v57 =	vbroadcast v6, $0xE;
	v7 =	vmax.bf16 v7, v46;
	v15 =	vmul.bf16 v36, v15  }
0x230: {  	v49 =	vld [tilespmem:s1+$0xFFFFFFA0];
	v9 =	vmax.bf16 v9, v16;
	v7 =	vmax.bf16 v7, v10;
	v10 =	vmul.bf16 v41, v12  }
0x231: {  	v56 =	vld [tilespmem:s1+$0xFFFFFFE0];
	v6 =	vbroadcast v6, $0xF;
	v11 =	vmul.bf16 v11, v53;
	v9 =	vmax.bf16 v9, v15  }
0x232: {  	v51 =	vld [tilespmem:s1+$0xFFFFFFB0];
	v8 =	vmax.bf16 v8, v14;
	v9 =	vmax.bf16 v9, v10;
	v10 =	vmul.bf16 v45, v53  }
0x233: {  	v59 =	vld [tilespmem:s1+$0x0];
	v0 =	vmax.bf16 v0, v13;
	v8 =	vmax.bf16 v8, v11;
	v11 =	vmul.bf16 v47, v53  }
0x234: {  	v6 =	vpack.i.f32.bf16 v6, v6;
	v0 =	vmax.bf16 v0, v10;
	v10 =	vpack.i.f32.bf16 v57, v57  }
0x235: {  	p1 =	sne.s32 s30, $0x40;
	v63 =	vmul.bf16 v58, v6;
	v9 =	vmax.bf16 v9, v11;
	v11 =	vmul.bf16 v48, v10  }
.Ltmp4:
0x236: {  	v62 =	vmul.bf16 v56, v6;
	v7 =	vmax.bf16 v7, v55;
	v60 =	vmul.bf16 v49, v10;
	(pc) =	sbr.rel @p1 .LBB2_12-.Ltmp4, $4  }
0x237: {  	v61 =	vmul.bf16 v51, v10;
	v10 =	vmul.bf16 v52, v10;
	v8 =	vmax.bf16 v8, v11  }
0x238: {  	v11 =	vmul.bf16 v54, v6;
	v7 =	vmax.bf16 v7, v60;
	v6 =	vmul.bf16 v59, v6  }
0x239: {  	v0 =	vmax.bf16 v0, v61;
	v9 =	vmax.bf16 v9, v10;
	v7 =	vmax.bf16 v7, v62  }
0x23a: {  	s30 =	sadd.s32 $0x40, s30;
	s1 =	sadd.s32 $0x400, s1;
	v0 =	vmax.bf16 v0, v63;
	v8 =	vmax.bf16 v8, v11;
	v30 =	vmax.bf16 v9, v6  }
0x23b: {  	s1 =	sshll.u32 s22, $0x6  }
0x23c: {  	s1 =	sand.u32 $0x7FFFFFC0, s1  }
0x23d: {  	[tilespmem:s1+$0x13400] =	vst v1  }
0x23e: {  	[tilespmem:s1+$0x12C00] =	vst v8  }
0x23f: {  	[tilespmem:s1+$0x13410] =	vst v5  }
0x240: {  	[tilespmem:s1+$0x12C10] =	vst v7  }
0x241: {  	[tilespmem:s1+$0x13420] =	vst v3  }
0x242: {  	[tilespmem:s1+$0x12C20] =	vst v0  }
0x243: {  	[tilespmem:s1+$0x13430] =	vst v2  }
0x244: {  	s4 =	simm.s32 @!p0 $0x78;
	s22 =	simm.s32 @!p0 $0x7800;
	[tilespmem:s1+$0x12C30] =	vst v30;
	s1 =	sadd.s32 @!p0 $0x22B0, s20  }
0x245: {  	[tilespmem:s22], [sflag:$0x2] =	stream.indirect.gather @!p0 [hbm4b:s3+s4], $0x40, s1, s4, $0xb8;
	[tilespmem:$0x13C00] =	vst v63  }
0x246: {  	s1 =	sadd.s32 @!p0 $0x2328, s20;
	s22 =	simm.s32 @!p0 $0x9600  }
0x247: {  	[tilespmem:s22], [sflag:$0x2] =	stream.indirect.gather @!p0 [hbm4b:s3+s4], $0x40, s1, s4, $0xb8;
	[tilespmem:$0x13C00] =	vst v63  }
0x248: {  	_ =	swait.ge [sflag:s28], $0x1E00  }
0x249: {  	[sflag:s28] =	ssyncset.done $0x0  }
0x24a: {  	[sflag:s28] =	ssyncadd.s32 $0xFFFFE200  }
0x24b: {  	_ =	swait.ge [sflag:s28], $0x1E00  }
0x24c: {  	[sflag:s28] =	ssyncset.done $0x0  }
0x24d: {  	s30 =	simm.s32 $0xB600;
	[sflag:s28] =	ssyncadd.s32 $0xFFFFE200  }
0x24e: {  	v0 =	vld [tilespmem:s30+$0x1C0]  }
0x24f: {  	v1 =	vld [tilespmem:s30+$0x1D0]  }
0x250: {  	v2 =	vld [tilespmem:s30+$0x1E0]  }
0x251: {  	v3 =	vld [tilespmem:s30+$0x1F0]  }
0x252: {  	v5 =	vld [tilespmem:s30+$0x180]  }
0x253: {  	v6 =	vld [tilespmem:s30+$0x190]  }
0x254: {  	v7 =	vld [tilespmem:s30+$0x1A0]  }
0x255: {  	v8 =	vld [tilespmem:s30+$0x1B0]  }
0x256: {  	v9 =	vld [tilespmem:s30+$0x140]  }
0x257: {  	v10 =	vld [tilespmem:s30+$0x150]  }
0x258: {  	v11 =	vld [tilespmem:s30+$0x160]  }
0x259: {  	v12 =	vld [tilespmem:s30+$0x170]  }
0x25a: {  	v13 =	vld [tilespmem:s30+$0x100]  }
0x25b: {  	v4 =	vmov s14;
	v14 =	vld [tilespmem:s30+$0x110]  }
0x25c: {  	v15 =	vld [tilespmem:s30+$0x120]  }
0x25d: {  	v16 =	vld [tilespmem:s30+$0x130]  }
0x25e: {  	v18 =	vld [tilespmem:s30+$0xC0]  }
0x25f: {  	s31 =	simm.s32 $0x0;
	v53 =	vld [tilespmem:s30+$0xD0]  }
0x260: {  	[tilespmem:$0x1FE80] =	vst v4;
	v4 =	vld.idx.msk [tilespmem:v4+s31+$0x0 ss:$0x1], $0xffff  }
0x261: {  	v20 =	vld [tilespmem:s30+$0xE0]  }
0x262: {  	v21 =	vld [tilespmem:s30+$0xF0]  }
0x263: {  	v22 =	vld [tilespmem:s30+$0x80]  }
0x264: {  	v23 =	vld [tilespmem:s30+$0x90]  }
0x265: {  	v25 =	vld [tilespmem:s30+$0xA0];
	v4 =	vshrl.u32 v4, $0x11  }
0x266: {  	v26 =	vld [tilespmem:s30+$0xB0];
	v4 =	vcvt.s32.f32 v4  }
0x267: {  	v55 =	vld [tilespmem:s30+$0x40]  }
0x268: {  	v29 =	vld [tilespmem:s30+$0x50];
	v4 =	vmul.f32 $3.051850940e-05, v4  }
0x269: {  	v30 =	vld [tilespmem:s30+$0x60]  }
0x26a: {  	v47 =	vld [tilespmem:s30+$0x70];
	v24 =	vbroadcast v4, $0xE;
	v17 =	vbroadcast v4, $0xF  }
0x26b: {  	v59 =	vld [tilespmem:s30+$0x0];
	v28 =	vbroadcast v4, $0xC;
	v31 =	vbroadcast v4, $0xD  }
0x26c: {  	v60 =	vld [tilespmem:s30+$0x10];
	v42 =	vbroadcast v4, $0xA;
	v43 =	vbroadcast v4, $0xB  }
0x26d: {  	v36 =	vld [tilespmem:s30+$0x20];
	v46 =	vbroadcast v4, $0x8;
	v45 =	vbroadcast v4, $0x9  }
0x26e: {  	v37 =	vld [tilespmem:s30+$0x30];
	v48 =	vbroadcast v4, $0x6;
	v50 =	vbroadcast v4, $0x7  }
0x26f: {  	v32 =	vld [tilespmem:s30+$0xFFFFFFC0];
	v51 =	vbroadcast v4, $0x4;
	v52 =	vbroadcast v4, $0x5;
	v40 =	vpack.i.f32.bf16 v17, v17  }
0x270: {  	v33 =	vld [tilespmem:s30+$0xFFFFFFD0];
	v17 =	vmul.bf16 v0, v40;
	v0 =	vmul.bf16 v1, v40  }
0x271: {  	v34 =	vld [tilespmem:s30+$0xFFFFFFE0];
	v56 =	vbroadcast v4, $0x2;
	v1 =	vmul.bf16 v2, v40  }
0x272: {  	v35 =	vld [tilespmem:s30+$0xFFFFFFF0];
	v58 =	vbroadcast v4, $0x3;
	v61 =	vbroadcast v4, $0x0;
	[tilespmem:$0x1FE90] =	vst v0  }
0x273: {  	v38 =	vld [tilespmem:s30+$0xFFFFFF80];
	v19 =	vbroadcast v4, $0x1;
	v0 =	vpack.i.f32.bf16 v24, v24;
	[tilespmem:$0x1FEA0] =	vst v1;
	v1 =	vmul.bf16 v3, v40  }
0x274: {  	v39 =	vld [tilespmem:s30+$0xFFFFFF90];
	v27 =	vpack.i.f32.bf16 v45, v45;
	v62 =	vpack.i.f32.bf16 v46, v46;
	v2 =	vmul.bf16 v6, v0  }
0x275: {  	v41 =	vld [tilespmem:s30+$0xFFFFFFB0];
	v46 =	vpack.i.f32.bf16 v61, v61;
	v55 =	vmul.bf16 v55, v27;
	v61 =	vmul.bf16 v59, v62;
	[tilespmem:$0x1FEB0] =	vst v1  }
0x276: {  	v49 =	vld [tilespmem:s30+$0xFFFFFF40];
	v24 =	vmul.bf16 v5, v0;
	v1 =	vpack.i.f32.bf16 v31, v31;
	[tilespmem:$0x1FEC0] =	vst v2;
	v2 =	vmul.bf16 v7, v0  }
0x277: {  	v44 =	vld [tilespmem:s30+$0xFFFFFF60];
	v0 =	vmul.bf16 v8, v0;
	v3 =	vmul.bf16 v10, v1  }
0x278: {  	v63 =	vld [tilespmem:s30+$0xFFFFFF00];
	v10 =	vmul.bf16 v12, v1;
	[tilespmem:$0x1FED0] =	vst v2;
	v2 =	vpack.i.f32.bf16 v28, v28;
	v28 =	vmul.bf16 v9, v1  }
0x279: {  	v45 =	vld [tilespmem:s30+$0xFFFFFF70];
	v57 =	vpack.i.f32.bf16 v50, v50;
	v9 =	vmul.bf16 v11, v1;
	v31 =	vmul.bf16 v13, v2  }
0x27a: {  	v50 =	vld [tilespmem:s30+$0xFFFFFF10];
	[tilespmem:$0x1FEE0] =	vst v0;
	v0 =	vpack.i.f32.bf16 v43, v43;
	v11 =	vmul.bf16 v14, v2;
	v12 =	vmul.bf16 v15, v2  }
0x27b: {  	v59 =	vld [tilespmem:s30+$0xFFFFFF30];
	[tilespmem:$0x1FEF0] =	vst v3;
	v3 =	vpack.i.f32.bf16 v42, v42;
	v13 =	vmul.bf16 v16, v2;
	v42 =	vmul.bf16 v18, v0  }
0x27c: {  	v40 =	vld [tilespmem:s30+$0xFFFFFFA0];
	v14 =	vmul.bf16 v53, v0;
	v15 =	vmul.bf16 v20, v0  }
0x27d: {  	v54 =	vpack.i.f32.bf16 v48, v48;
	v2 =	vld [tilespmem:s30+$0xFFFFFE00];
	v16 =	vmul.bf16 v21, v0;
	v48 =	vmul.bf16 v22, v3  }
0x27e: {  	v56 =	vpack.i.f32.bf16 v56, v56;
	v18 =	vld [tilespmem:s30+$0xFFFFFE40];
	v21 =	vmul.bf16 v23, v3;
	v22 =	vmul.bf16 v25, v3  }
0x27f: {  	v43 =	vld [tilespmem:s30+$0xFFFFFF50];
	v53 =	vpack.i.f32.bf16 v52, v52;
	v23 =	vmul.bf16 v26, v3;
	v25 =	vmul.bf16 v29, v27  }
0x280: {  	v52 =	vpack.i.f32.bf16 v51, v51;
	v0 =	vld [tilespmem:s30+$0xFFFFFE80];
	v26 =	vmul.bf16 v30, v27;
	v27 =	vmul.bf16 v47, v27  }
0x281: {  	v1 =	vld [tilespmem:s30+$0xFFFFFEC0];
	v47 =	vpack.i.f32.bf16 v19, v19;
	v51 =	vpack.i.f32.bf16 v58, v58;
	v30 =	vmul.bf16 v60, v62  }
0x282: {  	v58 =	vld [tilespmem:s30+$0xFFFFFF20];
	v29 =	vimm.bf16 $-Inf;
	v19 =	vimm.bf16 $-Inf;
	v20 =	vimm.bf16 $-Inf  }
0x283: {  	s21 =	sor.u32 $0x2, s21;
	s22 =	simm.s32 $0x0;
	s1 =	simm.s32 $0x40;
	v60 =	vld [tilespmem:s30+$0xFFFFFED0];
	v2 =	vmul.bf16 v2, v46;
	v3 =	vmul.bf16 v18, v47;
	v18 =	vimm.bf16 $-Inf  }
.LBB2_14:
0x284: {  	_ = 	snop  }
0x285: {  	v2 =	vmax.bf16 v29, v2;
	v29 =	vld [tilespmem:s30+$0xFFFFFEE0];
	v0 =	vmul.bf16 v0, v56  }
0x286: {  	v2 =	vmax.bf16 v2, v3;
	v3 =	vld [tilespmem:s30+$0xFFFFFEF0];
	v36 =	vmul.bf16 v36, v62;
	v1 =	vmul.bf16 v1, v51  }
0x287: {  	v37 =	vmul.bf16 v37, v62;
	v7 =	vmul.bf16 v63, v52;
	v63 =	vld [tilespmem:s30+$0xFFFFFEA0]  }
0x288: {  	v32 =	vmul.bf16 v32, v57;
	v33 =	vmul.bf16 v33, v57;
	v62 =	vld [tilespmem:s30+$0xFFFFFE50]  }
0x289: {  	v34 =	vmul.bf16 v34, v57;
	v35 =	vmul.bf16 v35, v57;
	v57 =	vld [tilespmem:s30+$0xFFFFFE10]  }
0x28a: {  	v4 =	vmul.bf16 v43, v53;
	v43 =	vld [tilespmem:s30+$0xFFFFFE30];
	v0 =	vmax.bf16 v2, v0  }
0x28b: {  	v5 =	vmul.bf16 v44, v53;
	v44 =	vld [tilespmem:s30+$0xFFFFFE70];
	v0 =	vmax.bf16 v0, v1;
	v1 =	vmul.bf16 v49, v53  }
0x28c: {  	v38 =	vmul.bf16 v38, v54;
	v2 =	vld [tilespmem:s30+$0xFFFFFE90];
	v0 =	vmax.bf16 v0, v7  }
0x28d: {  	v49 =	vld [tilespmem:s30+$0xFFFFFEB0];
	v0 =	vmax.bf16 v0, v1  }
0x28e: {  	v1 =	vmul.bf16 v39, v54;
	v39 =	vld [tilespmem:s30+$0xFFFFFE60];
	v0 =	vmax.bf16 v0, v38  }
0x28f: {  	v0 =	vmax.bf16 v0, v32;
	v32 =	vld [tilespmem:s30+$0xFFFFFE20];
	s30 =	sadd.s32 $0x400, s30  }
0x290: {  	v38 =	vmul.bf16 v40, v54;
	v40 =	vld [tilespmem:s30+$0x1C0]  }
0x291: {  	v54 =	vmul.bf16 v41, v54;
	v41 =	vld [tilespmem:s30+$0x1D0]  }
0x292: {  	v53 =	vmul.bf16 v45, v53;
	v3 =	vmul.bf16 v3, v51;
	v45 =	vld [tilespmem:s30+$0x140]  }
0x293: {  	v0 =	vmax.bf16 v0, v61;
	v61 =	vmul.bf16 v63, v56;
	v63 =	vmul.bf16 v49, v56;
	v49 =	vld [tilespmem:$0x1FED0]  }
0x294: {  	v7 =	vmul.bf16 v62, v47;
	v2 =	vmul.bf16 v2, v56;
	v56 =	vld [tilespmem:s30+$0x0]  }
0x295: {  	v0 =	vmax.bf16 v0, v55;
	v55 =	vmul.bf16 v60, v51;
	v60 =	vmul.bf16 v29, v51;
	v51 =	vld [tilespmem:$0x1FEE0]  }
0x296: {  	v44 =	vmul.bf16 v44, v47;
	v39 =	vmul.bf16 v39, v47;
	v47 =	vld [tilespmem:s30+$0x160]  }
0x297: {  	v0 =	vmax.bf16 v0, v48;
	v48 =	vld [tilespmem:s30+$0x170]  }
0x298: {  	v0 =	vmax.bf16 v0, v42;
	v42 =	vld [tilespmem:s30+$0x190]  }
0x299: {  	v6 =	vmul.bf16 v57, v46;
	v0 =	vmax.bf16 v0, v31;
	v31 =	vld [tilespmem:s30+$0x1E0]  }
0x29a: {  	v43 =	vmul.bf16 v43, v46;
	v32 =	vmul.bf16 v32, v46;
	v46 =	vld [tilespmem:s30+$0x150];
	v0 =	vmax.bf16 v0, v28  }
0x29b: {  	v28 =	vld [tilespmem:s30+$0x1F0];
	v0 =	vmax.bf16 v0, v24  }
0x29c: {  	v24 =	vld [tilespmem:s30+$0x180];
	v29 =	vmax.bf16 v0, v17  }
0x29d: {  	v0 =	vmax.bf16 v18, v6;
	v17 =	vmax.bf16 v19, v32;
	v18 =	vmax.bf16 v20, v43;
	v43 =	vld [tilespmem:s30+$0x1A0]  }
0x29e: {  	v50 =	vmul.bf16 v50, v52;
	v6 =	vld [tilespmem:$0x1FEF0];
	v0 =	vmax.bf16 v0, v7;
	v17 =	vmax.bf16 v17, v39  }
0x29f: {  	v58 =	vmul.bf16 v58, v52;
	v32 =	vld [tilespmem:s30+$0xFFFFFFC0];
	v0 =	vmax.bf16 v0, v2;
	v2 =	vmax.bf16 v17, v61  }
0x2a0: {  	v18 =	vmax.bf16 v18, v44;
	v44 =	vld [tilespmem:s30+$0x1B0];
	v0 =	vmax.bf16 v0, v55;
	v2 =	vmax.bf16 v2, v60  }
0x2a1: {  	v39 =	vld [tilespmem:$0x1FEC0];
	v0 =	vmax.bf16 v0, v50;
	v2 =	vmax.bf16 v2, v58  }
0x2a2: {  	v7 =	vld [tilespmem:s30+$0x10];
	v0 =	vmax.bf16 v0, v4;
	v2 =	vmax.bf16 v2, v5  }
0x2a3: {  	v0 =	vmax.bf16 v0, v1;
	v1 =	vmax.bf16 v2, v38;
	v38 =	vld [tilespmem:$0x1FE80]  }
0x2a4: {  	v52 =	vmul.bf16 v59, v52;
	v17 =	vmax.bf16 v18, v63;
	v63 =	vld [tilespmem:s30+$0xFFFFFF00]  }
0x2a5: {  	v3 =	vmax.bf16 v17, v3;
	v50 =	vld [tilespmem:s30+$0x100]  }
0x2a6: {  	v3 =	vmax.bf16 v3, v52;
	v52 =	vld [tilespmem:$0x1FE90]  }
0x2a7: {  	v4 =	vld [tilespmem:s30+$0x120]  }
0x2a8: {  	v3 =	vmax.bf16 v3, v53;
	v5 =	vld [tilespmem:s30+$0x130]  }
0x2a9: {  	v2 =	vmax.bf16 v3, v54;
	v3 =	vld [tilespmem:s30+$0x110]  }
0x2aa: {  	s4 =	sshra.s32 s1, $0x2;
	v0 =	vmax.bf16 v0, v33;
	v33 =	vld [tilespmem:s30+$0xFFFFFFD0]  }
0x2ab: {  	v8 =	vld.idx.msk [tilespmem:v38+s4+$0x0 ss:$0x1], $0xffff  }
0x2ac: {  	v1 =	vmax.bf16 v1, v34;
	v34 =	vld [tilespmem:s30+$0xFFFFFFE0];
	v0 =	vmax.bf16 v0, v30  }
0x2ad: {  	v2 =	vmax.bf16 v2, v35;
	v35 =	vld [tilespmem:s30+$0xFFFFFFF0];
	v0 =	vmax.bf16 v0, v25  }
0x2ae: {  	v1 =	vmax.bf16 v1, v36;
	v30 =	vld [tilespmem:s30+$0x70];
	v0 =	vmax.bf16 v0, v21  }
0x2af: {  	v2 =	vmax.bf16 v2, v37;
	v36 =	vld [tilespmem:s30+$0x20];
	v1 =	vmax.bf16 v1, v26;
	v0 =	vmax.bf16 v0, v14  }
0x2b0: {  	v37 =	vld [tilespmem:s30+$0x30];
	v2 =	vmax.bf16 v2, v27;
	v0 =	vmax.bf16 v0, v11;
	v53 =	vshrl.u32 v8, $0x11  }
0x2b1: {  	v25 =	vld [tilespmem:s30+$0x40];
	v1 =	vmax.bf16 v1, v22;
	v0 =	vmax.bf16 v0, v6;
	v6 =	vcvt.s32.f32 v53  }
0x2b2: {  	v26 =	vld [tilespmem:s30+$0x50];
	v2 =	vmax.bf16 v2, v23;
	v1 =	vmax.bf16 v1, v15  }
0x2b3: {  	v27 =	vld [tilespmem:s30+$0x60];
	v2 =	vmax.bf16 v2, v16;
	v1 =	vmax.bf16 v1, v12;
	v6 =	vmul.f32 $3.051850940e-05, v6  }
0x2b4: {  	v21 =	vld [tilespmem:s30+$0xC0];
	v2 =	vmax.bf16 v2, v13;
	v1 =	vmax.bf16 v1, v9;
	v0 =	vmax.bf16 v0, v39  }
0x2b5: {  	v18 =	vmax.bf16 v0, v52;
	v0 =	vld [tilespmem:$0x1FEA0];
	v8 =	vbroadcast v6, $0xE;
	v9 =	vbroadcast v6, $0xF  }
0x2b6: {  	v23 =	vld [tilespmem:s30+$0xB0];
	v2 =	vmax.bf16 v2, v10;
	v10 =	vbroadcast v6, $0xC;
	v11 =	vbroadcast v6, $0xD  }
0x2b7: {  	v14 =	vld [tilespmem:s30+$0xD0];
	v1 =	vmax.bf16 v1, v49;
	v12 =	vbroadcast v6, $0xA;
	v13 =	vbroadcast v6, $0xB  }
0x2b8: {  	v15 =	vld [tilespmem:s30+$0xE0];
	v2 =	vmax.bf16 v2, v51;
	v22 =	vbroadcast v6, $0x8;
	v51 =	vbroadcast v6, $0x9  }
0x2b9: {  	v16 =	vld [tilespmem:s30+$0xF0];
	v52 =	vbroadcast v6, $0x6;
	v53 =	vbroadcast v6, $0x7;
	v9 =	vpack.i.f32.bf16 v9, v9  }
0x2ba: {  	v19 =	vmax.bf16 v1, v0;
	v0 =	vld [tilespmem:$0x1FEB0];
	v17 =	vmul.bf16 v40, v9;
	v54 =	vmul.bf16 v41, v9  }
0x2bb: {  	v38 =	vld [tilespmem:s30+$0xFFFFFF80];
	v31 =	vmul.bf16 v31, v9;
	v9 =	vmul.bf16 v28, v9  }
0x2bc: {  	v39 =	vld [tilespmem:s30+$0xFFFFFF90];
	v55 =	vbroadcast v6, $0x4;
	v58 =	vbroadcast v6, $0x5;
	v8 =	vpack.i.f32.bf16 v8, v8  }
0x2bd: {  	v49 =	vld [tilespmem:s30+$0xFFFFFF40];
	v60 =	vbroadcast v6, $0x2;
	[tilespmem:$0x1FEB0] =	vst v9;
	v9 =	vmul.bf16 v42, v8  }
0x2be: {  	v1 =	vld [tilespmem:s30+$0x90];
	v59 =	vbroadcast v6, $0x3;
	v61 =	vbroadcast v6, $0x0  }
0x2bf: {  	v6 =	vbroadcast v6, $0x1;
	v20 =	vmax.bf16 v2, v0;
	v0 =	vld [tilespmem:s30+$0x80];
	[tilespmem:$0x1FEC0] =	vst v9;
	v9 =	vmul.bf16 v43, v8  }
0x2c0: {  	v2 =	vld [tilespmem:s30+$0xA0];
	v11 =	vpack.i.f32.bf16 v11, v11;
	v24 =	vmul.bf16 v24, v8;
	[tilespmem:$0x1FEA0] =	vst v31;
	v8 =	vmul.bf16 v44, v8  }
0x2c1: {  	v57 =	vpack.i.f32.bf16 v10, v10;
	v40 =	vld [tilespmem:s30+$0xFFFFFFA0];
	v28 =	vmul.bf16 v45, v11;
	v10 =	vmul.bf16 v48, v11;
	[tilespmem:$0x1FED0] =	vst v9  }
0x2c2: {  	v41 =	vld [tilespmem:s30+$0xFFFFFFB0];
	v31 =	vmul.bf16 v50, v57;
	[tilespmem:$0x1FEE0] =	vst v8;
	v8 =	vpack.i.f32.bf16 v13, v13;
	v9 =	vmul.bf16 v46, v11  }
0x2c3: {  	v45 =	vld [tilespmem:s30+$0xFFFFFF70];
	v46 =	vpack.i.f32.bf16 v12, v12;
	v12 =	vmul.bf16 v4, v57;
	v13 =	vmul.bf16 v5, v57  }
0x2c4: {  	v50 =	vld [tilespmem:s30+$0xFFFFFF10];
	v42 =	vmul.bf16 v21, v8;
	v14 =	vmul.bf16 v14, v8  }
0x2c5: {  	v43 =	vld [tilespmem:s30+$0xFFFFFF50];
	v15 =	vmul.bf16 v15, v8;
	v16 =	vmul.bf16 v16, v8  }
0x2c6: {  	v62 =	vpack.i.f32.bf16 v22, v22;
	v44 =	vld [tilespmem:s30+$0xFFFFFF60];
	v48 =	vmul.bf16 v0, v46;
	v21 =	vmul.bf16 v1, v46  }
0x2c7: {  	[tilespmem:$0x1FE90] =	vst v54;
	v54 =	vpack.i.f32.bf16 v52, v52;
	v4 =	vld [tilespmem:s30+$0xFFFFFE40];
	v22 =	vmul.bf16 v2, v46;
	v23 =	vmul.bf16 v23, v46  }
0x2c8: {  	p1 =	sne.s32 s1, $0x300;
	v52 =	vpack.i.f32.bf16 v55, v55;
	[tilespmem:$0x1FEF0] =	vst v9;
	v9 =	vmul.bf16 v47, v11;
	v11 =	vmul.bf16 v3, v57;
	v3 =	vld [tilespmem:s30+$0xFFFFFE00]  }
.Ltmp5:
0x2c9: {  	v0 =	vld [tilespmem:s30+$0xFFFFFE80];
	v46 =	vpack.i.f32.bf16 v61, v61;
	v61 =	vmul.bf16 v56, v62;
	v47 =	vpack.i.f32.bf16 v51, v51;
	(pc) =	sbr.rel @p1 .LBB2_14-.Ltmp5, $4  }
0x2ca: {  	v1 =	vld [tilespmem:s30+$0xFFFFFEC0];
	v56 =	vpack.i.f32.bf16 v60, v60;
	v57 =	vpack.i.f32.bf16 v53, v53;
	v55 =	vmul.bf16 v25, v47  }
0x2cb: {  	v60 =	vld [tilespmem:s30+$0xFFFFFED0];
	v53 =	vpack.i.f32.bf16 v58, v58;
	v25 =	vmul.bf16 v26, v47;
	v26 =	vmul.bf16 v27, v47  }
0x2cc: {  	v58 =	vld [tilespmem:s30+$0xFFFFFF20];
	v27 =	vmul.bf16 v30, v47;
	v47 =	vpack.i.f32.bf16 v6, v6;
	v30 =	vmul.bf16 v7, v62  }
0x2cd: {  	s1 =	sadd.s32 $0x40, s1;
	v51 =	vpack.i.f32.bf16 v59, v59;
	v59 =	vld [tilespmem:s30+$0xFFFFFF30];
	v2 =	vmul.bf16 v3, v46;
	v3 =	vmul.bf16 v4, v47  }
0x2ce: {  	_ = 	snop  }
0x2cf: {  	v0 =	vmul.bf16 v0, v56;
	v2 =	vmax.bf16 v29, v2  }
0x2d0: {  	v8 =	vmul.bf16 v49, v53;
	v1 =	vmul.bf16 v1, v51;
	v2 =	vmax.bf16 v2, v3  }
0x2d1: {  	v3 =	vmul.bf16 v63, v52;
	v0 =	vmax.bf16 v2, v0;
	v2 =	vmul.bf16 v32, v57  }
0x2d2: {  	v32 =	vmul.bf16 v33, v57;
	v33 =	vmul.bf16 v34, v57;
	v0 =	vmax.bf16 v0, v1  }
0x2d3: {  	v29 =	vld [tilespmem:s30+$0xFFFFFE90];
	v0 =	vmax.bf16 v0, v3;
	v3 =	vmul.bf16 v35, v57;
	v57 =	vmul.bf16 v38, v54  }
0x2d4: {  	v63 =	vld [tilespmem:s30+$0xFFFFFE60];
	v0 =	vmax.bf16 v0, v8  }
0x2d5: {  	v4 =	vmul.bf16 v36, v62;
	v1 =	vld [tilespmem:s30+$0xFFFFFEA0];
	v0 =	vmax.bf16 v0, v57  }
0x2d6: {  	v5 =	vmul.bf16 v37, v62;
	v36 =	vmul.bf16 v39, v54;
	v38 =	vld [tilespmem:s30+$0xFFFFFE10];
	v0 =	vmax.bf16 v0, v2  }
0x2d7: {  	v37 =	vmul.bf16 v40, v54;
	v35 =	vmul.bf16 v41, v54;
	v41 =	vld [tilespmem:s30+$0xFFFFFE20];
	v0 =	vmax.bf16 v0, v61  }
0x2d8: {  	v39 =	vmul.bf16 v43, v53;
	v40 =	vmul.bf16 v45, v53;
	v8 =	vld [tilespmem:s30+$0xFFFFFE50];
	v0 =	vmax.bf16 v0, v55  }
0x2d9: {  	v43 =	vmul.bf16 v50, v52;
	v45 =	vmul.bf16 v58, v52;
	v0 =	vmax.bf16 v0, v48  }
0x2da: {  	v6 =	vld [tilespmem:s30+$0xFFFFFEE0];
	v49 =	vmul.bf16 v59, v52;
	v52 =	vmul.bf16 v60, v51;
	v0 =	vmax.bf16 v0, v42  }
0x2db: {  	v29 =	vmul.bf16 v29, v56;
	v59 =	vmul.bf16 v63, v47;
	v0 =	vmax.bf16 v0, v31  }
0x2dc: {  	v31 =	vmul.bf16 v38, v46;
	v0 =	vmax.bf16 v0, v28;
	v28 =	vmul.bf16 v41, v46  }
0x2dd: {  	v57 =	vmul.bf16 v1, v56;
	v8 =	vmul.bf16 v8, v47;
	v0 =	vmax.bf16 v0, v24  }
0x2de: {  	v1 =	vmax.bf16 v0, v17;
	v0 =	vmax.bf16 v18, v31;
	v61 =	vmax.bf16 v19, v28  }
0x2df: {  	v6 =	vmul.bf16 v6, v51;
	v0 =	vmax.bf16 v0, v8;
	v8 =	vmax.bf16 v61, v59  }
0x2e0: {  	v0 =	vmax.bf16 v0, v29;
	v8 =	vmax.bf16 v8, v57  }
0x2e1: {  	v2 =	vmul.bf16 v44, v53;
	v0 =	vmax.bf16 v0, v52;
	v6 =	vmax.bf16 v8, v6  }
0x2e2: {  	v0 =	vmax.bf16 v0, v43;
	v6 =	vmax.bf16 v6, v45  }
0x2e3: {  	v0 =	vmax.bf16 v0, v39;
	v2 =	vmax.bf16 v6, v2  }
0x2e4: {  	v62 =	vld [tilespmem:s30+$0xFFFFFE30];
	v0 =	vmax.bf16 v0, v36;
	v2 =	vmax.bf16 v2, v37  }
0x2e5: {  	v55 =	vld [tilespmem:s30+$0xFFFFFE70];
	v0 =	vmax.bf16 v0, v32;
	v2 =	vmax.bf16 v2, v33  }
0x2e6: {  	v0 =	vmax.bf16 v0, v30;
	v2 =	vmax.bf16 v2, v4;
	v4 =	vld [tilespmem:$0x1FEF0]  }
0x2e7: {  	v34 =	vld [tilespmem:s30+$0xFFFFFEB0];
	v0 =	vmax.bf16 v0, v25  }
0x2e8: {  	v7 =	vld [tilespmem:s30+$0xFFFFFEF0];
	v0 =	vmax.bf16 v0, v21  }
0x2e9: {  	v0 =	vmax.bf16 v0, v14  }
0x2ea: {  	v58 =	vmul.bf16 v62, v46;
	v0 =	vmax.bf16 v0, v11  }
0x2eb: {  	v60 =	vmul.bf16 v55, v47;
	v0 =	vmax.bf16 v0, v4;
	v4 =	vld [tilespmem:$0x1FEC0]  }
0x2ec: {  	v62 =	vmax.bf16 v20, v58;
	v34 =	vmul.bf16 v34, v56  }
0x2ed: {  	v7 =	vmul.bf16 v7, v51;
	v63 =	vmax.bf16 v62, v60  }
0x2ee: {  	v17 =	vmax.bf16 v63, v34  }
0x2ef: {  	v7 =	vmax.bf16 v17, v7  }
0x2f0: {  	v7 =	vmax.bf16 v7, v49;
	v2 =	vmax.bf16 v2, v26;
	v0 =	vmax.bf16 v0, v4;
	v4 =	vld [tilespmem:$0x1FED0]  }
0x2f1: {  	v6 =	vmax.bf16 v7, v40;
	v2 =	vmax.bf16 v2, v22  }
0x2f2: {  	v6 =	vmax.bf16 v6, v35;
	v2 =	vmax.bf16 v2, v15  }
0x2f3: {  	v3 =	vmax.bf16 v6, v3;
	v2 =	vmax.bf16 v2, v12  }
0x2f4: {  	v3 =	vmax.bf16 v3, v5;
	v2 =	vmax.bf16 v2, v9  }
0x2f5: {  	v3 =	vmax.bf16 v3, v27;
	v2 =	vmax.bf16 v2, v4;
	v4 =	vld [tilespmem:$0x1FEE0]  }
0x2f6: {  	v3 =	vmax.bf16 v3, v23  }
0x2f7: {  	v3 =	vmax.bf16 v3, v16  }
0x2f8: {  	v3 =	vmax.bf16 v3, v13  }
0x2f9: {  	v3 =	vmax.bf16 v3, v10  }
0x2fa: {  	v4 =	vmax.bf16 v3, v4;
	v3 =	vld [tilespmem:$0x1FE90];
	_ =	sdelay $0x4  }
0x2fb: {  	v5 =	vmax.bf16 v0, v3;
	v0 =	vld [tilespmem:$0x1FEA0];
	_ =	sdelay $0x4  }
0x2fc: {  	v3 =	vmax.bf16 v2, v0;
	v0 =	vld [tilespmem:$0x1FEB0];
	_ =	sdelay $0x3  }
0x2fd: {  	v8 =	vimm.bf16 $-Inf;
	v7 =	vimm.bf16 $-Inf;
	v30 =	vimm.bf16 $-Inf  }
0x2fe: {  	s1 =	simm.s32 $0xEBF0;
	v2 =	vmax.bf16 v4, v0;
	v4 =	vmov s15;
	v0 =	vimm.bf16 $-Inf  }
.LBB2_16:
0x2ff: {  	v9 =	vld [tilespmem:s1+$0xFFFFFC10]  }
0x300: {  	v10 =	vld [tilespmem:s1+$0xFFFFFC20]  }
0x301: {  	v11 =	vld [tilespmem:s1+$0xFFFFFC30]  }
0x302: {  	v12 =	vld [tilespmem:s1+$0xFFFFFC40]  }
0x303: {  	v13 =	vld [tilespmem:s1+$0xFFFFFC50]  }
0x304: {  	s4 =	sshra.s32 s22, $0x2;
	v14 =	vld [tilespmem:s1+$0xFFFFFC60]  }
0x305: {  	v6 =	vld.idx.msk [tilespmem:v4+s4+$0x0 ss:$0x1], $0xffff  }
0x306: {  	v15 =	vld [tilespmem:s1+$0xFFFFFC70]  }
0x307: {  	v16 =	vld [tilespmem:s1+$0xFFFFFC80]  }
0x308: {  	v17 =	vld [tilespmem:s1+$0xFFFFFC90]  }
0x309: {  	v18 =	vld [tilespmem:s1+$0xFFFFFCA0]  }
0x30a: {  	v19 =	vld [tilespmem:s1+$0xFFFFFCB0];
	v6 =	vshrl.u32 v6, $0x11  }
0x30b: {  	v20 =	vld [tilespmem:s1+$0xFFFFFCC0];
	v6 =	vcvt.s32.f32 v6  }
0x30c: {  	v21 =	vld [tilespmem:s1+$0xFFFFFCD0]  }
0x30d: {  	v22 =	vld [tilespmem:s1+$0xFFFFFCE0];
	v6 =	vmul.f32 $3.051850940e-05, v6  }
0x30e: {  	v24 =	vld [tilespmem:s1+$0xFFFFFCF0]  }
0x30f: {  	v25 =	vld [tilespmem:s1+$0xFFFFFD00];
	v23 =	vbroadcast v6, $0x0  }
0x310: {  	v26 =	vld [tilespmem:s1+$0xFFFFFD10]  }
0x311: {  	v27 =	vld [tilespmem:s1+$0xFFFFFD20];
	v28 =	vbroadcast v6, $0x1;
	v56 =	vbroadcast v6, $0x2;
	v23 =	vpack.i.f32.bf16 v23, v23  }
0x312: {  	v29 =	vld [tilespmem:s1+$0xFFFFFD30];
	v61 =	vbroadcast v6, $0x3;
	v9 =	vmul.bf16 v9, v23  }
0x313: {  	v55 =	vld [tilespmem:s1+$0xFFFFFD50];
	v33 =	vbroadcast v6, $0x4;
	v42 =	vbroadcast v6, $0x5  }
0x314: {  	v58 =	vld [tilespmem:s1+$0xFFFFFD80];
	v48 =	vbroadcast v6, $0x6;
	v8 =	vmax.bf16 v8, v9;
	v9 =	vmul.bf16 v11, v23  }
0x315: {  	v60 =	vld [tilespmem:s1+$0xFFFFFD90];
	v54 =	vpack.i.f32.bf16 v28, v28;
	v57 =	vpack.i.f32.bf16 v56, v56;
	v10 =	vmul.bf16 v10, v23  }
0x316: {  	v62 =	vld [tilespmem:s1+$0xFFFFFDA0];
	v46 =	vpack.i.f32.bf16 v42, v42;
	v0 =	vmax.bf16 v0, v9;
	v9 =	vmul.bf16 v13, v54  }
0x317: {  	v32 =	vld [tilespmem:s1+$0xFFFFFDB0];
	v14 =	vmul.bf16 v14, v54;
	v7 =	vmax.bf16 v7, v10;
	v10 =	vmul.bf16 v12, v23  }
0x318: {  	v34 =	vld [tilespmem:s1+$0xFFFFFDC0];
	v15 =	vmul.bf16 v15, v54;
	v8 =	vmax.bf16 v8, v9;
	v9 =	vmul.bf16 v16, v54  }
0x319: {  	v36 =	vld [tilespmem:s1+$0xFFFFFDD0];
	v59 =	vmul.bf16 v17, v57;
	v63 =	vmul.bf16 v19, v57;
	v10 =	vmax.bf16 v30, v10  }
0x31a: {  	v39 =	vld [tilespmem:s1+$0xFFFFFDE0];
	v23 =	vpack.i.f32.bf16 v48, v48;
	v9 =	vmax.bf16 v10, v9;
	v10 =	vmul.bf16 v18, v57  }
0x31b: {  	v41 =	vld [tilespmem:s1+$0xFFFFFDF0];
	v12 =	vmul.bf16 v20, v57;
	v7 =	vmax.bf16 v7, v14;
	v52 =	vmul.bf16 v60, v23  }
0x31c: {  	v11 =	vld [tilespmem:s1+$0xFFFFFD40];
	v0 =	vmax.bf16 v0, v15;
	v7 =	vmax.bf16 v7, v10;
	v10 =	vpack.i.f32.bf16 v61, v61  }
0x31d: {  	v43 =	vld [tilespmem:s1+$0xFFFFFE00];
	v0 =	vmax.bf16 v0, v63;
	v35 =	vmul.bf16 v21, v10;
	v37 =	vmul.bf16 v22, v10  }
0x31e: {  	v28 =	vld [tilespmem:s1+$0xFFFFFD60];
	v16 =	vpack.i.f32.bf16 v33, v33;
	v38 =	vmul.bf16 v24, v10;
	v10 =	vmul.bf16 v25, v10  }
0x31f: {  	v30 =	vld [tilespmem:s1+$0xFFFFFD70];
	v54 =	vbroadcast v6, $0x7;
	v8 =	vmax.bf16 v8, v59;
	v9 =	vmax.bf16 v9, v12  }
0x320: {  	v44 =	vld [tilespmem:s1+$0xFFFFFE10];
	v40 =	vmul.bf16 v26, v16;
	v9 =	vmax.bf16 v9, v10;
	v10 =	vmul.bf16 v27, v16  }
0x321: {  	v47 =	vld [tilespmem:s1+$0xFFFFFE20];
	v45 =	vmul.bf16 v29, v16;
	v11 =	vmul.bf16 v11, v16;
	v7 =	vmax.bf16 v7, v37  }
0x322: {  	v49 =	vld [tilespmem:s1+$0xFFFFFE30];
	v8 =	vmax.bf16 v8, v35;
	v7 =	vmax.bf16 v7, v10;
	v10 =	vmul.bf16 v55, v46  }
0x323: {  	v50 =	vld [tilespmem:s1+$0xFFFFFE40];
	v8 =	vmax.bf16 v8, v40;
	v9 =	vmax.bf16 v9, v11;
	v11 =	vmul.bf16 v28, v46  }
0x324: {  	v51 =	vld [tilespmem:s1+$0xFFFFFE50];
	v0 =	vmax.bf16 v0, v38;
	v8 =	vmax.bf16 v8, v10;
	v10 =	vmul.bf16 v30, v46  }
0x325: {  	v53 =	vld [tilespmem:s1+$0xFFFFFE60];
	v0 =	vmax.bf16 v0, v45;
	v7 =	vmax.bf16 v7, v11;
	v11 =	vmul.bf16 v58, v46  }
0x326: {  	v56 =	vld [tilespmem:s1+$0xFFFFFE80];
	v16 =	vpack.i.f32.bf16 v54, v54;
	v0 =	vmax.bf16 v0, v10;
	v10 =	vmul.bf16 v62, v23  }
0x327: {  	v48 =	vld [tilespmem:s1+$0xFFFFFF90];
	v35 =	vbroadcast v6, $0xA;
	v9 =	vmax.bf16 v9, v11;
	v11 =	vmul.bf16 v32, v23  }
0x328: {  	v63 =	vld [tilespmem:s1+$0xFFFFFED0];
	v60 =	vmul.bf16 v41, v16;
	v7 =	vmax.bf16 v7, v10;
	v10 =	vmul.bf16 v34, v23  }
0x329: {  	v33 =	vld [tilespmem:s1+$0xFFFFFEE0];
	v58 =	vbroadcast v6, $0x8;
	v0 =	vmax.bf16 v0, v11;
	v11 =	vmul.bf16 v36, v16  }
0x32a: {  	v59 =	vld [tilespmem:s1+$0xFFFFFEA0];
	v8 =	vmax.bf16 v8, v52;
	v9 =	vmax.bf16 v9, v10;
	v10 =	vmul.bf16 v39, v16  }
0x32b: {  	v61 =	vld [tilespmem:s1+$0xFFFFFEB0];
	v14 =	vpack.i.f32.bf16 v58, v58;
	v8 =	vmax.bf16 v8, v11;
	v11 =	vmul.bf16 v43, v16  }
0x32c: {  	v40 =	vbroadcast v6, $0xB;
	v62 =	vld [tilespmem:s1+$0xFFFFFEC0];
	v7 =	vmax.bf16 v7, v10;
	v10 =	vmul.bf16 v44, v14  }
0x32d: {  	v57 =	vld [tilespmem:s1+$0xFFFFFE90];
	v32 =	vbroadcast v6, $0x9;
	v9 =	vmax.bf16 v9, v11;
	v11 =	vmul.bf16 v47, v14  }
0x32e: {  	v55 =	vld [tilespmem:s1+$0xFFFFFE70];
	v20 =	vpack.i.f32.bf16 v35, v35;
	v8 =	vmax.bf16 v8, v10;
	v10 =	vmul.bf16 v49, v14  }
0x32f: {  	v37 =	vld [tilespmem:s1+$0xFFFFFF10];
	v0 =	vmax.bf16 v0, v60;
	v7 =	vmax.bf16 v7, v11;
	v11 =	vpack.i.f32.bf16 v32, v32  }
0x330: {  	v38 =	vld [tilespmem:s1+$0xFFFFFF20];
	v42 =	vmul.bf16 v61, v20;
	v0 =	vmax.bf16 v0, v10;
	v10 =	vmul.bf16 v51, v11  }
0x331: {  	v54 =	vld [tilespmem:s1+$0xFFFFFFD0];
	v16 =	vmul.bf16 v62, v20;
	v14 =	vmul.bf16 v50, v14  }
0x332: {  	v39 =	vld [tilespmem:s1+$0xFFFFFF30];
	v44 =	vbroadcast v6, $0xC;
	v8 =	vmax.bf16 v8, v10;
	v10 =	vmul.bf16 v56, v11  }
0x333: {  	v34 =	vld [tilespmem:s1+$0xFFFFFEF0];
	v15 =	vmul.bf16 v53, v11;
	v17 =	vmul.bf16 v55, v11;
	v9 =	vmax.bf16 v9, v14  }
0x334: {  	v41 =	vld [tilespmem:s1+$0xFFFFFF40];
	v12 =	vpack.i.f32.bf16 v44, v44;
	v9 =	vmax.bf16 v9, v10;
	v10 =	vmul.bf16 v59, v20  }
0x335: {  	v43 =	vld [tilespmem:s1+$0xFFFFFF60];
	v7 =	vmax.bf16 v7, v15;
	v15 =	vpack.i.f32.bf16 v40, v40;
	v11 =	vmul.bf16 v57, v20  }
0x336: {  	v36 =	vld [tilespmem:s1+$0xFFFFFF00];
	v50 =	vbroadcast v6, $0xD;
	v7 =	vmax.bf16 v7, v10;
	v10 =	vmul.bf16 v63, v15  }
0x337: {  	v45 =	vld [tilespmem:s1+$0xFFFFFF70];
	v13 =	vmul.bf16 v39, v12;
	v14 =	vmul.bf16 v37, v12;
	v8 =	vmax.bf16 v8, v11  }
0x338: {  	v0 =	vmax.bf16 v0, v17;
	v11 =	vld [tilespmem:s1+$0xFFFFFF50];
	v8 =	vmax.bf16 v8, v10;
	v10 =	vmul.bf16 v34, v15  }
0x339: {  	v52 =	vld [tilespmem:s1+$0xFFFFFFC0];
	v53 =	vpack.i.f32.bf16 v50, v50;
	v46 =	vmul.bf16 v33, v15;
	v0 =	vmax.bf16 v0, v42  }
0x33a: {  	v47 =	vld [tilespmem:s1+$0xFFFFFF80];
	v55 =	vmul.bf16 v43, v53;
	v0 =	vmax.bf16 v0, v10;
	v10 =	vmul.bf16 v38, v12  }
0x33b: {  	v58 =	vld [tilespmem:s1+$0xFFFFFFF0];
	v57 =	vbroadcast v6, $0xE;
	v7 =	vmax.bf16 v7, v46;
	v15 =	vmul.bf16 v36, v15  }
0x33c: {  	v49 =	vld [tilespmem:s1+$0xFFFFFFA0];
	v9 =	vmax.bf16 v9, v16;
	v7 =	vmax.bf16 v7, v10;
	v10 =	vmul.bf16 v41, v12  }
0x33d: {  	v56 =	vld [tilespmem:s1+$0xFFFFFFE0];
	v6 =	vbroadcast v6, $0xF;
	v11 =	vmul.bf16 v11, v53;
	v9 =	vmax.bf16 v9, v15  }
0x33e: {  	v51 =	vld [tilespmem:s1+$0xFFFFFFB0];
	v8 =	vmax.bf16 v8, v14;
	v9 =	vmax.bf16 v9, v10;
	v10 =	vmul.bf16 v45, v53  }
0x33f: {  	v59 =	vld [tilespmem:s1+$0x0];
	v0 =	vmax.bf16 v0, v13;
	v8 =	vmax.bf16 v8, v11;
	v11 =	vmul.bf16 v47, v53  }
0x340: {  	v6 =	vpack.i.f32.bf16 v6, v6;
	v0 =	vmax.bf16 v0, v10;
	v10 =	vpack.i.f32.bf16 v57, v57  }
0x341: {  	p1 =	sne.s32 s22, $0x40;
	v63 =	vmul.bf16 v58, v6;
	v9 =	vmax.bf16 v9, v11;
	v11 =	vmul.bf16 v48, v10  }
.Ltmp6:
0x342: {  	v62 =	vmul.bf16 v56, v6;
	v7 =	vmax.bf16 v7, v55;
	v60 =	vmul.bf16 v49, v10;
	(pc) =	sbr.rel @p1 .LBB2_16-.Ltmp6, $4  }
0x343: {  	v61 =	vmul.bf16 v51, v10;
	v10 =	vmul.bf16 v52, v10;
	v8 =	vmax.bf16 v8, v11  }
0x344: {  	v11 =	vmul.bf16 v54, v6;
	v7 =	vmax.bf16 v7, v60;
	v6 =	vmul.bf16 v59, v6  }
0x345: {  	v0 =	vmax.bf16 v0, v61;
	v9 =	vmax.bf16 v9, v10;
	v7 =	vmax.bf16 v7, v62  }
0x346: {  	s22 =	sadd.s32 $0x40, s22;
	s1 =	sadd.s32 $0x400, s1;
	v0 =	vmax.bf16 v0, v63;
	v8 =	vmax.bf16 v8, v11;
	v30 =	vmax.bf16 v9, v6  }
0x347: {  	s1 =	sshll.u32 s21, $0x6  }
0x348: {  	s1 =	sand.u32 $0x7FFFFFC0, s1  }
0x349: {  	[tilespmem:s1+$0x13400] =	vst v1  }
0x34a: {  	[tilespmem:s1+$0x12C00] =	vst v8  }
0x34b: {  	[tilespmem:s1+$0x13410] =	vst v5  }
0x34c: {  	[tilespmem:s1+$0x12C10] =	vst v7  }
0x34d: {  	[tilespmem:s1+$0x13420] =	vst v3  }
0x34e: {  	[tilespmem:s1+$0x12C20] =	vst v0  }
0x34f: {  	[tilespmem:s1+$0x13430] =	vst v2  }
0x350: {  	s4 =	simm.s32 @!p0 $0x78;
	s21 =	simm.s32 @!p0 $0xB400;
	[tilespmem:s1+$0x12C30] =	vst v30;
	s1 =	sadd.s32 @!p0 $0x23A0, s20  }
0x351: {  	[tilespmem:s21], [sflag:$0x3] =	stream.indirect.gather @!p0 [hbm4b:s3+s4], $0x40, s1, s4, $0xb8;
	[tilespmem:$0x13C00] =	vst v63  }
0x352: {  	s1 =	sadd.s32 @!p0 $0x2418, s20;
	s20 =	simm.s32 @!p0 $0xD200  }
0x353: {  	[tilespmem:s20], [sflag:$0x3] =	stream.indirect.gather @!p0 [hbm4b:s3+s4], $0x40, s1, s4, $0xb8;
	[tilespmem:$0x13C00] =	vst v63  }
0x354: {  	_ =	swait.ge [sflag:s29], $0x1E00  }
0x355: {  	[sflag:s29] =	ssyncset.done $0x0  }
0x356: {  	[sflag:s29] =	ssyncadd.s32 $0xFFFFE200  }
0x357: {  	_ =	swait.ge [sflag:s29], $0x1E00  }
0x358: {  	[sflag:s29] =	ssyncset.done $0x0  }
0x359: {  	s21 =	simm.s32 $0xF200;
	[sflag:s29] =	ssyncadd.s32 $0xFFFFE200  }
0x35a: {  	v0 =	vld [tilespmem:s21+$0x1C0]  }
0x35b: {  	v1 =	vld [tilespmem:s21+$0x1D0]  }
0x35c: {  	v2 =	vld [tilespmem:s21+$0x1E0]  }
0x35d: {  	v3 =	vld [tilespmem:s21+$0x1F0]  }
0x35e: {  	v5 =	vld [tilespmem:s21+$0x180]  }
0x35f: {  	v6 =	vld [tilespmem:s21+$0x190]  }
0x360: {  	v7 =	vld [tilespmem:s21+$0x1A0]  }
0x361: {  	v8 =	vld [tilespmem:s21+$0x1B0]  }
0x362: {  	v9 =	vld [tilespmem:s21+$0x140]  }
0x363: {  	v10 =	vld [tilespmem:s21+$0x150]  }
0x364: {  	v11 =	vld [tilespmem:s21+$0x160]  }
0x365: {  	v12 =	vld [tilespmem:s21+$0x170]  }
0x366: {  	v13 =	vld [tilespmem:s21+$0x100]  }
0x367: {  	v4 =	vmov s16;
	v14 =	vld [tilespmem:s21+$0x110]  }
0x368: {  	v15 =	vld [tilespmem:s21+$0x120]  }
0x369: {  	v16 =	vld [tilespmem:s21+$0x130]  }
0x36a: {  	v18 =	vld [tilespmem:s21+$0xC0]  }
0x36b: {  	s31 =	simm.s32 $0x0;
	v53 =	vld [tilespmem:s21+$0xD0]  }
0x36c: {  	[tilespmem:$0x1FE00] =	vst v4;
	v4 =	vld.idx.msk [tilespmem:v4+s31+$0x0 ss:$0x1], $0xffff  }
0x36d: {  	v20 =	vld [tilespmem:s21+$0xE0]  }
0x36e: {  	v21 =	vld [tilespmem:s21+$0xF0]  }
0x36f: {  	v22 =	vld [tilespmem:s21+$0x80]  }
0x370: {  	v23 =	vld [tilespmem:s21+$0x90]  }
0x371: {  	v25 =	vld [tilespmem:s21+$0xA0];
	v4 =	vshrl.u32 v4, $0x11  }
0x372: {  	v26 =	vld [tilespmem:s21+$0xB0];
	v4 =	vcvt.s32.f32 v4  }
0x373: {  	v55 =	vld [tilespmem:s21+$0x40]  }
0x374: {  	v29 =	vld [tilespmem:s21+$0x50];
	v4 =	vmul.f32 $3.051850940e-05, v4  }
0x375: {  	v30 =	vld [tilespmem:s21+$0x60]  }
0x376: {  	v47 =	vld [tilespmem:s21+$0x70];
	v24 =	vbroadcast v4, $0xE;
	v17 =	vbroadcast v4, $0xF  }
0x377: {  	v59 =	vld [tilespmem:s21+$0x0];
	v28 =	vbroadcast v4, $0xC;
	v31 =	vbroadcast v4, $0xD  }
0x378: {  	v60 =	vld [tilespmem:s21+$0x10];
	v42 =	vbroadcast v4, $0xA;
	v43 =	vbroadcast v4, $0xB  }
0x379: {  	v36 =	vld [tilespmem:s21+$0x20];
	v46 =	vbroadcast v4, $0x8;
	v45 =	vbroadcast v4, $0x9  }
0x37a: {  	v37 =	vld [tilespmem:s21+$0x30];
	v48 =	vbroadcast v4, $0x6;
	v50 =	vbroadcast v4, $0x7  }
0x37b: {  	v32 =	vld [tilespmem:s21+$0xFFFFFFC0];
	v51 =	vbroadcast v4, $0x4;
	v52 =	vbroadcast v4, $0x5;
	v40 =	vpack.i.f32.bf16 v17, v17  }
0x37c: {  	v33 =	vld [tilespmem:s21+$0xFFFFFFD0];
	v17 =	vmul.bf16 v0, v40;
	v0 =	vmul.bf16 v1, v40  }
0x37d: {  	v34 =	vld [tilespmem:s21+$0xFFFFFFE0];
	v56 =	vbroadcast v4, $0x2;
	v1 =	vmul.bf16 v2, v40  }
0x37e: {  	v35 =	vld [tilespmem:s21+$0xFFFFFFF0];
	v58 =	vbroadcast v4, $0x3;
	v61 =	vbroadcast v4, $0x0;
	[tilespmem:$0x1FE10] =	vst v0  }
0x37f: {  	v38 =	vld [tilespmem:s21+$0xFFFFFF80];
	v19 =	vbroadcast v4, $0x1;
	v0 =	vpack.i.f32.bf16 v24, v24;
	[tilespmem:$0x1FE20] =	vst v1;
	v1 =	vmul.bf16 v3, v40  }
0x380: {  	v39 =	vld [tilespmem:s21+$0xFFFFFF90];
	v27 =	vpack.i.f32.bf16 v45, v45;
	v62 =	vpack.i.f32.bf16 v46, v46;
	v2 =	vmul.bf16 v6, v0  }
0x381: {  	v41 =	vld [tilespmem:s21+$0xFFFFFFB0];
	v46 =	vpack.i.f32.bf16 v61, v61;
	v55 =	vmul.bf16 v55, v27;
	v61 =	vmul.bf16 v59, v62;
	[tilespmem:$0x1FE30] =	vst v1  }
0x382: {  	v49 =	vld [tilespmem:s21+$0xFFFFFF40];
	v24 =	vmul.bf16 v5, v0;
	v1 =	vpack.i.f32.bf16 v31, v31;
	[tilespmem:$0x1FE40] =	vst v2;
	v2 =	vmul.bf16 v7, v0  }
0x383: {  	v44 =	vld [tilespmem:s21+$0xFFFFFF60];
	v0 =	vmul.bf16 v8, v0;
	v3 =	vmul.bf16 v10, v1  }
0x384: {  	v63 =	vld [tilespmem:s21+$0xFFFFFF00];
	v10 =	vmul.bf16 v12, v1;
	[tilespmem:$0x1FE50] =	vst v2;
	v2 =	vpack.i.f32.bf16 v28, v28;
	v28 =	vmul.bf16 v9, v1  }
0x385: {  	v45 =	vld [tilespmem:s21+$0xFFFFFF70];
	v57 =	vpack.i.f32.bf16 v50, v50;
	v9 =	vmul.bf16 v11, v1;
	v31 =	vmul.bf16 v13, v2  }
0x386: {  	v50 =	vld [tilespmem:s21+$0xFFFFFF10];
	[tilespmem:$0x1FE60] =	vst v0;
	v0 =	vpack.i.f32.bf16 v43, v43;
	v11 =	vmul.bf16 v14, v2;
	v12 =	vmul.bf16 v15, v2  }
0x387: {  	v59 =	vld [tilespmem:s21+$0xFFFFFF30];
	[tilespmem:$0x1FE70] =	vst v3;
	v3 =	vpack.i.f32.bf16 v42, v42;
	v13 =	vmul.bf16 v16, v2;
	v42 =	vmul.bf16 v18, v0  }
0x388: {  	v40 =	vld [tilespmem:s21+$0xFFFFFFA0];
	v14 =	vmul.bf16 v53, v0;
	v15 =	vmul.bf16 v20, v0  }
0x389: {  	v54 =	vpack.i.f32.bf16 v48, v48;
	v2 =	vld [tilespmem:s21+$0xFFFFFE00];
	v16 =	vmul.bf16 v21, v0;
	v48 =	vmul.bf16 v22, v3  }
0x38a: {  	v56 =	vpack.i.f32.bf16 v56, v56;
	v18 =	vld [tilespmem:s21+$0xFFFFFE40];
	v21 =	vmul.bf16 v23, v3;
	v22 =	vmul.bf16 v25, v3  }
0x38b: {  	v43 =	vld [tilespmem:s21+$0xFFFFFF50];
	v53 =	vpack.i.f32.bf16 v52, v52;
	v23 =	vmul.bf16 v26, v3;
	v25 =	vmul.bf16 v29, v27  }
0x38c: {  	v52 =	vpack.i.f32.bf16 v51, v51;
	v0 =	vld [tilespmem:s21+$0xFFFFFE80];
	v26 =	vmul.bf16 v30, v27;
	v27 =	vmul.bf16 v47, v27  }
0x38d: {  	v1 =	vld [tilespmem:s21+$0xFFFFFEC0];
	v47 =	vpack.i.f32.bf16 v19, v19;
	v51 =	vpack.i.f32.bf16 v58, v58;
	v30 =	vmul.bf16 v60, v62  }
0x38e: {  	v58 =	vld [tilespmem:s21+$0xFFFFFF20];
	v29 =	vimm.bf16 $-Inf;
	v19 =	vimm.bf16 $-Inf;
	v20 =	vimm.bf16 $-Inf  }
0x38f: {  	s20 =	simm.s32 $0x0;
	s1 =	simm.s32 $0x40;
	v60 =	vld [tilespmem:s21+$0xFFFFFED0];
	v2 =	vmul.bf16 v2, v46;
	v3 =	vmul.bf16 v18, v47;
	v18 =	vimm.bf16 $-Inf  }
.LBB2_18:
0x390: {  	_ = 	snop  }
0x391: {  	v2 =	vmax.bf16 v29, v2;
	v29 =	vld [tilespmem:s21+$0xFFFFFEE0];
	v0 =	vmul.bf16 v0, v56  }
0x392: {  	v2 =	vmax.bf16 v2, v3;
	v3 =	vld [tilespmem:s21+$0xFFFFFEF0];
	v36 =	vmul.bf16 v36, v62;
	v1 =	vmul.bf16 v1, v51  }
0x393: {  	v37 =	vmul.bf16 v37, v62;
	v7 =	vmul.bf16 v63, v52;
	v63 =	vld [tilespmem:s21+$0xFFFFFEA0]  }
0x394: {  	v32 =	vmul.bf16 v32, v57;
	v33 =	vmul.bf16 v33, v57;
	v62 =	vld [tilespmem:s21+$0xFFFFFE50]  }
0x395: {  	v34 =	vmul.bf16 v34, v57;
	v35 =	vmul.bf16 v35, v57;
	v57 =	vld [tilespmem:s21+$0xFFFFFE10]  }
0x396: {  	v4 =	vmul.bf16 v43, v53;
	v43 =	vld [tilespmem:s21+$0xFFFFFE30];
	v0 =	vmax.bf16 v2, v0  }
0x397: {  	v5 =	vmul.bf16 v44, v53;
	v44 =	vld [tilespmem:s21+$0xFFFFFE70];
	v0 =	vmax.bf16 v0, v1;
	v1 =	vmul.bf16 v49, v53  }
0x398: {  	v38 =	vmul.bf16 v38, v54;
	v2 =	vld [tilespmem:s21+$0xFFFFFE90];
	v0 =	vmax.bf16 v0, v7  }
0x399: {  	v49 =	vld [tilespmem:s21+$0xFFFFFEB0];
	v0 =	vmax.bf16 v0, v1  }
0x39a: {  	v1 =	vmul.bf16 v39, v54;
	v39 =	vld [tilespmem:s21+$0xFFFFFE60];
	v0 =	vmax.bf16 v0, v38  }
0x39b: {  	v0 =	vmax.bf16 v0, v32;
	v32 =	vld [tilespmem:s21+$0xFFFFFE20];
	s21 =	sadd.s32 $0x400, s21  }
0x39c: {  	v38 =	vmul.bf16 v40, v54;
	v40 =	vld [tilespmem:s21+$0x1C0]  }
0x39d: {  	v54 =	vmul.bf16 v41, v54;
	v41 =	vld [tilespmem:s21+$0x1D0]  }
0x39e: {  	v53 =	vmul.bf16 v45, v53;
	v3 =	vmul.bf16 v3, v51;
	v45 =	vld [tilespmem:s21+$0x140]  }
0x39f: {  	v0 =	vmax.bf16 v0, v61;
	v61 =	vmul.bf16 v63, v56;
	v63 =	vmul.bf16 v49, v56;
	v49 =	vld [tilespmem:$0x1FE50]  }
0x3a0: {  	v7 =	vmul.bf16 v62, v47;
	v2 =	vmul.bf16 v2, v56;
	v56 =	vld [tilespmem:s21+$0x0]  }
0x3a1: {  	v0 =	vmax.bf16 v0, v55;
	v55 =	vmul.bf16 v60, v51;
	v60 =	vmul.bf16 v29, v51;
	v51 =	vld [tilespmem:$0x1FE60]  }
0x3a2: {  	v44 =	vmul.bf16 v44, v47;
	v39 =	vmul.bf16 v39, v47;
	v47 =	vld [tilespmem:s21+$0x160]  }
0x3a3: {  	v0 =	vmax.bf16 v0, v48;
	v48 =	vld [tilespmem:s21+$0x170]  }
0x3a4: {  	v0 =	vmax.bf16 v0, v42;
	v42 =	vld [tilespmem:s21+$0x190]  }
0x3a5: {  	v6 =	vmul.bf16 v57, v46;
	v0 =	vmax.bf16 v0, v31;
	v31 =	vld [tilespmem:s21+$0x1E0]  }
0x3a6: {  	v43 =	vmul.bf16 v43, v46;
	v32 =	vmul.bf16 v32, v46;
	v46 =	vld [tilespmem:s21+$0x150];
	v0 =	vmax.bf16 v0, v28  }
0x3a7: {  	v28 =	vld [tilespmem:s21+$0x1F0];
	v0 =	vmax.bf16 v0, v24  }
0x3a8: {  	v24 =	vld [tilespmem:s21+$0x180];
	v29 =	vmax.bf16 v0, v17  }
0x3a9: {  	v0 =	vmax.bf16 v18, v6;
	v17 =	vmax.bf16 v19, v32;
	v18 =	vmax.bf16 v20, v43;
	v43 =	vld [tilespmem:s21+$0x1A0]  }
0x3aa: {  	v50 =	vmul.bf16 v50, v52;
	v6 =	vld [tilespmem:$0x1FE70];
	v0 =	vmax.bf16 v0, v7;
	v17 =	vmax.bf16 v17, v39  }
0x3ab: {  	v58 =	vmul.bf16 v58, v52;
	v32 =	vld [tilespmem:s21+$0xFFFFFFC0];
	v0 =	vmax.bf16 v0, v2;
	v2 =	vmax.bf16 v17, v61  }
0x3ac: {  	v18 =	vmax.bf16 v18, v44;
	v44 =	vld [tilespmem:s21+$0x1B0];
	v0 =	vmax.bf16 v0, v55;
	v2 =	vmax.bf16 v2, v60  }
0x3ad: {  	v39 =	vld [tilespmem:$0x1FE40];
	v0 =	vmax.bf16 v0, v50;
	v2 =	vmax.bf16 v2, v58  }
0x3ae: {  	v7 =	vld [tilespmem:s21+$0x10];
	v0 =	vmax.bf16 v0, v4;
	v2 =	vmax.bf16 v2, v5  }
0x3af: {  	v0 =	vmax.bf16 v0, v1;
	v1 =	vmax.bf16 v2, v38;
	v38 =	vld [tilespmem:$0x1FE00]  }
0x3b0: {  	v52 =	vmul.bf16 v59, v52;
	v17 =	vmax.bf16 v18, v63;
	v63 =	vld [tilespmem:s21+$0xFFFFFF00]  }
0x3b1: {  	v3 =	vmax.bf16 v17, v3;
	v50 =	vld [tilespmem:s21+$0x100]  }
0x3b2: {  	v3 =	vmax.bf16 v3, v52;
	v52 =	vld [tilespmem:$0x1FE10]  }
0x3b3: {  	v4 =	vld [tilespmem:s21+$0x120]  }
0x3b4: {  	v3 =	vmax.bf16 v3, v53;
	v5 =	vld [tilespmem:s21+$0x130]  }
0x3b5: {  	v2 =	vmax.bf16 v3, v54;
	v3 =	vld [tilespmem:s21+$0x110]  }
0x3b6: {  	s4 =	sshra.s32 s1, $0x2;
	v0 =	vmax.bf16 v0, v33;
	v33 =	vld [tilespmem:s21+$0xFFFFFFD0]  }
0x3b7: {  	v8 =	vld.idx.msk [tilespmem:v38+s4+$0x0 ss:$0x1], $0xffff  }
0x3b8: {  	v1 =	vmax.bf16 v1, v34;
	v34 =	vld [tilespmem:s21+$0xFFFFFFE0];
	v0 =	vmax.bf16 v0, v30  }
0x3b9: {  	v2 =	vmax.bf16 v2, v35;
	v35 =	vld [tilespmem:s21+$0xFFFFFFF0];
	v0 =	vmax.bf16 v0, v25  }
0x3ba: {  	v1 =	vmax.bf16 v1, v36;
	v30 =	vld [tilespmem:s21+$0x70];
	v0 =	vmax.bf16 v0, v21  }
0x3bb: {  	v2 =	vmax.bf16 v2, v37;
	v36 =	vld [tilespmem:s21+$0x20];
	v1 =	vmax.bf16 v1, v26;
	v0 =	vmax.bf16 v0, v14  }
0x3bc: {  	v37 =	vld [tilespmem:s21+$0x30];
	v2 =	vmax.bf16 v2, v27;
	v0 =	vmax.bf16 v0, v11;
	v53 =	vshrl.u32 v8, $0x11  }
0x3bd: {  	v25 =	vld [tilespmem:s21+$0x40];
	v1 =	vmax.bf16 v1, v22;
	v0 =	vmax.bf16 v0, v6;
	v6 =	vcvt.s32.f32 v53  }
0x3be: {  	v26 =	vld [tilespmem:s21+$0x50];
	v2 =	vmax.bf16 v2, v23;
	v1 =	vmax.bf16 v1, v15  }
0x3bf: {  	v27 =	vld [tilespmem:s21+$0x60];
	v2 =	vmax.bf16 v2, v16;
	v1 =	vmax.bf16 v1, v12;
	v6 =	vmul.f32 $3.051850940e-05, v6  }
0x3c0: {  	v21 =	vld [tilespmem:s21+$0xC0];
	v2 =	vmax.bf16 v2, v13;
	v1 =	vmax.bf16 v1, v9;
	v0 =	vmax.bf16 v0, v39  }
0x3c1: {  	v18 =	vmax.bf16 v0, v52;
	v0 =	vld [tilespmem:$0x1FE20];
	v8 =	vbroadcast v6, $0xE;
	v9 =	vbroadcast v6, $0xF  }
0x3c2: {  	v23 =	vld [tilespmem:s21+$0xB0];
	v2 =	vmax.bf16 v2, v10;
	v10 =	vbroadcast v6, $0xC;
	v11 =	vbroadcast v6, $0xD  }
0x3c3: {  	v14 =	vld [tilespmem:s21+$0xD0];
	v1 =	vmax.bf16 v1, v49;
	v12 =	vbroadcast v6, $0xA;
	v13 =	vbroadcast v6, $0xB  }
0x3c4: {  	v15 =	vld [tilespmem:s21+$0xE0];
	v2 =	vmax.bf16 v2, v51;
	v22 =	vbroadcast v6, $0x8;
	v51 =	vbroadcast v6, $0x9  }
0x3c5: {  	v16 =	vld [tilespmem:s21+$0xF0];
	v52 =	vbroadcast v6, $0x6;
	v53 =	vbroadcast v6, $0x7;
	v9 =	vpack.i.f32.bf16 v9, v9  }
0x3c6: {  	v19 =	vmax.bf16 v1, v0;
	v0 =	vld [tilespmem:$0x1FE30];
	v17 =	vmul.bf16 v40, v9;
	v54 =	vmul.bf16 v41, v9  }
0x3c7: {  	v38 =	vld [tilespmem:s21+$0xFFFFFF80];
	v31 =	vmul.bf16 v31, v9;
	v9 =	vmul.bf16 v28, v9  }
0x3c8: {  	v39 =	vld [tilespmem:s21+$0xFFFFFF90];
	v55 =	vbroadcast v6, $0x4;
	v58 =	vbroadcast v6, $0x5;
	v8 =	vpack.i.f32.bf16 v8, v8  }
0x3c9: {  	v49 =	vld [tilespmem:s21+$0xFFFFFF40];
	v60 =	vbroadcast v6, $0x2;
	[tilespmem:$0x1FE30] =	vst v9;
	v9 =	vmul.bf16 v42, v8  }
0x3ca: {  	v1 =	vld [tilespmem:s21+$0x90];
	v59 =	vbroadcast v6, $0x3;
	v61 =	vbroadcast v6, $0x0  }
0x3cb: {  	v6 =	vbroadcast v6, $0x1;
	v20 =	vmax.bf16 v2, v0;
	v0 =	vld [tilespmem:s21+$0x80];
	[tilespmem:$0x1FE40] =	vst v9;
	v9 =	vmul.bf16 v43, v8  }
0x3cc: {  	v2 =	vld [tilespmem:s21+$0xA0];
	v11 =	vpack.i.f32.bf16 v11, v11;
	v24 =	vmul.bf16 v24, v8;
	[tilespmem:$0x1FE20] =	vst v31;
	v8 =	vmul.bf16 v44, v8  }
0x3cd: {  	v57 =	vpack.i.f32.bf16 v10, v10;
	v40 =	vld [tilespmem:s21+$0xFFFFFFA0];
	v28 =	vmul.bf16 v45, v11;
	v10 =	vmul.bf16 v48, v11;
	[tilespmem:$0x1FE50] =	vst v9  }
0x3ce: {  	v41 =	vld [tilespmem:s21+$0xFFFFFFB0];
	v31 =	vmul.bf16 v50, v57;
	[tilespmem:$0x1FE60] =	vst v8;
	v8 =	vpack.i.f32.bf16 v13, v13;
	v9 =	vmul.bf16 v46, v11  }
0x3cf: {  	v45 =	vld [tilespmem:s21+$0xFFFFFF70];
	v46 =	vpack.i.f32.bf16 v12, v12;
	v12 =	vmul.bf16 v4, v57;
	v13 =	vmul.bf16 v5, v57  }
0x3d0: {  	v50 =	vld [tilespmem:s21+$0xFFFFFF10];
	v42 =	vmul.bf16 v21, v8;
	v14 =	vmul.bf16 v14, v8  }
0x3d1: {  	v43 =	vld [tilespmem:s21+$0xFFFFFF50];
	v15 =	vmul.bf16 v15, v8;
	v16 =	vmul.bf16 v16, v8  }
0x3d2: {  	v62 =	vpack.i.f32.bf16 v22, v22;
	v44 =	vld [tilespmem:s21+$0xFFFFFF60];
	v48 =	vmul.bf16 v0, v46;
	v21 =	vmul.bf16 v1, v46  }
0x3d3: {  	[tilespmem:$0x1FE10] =	vst v54;
	v54 =	vpack.i.f32.bf16 v52, v52;
	v4 =	vld [tilespmem:s21+$0xFFFFFE40];
	v22 =	vmul.bf16 v2, v46;
	v23 =	vmul.bf16 v23, v46  }
0x3d4: {  	p0 =	sne.s32 s1, $0x300;
	v52 =	vpack.i.f32.bf16 v55, v55;
	[tilespmem:$0x1FE70] =	vst v9;
	v9 =	vmul.bf16 v47, v11;
	v11 =	vmul.bf16 v3, v57;
	v3 =	vld [tilespmem:s21+$0xFFFFFE00]  }
.Ltmp7:
0x3d5: {  	v0 =	vld [tilespmem:s21+$0xFFFFFE80];
	v46 =	vpack.i.f32.bf16 v61, v61;
	v61 =	vmul.bf16 v56, v62;
	v47 =	vpack.i.f32.bf16 v51, v51;
	(pc) =	sbr.rel @p0 .LBB2_18-.Ltmp7, $4  }
0x3d6: {  	v1 =	vld [tilespmem:s21+$0xFFFFFEC0];
	v56 =	vpack.i.f32.bf16 v60, v60;
	v57 =	vpack.i.f32.bf16 v53, v53;
	v55 =	vmul.bf16 v25, v47  }
0x3d7: {  	v60 =	vld [tilespmem:s21+$0xFFFFFED0];
	v53 =	vpack.i.f32.bf16 v58, v58;
	v25 =	vmul.bf16 v26, v47;
	v26 =	vmul.bf16 v27, v47  }
0x3d8: {  	v58 =	vld [tilespmem:s21+$0xFFFFFF20];
	v27 =	vmul.bf16 v30, v47;
	v47 =	vpack.i.f32.bf16 v6, v6;
	v30 =	vmul.bf16 v7, v62  }
0x3d9: {  	s1 =	sadd.s32 $0x40, s1;
	v51 =	vpack.i.f32.bf16 v59, v59;
	v59 =	vld [tilespmem:s21+$0xFFFFFF30];
	v2 =	vmul.bf16 v3, v46;
	v3 =	vmul.bf16 v4, v47  }
0x3da: {  	_ = 	snop  }
0x3db: {  	v0 =	vmul.bf16 v0, v56;
	v2 =	vmax.bf16 v29, v2  }
0x3dc: {  	v8 =	vmul.bf16 v49, v53;
	v1 =	vmul.bf16 v1, v51;
	v2 =	vmax.bf16 v2, v3  }
0x3dd: {  	v3 =	vmul.bf16 v63, v52;
	v0 =	vmax.bf16 v2, v0;
	v2 =	vmul.bf16 v32, v57  }
0x3de: {  	v32 =	vmul.bf16 v33, v57;
	v33 =	vmul.bf16 v34, v57;
	v0 =	vmax.bf16 v0, v1  }
0x3df: {  	v29 =	vld [tilespmem:s21+$0xFFFFFE90];
	v0 =	vmax.bf16 v0, v3;
	v3 =	vmul.bf16 v35, v57;
	v57 =	vmul.bf16 v38, v54  }
0x3e0: {  	v63 =	vld [tilespmem:s21+$0xFFFFFE60];
	v0 =	vmax.bf16 v0, v8  }
0x3e1: {  	v4 =	vmul.bf16 v36, v62;
	v1 =	vld [tilespmem:s21+$0xFFFFFEA0];
	v0 =	vmax.bf16 v0, v57  }
0x3e2: {  	v5 =	vmul.bf16 v37, v62;
	v36 =	vmul.bf16 v39, v54;
	v38 =	vld [tilespmem:s21+$0xFFFFFE10];
	v0 =	vmax.bf16 v0, v2  }
0x3e3: {  	v37 =	vmul.bf16 v40, v54;
	v35 =	vmul.bf16 v41, v54;
	v41 =	vld [tilespmem:s21+$0xFFFFFE20];
	v0 =	vmax.bf16 v0, v61  }
0x3e4: {  	v39 =	vmul.bf16 v43, v53;
	v40 =	vmul.bf16 v45, v53;
	v8 =	vld [tilespmem:s21+$0xFFFFFE50];
	v0 =	vmax.bf16 v0, v55  }
0x3e5: {  	v43 =	vmul.bf16 v50, v52;
	v45 =	vmul.bf16 v58, v52;
	v0 =	vmax.bf16 v0, v48  }
0x3e6: {  	v6 =	vld [tilespmem:s21+$0xFFFFFEE0];
	v49 =	vmul.bf16 v59, v52;
	v52 =	vmul.bf16 v60, v51;
	v0 =	vmax.bf16 v0, v42  }
0x3e7: {  	v29 =	vmul.bf16 v29, v56;
	v59 =	vmul.bf16 v63, v47;
	v0 =	vmax.bf16 v0, v31  }
0x3e8: {  	v31 =	vmul.bf16 v38, v46;
	v0 =	vmax.bf16 v0, v28;
	v28 =	vmul.bf16 v41, v46  }
0x3e9: {  	v57 =	vmul.bf16 v1, v56;
	v8 =	vmul.bf16 v8, v47;
	v0 =	vmax.bf16 v0, v24  }
0x3ea: {  	v1 =	vmax.bf16 v0, v17;
	v0 =	vmax.bf16 v18, v31;
	v61 =	vmax.bf16 v19, v28  }
0x3eb: {  	v6 =	vmul.bf16 v6, v51;
	v0 =	vmax.bf16 v0, v8;
	v8 =	vmax.bf16 v61, v59  }
0x3ec: {  	v0 =	vmax.bf16 v0, v29;
	v8 =	vmax.bf16 v8, v57  }
0x3ed: {  	v2 =	vmul.bf16 v44, v53;
	v0 =	vmax.bf16 v0, v52;
	v6 =	vmax.bf16 v8, v6  }
0x3ee: {  	v0 =	vmax.bf16 v0, v43;
	v6 =	vmax.bf16 v6, v45  }
0x3ef: {  	v0 =	vmax.bf16 v0, v39;
	v2 =	vmax.bf16 v6, v2  }
0x3f0: {  	v62 =	vld [tilespmem:s21+$0xFFFFFE30];
	v0 =	vmax.bf16 v0, v36;
	v2 =	vmax.bf16 v2, v37  }
0x3f1: {  	v55 =	vld [tilespmem:s21+$0xFFFFFE70];
	v0 =	vmax.bf16 v0, v32;
	v2 =	vmax.bf16 v2, v33  }
0x3f2: {  	v0 =	vmax.bf16 v0, v30;
	v2 =	vmax.bf16 v2, v4;
	v4 =	vld [tilespmem:$0x1FE70]  }
0x3f3: {  	v34 =	vld [tilespmem:s21+$0xFFFFFEB0];
	v0 =	vmax.bf16 v0, v25  }
0x3f4: {  	v7 =	vld [tilespmem:s21+$0xFFFFFEF0];
	v0 =	vmax.bf16 v0, v21  }
0x3f5: {  	v0 =	vmax.bf16 v0, v14  }
0x3f6: {  	v58 =	vmul.bf16 v62, v46;
	v0 =	vmax.bf16 v0, v11  }
0x3f7: {  	v60 =	vmul.bf16 v55, v47;
	v0 =	vmax.bf16 v0, v4;
	v4 =	vld [tilespmem:$0x1FE40]  }
0x3f8: {  	v62 =	vmax.bf16 v20, v58;
	v34 =	vmul.bf16 v34, v56  }
0x3f9: {  	v7 =	vmul.bf16 v7, v51;
	v63 =	vmax.bf16 v62, v60  }
0x3fa: {  	v17 =	vmax.bf16 v63, v34  }
0x3fb: {  	v7 =	vmax.bf16 v17, v7  }
0x3fc: {  	v7 =	vmax.bf16 v7, v49;
	v2 =	vmax.bf16 v2, v26;
	v0 =	vmax.bf16 v0, v4;
	v4 =	vld [tilespmem:$0x1FE50]  }
0x3fd: {  	v6 =	vmax.bf16 v7, v40;
	v2 =	vmax.bf16 v2, v22  }
0x3fe: {  	v6 =	vmax.bf16 v6, v35;
	v2 =	vmax.bf16 v2, v15  }
0x3ff: {  	v3 =	vmax.bf16 v6, v3;
	v2 =	vmax.bf16 v2, v12  }
0x400: {  	v3 =	vmax.bf16 v3, v5;
	v2 =	vmax.bf16 v2, v9  }
0x401: {  	v3 =	vmax.bf16 v3, v27;
	v2 =	vmax.bf16 v2, v4;
	v4 =	vld [tilespmem:$0x1FE60]  }
0x402: {  	v3 =	vmax.bf16 v3, v23  }
0x403: {  	v3 =	vmax.bf16 v3, v16  }
0x404: {  	v3 =	vmax.bf16 v3, v13  }
0x405: {  	v3 =	vmax.bf16 v3, v10  }
0x406: {  	v4 =	vmax.bf16 v3, v4;
	v3 =	vld [tilespmem:$0x1FE10];
	_ =	sdelay $0x4  }
0x407: {  	v5 =	vmax.bf16 v0, v3;
	v0 =	vld [tilespmem:$0x1FE20];
	_ =	sdelay $0x4  }
0x408: {  	v3 =	vmax.bf16 v2, v0;
	v0 =	vld [tilespmem:$0x1FE30];
	_ =	sdelay $0x3  }
0x409: {  	v8 =	vimm.bf16 $-Inf;
	v7 =	vimm.bf16 $-Inf;
	v30 =	vimm.bf16 $-Inf  }
0x40a: {  	s1 =	simm.s32 $0x127F0;
	v2 =	vmax.bf16 v4, v0;
	v4 =	vmov s17;
	v0 =	vimm.bf16 $-Inf  }
.LBB2_20:
0x40b: {  	v9 =	vld [tilespmem:s1+$0xFFFFFC10]  }
0x40c: {  	v10 =	vld [tilespmem:s1+$0xFFFFFC20]  }
0x40d: {  	v11 =	vld [tilespmem:s1+$0xFFFFFC30]  }
0x40e: {  	v12 =	vld [tilespmem:s1+$0xFFFFFC40]  }
0x40f: {  	v13 =	vld [tilespmem:s1+$0xFFFFFC50]  }
0x410: {  	s4 =	sshra.s32 s20, $0x2;
	v14 =	vld [tilespmem:s1+$0xFFFFFC60]  }
0x411: {  	v6 =	vld.idx.msk [tilespmem:v4+s4+$0x0 ss:$0x1], $0xffff  }
0x412: {  	v15 =	vld [tilespmem:s1+$0xFFFFFC70]  }
0x413: {  	v16 =	vld [tilespmem:s1+$0xFFFFFC80]  }
0x414: {  	v17 =	vld [tilespmem:s1+$0xFFFFFC90]  }
0x415: {  	v18 =	vld [tilespmem:s1+$0xFFFFFCA0]  }
0x416: {  	v19 =	vld [tilespmem:s1+$0xFFFFFCB0];
	v6 =	vshrl.u32 v6, $0x11  }
0x417: {  	v20 =	vld [tilespmem:s1+$0xFFFFFCC0];
	v6 =	vcvt.s32.f32 v6  }
0x418: {  	v21 =	vld [tilespmem:s1+$0xFFFFFCD0]  }
0x419: {  	v22 =	vld [tilespmem:s1+$0xFFFFFCE0];
	v6 =	vmul.f32 $3.051850940e-05, v6  }
0x41a: {  	v24 =	vld [tilespmem:s1+$0xFFFFFCF0]  }
0x41b: {  	v25 =	vld [tilespmem:s1+$0xFFFFFD00];
	v23 =	vbroadcast v6, $0x0  }
0x41c: {  	v26 =	vld [tilespmem:s1+$0xFFFFFD10]  }
0x41d: {  	v27 =	vld [tilespmem:s1+$0xFFFFFD20];
	v28 =	vbroadcast v6, $0x1;
	v56 =	vbroadcast v6, $0x2;
	v23 =	vpack.i.f32.bf16 v23, v23  }
0x41e: {  	v29 =	vld [tilespmem:s1+$0xFFFFFD30];
	v61 =	vbroadcast v6, $0x3;
	v9 =	vmul.bf16 v9, v23  }
0x41f: {  	v55 =	vld [tilespmem:s1+$0xFFFFFD50];
	v33 =	vbroadcast v6, $0x4;
	v42 =	vbroadcast v6, $0x5  }
0x420: {  	v58 =	vld [tilespmem:s1+$0xFFFFFD80];
	v48 =	vbroadcast v6, $0x6;
	v8 =	vmax.bf16 v8, v9;
	v9 =	vmul.bf16 v11, v23  }
0x421: {  	v60 =	vld [tilespmem:s1+$0xFFFFFD90];
	v54 =	vpack.i.f32.bf16 v28, v28;
	v57 =	vpack.i.f32.bf16 v56, v56;
	v10 =	vmul.bf16 v10, v23  }
0x422: {  	v62 =	vld [tilespmem:s1+$0xFFFFFDA0];
	v46 =	vpack.i.f32.bf16 v42, v42;
	v0 =	vmax.bf16 v0, v9;
	v9 =	vmul.bf16 v13, v54  }
0x423: {  	v32 =	vld [tilespmem:s1+$0xFFFFFDB0];
	v14 =	vmul.bf16 v14, v54;
	v7 =	vmax.bf16 v7, v10;
	v10 =	vmul.bf16 v12, v23  }
0x424: {  	v34 =	vld [tilespmem:s1+$0xFFFFFDC0];
	v15 =	vmul.bf16 v15, v54;
	v8 =	vmax.bf16 v8, v9;
	v9 =	vmul.bf16 v16, v54  }
0x425: {  	v36 =	vld [tilespmem:s1+$0xFFFFFDD0];
	v59 =	vmul.bf16 v17, v57;
	v63 =	vmul.bf16 v19, v57;
	v10 =	vmax.bf16 v30, v10  }
0x426: {  	v39 =	vld [tilespmem:s1+$0xFFFFFDE0];
	v23 =	vpack.i.f32.bf16 v48, v48;
	v9 =	vmax.bf16 v10, v9;
	v10 =	vmul.bf16 v18, v57  }
0x427: {  	v41 =	vld [tilespmem:s1+$0xFFFFFDF0];
	v12 =	vmul.bf16 v20, v57;
	v7 =	vmax.bf16 v7, v14;
	v52 =	vmul.bf16 v60, v23  }
0x428: {  	v11 =	vld [tilespmem:s1+$0xFFFFFD40];
	v0 =	vmax.bf16 v0, v15;
	v7 =	vmax.bf16 v7, v10;
	v10 =	vpack.i.f32.bf16 v61, v61  }
0x429: {  	v43 =	vld [tilespmem:s1+$0xFFFFFE00];
	v0 =	vmax.bf16 v0, v63;
	v35 =	vmul.bf16 v21, v10;
	v37 =	vmul.bf16 v22, v10  }
0x42a: {  	v28 =	vld [tilespmem:s1+$0xFFFFFD60];
	v16 =	vpack.i.f32.bf16 v33, v33;
	v38 =	vmul.bf16 v24, v10;
	v10 =	vmul.bf16 v25, v10  }
0x42b: {  	v30 =	vld [tilespmem:s1+$0xFFFFFD70];
	v54 =	vbroadcast v6, $0x7;
	v8 =	vmax.bf16 v8, v59;
	v9 =	vmax.bf16 v9, v12  }
0x42c: {  	v44 =	vld [tilespmem:s1+$0xFFFFFE10];
	v40 =	vmul.bf16 v26, v16;
	v9 =	vmax.bf16 v9, v10;
	v10 =	vmul.bf16 v27, v16  }
0x42d: {  	v47 =	vld [tilespmem:s1+$0xFFFFFE20];
	v45 =	vmul.bf16 v29, v16;
	v11 =	vmul.bf16 v11, v16;
	v7 =	vmax.bf16 v7, v37  }
0x42e: {  	v49 =	vld [tilespmem:s1+$0xFFFFFE30];
	v8 =	vmax.bf16 v8, v35;
	v7 =	vmax.bf16 v7, v10;
	v10 =	vmul.bf16 v55, v46  }
0x42f: {  	v50 =	vld [tilespmem:s1+$0xFFFFFE40];
	v8 =	vmax.bf16 v8, v40;
	v9 =	vmax.bf16 v9, v11;
	v11 =	vmul.bf16 v28, v46  }
0x430: {  	v51 =	vld [tilespmem:s1+$0xFFFFFE50];
	v0 =	vmax.bf16 v0, v38;
	v8 =	vmax.bf16 v8, v10;
	v10 =	vmul.bf16 v30, v46  }
0x431: {  	v53 =	vld [tilespmem:s1+$0xFFFFFE60];
	v0 =	vmax.bf16 v0, v45;
	v7 =	vmax.bf16 v7, v11;
	v11 =	vmul.bf16 v58, v46  }
0x432: {  	v56 =	vld [tilespmem:s1+$0xFFFFFE80];
	v16 =	vpack.i.f32.bf16 v54, v54;
	v0 =	vmax.bf16 v0, v10;
	v10 =	vmul.bf16 v62, v23  }
0x433: {  	v48 =	vld [tilespmem:s1+$0xFFFFFF90];
	v35 =	vbroadcast v6, $0xA;
	v9 =	vmax.bf16 v9, v11;
	v11 =	vmul.bf16 v32, v23  }
0x434: {  	v63 =	vld [tilespmem:s1+$0xFFFFFED0];
	v60 =	vmul.bf16 v41, v16;
	v7 =	vmax.bf16 v7, v10;
	v10 =	vmul.bf16 v34, v23  }
0x435: {  	v33 =	vld [tilespmem:s1+$0xFFFFFEE0];
	v58 =	vbroadcast v6, $0x8;
	v0 =	vmax.bf16 v0, v11;
	v11 =	vmul.bf16 v36, v16  }
0x436: {  	v59 =	vld [tilespmem:s1+$0xFFFFFEA0];
	v8 =	vmax.bf16 v8, v52;
	v9 =	vmax.bf16 v9, v10;
	v10 =	vmul.bf16 v39, v16  }
0x437: {  	v61 =	vld [tilespmem:s1+$0xFFFFFEB0];
	v14 =	vpack.i.f32.bf16 v58, v58;
	v8 =	vmax.bf16 v8, v11;
	v11 =	vmul.bf16 v43, v16  }
0x438: {  	v40 =	vbroadcast v6, $0xB;
	v62 =	vld [tilespmem:s1+$0xFFFFFEC0];
	v7 =	vmax.bf16 v7, v10;
	v10 =	vmul.bf16 v44, v14  }
0x439: {  	v57 =	vld [tilespmem:s1+$0xFFFFFE90];
	v32 =	vbroadcast v6, $0x9;
	v9 =	vmax.bf16 v9, v11;
	v11 =	vmul.bf16 v47, v14  }
0x43a: {  	v55 =	vld [tilespmem:s1+$0xFFFFFE70];
	v20 =	vpack.i.f32.bf16 v35, v35;
	v8 =	vmax.bf16 v8, v10;
	v10 =	vmul.bf16 v49, v14  }
0x43b: {  	v37 =	vld [tilespmem:s1+$0xFFFFFF10];
	v0 =	vmax.bf16 v0, v60;
	v7 =	vmax.bf16 v7, v11;
	v11 =	vpack.i.f32.bf16 v32, v32  }
0x43c: {  	v38 =	vld [tilespmem:s1+$0xFFFFFF20];
	v42 =	vmul.bf16 v61, v20;
	v0 =	vmax.bf16 v0, v10;
	v10 =	vmul.bf16 v51, v11  }
0x43d: {  	v54 =	vld [tilespmem:s1+$0xFFFFFFD0];
	v16 =	vmul.bf16 v62, v20;
	v14 =	vmul.bf16 v50, v14  }
0x43e: {  	v39 =	vld [tilespmem:s1+$0xFFFFFF30];
	v44 =	vbroadcast v6, $0xC;
	v8 =	vmax.bf16 v8, v10;
	v10 =	vmul.bf16 v56, v11  }
0x43f: {  	v34 =	vld [tilespmem:s1+$0xFFFFFEF0];
	v15 =	vmul.bf16 v53, v11;
	v17 =	vmul.bf16 v55, v11;
	v9 =	vmax.bf16 v9, v14  }
0x440: {  	v41 =	vld [tilespmem:s1+$0xFFFFFF40];
	v12 =	vpack.i.f32.bf16 v44, v44;
	v9 =	vmax.bf16 v9, v10;
	v10 =	vmul.bf16 v59, v20  }
0x441: {  	v43 =	vld [tilespmem:s1+$0xFFFFFF60];
	v7 =	vmax.bf16 v7, v15;
	v15 =	vpack.i.f32.bf16 v40, v40;
	v11 =	vmul.bf16 v57, v20  }
0x442: {  	v36 =	vld [tilespmem:s1+$0xFFFFFF00];
	v50 =	vbroadcast v6, $0xD;
	v7 =	vmax.bf16 v7, v10;
	v10 =	vmul.bf16 v63, v15  }
0x443: {  	v45 =	vld [tilespmem:s1+$0xFFFFFF70];
	v13 =	vmul.bf16 v39, v12;
	v14 =	vmul.bf16 v37, v12;
	v8 =	vmax.bf16 v8, v11  }
0x444: {  	v0 =	vmax.bf16 v0, v17;
	v11 =	vld [tilespmem:s1+$0xFFFFFF50];
	v8 =	vmax.bf16 v8, v10;
	v10 =	vmul.bf16 v34, v15  }
0x445: {  	v52 =	vld [tilespmem:s1+$0xFFFFFFC0];
	v53 =	vpack.i.f32.bf16 v50, v50;
	v46 =	vmul.bf16 v33, v15;
	v0 =	vmax.bf16 v0, v42  }
0x446: {  	v47 =	vld [tilespmem:s1+$0xFFFFFF80];
	v55 =	vmul.bf16 v43, v53;
	v0 =	vmax.bf16 v0, v10;
	v10 =	vmul.bf16 v38, v12  }
0x447: {  	v58 =	vld [tilespmem:s1+$0xFFFFFFF0];
	v57 =	vbroadcast v6, $0xE;
	v7 =	vmax.bf16 v7, v46;
	v15 =	vmul.bf16 v36, v15  }
0x448: {  	v49 =	vld [tilespmem:s1+$0xFFFFFFA0];
	v9 =	vmax.bf16 v9, v16;
	v7 =	vmax.bf16 v7, v10;
	v10 =	vmul.bf16 v41, v12  }
0x449: {  	v56 =	vld [tilespmem:s1+$0xFFFFFFE0];
	v6 =	vbroadcast v6, $0xF;
	v11 =	vmul.bf16 v11, v53;
	v9 =	vmax.bf16 v9, v15  }
0x44a: {  	v51 =	vld [tilespmem:s1+$0xFFFFFFB0];
	v8 =	vmax.bf16 v8, v14;
	v9 =	vmax.bf16 v9, v10;
	v10 =	vmul.bf16 v45, v53  }
0x44b: {  	v59 =	vld [tilespmem:s1+$0x0];
	v0 =	vmax.bf16 v0, v13;
	v8 =	vmax.bf16 v8, v11;
	v11 =	vmul.bf16 v47, v53  }
0x44c: {  	v6 =	vpack.i.f32.bf16 v6, v6;
	v0 =	vmax.bf16 v0, v10;
	v10 =	vpack.i.f32.bf16 v57, v57  }
0x44d: {  	p0 =	sne.s32 s20, $0x40;
	v63 =	vmul.bf16 v58, v6;
	v9 =	vmax.bf16 v9, v11;
	v11 =	vmul.bf16 v48, v10  }
.Ltmp8:
0x44e: {  	v62 =	vmul.bf16 v56, v6;
	v7 =	vmax.bf16 v7, v55;
	v60 =	vmul.bf16 v49, v10;
	(pc) =	sbr.rel @p0 .LBB2_20-.Ltmp8, $4  }
0x44f: {  	v61 =	vmul.bf16 v51, v10;
	v10 =	vmul.bf16 v52, v10;
	v8 =	vmax.bf16 v8, v11  }
0x450: {  	v11 =	vmul.bf16 v54, v6;
	v7 =	vmax.bf16 v7, v60;
	v6 =	vmul.bf16 v59, v6  }
0x451: {  	v0 =	vmax.bf16 v0, v61;
	v9 =	vmax.bf16 v9, v10;
	v7 =	vmax.bf16 v7, v62  }
0x452: {  	s20 =	sadd.s32 $0x40, s20;
	s1 =	sadd.s32 $0x400, s1;
	v0 =	vmax.bf16 v0, v63;
	v8 =	vmax.bf16 v8, v11;
	v30 =	vmax.bf16 v9, v6  }
0x453: {  	s1 =	sshll.u32 s19, $0x6  }
0x454: {  	s1 =	sand.u32 $0x7FFFFFC0, s1  }
0x455: {  	[tilespmem:s1+$0x13400] =	vst v1  }
0x456: {  	s18 =	sadd.s32 $0x1, s18;
	[tilespmem:s1+$0x12C00] =	vst v8  }
0x457: {  	p0 =	sne.s32 s18, $0x8;
	[tilespmem:s1+$0x13410] =	vst v5  }
.Ltmp9:
0x458: {  	[tilespmem:s1+$0x12C10] =	vst v7;
	(pc) =	sbr.rel @p0 .LBB2_5-.Ltmp9, $4  }
0x459: {  	[tilespmem:s1+$0x13420] =	vst v3  }
0x45a: {  	s0 =	sadd.s32 $0x3C0, s0;
	s11 =	sadd.s32 $0x3C0, s11;
	[tilespmem:s1+$0x12C20] =	vst v0  }
0x45b: {  	s12 =	sadd.s32 $0x3C0, s12;
	s13 =	sadd.s32 $0x3C0, s13;
	s14 =	sadd.s32 $0x3C0, s14;
	[tilespmem:s1+$0x13430] =	vst v2  }
0x45c: {  	s15 =	sadd.s32 $0x3C0, s15;
	s16 =	sadd.s32 $0x3C0, s16;
	s17 =	sadd.s32 $0x3C0, s17;
	[tilespmem:s1+$0x12C30] =	vst v30  }
0x45d: {  	s0 =	sshll.u32 s8, $0x3  }
0x45e: {  	s4 =	simm.s32 $0x0;
	s30 =	simm.s32 $0x12C00;
	s1 =	sadd.s32 s5, s0  }
0x45f: {  	[hbm4b:s1+s4] =	stream.linear.scatter [tilespmem:s30], [sflag:$0x5], $0x800, $0x38;
	[tilespmem:$0x13C00] =	vst v63  }
0x460: {  	s2 =	sadd.s32 $0x1, s2;
	_ =	swait.ge [sflag:s9], $0x800  }
0x461: {  	s31 =	simm.s32 $0x13400;
	p0 =	sne.s32 s2, $0x4;
	[sflag:s9] =	ssyncset.done $0x0  }
.Ltmp10:
0x462: {  	s0 =	sadd.s32 s6, s0;
	[sflag:s9] =	ssyncadd.s32 $0xFFFFF800;
	(pc) =	sbr.rel @p0 .LBB2_2-.Ltmp10, $4  }
0x463: {  	[hbm4b:s0+s4] =	stream.linear.scatter [tilespmem:s31], [sflag:$0x5], $0x800, $0x38;
	[tilespmem:$0x13C00] =	vst v63  }
0x464: {  	_ =	swait.ge [sflag:s9], $0x800  }
0x465: {  	[sflag:s9] =	ssyncset.done $0x0  }
0x466: {  	[sflag:s9] =	ssyncadd.s32 $0xFFFFF800  }
0x467: {  	s1 =	rddreg [dreg:$0x4]  }
0x468: {  	s0 =	rddreg [dreg:$0x3];
	s1 =	sadd.s32 $0x1, s1  }
0x469: {  	p0 =	sne.s32 s1, s0  }
.Ltmp11:
0x46a: {  	_ = 	snop;
	(pc) =	sbr.rel @p0 .LBB2_1-.Ltmp11, $1  }
0x46b: {  	_ =	sdelay $0x3  }
0x46c: {  	_ =	sfence.sel $0x180000  }
0x46d: {  	[bflag:$0x0] =	sbarrier.arrive $0xFFFF  }
0x46e: {  	_ =	strace $0x90000047  }
0x46f: {  	s0 =	stileid.u32;
	[bflag:$0x2] =	sbarrier.arrive $0xFFFF  }
0x470: {  	p0 =	sne.s32 s0, $0x0;
	s0 =	rddreg [dreg:$0x1]  }
0x471: {  	s0 =	sadd.s32 @!p0 $0x100000, s0  }
0x472: {  	[sflag:s0] =	ssyncadd.tile.s32 @!p0 $0x1;
	_ =	shalt  }
.Lfunc_end2:
_tile_overlayer_lowered:
.L_overlay_start_2:
0x473: {  	(tag) =	ssettag $0x2  }
0x474: {  	s0 =	rddreg [dreg:$0x0];
	s2 =	stileid.u32  }
0x475: {  	s1 =	rddreg [dreg:$0x1];
	p0 =	sne.s32 s2, $0x0  }
0x476: {  	s3 =	rddreg [dreg:$0x2];
	[bflag:$0x3] =	sbarrier.arrive $0xFFFF;
	s2 =	simm.s32 @!p0 $0x1C05  }
0x477: {  	[timem:s3], [sflag:s2] =	dma.local @!p0 [hbm:s0], s1  }
0x478: {  	s0 =	simm.s32 @!p0 $0x5  }
0x479: {  	_ =	swait.ge @!p0 [sflag:s0], s1  }
0x47a: {  	s1 =	ssub.s32 @!p0 $0x0, s1;
	[sflag:s0] =	ssyncset.done @!p0 $0x0  }
0x47b: {  	[sflag:s0] =	ssyncadd.s32 @!p0 s1  }
0x47c: {  	[bflag:$0x3] =	sbarrier.arrive $0xFFFF  }
0x47d: {  	_ =	shalt  }

</sc_bundles>
